<compile_context>
chip_gen: v7x
topology: tpu7x:2x2x1
jax: 0.10.2.dev20260603
libtpu: 0.0.44.dev20260713+nightly
codegen_flags: <defaults>
</compile_context>

<pallas_src>
import functools

import jax
import jax.numpy as jnp
from jax import lax
from jax.experimental import pallas as pl
from jax.experimental.pallas import tpu as pltpu
from jax.experimental.pallas import tpu_sc as plsc

ROWS = 32
K = 24
BEAM = 16
VOCAB = 1000000
LANES = 16
NEG_INF = float("-inf")


def _sc_body(scores_hbm, ids_hbm, tv_hbm, ti_hbm, li_hbm,
             idbuf, chunk, outv, outg, outl, sem):
    b = lax.axis_index("c") * 16 + lax.axis_index("s")

    lane = lax.iota(jnp.int32, LANES)

    pltpu.sync_copy(ids_hbm.at[pl.ds(pl.multiple_of(b * K, 8), K)],
                    idbuf.at[pl.ds(0, K)])
    g0 = idbuf[pl.ds(0, LANES)]
    g1 = jnp.where(lane < (K - LANES), idbuf[pl.ds(LANES, LANES)], 0)

    row8 = pl.multiple_of((b >> 3) << 3, 8)
    copies = []
    for j in range(K):
        gj = (g0 if j < LANES else g1)[j % LANES]
        col128 = pl.multiple_of((gj >> 7) << 7, 128)
        copies.append(pltpu.async_copy(
            scores_hbm.at[pl.ds(row8, 8), pl.ds(col128, 128)],
            chunk.at[j + 1], sem))

    zero = jnp.zeros((LANES,), jnp.int32)
    lrank = [zero, zero]
    dup = [zero, zero]
    grank = [zero, zero]
    gvec = (g0, g1)

    for a in range(K):
        bg = gvec[a // LANES][a % LANES]
        for blk in range(2):
            a_lt_i = (lane + blk * LANES) > a
            dup[blk] = dup[blk] + (
                (bg == gvec[blk]) & a_lt_i).astype(jnp.int32)

    for c in copies:
        c.wait()

    rvec = lane * 0 + (b & 7)
    val0 = plsc.load_gather(chunk, [lane + 1, rvec, g0 & 127])
    rawv1 = plsc.load_gather(chunk, [lane + 1 + LANES, rvec, g1 & 127])
    val1 = jnp.where(lane < (K - LANES), rawv1, NEG_INF)
    vvec = (val0, val1)

    vval0 = jnp.where(dup[0] == 0, val0, NEG_INF)
    vval1 = jnp.where(dup[1] == 0, val1, NEG_INF)
    wvec = (vval0, vval1)

    for a in range(K):
        bval = vvec[a // LANES][a % LANES]
        bvv = wvec[a // LANES][a % LANES]
        bg = gvec[a // LANES][a % LANES]
        for blk in range(2):
            a_lt_i = (lane + blk * LANES) > a
            v = vvec[blk]
            g = gvec[blk]
            lrank[blk] = lrank[blk] + (
                (bval > v) | ((bval == v) & a_lt_i)).astype(jnp.int32)
            grank[blk] = grank[blk] + (
                (bvv > v) | ((bvv == v) & ((bg < g) | ((bg == g) & a_lt_i)))
            ).astype(jnp.int32)

    real = (lane < (K - LANES))
    for blk in range(2):
        lane_ok = (lane >= 0) if blk == 0 else real
        gmask = lane_ok & (dup[blk] == 0) & (grank[blk] < BEAM)
        gidx = jnp.minimum(grank[blk], BEAM - 1)
        plsc.store_scatter(outv, [gidx], vvec[blk], mask=gmask)
        plsc.store_scatter(outg, [gidx], gvec[blk], mask=gmask)
        lmask = lane_ok & (lrank[blk] < BEAM)
        lidx = jnp.minimum(lrank[blk], BEAM - 1)
        plsc.store_scatter(outl, [lidx], lane + blk * LANES, mask=lmask)

    pltpu.sync_copy(outv, tv_hbm.at[b, pl.ds(0, BEAM)])
    pltpu.sync_copy(outg, ti_hbm.at[b, pl.ds(0, BEAM)])
    pltpu.sync_copy(outl, li_hbm.at[b, pl.ds(0, BEAM)])


_sc_call = functools.partial(
    pl.kernel,
    out_type=[
        jax.ShapeDtypeStruct((ROWS, BEAM), jnp.float32),
        jax.ShapeDtypeStruct((ROWS, BEAM), jnp.int32),
        jax.ShapeDtypeStruct((ROWS, BEAM), jnp.int32),
    ],
    mesh=plsc.VectorSubcoreMesh(
        core_axis_name="c", subcore_axis_name="s", num_cores=2,
        num_subcores=16),
    compiler_params=pltpu.CompilerParams(needs_layout_passes=False),
    scratch_types=[
        pltpu.VMEM((2 * LANES,), jnp.int32),
        pltpu.VMEM((K + 1, 8, 128), jnp.float32),
        pltpu.VMEM((BEAM,), jnp.float32),
        pltpu.VMEM((BEAM,), jnp.int32),
        pltpu.VMEM((BEAM,), jnp.int32),
        pltpu.SemaphoreType.DMA,
    ],
)(_sc_body)


def kernel(weighted_scores, ids):
    tv, ti, li = _sc_call(weighted_scores, ids.astype(jnp.int32).reshape(-1))
    return (tv, ti, li)

# --- scband reference (transcript-rebuilt; emitter-appended) ---
"""Pipeline reference for scband-beam-search-21294447853949 (READ-ONLY COPY).

The authoritative reference and input builder live on the scoring server;
editing this copy changes nothing except your own understanding.
"""

import jax, jax.numpy as jnp
import numpy as np

BEAM_SIZE = 16

def setup_inputs(seed: int = 0) -> dict:
    key = jax.random.key(seed)
    k1, k2 = jax.random.split(key)
    weighted_scores = jax.random.normal(k1, (32, 1000000), dtype=jnp.float32)
    ids = jax.random.randint(k2, (32, 24), 0, 1000000)
    return {"weighted_scores": weighted_scores, "ids": ids}

def reference(weighted_scores, ids):
    # Faithful port of BeamSearch.beam (espnet): when the pre-beam pruned `ids`
    # are fewer than the vocab, mask all non-pre-beam tokens to -inf, then take
    # top-beam over the full vocab (global token ids) and over the pruned
    # candidates (local ids).
    def beam_one(scores, idx):
        tmp = scores[idx]  # gather pre-beam scores
        masked = jnp.full_like(scores, -jnp.inf).at[idx].set(tmp)
        top_vals, top_ids = jax.lax.top_k(masked, BEAM_SIZE)
        local_vals, local_ids = jax.lax.top_k(tmp, BEAM_SIZE)
        return top_vals, top_ids, local_ids
    top_vals, top_ids, local_ids = jax.vmap(beam_one)(weighted_scores, ids)
    return (top_vals, top_ids, local_ids)

if __name__ == "__main__":
    import jax
    _d = setup_inputs()
    print(jax.jit(kernel)(*tuple(_d.values())))

</pallas_src>

<mosaic_0001>
#map = affine_map<(d0, d1) -> (0, 0)>
#map1 = affine_map<(d0, d1) -> (0)>
module attributes {stable_mosaic.version = 14 : i64} {
  func.func @_sc_body(%arg0: i32, %arg1: i32, %arg2: memref<32x1000000xf32, #tpu.memory_space<hbm>>, %arg3: memref<768xi32, #tpu.memory_space<hbm>>, %arg4: memref<32x16xf32, #tpu.memory_space<hbm>>, %arg5: memref<32x16xi32, #tpu.memory_space<hbm>>, %arg6: memref<32x16xi32, #tpu.memory_space<hbm>>, %arg7: memref<32xi32, #tpu.memory_space<vmem>>, %arg8: memref<25x8x128xf32, #tpu.memory_space<vmem>>, %arg9: memref<16xf32, #tpu.memory_space<vmem>>, %arg10: memref<16xi32, #tpu.memory_space<vmem>>, %arg11: memref<16xi32, #tpu.memory_space<vmem>>, %arg12: memref<!tpu.dma_semaphore, #tpu.memory_space<semaphore_mem>>) attributes {dimension_semantics = [#tpu.dimension_semantics<core_parallel>, #tpu.dimension_semantics<subcore_parallel>], iteration_bounds = array<i64: 2, 16>, scalar_prefetch = 0 : i64, scratch_operands = 6 : i64, tpu.core_type = #tpu.core_type<sc_vector_subcore>, window_params = [{transform_indices = #map}, {transform_indices = #map1}, {transform_indices = #map}, {transform_indices = #map}, {transform_indices = #map}]} {
    %mul3A = arith.constant 16 : i32
    %mul3A_0 = arith.muli %arg0, %mul3A : i32
    %add3A = arith.addi %mul3A_0, %arg1 : i32
    %iota3A = tpu.iota {dimensions = array<i32: 0>} : vector<16xi32>
    %mul3A_1 = arith.constant 24 : i32
    %mul3A_2 = arith.muli %add3A, %mul3A_1 : i32
    %multiple_of3A = tpu.assume_multiple %mul3A_2, 8 : i32
    "tpu.region"() ({
      %run_scoped3A = tpu.sem_alloc : memref<!tpu.dma_semaphore, #tpu.memory_space<semaphore_mem>>
      %dma_start3A_2851 = arith.constant 0 : i32
      %dma_start3A_2852 = tpu.memref_slice %arg7[%dma_start3A_2851] : memref<32xi32, #tpu.memory_space<vmem>> -> memref<24xi32, #tpu.memory_space<vmem>>
      %dma_start3A_2853 = tpu.memref_slice %arg3[%multiple_of3A] : memref<768xi32, #tpu.memory_space<hbm>> -> memref<24xi32, #tpu.memory_space<hbm>>
      %dma_start3A_2854 = arith.constant 0 : i32
      %dma_start3A_2855 = tpu.memref_slice %arg7[%dma_start3A_2854] : memref<32xi32, #tpu.memory_space<vmem>> -> memref<24xi32, #tpu.memory_space<vmem>>
      %dma_start3A_2856 = tpu.memref_slice %arg3[%multiple_of3A] : memref<768xi32, #tpu.memory_space<hbm>> -> memref<24xi32, #tpu.memory_space<hbm>>
      tpu.enqueue_dma source(%dma_start3A_2856 : memref<24xi32, #tpu.memory_space<hbm>>) target(%dma_start3A_2855 : memref<24xi32, #tpu.memory_space<vmem>>) target_semaphore(%run_scoped3A : memref<!tpu.dma_semaphore, #tpu.memory_space<semaphore_mem>>)
      %dma_wait3A_2857 = arith.constant 0 : i32
      %dma_wait3A_2858 = tpu.memref_slice %arg7[%dma_wait3A_2857] : memref<32xi32, #tpu.memory_space<vmem>> -> memref<24xi32, #tpu.memory_space<vmem>>
      %dma_wait3A_2859 = tpu.memref_slice %arg3[%multiple_of3A] : memref<768xi32, #tpu.memory_space<hbm>> -> memref<24xi32, #tpu.memory_space<hbm>>
      %dma_wait3A_2860 = arith.constant 0 : i32
      %dma_wait3A_2861 = tpu.memref_slice %arg7[%dma_wait3A_2860] : memref<32xi32, #tpu.memory_space<vmem>> -> memref<24xi32, #tpu.memory_space<vmem>>
      %dma_wait3A_2862 = tpu.memref_slice %arg3[%multiple_of3A] : memref<768xi32, #tpu.memory_space<hbm>> -> memref<24xi32, #tpu.memory_space<hbm>>
      tpu.wait_dma2 semaphore(%run_scoped3A : memref<!tpu.dma_semaphore, #tpu.memory_space<semaphore_mem>>) src(%dma_wait3A_2862 : memref<24xi32, #tpu.memory_space<hbm>>) dst(%dma_wait3A_2861 : memref<24xi32, #tpu.memory_space<vmem>>)
      tpu.yield
    }) : () -> ()
    %get3A = arith.constant 0 : index
    %get3A_3 = tpu.vector_load %arg7[%get3A] {strides = array<i32>} : memref<32xi32, #tpu.memory_space<vmem>>, vector<16xi32>,
    %lt3A = arith.constant 8 : i32
    %lt3A_4 = vector.broadcast %lt3A : i32 to vector<16xi32>
    %lt3A_5 = arith.cmpi slt, %iota3A, %lt3A_4 : vector<16xi32>
    %get3A_6 = arith.constant 16 : index
    %get3A_7 = tpu.vector_load %arg7[%get3A_6] {strides = array<i32>} : memref<32xi32, #tpu.memory_space<vmem>>, vector<16xi32>,
    %jit3A = arith.constant 0 : i32
    %broadcast_in_dim3A = vector.broadcast %jit3A : i32 to vector<16xi32>
    %select_n3A = arith.select %lt3A_5, %get3A_7, %broadcast_in_dim3A : vector<16xi1>, vector<16xi32>
    %shift_right_arithmetic3A = arith.constant 3 : i32
    %shift_right_arithmetic3A_8 = arith.shrsi %add3A, %shift_right_arithmetic3A : i32
    %shift_left3A = arith.constant 3 : i32
    %shift_left3A_9 = arith.shli %shift_right_arithmetic3A_8, %shift_left3A : i32
    %multiple_of3A_10 = tpu.assume_multiple %shift_left3A_9, 8 : i32
    %slice3A = vector.extract_strided_slice %get3A_3 {offsets = [0], sizes = [1], strides = [1]} : vector<16xi32> to vector<1xi32>
    %squeeze3A = vector.extract %slice3A[0] : i32 from vector<1xi32>
    %shift_right_arithmetic3A_11 = arith.constant 7 : i32
    %shift_right_arithmetic3A_12 = arith.shrsi %squeeze3A, %shift_right_arithmetic3A_11 : i32
    %shift_left3A_13 = arith.constant 7 : i32
    %shift_left3A_14 = arith.shli %shift_right_arithmetic3A_12, %shift_left3A_13 : i32
    %multiple_of3A_15 = tpu.assume_multiple %shift_left3A_14, 128 : i32
    %dma_start3A = arith.constant 1 : i32
    %dma_start3A_16 = arith.constant 0 : i32
    %dma_start3A_17 = arith.constant 0 : i32
    %dma_start3A_18 = tpu.memref_slice %arg8[%dma_start3A, %dma_start3A_16, %dma_start3A_17] : memref<25x8x128xf32, #tpu.memory_space<vmem>> -> memref<1x8x128xf32, #tpu.memory_space<vmem>>
    %dma_start3A_19 = tpu.memref_squeeze %dma_start3A_18 : memref<1x8x128xf32, #tpu.memory_space<vmem>> -> memref<8x128xf32, #tpu.memory_space<vmem>>
    %dma_start3A_20 = tpu.memref_slice %arg2[%multiple_of3A_10, %multiple_of3A_15] : memref<32x1000000xf32, #tpu.memory_space<hbm>> -> memref<8x128xf32, #tpu.memory_space<hbm>>
    %dma_start3A_21 = arith.constant 0 : i32
    %dma_start3A_22 = arith.constant 0 : i32
    %dma_start3A_23 = tpu.memref_slice %arg8[%dma_start3A, %dma_start3A_21, %dma_start3A_22] : memref<25x8x128xf32, #tpu.memory_space<vmem>> -> memref<1x8x128xf32, #tpu.memory_space<vmem>>
    %dma_start3A_24 = tpu.memref_squeeze %dma_start3A_23 : memref<1x8x128xf32, #tpu.memory_space<vmem>> -> memref<8x128xf32, #tpu.memory_space<vmem>>
    %dma_start3A_25 = tpu.memref_slice %arg2[%multiple_of3A_10, %multiple_of3A_15] : memref<32x1000000xf32, #tpu.memory_space<hbm>> -> memref<8x128xf32, #tpu.memory_space<hbm>>
    tpu.enqueue_dma source(%dma_start3A_25 : memref<8x128xf32, #tpu.memory_space<hbm>>) target(%dma_start3A_24 : memref<8x128xf32, #tpu.memory_space<vmem>>) target_semaphore(%arg12 : memref<!tpu.dma_semaphore, #tpu.memory_space<semaphore_mem>>)
    %slice3A_26 = vector.extract_strided_slice %get3A_3 {offsets = [1], sizes = [1], strides = [1]} : vector<16xi32> to vector<1xi32>
    %squeeze3A_27 = vector.extract %slice3A_26[0] : i32 from vector<1xi32>
    %shift_right_arithmetic3A_28 = arith.constant 7 : i32
    %shift_right_arithmetic3A_29 = arith.shrsi %squeeze3A_27, %shift_right_arithmetic3A_28 : i32
    %shift_left3A_30 = arith.constant 7 : i32
    %shift_left3A_31 = arith.shli %shift_right_arithmetic3A_29, %shift_left3A_30 : i32
    %multiple_of3A_32 = tpu.assume_multiple %shift_left3A_31, 128 : i32
    %dma_start3A_33 = arith.constant 2 : i32
    %dma_start3A_34 = arith.constant 0 : i32
    %dma_start3A_35 = arith.constant 0 : i32
    %dma_start3A_36 = tpu.memref_slice %arg8[%dma_start3A_33, %dma_start3A_34, %dma_start3A_35] : memref<25x8x128xf32, #tpu.memory_space<vmem>> -> memref<1x8x128xf32, #tpu.memory_space<vmem>>
    %dma_start3A_37 = tpu.memref_squeeze %dma_start3A_36 : memref<1x8x128xf32, #tpu.memory_space<vmem>> -> memref<8x128xf32, #tpu.memory_space<vmem>>
    %dma_start3A_38 = tpu.memref_slice %arg2[%multiple_of3A_10, %multiple_of3A_32] : memref<32x1000000xf32, #tpu.memory_space<hbm>> -> memref<8x128xf32, #tpu.memory_space<hbm>>
    %dma_start3A_39 = arith.constant 0 : i32
    %dma_start3A_40 = arith.constant 0 : i32
    %dma_start3A_41 = tpu.memref_slice %arg8[%dma_start3A_33, %dma_start3A_39, %dma_start3A_40] : memref<25x8x128xf32, #tpu.memory_space<vmem>> -> memref<1x8x128xf32, #tpu.memory_space<vmem>>
    %dma_start3A_42 = tpu.memref_squeeze %dma_start3A_41 : memref<1x8x128xf32, #tpu.memory_space<vmem>> -> memref<8x128xf32, #tpu.memory_space<vmem>>
    %dma_start3A_43 = tpu.memref_slice %arg2[%multiple_of3A_10, %multiple_of3A_32] : memref<32x1000000xf32, #tpu.memory_space<hbm>> -> memref<8x128xf32, #tpu.memory_space<hbm>>
    tpu.enqueue_dma source(%dma_start3A_43 : memref<8x128xf32, #tpu.memory_space<hbm>>) target(%dma_start3A_42 : memref<8x128xf32, #tpu.memory_space<vmem>>) target_semaphore(%arg12 : memref<!tpu.dma_semaphore, #tpu.memory_space<semaphore_mem>>)
    %slice3A_44 = vector.extract_strided_slice %get3A_3 {offsets = [2], sizes = [1], strides = [1]} : vector<16xi32> to vector<1xi32>
    %squeeze3A_45 = vector.extract %slice3A_44[0] : i32 from vector<1xi32>
    %shift_right_arithmetic3A_46 = arith.constant 7 : i32
    %shift_right_arithmetic3A_47 = arith.shrsi %squeeze3A_45, %shift_right_arithmetic3A_46 : i32
    %shift_left3A_48 = arith.constant 7 : i32
    %shift_left3A_49 = arith.shli %shift_right_arithmetic3A_47, %shift_left3A_48 : i32
    %multiple_of3A_50 = tpu.assume_multiple %shift_left3A_49, 128 : i32
    %dma_start3A_51 = arith.constant 3 : i32
    %dma_start3A_52 = arith.constant 0 : i32
    %dma_start3A_53 = arith.constant 0 : i32
    %dma_start3A_54 = tpu.memref_slice %arg8[%dma_start3A_51, %dma_start3A_52, %dma_start3A_53] : memref<25x8x128xf32, #tpu.memory_space<vmem>> -> memref<1x8x128xf32, #tpu.memory_space<vmem>>
    %dma_start3A_55 = tpu.memref_squeeze %dma_start3A_54 : memref<1x8x128xf32, #tpu.memory_space<vmem>> -> memref<8x128xf32, #tpu.memory_space<vmem>>
    %dma_start3A_56 = tpu.memref_slice %arg2[%multiple_of3A_10, %multiple_of3A_50] : memref<32x1000000xf32, #tpu.memory_space<hbm>> -> memref<8x128xf32, #tpu.memory_space<hbm>>
    %dma_start3A_57 = arith.constant 0 : i32
    %dma_start3A_58 = arith.constant 0 : i32
    %dma_start3A_59 = tpu.memref_slice %arg8[%dma_start3A_51, %dma_start3A_57, %dma_start3A_58] : memref<25x8x128xf32, #tpu.memory_space<vmem>> -> memref<1x8x128xf32, #tpu.memory_space<vmem>>
    %dma_start3A_60 = tpu.memref_squeeze %dma_start3A_59 : memref<1x8x128xf32, #tpu.memory_space<vmem>> -> memref<8x128xf32, #tpu.memory_space<vmem>>
    %dma_start3A_61 = tpu.memref_slice %arg2[%multiple_of3A_10, %multiple_of3A_50] : memref<32x1000000xf32, #tpu.memory_space<hbm>> -> memref<8x128xf32, #tpu.memory_space<hbm>>
    tpu.enqueue_dma source(%dma_start3A_61 : memref<8x128xf32, #tpu.memory_space<hbm>>) target(%dma_start3A_60 : memref<8x128xf32, #tpu.memory_space<vmem>>) target_semaphore(%arg12 : memref<!tpu.dma_semaphore, #tpu.memory_space<semaphore_mem>>)
    %slice3A_62 = vector.extract_strided_slice %get3A_3 {offsets = [3], sizes = [1], strides = [1]} : vector<16xi32> to vector<1xi32>
    %squeeze3A_63 = vector.extract %slice3A_62[0] : i32 from vector<1xi32>
    %shift_right_arithmetic3A_64 = arith.constant 7 : i32
    %shift_right_arithmetic3A_65 = arith.shrsi %squeeze3A_63, %shift_right_arithmetic3A_64 : i32
    %shift_left3A_66 = arith.constant 7 : i32
    %shift_left3A_67 = arith.shli %shift_right_arithmetic3A_65, %shift_left3A_66 : i32
    %multiple_of3A_68 = tpu.assume_multiple %shift_left3A_67, 128 : i32
    %dma_start3A_69 = arith.constant 4 : i32
    %dma_start3A_70 = arith.constant 0 : i32
    %dma_start3A_71 = arith.constant 0 : i32
    %dma_start3A_72 = tpu.memref_slice %arg8[%dma_start3A_69, %dma_start3A_70, %dma_start3A_71] : memref<25x8x128xf32, #tpu.memory_space<vmem>> -> memref<1x8x128xf32, #tpu.memory_space<vmem>>
    %dma_start3A_73 = tpu.memref_squeeze %dma_start3A_72 : memref<1x8x128xf32, #tpu.memory_space<vmem>> -> memref<8x128xf32, #tpu.memory_space<vmem>>
    %dma_start3A_74 = tpu.memref_slice %arg2[%multiple_of3A_10, %multiple_of3A_68] : memref<32x1000000xf32, #tpu.memory_space<hbm>> -> memref<8x128xf32, #tpu.memory_space<hbm>>
    %dma_start3A_75 = arith.constant 0 : i32
    %dma_start3A_76 = arith.constant 0 : i32
    %dma_start3A_77 = tpu.memref_slice %arg8[%dma_start3A_69, %dma_start3A_75, %dma_start3A_76] : memref<25x8x128xf32, #tpu.memory_space<vmem>> -> memref<1x8x128xf32, #tpu.memory_space<vmem>>
    %dma_start3A_78 = tpu.memref_squeeze %dma_start3A_77 : memref<1x8x128xf32, #tpu.memory_space<vmem>> -> memref<8x128xf32, #tpu.memory_space<vmem>>
    %dma_start3A_79 = tpu.memref_slice %arg2[%multiple_of3A_10, %multiple_of3A_68] : memref<32x1000000xf32, #tpu.memory_space<hbm>> -> memref<8x128xf32, #tpu.memory_space<hbm>>
    tpu.enqueue_dma source(%dma_start3A_79 : memref<8x128xf32, #tpu.memory_space<hbm>>) target(%dma_start3A_78 : memref<8x128xf32, #tpu.memory_space<vmem>>) target_semaphore(%arg12 : memref<!tpu.dma_semaphore, #tpu.memory_space<semaphore_mem>>)
    %slice3A_80 = vector.extract_strided_slice %get3A_3 {offsets = [4], sizes = [1], strides = [1]} : vector<16xi32> to vector<1xi32>
    %squeeze3A_81 = vector.extract %slice3A_80[0] : i32 from vector<1xi32>
    %shift_right_arithmetic3A_82 = arith.constant 7 : i32
    %shift_right_arithmetic3A_83 = arith.shrsi %squeeze3A_81, %shift_right_arithmetic3A_82 : i32
    %shift_left3A_84 = arith.constant 7 : i32
    %shift_left3A_85 = arith.shli %shift_right_arithmetic3A_83, %shift_left3A_84 : i32
    %multiple_of3A_86 = tpu.assume_multiple %shift_left3A_85, 128 : i32
    %dma_start3A_87 = arith.constant 5 : i32
    %dma_start3A_88 = arith.constant 0 : i32
    %dma_start3A_89 = arith.constant 0 : i32
    %dma_start3A_90 = tpu.memref_slice %arg8[%dma_start3A_87, %dma_start3A_88, %dma_start3A_89] : memref<25x8x128xf32, #tpu.memory_space<vmem>> -> memref<1x8x128xf32, #tpu.memory_space<vmem>>
    %dma_start3A_91 = tpu.memref_squeeze %dma_start3A_90 : memref<1x8x128xf32, #tpu.memory_space<vmem>> -> memref<8x128xf32, #tpu.memory_space<vmem>>
    %dma_start3A_92 = tpu.memref_slice %arg2[%multiple_of3A_10, %multiple_of3A_86] : memref<32x1000000xf32, #tpu.memory_space<hbm>> -> memref<8x128xf32, #tpu.memory_space<hbm>>
    %dma_start3A_93 = arith.constant 0 : i32
    %dma_start3A_94 = arith.constant 0 : i32
    %dma_start3A_95 = tpu.memref_slice %arg8[%dma_start3A_87, %dma_start3A_93, %dma_start3A_94] : memref<25x8x128xf32, #tpu.memory_space<vmem>> -> memref<1x8x128xf32, #tpu.memory_space<vmem>>
    %dma_start3A_96 = tpu.memref_squeeze %dma_start3A_95 : memref<1x8x128xf32, #tpu.memory_space<vmem>> -> memref<8x128xf32, #tpu.memory_space<vmem>>
    %dma_start3A_97 = tpu.memref_slice %arg2[%multiple_of3A_10, %multiple_of3A_86] : memref<32x1000000xf32, #tpu.memory_space<hbm>> -> memref<8x128xf32, #tpu.memory_space<hbm>>
    tpu.enqueue_dma source(%dma_start3A_97 : memref<8x128xf32, #tpu.memory_space<hbm>>) target(%dma_start3A_96 : memref<8x128xf32, #tpu.memory_space<vmem>>) target_semaphore(%arg12 : memref<!tpu.dma_semaphore, #tpu.memory_space<semaphore_mem>>)
    %slice3A_98 = vector.extract_strided_slice %get3A_3 {offsets = [5], sizes = [1], strides = [1]} : vector<16xi32> to vector<1xi32>
    %squeeze3A_99 = vector.extract %slice3A_98[0] : i32 from vector<1xi32>
    %shift_right_arithmetic3A_100 = arith.constant 7 : i32
    %shift_right_arithmetic3A_101 = arith.shrsi %squeeze3A_99, %shift_right_arithmetic3A_100 : i32
    %shift_left3A_102 = arith.constant 7 : i32
    %shift_left3A_103 = arith.shli %shift_right_arithmetic3A_101, %shift_left3A_102 : i32
    %multiple_of3A_104 = tpu.assume_multiple %shift_left3A_103, 128 : i32
    %dma_start3A_105 = arith.constant 6 : i32
    %dma_start3A_106 = arith.constant 0 : i32
    %dma_start3A_107 = arith.constant 0 : i32
    %dma_start3A_108 = tpu.memref_slice %arg8[%dma_start3A_105, %dma_start3A_106, %dma_start3A_107] : memref<25x8x128xf32, #tpu.memory_space<vmem>> -> memref<1x8x128xf32, #tpu.memory_space<vmem>>
    %dma_start3A_109 = tpu.memref_squeeze %dma_start3A_108 : memref<1x8x128xf32, #tpu.memory_space<vmem>> -> memref<8x128xf32, #tpu.memory_space<vmem>>
    %dma_start3A_110 = tpu.memref_slice %arg2[%multiple_of3A_10, %multiple_of3A_104] : memref<32x1000000xf32, #tpu.memory_space<hbm>> -> memref<8x128xf32, #tpu.memory_space<hbm>>
    %dma_start3A_111 = arith.constant 0 : i32
    %dma_start3A_112 = arith.constant 0 : i32
    %dma_start3A_113 = tpu.memref_slice %arg8[%dma_start3A_105, %dma_start3A_111, %dma_start3A_112] : memref<25x8x128xf32, #tpu.memory_space<vmem>> -> memref<1x8x128xf32, #tpu.memory_space<vmem>>
    %dma_start3A_114 = tpu.memref_squeeze %dma_start3A_113 : memref<1x8x128xf32, #tpu.memory_space<vmem>> -> memref<8x128xf32, #tpu.memory_space<vmem>>
    %dma_start3A_115 = tpu.memref_slice %arg2[%multiple_of3A_10, %multiple_of3A_104] : memref<32x1000000xf32, #tpu.memory_space<hbm>> -> memref<8x128xf32, #tpu.memory_space<hbm>>
    tpu.enqueue_dma source(%dma_start3A_115 : memref<8x128xf32, #tpu.memory_space<hbm>>) target(%dma_start3A_114 : memref<8x128xf32, #tpu.memory_space<vmem>>) target_semaphore(%arg12 : memref<!tpu.dma_semaphore, #tpu.memory_space<semaphore_mem>>)
    %slice3A_116 = vector.extract_strided_slice %get3A_3 {offsets = [6], sizes = [1], strides = [1]} : vector<16xi32> to vector<1xi32>
    %squeeze3A_117 = vector.extract %slice3A_116[0] : i32 from vector<1xi32>
    %shift_right_arithmetic3A_118 = arith.constant 7 : i32
    %shift_right_arithmetic3A_119 = arith.shrsi %squeeze3A_117, %shift_right_arithmetic3A_118 : i32
    %shift_left3A_120 = arith.constant 7 : i32
    %shift_left3A_121 = arith.shli %shift_right_arithmetic3A_119, %shift_left3A_120 : i32
    %multiple_of3A_122 = tpu.assume_multiple %shift_left3A_121, 128 : i32
    %dma_start3A_123 = arith.constant 7 : i32
    %dma_start3A_124 = arith.constant 0 : i32
    %dma_start3A_125 = arith.constant 0 : i32
    %dma_start3A_126 = tpu.memref_slice %arg8[%dma_start3A_123, %dma_start3A_124, %dma_start3A_125] : memref<25x8x128xf32, #tpu.memory_space<vmem>> -> memref<1x8x128xf32, #tpu.memory_space<vmem>>
    %dma_start3A_127 = tpu.memref_squeeze %dma_start3A_126 : memref<1x8x128xf32, #tpu.memory_space<vmem>> -> memref<8x128xf32, #tpu.memory_space<vmem>>
    %dma_start3A_128 = tpu.memref_slice %arg2[%multiple_of3A_10, %multiple_of3A_122] : memref<32x1000000xf32, #tpu.memory_space<hbm>> -> memref<8x128xf32, #tpu.memory_space<hbm>>
    %dma_start3A_129 = arith.constant 0 : i32
    %dma_start3A_130 = arith.constant 0 : i32
    %dma_start3A_131 = tpu.memref_slice %arg8[%dma_start3A_123, %dma_start3A_129, %dma_start3A_130] : memref<25x8x128xf32, #tpu.memory_space<vmem>> -> memref<1x8x128xf32, #tpu.memory_space<vmem>>
    %dma_start3A_132 = tpu.memref_squeeze %dma_start3A_131 : memref<1x8x128xf32, #tpu.memory_space<vmem>> -> memref<8x128xf32, #tpu.memory_space<vmem>>
    %dma_start3A_133 = tpu.memref_slice %arg2[%multiple_of3A_10, %multiple_of3A_122] : memref<32x1000000xf32, #tpu.memory_space<hbm>> -> memref<8x128xf32, #tpu.memory_space<hbm>>
    tpu.enqueue_dma source(%dma_start3A_133 : memref<8x128xf32, #tpu.memory_space<hbm>>) target(%dma_start3A_132 : memref<8x128xf32, #tpu.memory_space<vmem>>) target_semaphore(%arg12 : memref<!tpu.dma_semaphore, #tpu.memory_space<semaphore_mem>>)
    %slice3A_134 = vector.extract_strided_slice %get3A_3 {offsets = [7], sizes = [1], strides = [1]} : vector<16xi32> to vector<1xi32>
    %squeeze3A_135 = vector.extract %slice3A_134[0] : i32 from vector<1xi32>
    %shift_right_arithmetic3A_136 = arith.constant 7 : i32
    %shift_right_arithmetic3A_137 = arith.shrsi %squeeze3A_135, %shift_right_arithmetic3A_136 : i32
    %shift_left3A_138 = arith.constant 7 : i32
    %shift_left3A_139 = arith.shli %shift_right_arithmetic3A_137, %shift_left3A_138 : i32
    %multiple_of3A_140 = tpu.assume_multiple %shift_left3A_139, 128 : i32
    %dma_start3A_141 = arith.constant 8 : i32
    %dma_start3A_142 = arith.constant 0 : i32
    %dma_start3A_143 = arith.constant 0 : i32
    %dma_start3A_144 = tpu.memref_slice %arg8[%dma_start3A_141, %dma_start3A_142, %dma_start3A_143] : memref<25x8x128xf32, #tpu.memory_space<vmem>> -> memref<1x8x128xf32, #tpu.memory_space<vmem>>
    %dma_start3A_145 = tpu.memref_squeeze %dma_start3A_144 : memref<1x8x128xf32, #tpu.memory_space<vmem>> -> memref<8x128xf32, #tpu.memory_space<vmem>>
    %dma_start3A_146 = tpu.memref_slice %arg2[%multiple_of3A_10, %multiple_of3A_140] : memref<32x1000000xf32, #tpu.memory_space<hbm>> -> memref<8x128xf32, #tpu.memory_space<hbm>>
    %dma_start3A_147 = arith.constant 0 : i32
    %dma_start3A_148 = arith.constant 0 : i32
    %dma_start3A_149 = tpu.memref_slice %arg8[%dma_start3A_141, %dma_start3A_147, %dma_start3A_148] : memref<25x8x128xf32, #tpu.memory_space<vmem>> -> memref<1x8x128xf32, #tpu.memory_space<vmem>>
    %dma_start3A_150 = tpu.memref_squeeze %dma_start3A_149 : memref<1x8x128xf32, #tpu.memory_space<vmem>> -> memref<8x128xf32, #tpu.memory_space<vmem>>
    %dma_start3A_151 = tpu.memref_slice %arg2[%multiple_of3A_10, %multiple_of3A_140] : memref<32x1000000xf32, #tpu.memory_space<hbm>> -> memref<8x128xf32, #tpu.memory_space<hbm>>
    tpu.enqueue_dma source(%dma_start3A_151 : memref<8x128xf32, #tpu.memory_space<hbm>>) target(%dma_start3A_150 : memref<8x128xf32, #tpu.memory_space<vmem>>) target_semaphore(%arg12 : memref<!tpu.dma_semaphore, #tpu.memory_space<semaphore_mem>>)
    %slice3A_152 = vector.extract_strided_slice %get3A_3 {offsets = [8], sizes = [1], strides = [1]} : vector<16xi32> to vector<1xi32>
    %squeeze3A_153 = vector.extract %slice3A_152[0] : i32 from vector<1xi32>
    %shift_right_arithmetic3A_154 = arith.constant 7 : i32
    %shift_right_arithmetic3A_155 = arith.shrsi %squeeze3A_153, %shift_right_arithmetic3A_154 : i32
    %shift_left3A_156 = arith.constant 7 : i32
    %shift_left3A_157 = arith.shli %shift_right_arithmetic3A_155, %shift_left3A_156 : i32
    %multiple_of3A_158 = tpu.assume_multiple %shift_left3A_157, 128 : i32
    %dma_start3A_159 = arith.constant 9 : i32
    %dma_start3A_160 = arith.constant 0 : i32
    %dma_start3A_161 = arith.constant 0 : i32
    %dma_start3A_162 = tpu.memref_slice %arg8[%dma_start3A_159, %dma_start3A_160, %dma_start3A_161] : memref<25x8x128xf32, #tpu.memory_space<vmem>> -> memref<1x8x128xf32, #tpu.memory_space<vmem>>
    %dma_start3A_163 = tpu.memref_squeeze %dma_start3A_162 : memref<1x8x128xf32, #tpu.memory_space<vmem>> -> memref<8x128xf32, #tpu.memory_space<vmem>>
    %dma_start3A_164 = tpu.memref_slice %arg2[%multiple_of3A_10, %multiple_of3A_158] : memref<32x1000000xf32, #tpu.memory_space<hbm>> -> memref<8x128xf32, #tpu.memory_space<hbm>>
    %dma_start3A_165 = arith.constant 0 : i32
    %dma_start3A_166 = arith.constant 0 : i32
    %dma_start3A_167 = tpu.memref_slice %arg8[%dma_start3A_159, %dma_start3A_165, %dma_start3A_166] : memref<25x8x128xf32, #tpu.memory_space<vmem>> -> memref<1x8x128xf32, #tpu.memory_space<vmem>>
    %dma_start3A_168 = tpu.memref_squeeze %dma_start3A_167 : memref<1x8x128xf32, #tpu.memory_space<vmem>> -> memref<8x128xf32, #tpu.memory_space<vmem>>
    %dma_start3A_169 = tpu.memref_slice %arg2[%multiple_of3A_10, %multiple_of3A_158] : memref<32x1000000xf32, #tpu.memory_space<hbm>> -> memref<8x128xf32, #tpu.memory_space<hbm>>
    tpu.enqueue_dma source(%dma_start3A_169 : memref<8x128xf32, #tpu.memory_space<hbm>>) target(%dma_start3A_168 : memref<8x128xf32, #tpu.memory_space<vmem>>) target_semaphore(%arg12 : memref<!tpu.dma_semaphore, #tpu.memory_space<semaphore_mem>>)
    %slice3A_170 = vector.extract_strided_slice %get3A_3 {offsets = [9], sizes = [1], strides = [1]} : vector<16xi32> to vector<1xi32>
    %squeeze3A_171 = vector.extract %slice3A_170[0] : i32 from vector<1xi32>
    %shift_right_arithmetic3A_172 = arith.constant 7 : i32
    %shift_right_arithmetic3A_173 = arith.shrsi %squeeze3A_171, %shift_right_arithmetic3A_172 : i32
    %shift_left3A_174 = arith.constant 7 : i32
    %shift_left3A_175 = arith.shli %shift_right_arithmetic3A_173, %shift_left3A_174 : i32
    %multiple_of3A_176 = tpu.assume_multiple %shift_left3A_175, 128 : i32
    %dma_start3A_177 = arith.constant 10 : i32
    %dma_start3A_178 = arith.constant 0 : i32
    %dma_start3A_179 = arith.constant 0 : i32
    %dma_start3A_180 = tpu.memref_slice %arg8[%dma_start3A_177, %dma_start3A_178, %dma_start3A_179] : memref<25x8x128xf32, #tpu.memory_space<vmem>> -> memref<1x8x128xf32, #tpu.memory_space<vmem>>
    %dma_start3A_181 = tpu.memref_squeeze %dma_start3A_180 : memref<1x8x128xf32, #tpu.memory_space<vmem>> -> memref<8x128xf32, #tpu.memory_space<vmem>>
    %dma_start3A_182 = tpu.memref_slice %arg2[%multiple_of3A_10, %multiple_of3A_176] : memref<32x1000000xf32, #tpu.memory_space<hbm>> -> memref<8x128xf32, #tpu.memory_space<hbm>>
    %dma_start3A_183 = arith.constant 0 : i32
    %dma_start3A_184 = arith.constant 0 : i32
    %dma_start3A_185 = tpu.memref_slice %arg8[%dma_start3A_177, %dma_start3A_183, %dma_start3A_184] : memref<25x8x128xf32, #tpu.memory_space<vmem>> -> memref<1x8x128xf32, #tpu.memory_space<vmem>>
    %dma_start3A_186 = tpu.memref_squeeze %dma_start3A_185 : memref<1x8x128xf32, #tpu.memory_space<vmem>> -> memref<8x128xf32, #tpu.memory_space<vmem>>
    %dma_start3A_187 = tpu.memref_slice %arg2[%multiple_of3A_10, %multiple_of3A_176] : memref<32x1000000xf32, #tpu.memory_space<hbm>> -> memref<8x128xf32, #tpu.memory_space<hbm>>
    tpu.enqueue_dma source(%dma_start3A_187 : memref<8x128xf32, #tpu.memory_space<hbm>>) target(%dma_start3A_186 : memref<8x128xf32, #tpu.memory_space<vmem>>) target_semaphore(%arg12 : memref<!tpu.dma_semaphore, #tpu.memory_space<semaphore_mem>>)
    %slice3A_188 = vector.extract_strided_slice %get3A_3 {offsets = [10], sizes = [1], strides = [1]} : vector<16xi32> to vector<1xi32>
    %squeeze3A_189 = vector.extract %slice3A_188[0] : i32 from vector<1xi32>
    %shift_right_arithmetic3A_190 = arith.constant 7 : i32
    %shift_right_arithmetic3A_191 = arith.shrsi %squeeze3A_189, %shift_right_arithmetic3A_190 : i32
    %shift_left3A_192 = arith.constant 7 : i32
    %shift_left3A_193 = arith.shli %shift_right_arithmetic3A_191, %shift_left3A_192 : i32
    %multiple_of3A_194 = tpu.assume_multiple %shift_left3A_193, 128 : i32
    %dma_start3A_195 = arith.constant 11 : i32
    %dma_start3A_196 = arith.constant 0 : i32
    %dma_start3A_197 = arith.constant 0 : i32
    %dma_start3A_198 = tpu.memref_slice %arg8[%dma_start3A_195, %dma_start3A_196, %dma_start3A_197] : memref<25x8x128xf32, #tpu.memory_space<vmem>> -> memref<1x8x128xf32, #tpu.memory_space<vmem>>
    %dma_start3A_199 = tpu.memref_squeeze %dma_start3A_198 : memref<1x8x128xf32, #tpu.memory_space<vmem>> -> memref<8x128xf32, #tpu.memory_space<vmem>>
    %dma_start3A_200 = tpu.memref_slice %arg2[%multiple_of3A_10, %multiple_of3A_194] : memref<32x1000000xf32, #tpu.memory_space<hbm>> -> memref<8x128xf32, #tpu.memory_space<hbm>>
    %dma_start3A_201 = arith.constant 0 : i32
    %dma_start3A_202 = arith.constant 0 : i32
    %dma_start3A_203 = tpu.memref_slice %arg8[%dma_start3A_195, %dma_start3A_201, %dma_start3A_202] : memref<25x8x128xf32, #tpu.memory_space<vmem>> -> memref<1x8x128xf32, #tpu.memory_space<vmem>>
    %dma_start3A_204 = tpu.memref_squeeze %dma_start3A_203 : memref<1x8x128xf32, #tpu.memory_space<vmem>> -> memref<8x128xf32, #tpu.memory_space<vmem>>
    %dma_start3A_205 = tpu.memref_slice %arg2[%multiple_of3A_10, %multiple_of3A_194] : memref<32x1000000xf32, #tpu.memory_space<hbm>> -> memref<8x128xf32, #tpu.memory_space<hbm>>
    tpu.enqueue_dma source(%dma_start3A_205 : memref<8x128xf32, #tpu.memory_space<hbm>>) target(%dma_start3A_204 : memref<8x128xf32, #tpu.memory_space<vmem>>) target_semaphore(%arg12 : memref<!tpu.dma_semaphore, #tpu.memory_space<semaphore_mem>>)
    %slice3A_206 = vector.extract_strided_slice %get3A_3 {offsets = [11], sizes = [1], strides = [1]} : vector<16xi32> to vector<1xi32>
    %squeeze3A_207 = vector.extract %slice3A_206[0] : i32 from vector<1xi32>
    %shift_right_arithmetic3A_208 = arith.constant 7 : i32
    %shift_right_arithmetic3A_209 = arith.shrsi %squeeze3A_207, %shift_right_arithmetic3A_208 : i32
    %shift_left3A_210 = arith.constant 7 : i32
    %shift_left3A_211 = arith.shli %shift_right_arithmetic3A_209, %shift_left3A_210 : i32
    %multiple_of3A_212 = tpu.assume_multiple %shift_left3A_211, 128 : i32
    %dma_start3A_213 = arith.constant 12 : i32
    %dma_start3A_214 = arith.constant 0 : i32
    %dma_start3A_215 = arith.constant 0 : i32
    %dma_start3A_216 = tpu.memref_slice %arg8[%dma_start3A_213, %dma_start3A_214, %dma_start3A_215] : memref<25x8x128xf32, #tpu.memory_space<vmem>> -> memref<1x8x128xf32, #tpu.memory_space<vmem>>
    %dma_start3A_217 = tpu.memref_squeeze %dma_start3A_216 : memref<1x8x128xf32, #tpu.memory_space<vmem>> -> memref<8x128xf32, #tpu.memory_space<vmem>>
    %dma_start3A_218 = tpu.memref_slice %arg2[%multiple_of3A_10, %multiple_of3A_212] : memref<32x1000000xf32, #tpu.memory_space<hbm>> -> memref<8x128xf32, #tpu.memory_space<hbm>>
    %dma_start3A_219 = arith.constant 0 : i32
    %dma_start3A_220 = arith.constant 0 : i32
    %dma_start3A_221 = tpu.memref_slice %arg8[%dma_start3A_213, %dma_start3A_219, %dma_start3A_220] : memref<25x8x128xf32, #tpu.memory_space<vmem>> -> memref<1x8x128xf32, #tpu.memory_space<vmem>>
    %dma_start3A_222 = tpu.memref_squeeze %dma_start3A_221 : memref<1x8x128xf32, #tpu.memory_space<vmem>> -> memref<8x128xf32, #tpu.memory_space<vmem>>
    %dma_start3A_223 = tpu.memref_slice %arg2[%multiple_of3A_10, %multiple_of3A_212] : memref<32x1000000xf32, #tpu.memory_space<hbm>> -> memref<8x128xf32, #tpu.memory_space<hbm>>
    tpu.enqueue_dma source(%dma_start3A_223 : memref<8x128xf32, #tpu.memory_space<hbm>>) target(%dma_start3A_222 : memref<8x128xf32, #tpu.memory_space<vmem>>) target_semaphore(%arg12 : memref<!tpu.dma_semaphore, #tpu.memory_space<semaphore_mem>>)
    %slice3A_224 = vector.extract_strided_slice %get3A_3 {offsets = [12], sizes = [1], strides = [1]} : vector<16xi32> to vector<1xi32>
    %squeeze3A_225 = vector.extract %slice3A_224[0] : i32 from vector<1xi32>
    %shift_right_arithmetic3A_226 = arith.constant 7 : i32
    %shift_right_arithmetic3A_227 = arith.shrsi %squeeze3A_225, %shift_right_arithmetic3A_226 : i32
    %shift_left3A_228 = arith.constant 7 : i32
    %shift_left3A_229 = arith.shli %shift_right_arithmetic3A_227, %shift_left3A_228 : i32
    %multiple_of3A_230 = tpu.assume_multiple %shift_left3A_229, 128 : i32
    %dma_start3A_231 = arith.constant 13 : i32
    %dma_start3A_232 = arith.constant 0 : i32
    %dma_start3A_233 = arith.constant 0 : i32
    %dma_start3A_234 = tpu.memref_slice %arg8[%dma_start3A_231, %dma_start3A_232, %dma_start3A_233] : memref<25x8x128xf32, #tpu.memory_space<vmem>> -> memref<1x8x128xf32, #tpu.memory_space<vmem>>
    %dma_start3A_235 = tpu.memref_squeeze %dma_start3A_234 : memref<1x8x128xf32, #tpu.memory_space<vmem>> -> memref<8x128xf32, #tpu.memory_space<vmem>>
    %dma_start3A_236 = tpu.memref_slice %arg2[%multiple_of3A_10, %multiple_of3A_230] : memref<32x1000000xf32, #tpu.memory_space<hbm>> -> memref<8x128xf32, #tpu.memory_space<hbm>>
    %dma_start3A_237 = arith.constant 0 : i32
    %dma_start3A_238 = arith.constant 0 : i32
    %dma_start3A_239 = tpu.memref_slice %arg8[%dma_start3A_231, %dma_start3A_237, %dma_start3A_238] : memref<25x8x128xf32, #tpu.memory_space<vmem>> -> memref<1x8x128xf32, #tpu.memory_space<vmem>>
    %dma_start3A_240 = tpu.memref_squeeze %dma_start3A_239 : memref<1x8x128xf32, #tpu.memory_space<vmem>> -> memref<8x128xf32, #tpu.memory_space<vmem>>
    %dma_start3A_241 = tpu.memref_slice %arg2[%multiple_of3A_10, %multiple_of3A_230] : memref<32x1000000xf32, #tpu.memory_space<hbm>> -> memref<8x128xf32, #tpu.memory_space<hbm>>
    tpu.enqueue_dma source(%dma_start3A_241 : memref<8x128xf32, #tpu.memory_space<hbm>>) target(%dma_start3A_240 : memref<8x128xf32, #tpu.memory_space<vmem>>) target_semaphore(%arg12 : memref<!tpu.dma_semaphore, #tpu.memory_space<semaphore_mem>>)
    %slice3A_242 = vector.extract_strided_slice %get3A_3 {offsets = [13], sizes = [1], strides = [1]} : vector<16xi32> to vector<1xi32>
    %squeeze3A_243 = vector.extract %slice3A_242[0] : i32 from vector<1xi32>
    %shift_right_arithmetic3A_244 = arith.constant 7 : i32
    %shift_right_arithmetic3A_245 = arith.shrsi %squeeze3A_243, %shift_right_arithmetic3A_244 : i32
    %shift_left3A_246 = arith.constant 7 : i32
    %shift_left3A_247 = arith.shli %shift_right_arithmetic3A_245, %shift_left3A_246 : i32
    %multiple_of3A_248 = tpu.assume_multiple %shift_left3A_247, 128 : i32
    %dma_start3A_249 = arith.constant 14 : i32
    %dma_start3A_250 = arith.constant 0 : i32
    %dma_start3A_251 = arith.constant 0 : i32
    %dma_start3A_252 = tpu.memref_slice %arg8[%dma_start3A_249, %dma_start3A_250, %dma_start3A_251] : memref<25x8x128xf32, #tpu.memory_space<vmem>> -> memref<1x8x128xf32, #tpu.memory_space<vmem>>
    %dma_start3A_253 = tpu.memref_squeeze %dma_start3A_252 : memref<1x8x128xf32, #tpu.memory_space<vmem>> -> memref<8x128xf32, #tpu.memory_space<vmem>>
    %dma_start3A_254 = tpu.memref_slice %arg2[%multiple_of3A_10, %multiple_of3A_248] : memref<32x1000000xf32, #tpu.memory_space<hbm>> -> memref<8x128xf32, #tpu.memory_space<hbm>>
    %dma_start3A_255 = arith.constant 0 : i32
    %dma_start3A_256 = arith.constant 0 : i32
    %dma_start3A_257 = tpu.memref_slice %arg8[%dma_start3A_249, %dma_start3A_255, %dma_start3A_256] : memref<25x8x128xf32, #tpu.memory_space<vmem>> -> memref<1x8x128xf32, #tpu.memory_space<vmem>>
    %dma_start3A_258 = tpu.memref_squeeze %dma_start3A_257 : memref<1x8x128xf32, #tpu.memory_space<vmem>> -> memref<8x128xf32, #tpu.memory_space<vmem>>
    %dma_start3A_259 = tpu.memref_slice %arg2[%multiple_of3A_10, %multiple_of3A_248] : memref<32x1000000xf32, #tpu.memory_space<hbm>> -> memref<8x128xf32, #tpu.memory_space<hbm>>
    tpu.enqueue_dma source(%dma_start3A_259 : memref<8x128xf32, #tpu.memory_space<hbm>>) target(%dma_start3A_258 : memref<8x128xf32, #tpu.memory_space<vmem>>) target_semaphore(%arg12 : memref<!tpu.dma_semaphore, #tpu.memory_space<semaphore_mem>>)
    %slice3A_260 = vector.extract_strided_slice %get3A_3 {offsets = [14], sizes = [1], strides = [1]} : vector<16xi32> to vector<1xi32>
    %squeeze3A_261 = vector.extract %slice3A_260[0] : i32 from vector<1xi32>
    %shift_right_arithmetic3A_262 = arith.constant 7 : i32
    %shift_right_arithmetic3A_263 = arith.shrsi %squeeze3A_261, %shift_right_arithmetic3A_262 : i32
    %shift_left3A_264 = arith.constant 7 : i32
    %shift_left3A_265 = arith.shli %shift_right_arithmetic3A_263, %shift_left3A_264 : i32
    %multiple_of3A_266 = tpu.assume_multiple %shift_left3A_265, 128 : i32
    %dma_start3A_267 = arith.constant 15 : i32
    %dma_start3A_268 = arith.constant 0 : i32
    %dma_start3A_269 = arith.constant 0 : i32
    %dma_start3A_270 = tpu.memref_slice %arg8[%dma_start3A_267, %dma_start3A_268, %dma_start3A_269] : memref<25x8x128xf32, #tpu.memory_space<vmem>> -> memref<1x8x128xf32, #tpu.memory_space<vmem>>
    %dma_start3A_271 = tpu.memref_squeeze %dma_start3A_270 : memref<1x8x128xf32, #tpu.memory_space<vmem>> -> memref<8x128xf32, #tpu.memory_space<vmem>>
    %dma_start3A_272 = tpu.memref_slice %arg2[%multiple_of3A_10, %multiple_of3A_266] : memref<32x1000000xf32, #tpu.memory_space<hbm>> -> memref<8x128xf32, #tpu.memory_space<hbm>>
    %dma_start3A_273 = arith.constant 0 : i32
    %dma_start3A_274 = arith.constant 0 : i32
    %dma_start3A_275 = tpu.memref_slice %arg8[%dma_start3A_267, %dma_start3A_273, %dma_start3A_274] : memref<25x8x128xf32, #tpu.memory_space<vmem>> -> memref<1x8x128xf32, #tpu.memory_space<vmem>>
    %dma_start3A_276 = tpu.memref_squeeze %dma_start3A_275 : memref<1x8x128xf32, #tpu.memory_space<vmem>> -> memref<8x128xf32, #tpu.memory_space<vmem>>
    %dma_start3A_277 = tpu.memref_slice %arg2[%multiple_of3A_10, %multiple_of3A_266] : memref<32x1000000xf32, #tpu.memory_space<hbm>> -> memref<8x128xf32, #tpu.memory_space<hbm>>
    tpu.enqueue_dma source(%dma_start3A_277 : memref<8x128xf32, #tpu.memory_space<hbm>>) target(%dma_start3A_276 : memref<8x128xf32, #tpu.memory_space<vmem>>) target_semaphore(%arg12 : memref<!tpu.dma_semaphore, #tpu.memory_space<semaphore_mem>>)
    %slice3A_278 = vector.extract_strided_slice %get3A_3 {offsets = [15], sizes = [1], strides = [1]} : vector<16xi32> to vector<1xi32>
    %squeeze3A_279 = vector.extract %slice3A_278[0] : i32 from vector<1xi32>
    %shift_right_arithmetic3A_280 = arith.constant 7 : i32
    %shift_right_arithmetic3A_281 = arith.shrsi %squeeze3A_279, %shift_right_arithmetic3A_280 : i32
    %shift_left3A_282 = arith.constant 7 : i32
    %shift_left3A_283 = arith.shli %shift_right_arithmetic3A_281, %shift_left3A_282 : i32
    %multiple_of3A_284 = tpu.assume_multiple %shift_left3A_283, 128 : i32
    %dma_start3A_285 = arith.constant 16 : i32
    %dma_start3A_286 = arith.constant 0 : i32
    %dma_start3A_287 = arith.constant 0 : i32
    %dma_start3A_288 = tpu.memref_slice %arg8[%dma_start3A_285, %dma_start3A_286, %dma_start3A_287] : memref<25x8x128xf32, #tpu.memory_space<vmem>> -> memref<1x8x128xf32, #tpu.memory_space<vmem>>
    %dma_start3A_289 = tpu.memref_squeeze %dma_start3A_288 : memref<1x8x128xf32, #tpu.memory_space<vmem>> -> memref<8x128xf32, #tpu.memory_space<vmem>>
    %dma_start3A_290 = tpu.memref_slice %arg2[%multiple_of3A_10, %multiple_of3A_284] : memref<32x1000000xf32, #tpu.memory_space<hbm>> -> memref<8x128xf32, #tpu.memory_space<hbm>>
    %dma_start3A_291 = arith.constant 0 : i32
    %dma_start3A_292 = arith.constant 0 : i32
    %dma_start3A_293 = tpu.memref_slice %arg8[%dma_start3A_285, %dma_start3A_291, %dma_start3A_292] : memref<25x8x128xf32, #tpu.memory_space<vmem>> -> memref<1x8x128xf32, #tpu.memory_space<vmem>>
    %dma_start3A_294 = tpu.memref_squeeze %dma_start3A_293 : memref<1x8x128xf32, #tpu.memory_space<vmem>> -> memref<8x128xf32, #tpu.memory_space<vmem>>
    %dma_start3A_295 = tpu.memref_slice %arg2[%multiple_of3A_10, %multiple_of3A_284] : memref<32x1000000xf32, #tpu.memory_space<hbm>> -> memref<8x128xf32, #tpu.memory_space<hbm>>
    tpu.enqueue_dma source(%dma_start3A_295 : memref<8x128xf32, #tpu.memory_space<hbm>>) target(%dma_start3A_294 : memref<8x128xf32, #tpu.memory_space<vmem>>) target_semaphore(%arg12 : memref<!tpu.dma_semaphore, #tpu.memory_space<semaphore_mem>>)
    %slice3A_296 = vector.extract_strided_slice %select_n3A {offsets = [0], sizes = [1], strides = [1]} : vector<16xi32> to vector<1xi32>
    %squeeze3A_297 = vector.extract %slice3A_296[0] : i32 from vector<1xi32>
    %shift_right_arithmetic3A_298 = arith.constant 7 : i32
    %shift_right_arithmetic3A_299 = arith.shrsi %squeeze3A_297, %shift_right_arithmetic3A_298 : i32
    %shift_left3A_300 = arith.constant 7 : i32
    %shift_left3A_301 = arith.shli %shift_right_arithmetic3A_299, %shift_left3A_300 : i32
    %multiple_of3A_302 = tpu.assume_multiple %shift_left3A_301, 128 : i32
    %dma_start3A_303 = arith.constant 17 : i32
    %dma_start3A_304 = arith.constant 0 : i32
    %dma_start3A_305 = arith.constant 0 : i32
    %dma_start3A_306 = tpu.memref_slice %arg8[%dma_start3A_303, %dma_start3A_304, %dma_start3A_305] : memref<25x8x128xf32, #tpu.memory_space<vmem>> -> memref<1x8x128xf32, #tpu.memory_space<vmem>>
    %dma_start3A_307 = tpu.memref_squeeze %dma_start3A_306 : memref<1x8x128xf32, #tpu.memory_space<vmem>> -> memref<8x128xf32, #tpu.memory_space<vmem>>
    %dma_start3A_308 = tpu.memref_slice %arg2[%multiple_of3A_10, %multiple_of3A_302] : memref<32x1000000xf32, #tpu.memory_space<hbm>> -> memref<8x128xf32, #tpu.memory_space<hbm>>
    %dma_start3A_309 = arith.constant 0 : i32
    %dma_start3A_310 = arith.constant 0 : i32
    %dma_start3A_311 = tpu.memref_slice %arg8[%dma_start3A_303, %dma_start3A_309, %dma_start3A_310] : memref<25x8x128xf32, #tpu.memory_space<vmem>> -> memref<1x8x128xf32, #tpu.memory_space<vmem>>
    %dma_start3A_312 = tpu.memref_squeeze %dma_start3A_311 : memref<1x8x128xf32, #tpu.memory_space<vmem>> -> memref<8x128xf32, #tpu.memory_space<vmem>>
    %dma_start3A_313 = tpu.memref_slice %arg2[%multiple_of3A_10, %multiple_of3A_302] : memref<32x1000000xf32, #tpu.memory_space<hbm>> -> memref<8x128xf32, #tpu.memory_space<hbm>>
    tpu.enqueue_dma source(%dma_start3A_313 : memref<8x128xf32, #tpu.memory_space<hbm>>) target(%dma_start3A_312 : memref<8x128xf32, #tpu.memory_space<vmem>>) target_semaphore(%arg12 : memref<!tpu.dma_semaphore, #tpu.memory_space<semaphore_mem>>)
    %slice3A_314 = vector.extract_strided_slice %select_n3A {offsets = [1], sizes = [1], strides = [1]} : vector<16xi32> to vector<1xi32>
    %squeeze3A_315 = vector.extract %slice3A_314[0] : i32 from vector<1xi32>
    %shift_right_arithmetic3A_316 = arith.constant 7 : i32
    %shift_right_arithmetic3A_317 = arith.shrsi %squeeze3A_315, %shift_right_arithmetic3A_316 : i32
    %shift_left3A_318 = arith.constant 7 : i32
    %shift_left3A_319 = arith.shli %shift_right_arithmetic3A_317, %shift_left3A_318 : i32
    %multiple_of3A_320 = tpu.assume_multiple %shift_left3A_319, 128 : i32
    %dma_start3A_321 = arith.constant 18 : i32
    %dma_start3A_322 = arith.constant 0 : i32
    %dma_start3A_323 = arith.constant 0 : i32
    %dma_start3A_324 = tpu.memref_slice %arg8[%dma_start3A_321, %dma_start3A_322, %dma_start3A_323] : memref<25x8x128xf32, #tpu.memory_space<vmem>> -> memref<1x8x128xf32, #tpu.memory_space<vmem>>
    %dma_start3A_325 = tpu.memref_squeeze %dma_start3A_324 : memref<1x8x128xf32, #tpu.memory_space<vmem>> -> memref<8x128xf32, #tpu.memory_space<vmem>>
    %dma_start3A_326 = tpu.memref_slice %arg2[%multiple_of3A_10, %multiple_of3A_320] : memref<32x1000000xf32, #tpu.memory_space<hbm>> -> memref<8x128xf32, #tpu.memory_space<hbm>>
    %dma_start3A_327 = arith.constant 0 : i32
    %dma_start3A_328 = arith.constant 0 : i32
    %dma_start3A_329 = tpu.memref_slice %arg8[%dma_start3A_321, %dma_start3A_327, %dma_start3A_328] : memref<25x8x128xf32, #tpu.memory_space<vmem>> -> memref<1x8x128xf32, #tpu.memory_space<vmem>>
    %dma_start3A_330 = tpu.memref_squeeze %dma_start3A_329 : memref<1x8x128xf32, #tpu.memory_space<vmem>> -> memref<8x128xf32, #tpu.memory_space<vmem>>
    %dma_start3A_331 = tpu.memref_slice %arg2[%multiple_of3A_10, %multiple_of3A_320] : memref<32x1000000xf32, #tpu.memory_space<hbm>> -> memref<8x128xf32, #tpu.memory_space<hbm>>
    tpu.enqueue_dma source(%dma_start3A_331 : memref<8x128xf32, #tpu.memory_space<hbm>>) target(%dma_start3A_330 : memref<8x128xf32, #tpu.memory_space<vmem>>) target_semaphore(%arg12 : memref<!tpu.dma_semaphore, #tpu.memory_space<semaphore_mem>>)
    %slice3A_332 = vector.extract_strided_slice %select_n3A {offsets = [2], sizes = [1], strides = [1]} : vector<16xi32> to vector<1xi32>
    %squeeze3A_333 = vector.extract %slice3A_332[0] : i32 from vector<1xi32>
    %shift_right_arithmetic3A_334 = arith.constant 7 : i32
    %shift_right_arithmetic3A_335 = arith.shrsi %squeeze3A_333, %shift_right_arithmetic3A_334 : i32
    %shift_left3A_336 = arith.constant 7 : i32
    %shift_left3A_337 = arith.shli %shift_right_arithmetic3A_335, %shift_left3A_336 : i32
    %multiple_of3A_338 = tpu.assume_multiple %shift_left3A_337, 128 : i32
    %dma_start3A_339 = arith.constant 19 : i32
    %dma_start3A_340 = arith.constant 0 : i32
    %dma_start3A_341 = arith.constant 0 : i32
    %dma_start3A_342 = tpu.memref_slice %arg8[%dma_start3A_339, %dma_start3A_340, %dma_start3A_341] : memref<25x8x128xf32, #tpu.memory_space<vmem>> -> memref<1x8x128xf32, #tpu.memory_space<vmem>>
    %dma_start3A_343 = tpu.memref_squeeze %dma_start3A_342 : memref<1x8x128xf32, #tpu.memory_space<vmem>> -> memref<8x128xf32, #tpu.memory_space<vmem>>
    %dma_start3A_344 = tpu.memref_slice %arg2[%multiple_of3A_10, %multiple_of3A_338] : memref<32x1000000xf32, #tpu.memory_space<hbm>> -> memref<8x128xf32, #tpu.memory_space<hbm>>
    %dma_start3A_345 = arith.constant 0 : i32
    %dma_start3A_346 = arith.constant 0 : i32
    %dma_start3A_347 = tpu.memref_slice %arg8[%dma_start3A_339, %dma_start3A_345, %dma_start3A_346] : memref<25x8x128xf32, #tpu.memory_space<vmem>> -> memref<1x8x128xf32, #tpu.memory_space<vmem>>
    %dma_start3A_348 = tpu.memref_squeeze %dma_start3A_347 : memref<1x8x128xf32, #tpu.memory_space<vmem>> -> memref<8x128xf32, #tpu.memory_space<vmem>>
    %dma_start3A_349 = tpu.memref_slice %arg2[%multiple_of3A_10, %multiple_of3A_338] : memref<32x1000000xf32, #tpu.memory_space<hbm>> -> memref<8x128xf32, #tpu.memory_space<hbm>>
    tpu.enqueue_dma source(%dma_start3A_349 : memref<8x128xf32, #tpu.memory_space<hbm>>) target(%dma_start3A_348 : memref<8x128xf32, #tpu.memory_space<vmem>>) target_semaphore(%arg12 : memref<!tpu.dma_semaphore, #tpu.memory_space<semaphore_mem>>)
    %slice3A_350 = vector.extract_strided_slice %select_n3A {offsets = [3], sizes = [1], strides = [1]} : vector<16xi32> to vector<1xi32>
    %squeeze3A_351 = vector.extract %slice3A_350[0] : i32 from vector<1xi32>
    %shift_right_arithmetic3A_352 = arith.constant 7 : i32
    %shift_right_arithmetic3A_353 = arith.shrsi %squeeze3A_351, %shift_right_arithmetic3A_352 : i32
    %shift_left3A_354 = arith.constant 7 : i32
    %shift_left3A_355 = arith.shli %shift_right_arithmetic3A_353, %shift_left3A_354 : i32
    %multiple_of3A_356 = tpu.assume_multiple %shift_left3A_355, 128 : i32
    %dma_start3A_357 = arith.constant 20 : i32
    %dma_start3A_358 = arith.constant 0 : i32
    %dma_start3A_359 = arith.constant 0 : i32
    %dma_start3A_360 = tpu.memref_slice %arg8[%dma_start3A_357, %dma_start3A_358, %dma_start3A_359] : memref<25x8x128xf32, #tpu.memory_space<vmem>> -> memref<1x8x128xf32, #tpu.memory_space<vmem>>
    %dma_start3A_361 = tpu.memref_squeeze %dma_start3A_360 : memref<1x8x128xf32, #tpu.memory_space<vmem>> -> memref<8x128xf32, #tpu.memory_space<vmem>>
    %dma_start3A_362 = tpu.memref_slice %arg2[%multiple_of3A_10, %multiple_of3A_356] : memref<32x1000000xf32, #tpu.memory_space<hbm>> -> memref<8x128xf32, #tpu.memory_space<hbm>>
    %dma_start3A_363 = arith.constant 0 : i32
    %dma_start3A_364 = arith.constant 0 : i32
    %dma_start3A_365 = tpu.memref_slice %arg8[%dma_start3A_357, %dma_start3A_363, %dma_start3A_364] : memref<25x8x128xf32, #tpu.memory_space<vmem>> -> memref<1x8x128xf32, #tpu.memory_space<vmem>>
    %dma_start3A_366 = tpu.memref_squeeze %dma_start3A_365 : memref<1x8x128xf32, #tpu.memory_space<vmem>> -> memref<8x128xf32, #tpu.memory_space<vmem>>
    %dma_start3A_367 = tpu.memref_slice %arg2[%multiple_of3A_10, %multiple_of3A_356] : memref<32x1000000xf32, #tpu.memory_space<hbm>> -> memref<8x128xf32, #tpu.memory_space<hbm>>
    tpu.enqueue_dma source(%dma_start3A_367 : memref<8x128xf32, #tpu.memory_space<hbm>>) target(%dma_start3A_366 : memref<8x128xf32, #tpu.memory_space<vmem>>) target_semaphore(%arg12 : memref<!tpu.dma_semaphore, #tpu.memory_space<semaphore_mem>>)
    %slice3A_368 = vector.extract_strided_slice %select_n3A {offsets = [4], sizes = [1], strides = [1]} : vector<16xi32> to vector<1xi32>
    %squeeze3A_369 = vector.extract %slice3A_368[0] : i32 from vector<1xi32>
    %shift_right_arithmetic3A_370 = arith.constant 7 : i32
    %shift_right_arithmetic3A_371 = arith.shrsi %squeeze3A_369, %shift_right_arithmetic3A_370 : i32
    %shift_left3A_372 = arith.constant 7 : i32
    %shift_left3A_373 = arith.shli %shift_right_arithmetic3A_371, %shift_left3A_372 : i32
    %multiple_of3A_374 = tpu.assume_multiple %shift_left3A_373, 128 : i32
    %dma_start3A_375 = arith.constant 21 : i32
    %dma_start3A_376 = arith.constant 0 : i32
    %dma_start3A_377 = arith.constant 0 : i32
    %dma_start3A_378 = tpu.memref_slice %arg8[%dma_start3A_375, %dma_start3A_376, %dma_start3A_377] : memref<25x8x128xf32, #tpu.memory_space<vmem>> -> memref<1x8x128xf32, #tpu.memory_space<vmem>>
    %dma_start3A_379 = tpu.memref_squeeze %dma_start3A_378 : memref<1x8x128xf32, #tpu.memory_space<vmem>> -> memref<8x128xf32, #tpu.memory_space<vmem>>
    %dma_start3A_380 = tpu.memref_slice %arg2[%multiple_of3A_10, %multiple_of3A_374] : memref<32x1000000xf32, #tpu.memory_space<hbm>> -> memref<8x128xf32, #tpu.memory_space<hbm>>
    %dma_start3A_381 = arith.constant 0 : i32
    %dma_start3A_382 = arith.constant 0 : i32
    %dma_start3A_383 = tpu.memref_slice %arg8[%dma_start3A_375, %dma_start3A_381, %dma_start3A_382] : memref<25x8x128xf32, #tpu.memory_space<vmem>> -> memref<1x8x128xf32, #tpu.memory_space<vmem>>
    %dma_start3A_384 = tpu.memref_squeeze %dma_start3A_383 : memref<1x8x128xf32, #tpu.memory_space<vmem>> -> memref<8x128xf32, #tpu.memory_space<vmem>>
    %dma_start3A_385 = tpu.memref_slice %arg2[%multiple_of3A_10, %multiple_of3A_374] : memref<32x1000000xf32, #tpu.memory_space<hbm>> -> memref<8x128xf32, #tpu.memory_space<hbm>>
    tpu.enqueue_dma source(%dma_start3A_385 : memref<8x128xf32, #tpu.memory_space<hbm>>) target(%dma_start3A_384 : memref<8x128xf32, #tpu.memory_space<vmem>>) target_semaphore(%arg12 : memref<!tpu.dma_semaphore, #tpu.memory_space<semaphore_mem>>)
    %slice3A_386 = vector.extract_strided_slice %select_n3A {offsets = [5], sizes = [1], strides = [1]} : vector<16xi32> to vector<1xi32>
    %squeeze3A_387 = vector.extract %slice3A_386[0] : i32 from vector<1xi32>
    %shift_right_arithmetic3A_388 = arith.constant 7 : i32
    %shift_right_arithmetic3A_389 = arith.shrsi %squeeze3A_387, %shift_right_arithmetic3A_388 : i32
    %shift_left3A_390 = arith.constant 7 : i32
    %shift_left3A_391 = arith.shli %shift_right_arithmetic3A_389, %shift_left3A_390 : i32
    %multiple_of3A_392 = tpu.assume_multiple %shift_left3A_391, 128 : i32
    %dma_start3A_393 = arith.constant 22 : i32
    %dma_start3A_394 = arith.constant 0 : i32
    %dma_start3A_395 = arith.constant 0 : i32
    %dma_start3A_396 = tpu.memref_slice %arg8[%dma_start3A_393, %dma_start3A_394, %dma_start3A_395] : memref<25x8x128xf32, #tpu.memory_space<vmem>> -> memref<1x8x128xf32, #tpu.memory_space<vmem>>
    %dma_start3A_397 = tpu.memref_squeeze %dma_start3A_396 : memref<1x8x128xf32, #tpu.memory_space<vmem>> -> memref<8x128xf32, #tpu.memory_space<vmem>>
    %dma_start3A_398 = tpu.memref_slice %arg2[%multiple_of3A_10, %multiple_of3A_392] : memref<32x1000000xf32, #tpu.memory_space<hbm>> -> memref<8x128xf32, #tpu.memory_space<hbm>>
    %dma_start3A_399 = arith.constant 0 : i32
    %dma_start3A_400 = arith.constant 0 : i32
    %dma_start3A_401 = tpu.memref_slice %arg8[%dma_start3A_393, %dma_start3A_399, %dma_start3A_400] : memref<25x8x128xf32, #tpu.memory_space<vmem>> -> memref<1x8x128xf32, #tpu.memory_space<vmem>>
    %dma_start3A_402 = tpu.memref_squeeze %dma_start3A_401 : memref<1x8x128xf32, #tpu.memory_space<vmem>> -> memref<8x128xf32, #tpu.memory_space<vmem>>
    %dma_start3A_403 = tpu.memref_slice %arg2[%multiple_of3A_10, %multiple_of3A_392] : memref<32x1000000xf32, #tpu.memory_space<hbm>> -> memref<8x128xf32, #tpu.memory_space<hbm>>
    tpu.enqueue_dma source(%dma_start3A_403 : memref<8x128xf32, #tpu.memory_space<hbm>>) target(%dma_start3A_402 : memref<8x128xf32, #tpu.memory_space<vmem>>) target_semaphore(%arg12 : memref<!tpu.dma_semaphore, #tpu.memory_space<semaphore_mem>>)
    %slice3A_404 = vector.extract_strided_slice %select_n3A {offsets = [6], sizes = [1], strides = [1]} : vector<16xi32> to vector<1xi32>
    %squeeze3A_405 = vector.extract %slice3A_404[0] : i32 from vector<1xi32>
    %shift_right_arithmetic3A_406 = arith.constant 7 : i32
    %shift_right_arithmetic3A_407 = arith.shrsi %squeeze3A_405, %shift_right_arithmetic3A_406 : i32
    %shift_left3A_408 = arith.constant 7 : i32
    %shift_left3A_409 = arith.shli %shift_right_arithmetic3A_407, %shift_left3A_408 : i32
    %multiple_of3A_410 = tpu.assume_multiple %shift_left3A_409, 128 : i32
    %dma_start3A_411 = arith.constant 23 : i32
    %dma_start3A_412 = arith.constant 0 : i32
    %dma_start3A_413 = arith.constant 0 : i32
    %dma_start3A_414 = tpu.memref_slice %arg8[%dma_start3A_411, %dma_start3A_412, %dma_start3A_413] : memref<25x8x128xf32, #tpu.memory_space<vmem>> -> memref<1x8x128xf32, #tpu.memory_space<vmem>>
    %dma_start3A_415 = tpu.memref_squeeze %dma_start3A_414 : memref<1x8x128xf32, #tpu.memory_space<vmem>> -> memref<8x128xf32, #tpu.memory_space<vmem>>
    %dma_start3A_416 = tpu.memref_slice %arg2[%multiple_of3A_10, %multiple_of3A_410] : memref<32x1000000xf32, #tpu.memory_space<hbm>> -> memref<8x128xf32, #tpu.memory_space<hbm>>
    %dma_start3A_417 = arith.constant 0 : i32
    %dma_start3A_418 = arith.constant 0 : i32
    %dma_start3A_419 = tpu.memref_slice %arg8[%dma_start3A_411, %dma_start3A_417, %dma_start3A_418] : memref<25x8x128xf32, #tpu.memory_space<vmem>> -> memref<1x8x128xf32, #tpu.memory_space<vmem>>
    %dma_start3A_420 = tpu.memref_squeeze %dma_start3A_419 : memref<1x8x128xf32, #tpu.memory_space<vmem>> -> memref<8x128xf32, #tpu.memory_space<vmem>>
    %dma_start3A_421 = tpu.memref_slice %arg2[%multiple_of3A_10, %multiple_of3A_410] : memref<32x1000000xf32, #tpu.memory_space<hbm>> -> memref<8x128xf32, #tpu.memory_space<hbm>>
    tpu.enqueue_dma source(%dma_start3A_421 : memref<8x128xf32, #tpu.memory_space<hbm>>) target(%dma_start3A_420 : memref<8x128xf32, #tpu.memory_space<vmem>>) target_semaphore(%arg12 : memref<!tpu.dma_semaphore, #tpu.memory_space<semaphore_mem>>)
    %slice3A_422 = vector.extract_strided_slice %select_n3A {offsets = [7], sizes = [1], strides = [1]} : vector<16xi32> to vector<1xi32>
    %squeeze3A_423 = vector.extract %slice3A_422[0] : i32 from vector<1xi32>
    %shift_right_arithmetic3A_424 = arith.constant 7 : i32
    %shift_right_arithmetic3A_425 = arith.shrsi %squeeze3A_423, %shift_right_arithmetic3A_424 : i32
    %shift_left3A_426 = arith.constant 7 : i32
    %shift_left3A_427 = arith.shli %shift_right_arithmetic3A_425, %shift_left3A_426 : i32
    %multiple_of3A_428 = tpu.assume_multiple %shift_left3A_427, 128 : i32
    %dma_start3A_429 = arith.constant 24 : i32
    %dma_start3A_430 = arith.constant 0 : i32
    %dma_start3A_431 = arith.constant 0 : i32
    %dma_start3A_432 = tpu.memref_slice %arg8[%dma_start3A_429, %dma_start3A_430, %dma_start3A_431] : memref<25x8x128xf32, #tpu.memory_space<vmem>> -> memref<1x8x128xf32, #tpu.memory_space<vmem>>
    %dma_start3A_433 = tpu.memref_squeeze %dma_start3A_432 : memref<1x8x128xf32, #tpu.memory_space<vmem>> -> memref<8x128xf32, #tpu.memory_space<vmem>>
    %dma_start3A_434 = tpu.memref_slice %arg2[%multiple_of3A_10, %multiple_of3A_428] : memref<32x1000000xf32, #tpu.memory_space<hbm>> -> memref<8x128xf32, #tpu.memory_space<hbm>>
    %dma_start3A_435 = arith.constant 0 : i32
    %dma_start3A_436 = arith.constant 0 : i32
    %dma_start3A_437 = tpu.memref_slice %arg8[%dma_start3A_429, %dma_start3A_435, %dma_start3A_436] : memref<25x8x128xf32, #tpu.memory_space<vmem>> -> memref<1x8x128xf32, #tpu.memory_space<vmem>>
    %dma_start3A_438 = tpu.memref_squeeze %dma_start3A_437 : memref<1x8x128xf32, #tpu.memory_space<vmem>> -> memref<8x128xf32, #tpu.memory_space<vmem>>
    %dma_start3A_439 = tpu.memref_slice %arg2[%multiple_of3A_10, %multiple_of3A_428] : memref<32x1000000xf32, #tpu.memory_space<hbm>> -> memref<8x128xf32, #tpu.memory_space<hbm>>
    tpu.enqueue_dma source(%dma_start3A_439 : memref<8x128xf32, #tpu.memory_space<hbm>>) target(%dma_start3A_438 : memref<8x128xf32, #tpu.memory_space<vmem>>) target_semaphore(%arg12 : memref<!tpu.dma_semaphore, #tpu.memory_space<semaphore_mem>>)
    %broadcast_in_dim3A_440 = arith.constant 0 : i32
    %broadcast_in_dim3A_441 = vector.broadcast %broadcast_in_dim3A_440 : i32 to vector<16xi32>
    %slice3A_442 = vector.extract_strided_slice %get3A_3 {offsets = [0], sizes = [1], strides = [1]} : vector<16xi32> to vector<1xi32>
    %squeeze3A_443 = vector.extract %slice3A_442[0] : i32 from vector<1xi32>
    %add3A_444 = arith.constant 0 : i32
    %add3A_445 = vector.broadcast %add3A_444 : i32 to vector<16xi32>
    %add3A_446 = arith.addi %iota3A, %add3A_445 : vector<16xi32>
    %gt3A = arith.constant 0 : i32
    %gt3A_447 = vector.broadcast %gt3A : i32 to vector<16xi32>
    %gt3A_448 = arith.cmpi sgt, %add3A_446, %gt3A_447 : vector<16xi32>
    %eq3A = vector.broadcast %squeeze3A_443 : i32 to vector<16xi32>
    %eq3A_449 = arith.cmpi eq, %eq3A, %get3A_3 : vector<16xi32>
    %and3A = arith.andi %eq3A_449, %gt3A_448 : vector<16xi1>
    %convert_element_type3A = arith.extui %and3A : vector<16xi1> to vector<16xi32>
    %add3A_450 = arith.addi %broadcast_in_dim3A_441, %convert_element_type3A : vector<16xi32>
    %add3A_451 = arith.constant 16 : i32
    %add3A_452 = vector.broadcast %add3A_451 : i32 to vector<16xi32>
    %add3A_453 = arith.addi %iota3A, %add3A_452 : vector<16xi32>
    %gt3A_454 = arith.constant 0 : i32
    %gt3A_455 = vector.broadcast %gt3A_454 : i32 to vector<16xi32>
    %gt3A_456 = arith.cmpi sgt, %add3A_453, %gt3A_455 : vector<16xi32>
    %eq3A_457 = vector.broadcast %squeeze3A_443 : i32 to vector<16xi32>
    %eq3A_458 = arith.cmpi eq, %eq3A_457, %select_n3A : vector<16xi32>
    %and3A_459 = arith.andi %eq3A_458, %gt3A_456 : vector<16xi1>
    %convert_element_type3A_460 = arith.extui %and3A_459 : vector<16xi1> to vector<16xi32>
    %add3A_461 = arith.addi %broadcast_in_dim3A_441, %convert_element_type3A_460 : vector<16xi32>
    %slice3A_462 = vector.extract_strided_slice %get3A_3 {offsets = [1], sizes = [1], strides = [1]} : vector<16xi32> to vector<1xi32>
    %squeeze3A_463 = vector.extract %slice3A_462[0] : i32 from vector<1xi32>
    %add3A_464 = arith.constant 0 : i32
    %add3A_465 = vector.broadcast %add3A_464 : i32 to vector<16xi32>
    %add3A_466 = arith.addi %iota3A, %add3A_465 : vector<16xi32>
    %gt3A_467 = arith.constant 1 : i32
    %gt3A_468 = vector.broadcast %gt3A_467 : i32 to vector<16xi32>
    %gt3A_469 = arith.cmpi sgt, %add3A_466, %gt3A_468 : vector<16xi32>
    %eq3A_470 = vector.broadcast %squeeze3A_463 : i32 to vector<16xi32>
    %eq3A_471 = arith.cmpi eq, %eq3A_470, %get3A_3 : vector<16xi32>
    %and3A_472 = arith.andi %eq3A_471, %gt3A_469 : vector<16xi1>
    %convert_element_type3A_473 = arith.extui %and3A_472 : vector<16xi1> to vector<16xi32>
    %add3A_474 = arith.addi %add3A_450, %convert_element_type3A_473 : vector<16xi32>
    %add3A_475 = arith.constant 16 : i32
    %add3A_476 = vector.broadcast %add3A_475 : i32 to vector<16xi32>
    %add3A_477 = arith.addi %iota3A, %add3A_476 : vector<16xi32>
    %gt3A_478 = arith.constant 1 : i32
    %gt3A_479 = vector.broadcast %gt3A_478 : i32 to vector<16xi32>
    %gt3A_480 = arith.cmpi sgt, %add3A_477, %gt3A_479 : vector<16xi32>
    %eq3A_481 = vector.broadcast %squeeze3A_463 : i32 to vector<16xi32>
    %eq3A_482 = arith.cmpi eq, %eq3A_481, %select_n3A : vector<16xi32>
    %and3A_483 = arith.andi %eq3A_482, %gt3A_480 : vector<16xi1>
    %convert_element_type3A_484 = arith.extui %and3A_483 : vector<16xi1> to vector<16xi32>
    %add3A_485 = arith.addi %add3A_461, %convert_element_type3A_484 : vector<16xi32>
    %slice3A_486 = vector.extract_strided_slice %get3A_3 {offsets = [2], sizes = [1], strides = [1]} : vector<16xi32> to vector<1xi32>
    %squeeze3A_487 = vector.extract %slice3A_486[0] : i32 from vector<1xi32>
    %add3A_488 = arith.constant 0 : i32
    %add3A_489 = vector.broadcast %add3A_488 : i32 to vector<16xi32>
    %add3A_490 = arith.addi %iota3A, %add3A_489 : vector<16xi32>
    %gt3A_491 = arith.constant 2 : i32
    %gt3A_492 = vector.broadcast %gt3A_491 : i32 to vector<16xi32>
    %gt3A_493 = arith.cmpi sgt, %add3A_490, %gt3A_492 : vector<16xi32>
    %eq3A_494 = vector.broadcast %squeeze3A_487 : i32 to vector<16xi32>
    %eq3A_495 = arith.cmpi eq, %eq3A_494, %get3A_3 : vector<16xi32>
    %and3A_496 = arith.andi %eq3A_495, %gt3A_493 : vector<16xi1>
    %convert_element_type3A_497 = arith.extui %and3A_496 : vector<16xi1> to vector<16xi32>
    %add3A_498 = arith.addi %add3A_474, %convert_element_type3A_497 : vector<16xi32>
    %add3A_499 = arith.constant 16 : i32
    %add3A_500 = vector.broadcast %add3A_499 : i32 to vector<16xi32>
    %add3A_501 = arith.addi %iota3A, %add3A_500 : vector<16xi32>
    %gt3A_502 = arith.constant 2 : i32
    %gt3A_503 = vector.broadcast %gt3A_502 : i32 to vector<16xi32>
    %gt3A_504 = arith.cmpi sgt, %add3A_501, %gt3A_503 : vector<16xi32>
    %eq3A_505 = vector.broadcast %squeeze3A_487 : i32 to vector<16xi32>
    %eq3A_506 = arith.cmpi eq, %eq3A_505, %select_n3A : vector<16xi32>
    %and3A_507 = arith.andi %eq3A_506, %gt3A_504 : vector<16xi1>
    %convert_element_type3A_508 = arith.extui %and3A_507 : vector<16xi1> to vector<16xi32>
    %add3A_509 = arith.addi %add3A_485, %convert_element_type3A_508 : vector<16xi32>
    %slice3A_510 = vector.extract_strided_slice %get3A_3 {offsets = [3], sizes = [1], strides = [1]} : vector<16xi32> to vector<1xi32>
    %squeeze3A_511 = vector.extract %slice3A_510[0] : i32 from vector<1xi32>
    %add3A_512 = arith.constant 0 : i32
    %add3A_513 = vector.broadcast %add3A_512 : i32 to vector<16xi32>
    %add3A_514 = arith.addi %iota3A, %add3A_513 : vector<16xi32>
    %gt3A_515 = arith.constant 3 : i32
    %gt3A_516 = vector.broadcast %gt3A_515 : i32 to vector<16xi32>
    %gt3A_517 = arith.cmpi sgt, %add3A_514, %gt3A_516 : vector<16xi32>
    %eq3A_518 = vector.broadcast %squeeze3A_511 : i32 to vector<16xi32>
    %eq3A_519 = arith.cmpi eq, %eq3A_518, %get3A_3 : vector<16xi32>
    %and3A_520 = arith.andi %eq3A_519, %gt3A_517 : vector<16xi1>
    %convert_element_type3A_521 = arith.extui %and3A_520 : vector<16xi1> to vector<16xi32>
    %add3A_522 = arith.addi %add3A_498, %convert_element_type3A_521 : vector<16xi32>
    %add3A_523 = arith.constant 16 : i32
    %add3A_524 = vector.broadcast %add3A_523 : i32 to vector<16xi32>
    %add3A_525 = arith.addi %iota3A, %add3A_524 : vector<16xi32>
    %gt3A_526 = arith.constant 3 : i32
    %gt3A_527 = vector.broadcast %gt3A_526 : i32 to vector<16xi32>
    %gt3A_528 = arith.cmpi sgt, %add3A_525, %gt3A_527 : vector<16xi32>
    %eq3A_529 = vector.broadcast %squeeze3A_511 : i32 to vector<16xi32>
    %eq3A_530 = arith.cmpi eq, %eq3A_529, %select_n3A : vector<16xi32>
    %and3A_531 = arith.andi %eq3A_530, %gt3A_528 : vector<16xi1>
    %convert_element_type3A_532 = arith.extui %and3A_531 : vector<16xi1> to vector<16xi32>
    %add3A_533 = arith.addi %add3A_509, %convert_element_type3A_532 : vector<16xi32>
    %slice3A_534 = vector.extract_strided_slice %get3A_3 {offsets = [4], sizes = [1], strides = [1]} : vector<16xi32> to vector<1xi32>
    %squeeze3A_535 = vector.extract %slice3A_534[0] : i32 from vector<1xi32>
    %add3A_536 = arith.constant 0 : i32
    %add3A_537 = vector.broadcast %add3A_536 : i32 to vector<16xi32>
    %add3A_538 = arith.addi %iota3A, %add3A_537 : vector<16xi32>
    %gt3A_539 = arith.constant 4 : i32
    %gt3A_540 = vector.broadcast %gt3A_539 : i32 to vector<16xi32>
    %gt3A_541 = arith.cmpi sgt, %add3A_538, %gt3A_540 : vector<16xi32>
    %eq3A_542 = vector.broadcast %squeeze3A_535 : i32 to vector<16xi32>
    %eq3A_543 = arith.cmpi eq, %eq3A_542, %get3A_3 : vector<16xi32>
    %and3A_544 = arith.andi %eq3A_543, %gt3A_541 : vector<16xi1>
    %convert_element_type3A_545 = arith.extui %and3A_544 : vector<16xi1> to vector<16xi32>
    %add3A_546 = arith.addi %add3A_522, %convert_element_type3A_545 : vector<16xi32>
    %add3A_547 = arith.constant 16 : i32
    %add3A_548 = vector.broadcast %add3A_547 : i32 to vector<16xi32>
    %add3A_549 = arith.addi %iota3A, %add3A_548 : vector<16xi32>
    %gt3A_550 = arith.constant 4 : i32
    %gt3A_551 = vector.broadcast %gt3A_550 : i32 to vector<16xi32>
    %gt3A_552 = arith.cmpi sgt, %add3A_549, %gt3A_551 : vector<16xi32>
    %eq3A_553 = vector.broadcast %squeeze3A_535 : i32 to vector<16xi32>
    %eq3A_554 = arith.cmpi eq, %eq3A_553, %select_n3A : vector<16xi32>
    %and3A_555 = arith.andi %eq3A_554, %gt3A_552 : vector<16xi1>
    %convert_element_type3A_556 = arith.extui %and3A_555 : vector<16xi1> to vector<16xi32>
    %add3A_557 = arith.addi %add3A_533, %convert_element_type3A_556 : vector<16xi32>
    %slice3A_558 = vector.extract_strided_slice %get3A_3 {offsets = [5], sizes = [1], strides = [1]} : vector<16xi32> to vector<1xi32>
    %squeeze3A_559 = vector.extract %slice3A_558[0] : i32 from vector<1xi32>
    %add3A_560 = arith.constant 0 : i32
    %add3A_561 = vector.broadcast %add3A_560 : i32 to vector<16xi32>
    %add3A_562 = arith.addi %iota3A, %add3A_561 : vector<16xi32>
    %gt3A_563 = arith.constant 5 : i32
    %gt3A_564 = vector.broadcast %gt3A_563 : i32 to vector<16xi32>
    %gt3A_565 = arith.cmpi sgt, %add3A_562, %gt3A_564 : vector<16xi32>
    %eq3A_566 = vector.broadcast %squeeze3A_559 : i32 to vector<16xi32>
    %eq3A_567 = arith.cmpi eq, %eq3A_566, %get3A_3 : vector<16xi32>
    %and3A_568 = arith.andi %eq3A_567, %gt3A_565 : vector<16xi1>
    %convert_element_type3A_569 = arith.extui %and3A_568 : vector<16xi1> to vector<16xi32>
    %add3A_570 = arith.addi %add3A_546, %convert_element_type3A_569 : vector<16xi32>
    %add3A_571 = arith.constant 16 : i32
    %add3A_572 = vector.broadcast %add3A_571 : i32 to vector<16xi32>
    %add3A_573 = arith.addi %iota3A, %add3A_572 : vector<16xi32>
    %gt3A_574 = arith.constant 5 : i32
    %gt3A_575 = vector.broadcast %gt3A_574 : i32 to vector<16xi32>
    %gt3A_576 = arith.cmpi sgt, %add3A_573, %gt3A_575 : vector<16xi32>
    %eq3A_577 = vector.broadcast %squeeze3A_559 : i32 to vector<16xi32>
    %eq3A_578 = arith.cmpi eq, %eq3A_577, %select_n3A : vector<16xi32>
    %and3A_579 = arith.andi %eq3A_578, %gt3A_576 : vector<16xi1>
    %convert_element_type3A_580 = arith.extui %and3A_579 : vector<16xi1> to vector<16xi32>
    %add3A_581 = arith.addi %add3A_557, %convert_element_type3A_580 : vector<16xi32>
    %slice3A_582 = vector.extract_strided_slice %get3A_3 {offsets = [6], sizes = [1], strides = [1]} : vector<16xi32> to vector<1xi32>
    %squeeze3A_583 = vector.extract %slice3A_582[0] : i32 from vector<1xi32>
    %add3A_584 = arith.constant 0 : i32
    %add3A_585 = vector.broadcast %add3A_584 : i32 to vector<16xi32>
    %add3A_586 = arith.addi %iota3A, %add3A_585 : vector<16xi32>
    %gt3A_587 = arith.constant 6 : i32
    %gt3A_588 = vector.broadcast %gt3A_587 : i32 to vector<16xi32>
    %gt3A_589 = arith.cmpi sgt, %add3A_586, %gt3A_588 : vector<16xi32>
    %eq3A_590 = vector.broadcast %squeeze3A_583 : i32 to vector<16xi32>
    %eq3A_591 = arith.cmpi eq, %eq3A_590, %get3A_3 : vector<16xi32>
    %and3A_592 = arith.andi %eq3A_591, %gt3A_589 : vector<16xi1>
    %convert_element_type3A_593 = arith.extui %and3A_592 : vector<16xi1> to vector<16xi32>
    %add3A_594 = arith.addi %add3A_570, %convert_element_type3A_593 : vector<16xi32>
    %add3A_595 = arith.constant 16 : i32
    %add3A_596 = vector.broadcast %add3A_595 : i32 to vector<16xi32>
    %add3A_597 = arith.addi %iota3A, %add3A_596 : vector<16xi32>
    %gt3A_598 = arith.constant 6 : i32
    %gt3A_599 = vector.broadcast %gt3A_598 : i32 to vector<16xi32>
    %gt3A_600 = arith.cmpi sgt, %add3A_597, %gt3A_599 : vector<16xi32>
    %eq3A_601 = vector.broadcast %squeeze3A_583 : i32 to vector<16xi32>
    %eq3A_602 = arith.cmpi eq, %eq3A_601, %select_n3A : vector<16xi32>
    %and3A_603 = arith.andi %eq3A_602, %gt3A_600 : vector<16xi1>
    %convert_element_type3A_604 = arith.extui %and3A_603 : vector<16xi1> to vector<16xi32>
    %add3A_605 = arith.addi %add3A_581, %convert_element_type3A_604 : vector<16xi32>
    %slice3A_606 = vector.extract_strided_slice %get3A_3 {offsets = [7], sizes = [1], strides = [1]} : vector<16xi32> to vector<1xi32>
    %squeeze3A_607 = vector.extract %slice3A_606[0] : i32 from vector<1xi32>
    %add3A_608 = arith.constant 0 : i32
    %add3A_609 = vector.broadcast %add3A_608 : i32 to vector<16xi32>
    %add3A_610 = arith.addi %iota3A, %add3A_609 : vector<16xi32>
    %gt3A_611 = arith.constant 7 : i32
    %gt3A_612 = vector.broadcast %gt3A_611 : i32 to vector<16xi32>
    %gt3A_613 = arith.cmpi sgt, %add3A_610, %gt3A_612 : vector<16xi32>
    %eq3A_614 = vector.broadcast %squeeze3A_607 : i32 to vector<16xi32>
    %eq3A_615 = arith.cmpi eq, %eq3A_614, %get3A_3 : vector<16xi32>
    %and3A_616 = arith.andi %eq3A_615, %gt3A_613 : vector<16xi1>
    %convert_element_type3A_617 = arith.extui %and3A_616 : vector<16xi1> to vector<16xi32>
    %add3A_618 = arith.addi %add3A_594, %convert_element_type3A_617 : vector<16xi32>
    %add3A_619 = arith.constant 16 : i32
    %add3A_620 = vector.broadcast %add3A_619 : i32 to vector<16xi32>
    %add3A_621 = arith.addi %iota3A, %add3A_620 : vector<16xi32>
    %gt3A_622 = arith.constant 7 : i32
    %gt3A_623 = vector.broadcast %gt3A_622 : i32 to vector<16xi32>
    %gt3A_624 = arith.cmpi sgt, %add3A_621, %gt3A_623 : vector<16xi32>
    %eq3A_625 = vector.broadcast %squeeze3A_607 : i32 to vector<16xi32>
    %eq3A_626 = arith.cmpi eq, %eq3A_625, %select_n3A : vector<16xi32>
    %and3A_627 = arith.andi %eq3A_626, %gt3A_624 : vector<16xi1>
    %convert_element_type3A_628 = arith.extui %and3A_627 : vector<16xi1> to vector<16xi32>
    %add3A_629 = arith.addi %add3A_605, %convert_element_type3A_628 : vector<16xi32>
    %slice3A_630 = vector.extract_strided_slice %get3A_3 {offsets = [8], sizes = [1], strides = [1]} : vector<16xi32> to vector<1xi32>
    %squeeze3A_631 = vector.extract %slice3A_630[0] : i32 from vector<1xi32>
    %add3A_632 = arith.constant 0 : i32
    %add3A_633 = vector.broadcast %add3A_632 : i32 to vector<16xi32>
    %add3A_634 = arith.addi %iota3A, %add3A_633 : vector<16xi32>
    %gt3A_635 = arith.constant 8 : i32
    %gt3A_636 = vector.broadcast %gt3A_635 : i32 to vector<16xi32>
    %gt3A_637 = arith.cmpi sgt, %add3A_634, %gt3A_636 : vector<16xi32>
    %eq3A_638 = vector.broadcast %squeeze3A_631 : i32 to vector<16xi32>
    %eq3A_639 = arith.cmpi eq, %eq3A_638, %get3A_3 : vector<16xi32>
    %and3A_640 = arith.andi %eq3A_639, %gt3A_637 : vector<16xi1>
    %convert_element_type3A_641 = arith.extui %and3A_640 : vector<16xi1> to vector<16xi32>
    %add3A_642 = arith.addi %add3A_618, %convert_element_type3A_641 : vector<16xi32>
    %add3A_643 = arith.constant 16 : i32
    %add3A_644 = vector.broadcast %add3A_643 : i32 to vector<16xi32>
    %add3A_645 = arith.addi %iota3A, %add3A_644 : vector<16xi32>
    %gt3A_646 = arith.constant 8 : i32
    %gt3A_647 = vector.broadcast %gt3A_646 : i32 to vector<16xi32>
    %gt3A_648 = arith.cmpi sgt, %add3A_645, %gt3A_647 : vector<16xi32>
    %eq3A_649 = vector.broadcast %squeeze3A_631 : i32 to vector<16xi32>
    %eq3A_650 = arith.cmpi eq, %eq3A_649, %select_n3A : vector<16xi32>
    %and3A_651 = arith.andi %eq3A_650, %gt3A_648 : vector<16xi1>
    %convert_element_type3A_652 = arith.extui %and3A_651 : vector<16xi1> to vector<16xi32>
    %add3A_653 = arith.addi %add3A_629, %convert_element_type3A_652 : vector<16xi32>
    %slice3A_654 = vector.extract_strided_slice %get3A_3 {offsets = [9], sizes = [1], strides = [1]} : vector<16xi32> to vector<1xi32>
    %squeeze3A_655 = vector.extract %slice3A_654[0] : i32 from vector<1xi32>
    %add3A_656 = arith.constant 0 : i32
    %add3A_657 = vector.broadcast %add3A_656 : i32 to vector<16xi32>
    %add3A_658 = arith.addi %iota3A, %add3A_657 : vector<16xi32>
    %gt3A_659 = arith.constant 9 : i32
    %gt3A_660 = vector.broadcast %gt3A_659 : i32 to vector<16xi32>
    %gt3A_661 = arith.cmpi sgt, %add3A_658, %gt3A_660 : vector<16xi32>
    %eq3A_662 = vector.broadcast %squeeze3A_655 : i32 to vector<16xi32>
    %eq3A_663 = arith.cmpi eq, %eq3A_662, %get3A_3 : vector<16xi32>
    %and3A_664 = arith.andi %eq3A_663, %gt3A_661 : vector<16xi1>
    %convert_element_type3A_665 = arith.extui %and3A_664 : vector<16xi1> to vector<16xi32>
    %add3A_666 = arith.addi %add3A_642, %convert_element_type3A_665 : vector<16xi32>
    %add3A_667 = arith.constant 16 : i32
    %add3A_668 = vector.broadcast %add3A_667 : i32 to vector<16xi32>
    %add3A_669 = arith.addi %iota3A, %add3A_668 : vector<16xi32>
    %gt3A_670 = arith.constant 9 : i32
    %gt3A_671 = vector.broadcast %gt3A_670 : i32 to vector<16xi32>
    %gt3A_672 = arith.cmpi sgt, %add3A_669, %gt3A_671 : vector<16xi32>
    %eq3A_673 = vector.broadcast %squeeze3A_655 : i32 to vector<16xi32>
    %eq3A_674 = arith.cmpi eq, %eq3A_673, %select_n3A : vector<16xi32>
    %and3A_675 = arith.andi %eq3A_674, %gt3A_672 : vector<16xi1>
    %convert_element_type3A_676 = arith.extui %and3A_675 : vector<16xi1> to vector<16xi32>
    %add3A_677 = arith.addi %add3A_653, %convert_element_type3A_676 : vector<16xi32>
    %slice3A_678 = vector.extract_strided_slice %get3A_3 {offsets = [10], sizes = [1], strides = [1]} : vector<16xi32> to vector<1xi32>
    %squeeze3A_679 = vector.extract %slice3A_678[0] : i32 from vector<1xi32>
    %add3A_680 = arith.constant 0 : i32
    %add3A_681 = vector.broadcast %add3A_680 : i32 to vector<16xi32>
    %add3A_682 = arith.addi %iota3A, %add3A_681 : vector<16xi32>
    %gt3A_683 = arith.constant 10 : i32
    %gt3A_684 = vector.broadcast %gt3A_683 : i32 to vector<16xi32>
    %gt3A_685 = arith.cmpi sgt, %add3A_682, %gt3A_684 : vector<16xi32>
    %eq3A_686 = vector.broadcast %squeeze3A_679 : i32 to vector<16xi32>
    %eq3A_687 = arith.cmpi eq, %eq3A_686, %get3A_3 : vector<16xi32>
    %and3A_688 = arith.andi %eq3A_687, %gt3A_685 : vector<16xi1>
    %convert_element_type3A_689 = arith.extui %and3A_688 : vector<16xi1> to vector<16xi32>
    %add3A_690 = arith.addi %add3A_666, %convert_element_type3A_689 : vector<16xi32>
    %add3A_691 = arith.constant 16 : i32
    %add3A_692 = vector.broadcast %add3A_691 : i32 to vector<16xi32>
    %add3A_693 = arith.addi %iota3A, %add3A_692 : vector<16xi32>
    %gt3A_694 = arith.constant 10 : i32
    %gt3A_695 = vector.broadcast %gt3A_694 : i32 to vector<16xi32>
    %gt3A_696 = arith.cmpi sgt, %add3A_693, %gt3A_695 : vector<16xi32>
    %eq3A_697 = vector.broadcast %squeeze3A_679 : i32 to vector<16xi32>
    %eq3A_698 = arith.cmpi eq, %eq3A_697, %select_n3A : vector<16xi32>
    %and3A_699 = arith.andi %eq3A_698, %gt3A_696 : vector<16xi1>
    %convert_element_type3A_700 = arith.extui %and3A_699 : vector<16xi1> to vector<16xi32>
    %add3A_701 = arith.addi %add3A_677, %convert_element_type3A_700 : vector<16xi32>
    %slice3A_702 = vector.extract_strided_slice %get3A_3 {offsets = [11], sizes = [1], strides = [1]} : vector<16xi32> to vector<1xi32>
    %squeeze3A_703 = vector.extract %slice3A_702[0] : i32 from vector<1xi32>
    %add3A_704 = arith.constant 0 : i32
    %add3A_705 = vector.broadcast %add3A_704 : i32 to vector<16xi32>
    %add3A_706 = arith.addi %iota3A, %add3A_705 : vector<16xi32>
    %gt3A_707 = arith.constant 11 : i32
    %gt3A_708 = vector.broadcast %gt3A_707 : i32 to vector<16xi32>
    %gt3A_709 = arith.cmpi sgt, %add3A_706, %gt3A_708 : vector<16xi32>
    %eq3A_710 = vector.broadcast %squeeze3A_703 : i32 to vector<16xi32>
    %eq3A_711 = arith.cmpi eq, %eq3A_710, %get3A_3 : vector<16xi32>
    %and3A_712 = arith.andi %eq3A_711, %gt3A_709 : vector<16xi1>
    %convert_element_type3A_713 = arith.extui %and3A_712 : vector<16xi1> to vector<16xi32>
    %add3A_714 = arith.addi %add3A_690, %convert_element_type3A_713 : vector<16xi32>
    %add3A_715 = arith.constant 16 : i32
    %add3A_716 = vector.broadcast %add3A_715 : i32 to vector<16xi32>
    %add3A_717 = arith.addi %iota3A, %add3A_716 : vector<16xi32>
    %gt3A_718 = arith.constant 11 : i32
    %gt3A_719 = vector.broadcast %gt3A_718 : i32 to vector<16xi32>
    %gt3A_720 = arith.cmpi sgt, %add3A_717, %gt3A_719 : vector<16xi32>
    %eq3A_721 = vector.broadcast %squeeze3A_703 : i32 to vector<16xi32>
    %eq3A_722 = arith.cmpi eq, %eq3A_721, %select_n3A : vector<16xi32>
    %and3A_723 = arith.andi %eq3A_722, %gt3A_720 : vector<16xi1>
    %convert_element_type3A_724 = arith.extui %and3A_723 : vector<16xi1> to vector<16xi32>
    %add3A_725 = arith.addi %add3A_701, %convert_element_type3A_724 : vector<16xi32>
    %slice3A_726 = vector.extract_strided_slice %get3A_3 {offsets = [12], sizes = [1], strides = [1]} : vector<16xi32> to vector<1xi32>
    %squeeze3A_727 = vector.extract %slice3A_726[0] : i32 from vector<1xi32>
    %add3A_728 = arith.constant 0 : i32
    %add3A_729 = vector.broadcast %add3A_728 : i32 to vector<16xi32>
    %add3A_730 = arith.addi %iota3A, %add3A_729 : vector<16xi32>
    %gt3A_731 = arith.constant 12 : i32
    %gt3A_732 = vector.broadcast %gt3A_731 : i32 to vector<16xi32>
    %gt3A_733 = arith.cmpi sgt, %add3A_730, %gt3A_732 : vector<16xi32>
    %eq3A_734 = vector.broadcast %squeeze3A_727 : i32 to vector<16xi32>
    %eq3A_735 = arith.cmpi eq, %eq3A_734, %get3A_3 : vector<16xi32>
    %and3A_736 = arith.andi %eq3A_735, %gt3A_733 : vector<16xi1>
    %convert_element_type3A_737 = arith.extui %and3A_736 : vector<16xi1> to vector<16xi32>
    %add3A_738 = arith.addi %add3A_714, %convert_element_type3A_737 : vector<16xi32>
    %add3A_739 = arith.constant 16 : i32
    %add3A_740 = vector.broadcast %add3A_739 : i32 to vector<16xi32>
    %add3A_741 = arith.addi %iota3A, %add3A_740 : vector<16xi32>
    %gt3A_742 = arith.constant 12 : i32
    %gt3A_743 = vector.broadcast %gt3A_742 : i32 to vector<16xi32>
    %gt3A_744 = arith.cmpi sgt, %add3A_741, %gt3A_743 : vector<16xi32>
    %eq3A_745 = vector.broadcast %squeeze3A_727 : i32 to vector<16xi32>
    %eq3A_746 = arith.cmpi eq, %eq3A_745, %select_n3A : vector<16xi32>
    %and3A_747 = arith.andi %eq3A_746, %gt3A_744 : vector<16xi1>
    %convert_element_type3A_748 = arith.extui %and3A_747 : vector<16xi1> to vector<16xi32>
    %add3A_749 = arith.addi %add3A_725, %convert_element_type3A_748 : vector<16xi32>
    %slice3A_750 = vector.extract_strided_slice %get3A_3 {offsets = [13], sizes = [1], strides = [1]} : vector<16xi32> to vector<1xi32>
    %squeeze3A_751 = vector.extract %slice3A_750[0] : i32 from vector<1xi32>
    %add3A_752 = arith.constant 0 : i32
    %add3A_753 = vector.broadcast %add3A_752 : i32 to vector<16xi32>
    %add3A_754 = arith.addi %iota3A, %add3A_753 : vector<16xi32>
    %gt3A_755 = arith.constant 13 : i32
    %gt3A_756 = vector.broadcast %gt3A_755 : i32 to vector<16xi32>
    %gt3A_757 = arith.cmpi sgt, %add3A_754, %gt3A_756 : vector<16xi32>
    %eq3A_758 = vector.broadcast %squeeze3A_751 : i32 to vector<16xi32>
    %eq3A_759 = arith.cmpi eq, %eq3A_758, %get3A_3 : vector<16xi32>
    %and3A_760 = arith.andi %eq3A_759, %gt3A_757 : vector<16xi1>
    %convert_element_type3A_761 = arith.extui %and3A_760 : vector<16xi1> to vector<16xi32>
    %add3A_762 = arith.addi %add3A_738, %convert_element_type3A_761 : vector<16xi32>
    %add3A_763 = arith.constant 16 : i32
    %add3A_764 = vector.broadcast %add3A_763 : i32 to vector<16xi32>
    %add3A_765 = arith.addi %iota3A, %add3A_764 : vector<16xi32>
    %gt3A_766 = arith.constant 13 : i32
    %gt3A_767 = vector.broadcast %gt3A_766 : i32 to vector<16xi32>
    %gt3A_768 = arith.cmpi sgt, %add3A_765, %gt3A_767 : vector<16xi32>
    %eq3A_769 = vector.broadcast %squeeze3A_751 : i32 to vector<16xi32>
    %eq3A_770 = arith.cmpi eq, %eq3A_769, %select_n3A : vector<16xi32>
    %and3A_771 = arith.andi %eq3A_770, %gt3A_768 : vector<16xi1>
    %convert_element_type3A_772 = arith.extui %and3A_771 : vector<16xi1> to vector<16xi32>
    %add3A_773 = arith.addi %add3A_749, %convert_element_type3A_772 : vector<16xi32>
    %slice3A_774 = vector.extract_strided_slice %get3A_3 {offsets = [14], sizes = [1], strides = [1]} : vector<16xi32> to vector<1xi32>
    %squeeze3A_775 = vector.extract %slice3A_774[0] : i32 from vector<1xi32>
    %add3A_776 = arith.constant 0 : i32
    %add3A_777 = vector.broadcast %add3A_776 : i32 to vector<16xi32>
    %add3A_778 = arith.addi %iota3A, %add3A_777 : vector<16xi32>
    %gt3A_779 = arith.constant 14 : i32
    %gt3A_780 = vector.broadcast %gt3A_779 : i32 to vector<16xi32>
    %gt3A_781 = arith.cmpi sgt, %add3A_778, %gt3A_780 : vector<16xi32>
    %eq3A_782 = vector.broadcast %squeeze3A_775 : i32 to vector<16xi32>
    %eq3A_783 = arith.cmpi eq, %eq3A_782, %get3A_3 : vector<16xi32>
    %and3A_784 = arith.andi %eq3A_783, %gt3A_781 : vector<16xi1>
    %convert_element_type3A_785 = arith.extui %and3A_784 : vector<16xi1> to vector<16xi32>
    %add3A_786 = arith.addi %add3A_762, %convert_element_type3A_785 : vector<16xi32>
    %add3A_787 = arith.constant 16 : i32
    %add3A_788 = vector.broadcast %add3A_787 : i32 to vector<16xi32>
    %add3A_789 = arith.addi %iota3A, %add3A_788 : vector<16xi32>
    %gt3A_790 = arith.constant 14 : i32
    %gt3A_791 = vector.broadcast %gt3A_790 : i32 to vector<16xi32>
    %gt3A_792 = arith.cmpi sgt, %add3A_789, %gt3A_791 : vector<16xi32>
    %eq3A_793 = vector.broadcast %squeeze3A_775 : i32 to vector<16xi32>
    %eq3A_794 = arith.cmpi eq, %eq3A_793, %select_n3A : vector<16xi32>
    %and3A_795 = arith.andi %eq3A_794, %gt3A_792 : vector<16xi1>
    %convert_element_type3A_796 = arith.extui %and3A_795 : vector<16xi1> to vector<16xi32>
    %add3A_797 = arith.addi %add3A_773, %convert_element_type3A_796 : vector<16xi32>
    %slice3A_798 = vector.extract_strided_slice %get3A_3 {offsets = [15], sizes = [1], strides = [1]} : vector<16xi32> to vector<1xi32>
    %squeeze3A_799 = vector.extract %slice3A_798[0] : i32 from vector<1xi32>
    %add3A_800 = arith.constant 0 : i32
    %add3A_801 = vector.broadcast %add3A_800 : i32 to vector<16xi32>
    %add3A_802 = arith.addi %iota3A, %add3A_801 : vector<16xi32>
    %gt3A_803 = arith.constant 15 : i32
    %gt3A_804 = vector.broadcast %gt3A_803 : i32 to vector<16xi32>
    %gt3A_805 = arith.cmpi sgt, %add3A_802, %gt3A_804 : vector<16xi32>
    %eq3A_806 = vector.broadcast %squeeze3A_799 : i32 to vector<16xi32>
    %eq3A_807 = arith.cmpi eq, %eq3A_806, %get3A_3 : vector<16xi32>
    %and3A_808 = arith.andi %eq3A_807, %gt3A_805 : vector<16xi1>
    %convert_element_type3A_809 = arith.extui %and3A_808 : vector<16xi1> to vector<16xi32>
    %add3A_810 = arith.addi %add3A_786, %convert_element_type3A_809 : vector<16xi32>
    %add3A_811 = arith.constant 16 : i32
    %add3A_812 = vector.broadcast %add3A_811 : i32 to vector<16xi32>
    %add3A_813 = arith.addi %iota3A, %add3A_812 : vector<16xi32>
    %gt3A_814 = arith.constant 15 : i32
    %gt3A_815 = vector.broadcast %gt3A_814 : i32 to vector<16xi32>
    %gt3A_816 = arith.cmpi sgt, %add3A_813, %gt3A_815 : vector<16xi32>
    %eq3A_817 = vector.broadcast %squeeze3A_799 : i32 to vector<16xi32>
    %eq3A_818 = arith.cmpi eq, %eq3A_817, %select_n3A : vector<16xi32>
    %and3A_819 = arith.andi %eq3A_818, %gt3A_816 : vector<16xi1>
    %convert_element_type3A_820 = arith.extui %and3A_819 : vector<16xi1> to vector<16xi32>
    %add3A_821 = arith.addi %add3A_797, %convert_element_type3A_820 : vector<16xi32>
    %slice3A_822 = vector.extract_strided_slice %select_n3A {offsets = [0], sizes = [1], strides = [1]} : vector<16xi32> to vector<1xi32>
    %squeeze3A_823 = vector.extract %slice3A_822[0] : i32 from vector<1xi32>
    %add3A_824 = arith.constant 0 : i32
    %add3A_825 = vector.broadcast %add3A_824 : i32 to vector<16xi32>
    %add3A_826 = arith.addi %iota3A, %add3A_825 : vector<16xi32>
    %gt3A_827 = arith.constant 16 : i32
    %gt3A_828 = vector.broadcast %gt3A_827 : i32 to vector<16xi32>
    %gt3A_829 = arith.cmpi sgt, %add3A_826, %gt3A_828 : vector<16xi32>
    %eq3A_830 = vector.broadcast %squeeze3A_823 : i32 to vector<16xi32>
    %eq3A_831 = arith.cmpi eq, %eq3A_830, %get3A_3 : vector<16xi32>
    %and3A_832 = arith.andi %eq3A_831, %gt3A_829 : vector<16xi1>
    %convert_element_type3A_833 = arith.extui %and3A_832 : vector<16xi1> to vector<16xi32>
    %add3A_834 = arith.addi %add3A_810, %convert_element_type3A_833 : vector<16xi32>
    %add3A_835 = arith.constant 16 : i32
    %add3A_836 = vector.broadcast %add3A_835 : i32 to vector<16xi32>
    %add3A_837 = arith.addi %iota3A, %add3A_836 : vector<16xi32>
    %gt3A_838 = arith.constant 16 : i32
    %gt3A_839 = vector.broadcast %gt3A_838 : i32 to vector<16xi32>
    %gt3A_840 = arith.cmpi sgt, %add3A_837, %gt3A_839 : vector<16xi32>
    %eq3A_841 = vector.broadcast %squeeze3A_823 : i32 to vector<16xi32>
    %eq3A_842 = arith.cmpi eq, %eq3A_841, %select_n3A : vector<16xi32>
    %and3A_843 = arith.andi %eq3A_842, %gt3A_840 : vector<16xi1>
    %convert_element_type3A_844 = arith.extui %and3A_843 : vector<16xi1> to vector<16xi32>
    %add3A_845 = arith.addi %add3A_821, %convert_element_type3A_844 : vector<16xi32>
    %slice3A_846 = vector.extract_strided_slice %select_n3A {offsets = [1], sizes = [1], strides = [1]} : vector<16xi32> to vector<1xi32>
    %squeeze3A_847 = vector.extract %slice3A_846[0] : i32 from vector<1xi32>
    %add3A_848 = arith.constant 0 : i32
    %add3A_849 = vector.broadcast %add3A_848 : i32 to vector<16xi32>
    %add3A_850 = arith.addi %iota3A, %add3A_849 : vector<16xi32>
    %gt3A_851 = arith.constant 17 : i32
    %gt3A_852 = vector.broadcast %gt3A_851 : i32 to vector<16xi32>
    %gt3A_853 = arith.cmpi sgt, %add3A_850, %gt3A_852 : vector<16xi32>
    %eq3A_854 = vector.broadcast %squeeze3A_847 : i32 to vector<16xi32>
    %eq3A_855 = arith.cmpi eq, %eq3A_854, %get3A_3 : vector<16xi32>
    %and3A_856 = arith.andi %eq3A_855, %gt3A_853 : vector<16xi1>
    %convert_element_type3A_857 = arith.extui %and3A_856 : vector<16xi1> to vector<16xi32>
    %add3A_858 = arith.addi %add3A_834, %convert_element_type3A_857 : vector<16xi32>
    %add3A_859 = arith.constant 16 : i32
    %add3A_860 = vector.broadcast %add3A_859 : i32 to vector<16xi32>
    %add3A_861 = arith.addi %iota3A, %add3A_860 : vector<16xi32>
    %gt3A_862 = arith.constant 17 : i32
    %gt3A_863 = vector.broadcast %gt3A_862 : i32 to vector<16xi32>
    %gt3A_864 = arith.cmpi sgt, %add3A_861, %gt3A_863 : vector<16xi32>
    %eq3A_865 = vector.broadcast %squeeze3A_847 : i32 to vector<16xi32>
    %eq3A_866 = arith.cmpi eq, %eq3A_865, %select_n3A : vector<16xi32>
    %and3A_867 = arith.andi %eq3A_866, %gt3A_864 : vector<16xi1>
    %convert_element_type3A_868 = arith.extui %and3A_867 : vector<16xi1> to vector<16xi32>
    %add3A_869 = arith.addi %add3A_845, %convert_element_type3A_868 : vector<16xi32>
    %slice3A_870 = vector.extract_strided_slice %select_n3A {offsets = [2], sizes = [1], strides = [1]} : vector<16xi32> to vector<1xi32>
    %squeeze3A_871 = vector.extract %slice3A_870[0] : i32 from vector<1xi32>
    %add3A_872 = arith.constant 0 : i32
    %add3A_873 = vector.broadcast %add3A_872 : i32 to vector<16xi32>
    %add3A_874 = arith.addi %iota3A, %add3A_873 : vector<16xi32>
    %gt3A_875 = arith.constant 18 : i32
    %gt3A_876 = vector.broadcast %gt3A_875 : i32 to vector<16xi32>
    %gt3A_877 = arith.cmpi sgt, %add3A_874, %gt3A_876 : vector<16xi32>
    %eq3A_878 = vector.broadcast %squeeze3A_871 : i32 to vector<16xi32>
    %eq3A_879 = arith.cmpi eq, %eq3A_878, %get3A_3 : vector<16xi32>
    %and3A_880 = arith.andi %eq3A_879, %gt3A_877 : vector<16xi1>
    %convert_element_type3A_881 = arith.extui %and3A_880 : vector<16xi1> to vector<16xi32>
    %add3A_882 = arith.addi %add3A_858, %convert_element_type3A_881 : vector<16xi32>
    %add3A_883 = arith.constant 16 : i32
    %add3A_884 = vector.broadcast %add3A_883 : i32 to vector<16xi32>
    %add3A_885 = arith.addi %iota3A, %add3A_884 : vector<16xi32>
    %gt3A_886 = arith.constant 18 : i32
    %gt3A_887 = vector.broadcast %gt3A_886 : i32 to vector<16xi32>
    %gt3A_888 = arith.cmpi sgt, %add3A_885, %gt3A_887 : vector<16xi32>
    %eq3A_889 = vector.broadcast %squeeze3A_871 : i32 to vector<16xi32>
    %eq3A_890 = arith.cmpi eq, %eq3A_889, %select_n3A : vector<16xi32>
    %and3A_891 = arith.andi %eq3A_890, %gt3A_888 : vector<16xi1>
    %convert_element_type3A_892 = arith.extui %and3A_891 : vector<16xi1> to vector<16xi32>
    %add3A_893 = arith.addi %add3A_869, %convert_element_type3A_892 : vector<16xi32>
    %slice3A_894 = vector.extract_strided_slice %select_n3A {offsets = [3], sizes = [1], strides = [1]} : vector<16xi32> to vector<1xi32>
    %squeeze3A_895 = vector.extract %slice3A_894[0] : i32 from vector<1xi32>
    %add3A_896 = arith.constant 0 : i32
    %add3A_897 = vector.broadcast %add3A_896 : i32 to vector<16xi32>
    %add3A_898 = arith.addi %iota3A, %add3A_897 : vector<16xi32>
    %gt3A_899 = arith.constant 19 : i32
    %gt3A_900 = vector.broadcast %gt3A_899 : i32 to vector<16xi32>
    %gt3A_901 = arith.cmpi sgt, %add3A_898, %gt3A_900 : vector<16xi32>
    %eq3A_902 = vector.broadcast %squeeze3A_895 : i32 to vector<16xi32>
    %eq3A_903 = arith.cmpi eq, %eq3A_902, %get3A_3 : vector<16xi32>
    %and3A_904 = arith.andi %eq3A_903, %gt3A_901 : vector<16xi1>
    %convert_element_type3A_905 = arith.extui %and3A_904 : vector<16xi1> to vector<16xi32>
    %add3A_906 = arith.addi %add3A_882, %convert_element_type3A_905 : vector<16xi32>
    %add3A_907 = arith.constant 16 : i32
    %add3A_908 = vector.broadcast %add3A_907 : i32 to vector<16xi32>
    %add3A_909 = arith.addi %iota3A, %add3A_908 : vector<16xi32>
    %gt3A_910 = arith.constant 19 : i32
    %gt3A_911 = vector.broadcast %gt3A_910 : i32 to vector<16xi32>
    %gt3A_912 = arith.cmpi sgt, %add3A_909, %gt3A_911 : vector<16xi32>
    %eq3A_913 = vector.broadcast %squeeze3A_895 : i32 to vector<16xi32>
    %eq3A_914 = arith.cmpi eq, %eq3A_913, %select_n3A : vector<16xi32>
    %and3A_915 = arith.andi %eq3A_914, %gt3A_912 : vector<16xi1>
    %convert_element_type3A_916 = arith.extui %and3A_915 : vector<16xi1> to vector<16xi32>
    %add3A_917 = arith.addi %add3A_893, %convert_element_type3A_916 : vector<16xi32>
    %slice3A_918 = vector.extract_strided_slice %select_n3A {offsets = [4], sizes = [1], strides = [1]} : vector<16xi32> to vector<1xi32>
    %squeeze3A_919 = vector.extract %slice3A_918[0] : i32 from vector<1xi32>
    %add3A_920 = arith.constant 0 : i32
    %add3A_921 = vector.broadcast %add3A_920 : i32 to vector<16xi32>
    %add3A_922 = arith.addi %iota3A, %add3A_921 : vector<16xi32>
    %gt3A_923 = arith.constant 20 : i32
    %gt3A_924 = vector.broadcast %gt3A_923 : i32 to vector<16xi32>
    %gt3A_925 = arith.cmpi sgt, %add3A_922, %gt3A_924 : vector<16xi32>
    %eq3A_926 = vector.broadcast %squeeze3A_919 : i32 to vector<16xi32>
    %eq3A_927 = arith.cmpi eq, %eq3A_926, %get3A_3 : vector<16xi32>
    %and3A_928 = arith.andi %eq3A_927, %gt3A_925 : vector<16xi1>
    %convert_element_type3A_929 = arith.extui %and3A_928 : vector<16xi1> to vector<16xi32>
    %add3A_930 = arith.addi %add3A_906, %convert_element_type3A_929 : vector<16xi32>
    %add3A_931 = arith.constant 16 : i32
    %add3A_932 = vector.broadcast %add3A_931 : i32 to vector<16xi32>
    %add3A_933 = arith.addi %iota3A, %add3A_932 : vector<16xi32>
    %gt3A_934 = arith.constant 20 : i32
    %gt3A_935 = vector.broadcast %gt3A_934 : i32 to vector<16xi32>
    %gt3A_936 = arith.cmpi sgt, %add3A_933, %gt3A_935 : vector<16xi32>
    %eq3A_937 = vector.broadcast %squeeze3A_919 : i32 to vector<16xi32>
    %eq3A_938 = arith.cmpi eq, %eq3A_937, %select_n3A : vector<16xi32>
    %and3A_939 = arith.andi %eq3A_938, %gt3A_936 : vector<16xi1>
    %convert_element_type3A_940 = arith.extui %and3A_939 : vector<16xi1> to vector<16xi32>
    %add3A_941 = arith.addi %add3A_917, %convert_element_type3A_940 : vector<16xi32>
    %slice3A_942 = vector.extract_strided_slice %select_n3A {offsets = [5], sizes = [1], strides = [1]} : vector<16xi32> to vector<1xi32>
    %squeeze3A_943 = vector.extract %slice3A_942[0] : i32 from vector<1xi32>
    %add3A_944 = arith.constant 0 : i32
    %add3A_945 = vector.broadcast %add3A_944 : i32 to vector<16xi32>
    %add3A_946 = arith.addi %iota3A, %add3A_945 : vector<16xi32>
    %gt3A_947 = arith.constant 21 : i32
    %gt3A_948 = vector.broadcast %gt3A_947 : i32 to vector<16xi32>
    %gt3A_949 = arith.cmpi sgt, %add3A_946, %gt3A_948 : vector<16xi32>
    %eq3A_950 = vector.broadcast %squeeze3A_943 : i32 to vector<16xi32>
    %eq3A_951 = arith.cmpi eq, %eq3A_950, %get3A_3 : vector<16xi32>
    %and3A_952 = arith.andi %eq3A_951, %gt3A_949 : vector<16xi1>
    %convert_element_type3A_953 = arith.extui %and3A_952 : vector<16xi1> to vector<16xi32>
    %add3A_954 = arith.addi %add3A_930, %convert_element_type3A_953 : vector<16xi32>
    %add3A_955 = arith.constant 16 : i32
    %add3A_956 = vector.broadcast %add3A_955 : i32 to vector<16xi32>
    %add3A_957 = arith.addi %iota3A, %add3A_956 : vector<16xi32>
    %gt3A_958 = arith.constant 21 : i32
    %gt3A_959 = vector.broadcast %gt3A_958 : i32 to vector<16xi32>
    %gt3A_960 = arith.cmpi sgt, %add3A_957, %gt3A_959 : vector<16xi32>
    %eq3A_961 = vector.broadcast %squeeze3A_943 : i32 to vector<16xi32>
    %eq3A_962 = arith.cmpi eq, %eq3A_961, %select_n3A : vector<16xi32>
    %and3A_963 = arith.andi %eq3A_962, %gt3A_960 : vector<16xi1>
    %convert_element_type3A_964 = arith.extui %and3A_963 : vector<16xi1> to vector<16xi32>
    %add3A_965 = arith.addi %add3A_941, %convert_element_type3A_964 : vector<16xi32>
    %slice3A_966 = vector.extract_strided_slice %select_n3A {offsets = [6], sizes = [1], strides = [1]} : vector<16xi32> to vector<1xi32>
    %squeeze3A_967 = vector.extract %slice3A_966[0] : i32 from vector<1xi32>
    %add3A_968 = arith.constant 0 : i32
    %add3A_969 = vector.broadcast %add3A_968 : i32 to vector<16xi32>
    %add3A_970 = arith.addi %iota3A, %add3A_969 : vector<16xi32>
    %gt3A_971 = arith.constant 22 : i32
    %gt3A_972 = vector.broadcast %gt3A_971 : i32 to vector<16xi32>
    %gt3A_973 = arith.cmpi sgt, %add3A_970, %gt3A_972 : vector<16xi32>
    %eq3A_974 = vector.broadcast %squeeze3A_967 : i32 to vector<16xi32>
    %eq3A_975 = arith.cmpi eq, %eq3A_974, %get3A_3 : vector<16xi32>
    %and3A_976 = arith.andi %eq3A_975, %gt3A_973 : vector<16xi1>
    %convert_element_type3A_977 = arith.extui %and3A_976 : vector<16xi1> to vector<16xi32>
    %add3A_978 = arith.addi %add3A_954, %convert_element_type3A_977 : vector<16xi32>
    %add3A_979 = arith.constant 16 : i32
    %add3A_980 = vector.broadcast %add3A_979 : i32 to vector<16xi32>
    %add3A_981 = arith.addi %iota3A, %add3A_980 : vector<16xi32>
    %gt3A_982 = arith.constant 22 : i32
    %gt3A_983 = vector.broadcast %gt3A_982 : i32 to vector<16xi32>
    %gt3A_984 = arith.cmpi sgt, %add3A_981, %gt3A_983 : vector<16xi32>
    %eq3A_985 = vector.broadcast %squeeze3A_967 : i32 to vector<16xi32>
    %eq3A_986 = arith.cmpi eq, %eq3A_985, %select_n3A : vector<16xi32>
    %and3A_987 = arith.andi %eq3A_986, %gt3A_984 : vector<16xi1>
    %convert_element_type3A_988 = arith.extui %and3A_987 : vector<16xi1> to vector<16xi32>
    %add3A_989 = arith.addi %add3A_965, %convert_element_type3A_988 : vector<16xi32>
    %slice3A_990 = vector.extract_strided_slice %select_n3A {offsets = [7], sizes = [1], strides = [1]} : vector<16xi32> to vector<1xi32>
    %squeeze3A_991 = vector.extract %slice3A_990[0] : i32 from vector<1xi32>
    %add3A_992 = arith.constant 0 : i32
    %add3A_993 = vector.broadcast %add3A_992 : i32 to vector<16xi32>
    %add3A_994 = arith.addi %iota3A, %add3A_993 : vector<16xi32>
    %gt3A_995 = arith.constant 23 : i32
    %gt3A_996 = vector.broadcast %gt3A_995 : i32 to vector<16xi32>
    %gt3A_997 = arith.cmpi sgt, %add3A_994, %gt3A_996 : vector<16xi32>
    %eq3A_998 = vector.broadcast %squeeze3A_991 : i32 to vector<16xi32>
    %eq3A_999 = arith.cmpi eq, %eq3A_998, %get3A_3 : vector<16xi32>
    %and3A_1000 = arith.andi %eq3A_999, %gt3A_997 : vector<16xi1>
    %convert_element_type3A_1001 = arith.extui %and3A_1000 : vector<16xi1> to vector<16xi32>
    %add3A_1002 = arith.addi %add3A_978, %convert_element_type3A_1001 : vector<16xi32>
    %add3A_1003 = arith.constant 16 : i32
    %add3A_1004 = vector.broadcast %add3A_1003 : i32 to vector<16xi32>
    %add3A_1005 = arith.addi %iota3A, %add3A_1004 : vector<16xi32>
    %gt3A_1006 = arith.constant 23 : i32
    %gt3A_1007 = vector.broadcast %gt3A_1006 : i32 to vector<16xi32>
    %gt3A_1008 = arith.cmpi sgt, %add3A_1005, %gt3A_1007 : vector<16xi32>
    %eq3A_1009 = vector.broadcast %squeeze3A_991 : i32 to vector<16xi32>
    %eq3A_1010 = arith.cmpi eq, %eq3A_1009, %select_n3A : vector<16xi32>
    %and3A_1011 = arith.andi %eq3A_1010, %gt3A_1008 : vector<16xi1>
    %convert_element_type3A_1012 = arith.extui %and3A_1011 : vector<16xi1> to vector<16xi32>
    %add3A_1013 = arith.addi %add3A_989, %convert_element_type3A_1012 : vector<16xi32>
    %dma_wait3A = arith.constant 1 : i32
    %dma_wait3A_1014 = arith.constant 0 : i32
    %dma_wait3A_1015 = arith.constant 0 : i32
    %dma_wait3A_1016 = tpu.memref_slice %arg8[%dma_wait3A, %dma_wait3A_1014, %dma_wait3A_1015] : memref<25x8x128xf32, #tpu.memory_space<vmem>> -> memref<1x8x128xf32, #tpu.memory_space<vmem>>
    %dma_wait3A_1017 = tpu.memref_squeeze %dma_wait3A_1016 : memref<1x8x128xf32, #tpu.memory_space<vmem>> -> memref<8x128xf32, #tpu.memory_space<vmem>>
    %dma_wait3A_1018 = tpu.memref_slice %arg2[%multiple_of3A_10, %multiple_of3A_15] : memref<32x1000000xf32, #tpu.memory_space<hbm>> -> memref<8x128xf32, #tpu.memory_space<hbm>>
    %dma_wait3A_1019 = arith.constant 0 : i32
    %dma_wait3A_1020 = arith.constant 0 : i32
    %dma_wait3A_1021 = tpu.memref_slice %arg8[%dma_wait3A, %dma_wait3A_1019, %dma_wait3A_1020] : memref<25x8x128xf32, #tpu.memory_space<vmem>> -> memref<1x8x128xf32, #tpu.memory_space<vmem>>
    %dma_wait3A_1022 = tpu.memref_squeeze %dma_wait3A_1021 : memref<1x8x128xf32, #tpu.memory_space<vmem>> -> memref<8x128xf32, #tpu.memory_space<vmem>>
    %dma_wait3A_1023 = tpu.memref_slice %arg2[%multiple_of3A_10, %multiple_of3A_15] : memref<32x1000000xf32, #tpu.memory_space<hbm>> -> memref<8x128xf32, #tpu.memory_space<hbm>>
    tpu.wait_dma2 semaphore(%arg12 : memref<!tpu.dma_semaphore, #tpu.memory_space<semaphore_mem>>) src(%dma_wait3A_1023 : memref<8x128xf32, #tpu.memory_space<hbm>>) dst(%dma_wait3A_1022 : memref<8x128xf32, #tpu.memory_space<vmem>>)
    %dma_wait3A_1024 = arith.constant 2 : i32
    %dma_wait3A_1025 = arith.constant 0 : i32
    %dma_wait3A_1026 = arith.constant 0 : i32
    %dma_wait3A_1027 = tpu.memref_slice %arg8[%dma_wait3A_1024, %dma_wait3A_1025, %dma_wait3A_1026] : memref<25x8x128xf32, #tpu.memory_space<vmem>> -> memref<1x8x128xf32, #tpu.memory_space<vmem>>
    %dma_wait3A_1028 = tpu.memref_squeeze %dma_wait3A_1027 : memref<1x8x128xf32, #tpu.memory_space<vmem>> -> memref<8x128xf32, #tpu.memory_space<vmem>>
    %dma_wait3A_1029 = tpu.memref_slice %arg2[%multiple_of3A_10, %multiple_of3A_32] : memref<32x1000000xf32, #tpu.memory_space<hbm>> -> memref<8x128xf32, #tpu.memory_space<hbm>>
    %dma_wait3A_1030 = arith.constant 0 : i32
    %dma_wait3A_1031 = arith.constant 0 : i32
    %dma_wait3A_1032 = tpu.memref_slice %arg8[%dma_wait3A_1024, %dma_wait3A_1030, %dma_wait3A_1031] : memref<25x8x128xf32, #tpu.memory_space<vmem>> -> memref<1x8x128xf32, #tpu.memory_space<vmem>>
    %dma_wait3A_1033 = tpu.memref_squeeze %dma_wait3A_1032 : memref<1x8x128xf32, #tpu.memory_space<vmem>> -> memref<8x128xf32, #tpu.memory_space<vmem>>
    %dma_wait3A_1034 = tpu.memref_slice %arg2[%multiple_of3A_10, %multiple_of3A_32] : memref<32x1000000xf32, #tpu.memory_space<hbm>> -> memref<8x128xf32, #tpu.memory_space<hbm>>
    tpu.wait_dma2 semaphore(%arg12 : memref<!tpu.dma_semaphore, #tpu.memory_space<semaphore_mem>>) src(%dma_wait3A_1034 : memref<8x128xf32, #tpu.memory_space<hbm>>) dst(%dma_wait3A_1033 : memref<8x128xf32, #tpu.memory_space<vmem>>)
    %dma_wait3A_1035 = arith.constant 3 : i32
    %dma_wait3A_1036 = arith.constant 0 : i32
    %dma_wait3A_1037 = arith.constant 0 : i32
    %dma_wait3A_1038 = tpu.memref_slice %arg8[%dma_wait3A_1035, %dma_wait3A_1036, %dma_wait3A_1037] : memref<25x8x128xf32, #tpu.memory_space<vmem>> -> memref<1x8x128xf32, #tpu.memory_space<vmem>>
    %dma_wait3A_1039 = tpu.memref_squeeze %dma_wait3A_1038 : memref<1x8x128xf32, #tpu.memory_space<vmem>> -> memref<8x128xf32, #tpu.memory_space<vmem>>
    %dma_wait3A_1040 = tpu.memref_slice %arg2[%multiple_of3A_10, %multiple_of3A_50] : memref<32x1000000xf32, #tpu.memory_space<hbm>> -> memref<8x128xf32, #tpu.memory_space<hbm>>
    %dma_wait3A_1041 = arith.constant 0 : i32
    %dma_wait3A_1042 = arith.constant 0 : i32
    %dma_wait3A_1043 = tpu.memref_slice %arg8[%dma_wait3A_1035, %dma_wait3A_1041, %dma_wait3A_1042] : memref<25x8x128xf32, #tpu.memory_space<vmem>> -> memref<1x8x128xf32, #tpu.memory_space<vmem>>
    %dma_wait3A_1044 = tpu.memref_squeeze %dma_wait3A_1043 : memref<1x8x128xf32, #tpu.memory_space<vmem>> -> memref<8x128xf32, #tpu.memory_space<vmem>>
    %dma_wait3A_1045 = tpu.memref_slice %arg2[%multiple_of3A_10, %multiple_of3A_50] : memref<32x1000000xf32, #tpu.memory_space<hbm>> -> memref<8x128xf32, #tpu.memory_space<hbm>>
    tpu.wait_dma2 semaphore(%arg12 : memref<!tpu.dma_semaphore, #tpu.memory_space<semaphore_mem>>) src(%dma_wait3A_1045 : memref<8x128xf32, #tpu.memory_space<hbm>>) dst(%dma_wait3A_1044 : memref<8x128xf32, #tpu.memory_space<vmem>>)
    %dma_wait3A_1046 = arith.constant 4 : i32
    %dma_wait3A_1047 = arith.constant 0 : i32
    %dma_wait3A_1048 = arith.constant 0 : i32
    %dma_wait3A_1049 = tpu.memref_slice %arg8[%dma_wait3A_1046, %dma_wait3A_1047, %dma_wait3A_1048] : memref<25x8x128xf32, #tpu.memory_space<vmem>> -> memref<1x8x128xf32, #tpu.memory_space<vmem>>
    %dma_wait3A_1050 = tpu.memref_squeeze %dma_wait3A_1049 : memref<1x8x128xf32, #tpu.memory_space<vmem>> -> memref<8x128xf32, #tpu.memory_space<vmem>>
    %dma_wait3A_1051 = tpu.memref_slice %arg2[%multiple_of3A_10, %multiple_of3A_68] : memref<32x1000000xf32, #tpu.memory_space<hbm>> -> memref<8x128xf32, #tpu.memory_space<hbm>>
    %dma_wait3A_1052 = arith.constant 0 : i32
    %dma_wait3A_1053 = arith.constant 0 : i32
    %dma_wait3A_1054 = tpu.memref_slice %arg8[%dma_wait3A_1046, %dma_wait3A_1052, %dma_wait3A_1053] : memref<25x8x128xf32, #tpu.memory_space<vmem>> -> memref<1x8x128xf32, #tpu.memory_space<vmem>>
    %dma_wait3A_1055 = tpu.memref_squeeze %dma_wait3A_1054 : memref<1x8x128xf32, #tpu.memory_space<vmem>> -> memref<8x128xf32, #tpu.memory_space<vmem>>
    %dma_wait3A_1056 = tpu.memref_slice %arg2[%multiple_of3A_10, %multiple_of3A_68] : memref<32x1000000xf32, #tpu.memory_space<hbm>> -> memref<8x128xf32, #tpu.memory_space<hbm>>
    tpu.wait_dma2 semaphore(%arg12 : memref<!tpu.dma_semaphore, #tpu.memory_space<semaphore_mem>>) src(%dma_wait3A_1056 : memref<8x128xf32, #tpu.memory_space<hbm>>) dst(%dma_wait3A_1055 : memref<8x128xf32, #tpu.memory_space<vmem>>)
    %dma_wait3A_1057 = arith.constant 5 : i32
    %dma_wait3A_1058 = arith.constant 0 : i32
    %dma_wait3A_1059 = arith.constant 0 : i32
    %dma_wait3A_1060 = tpu.memref_slice %arg8[%dma_wait3A_1057, %dma_wait3A_1058, %dma_wait3A_1059] : memref<25x8x128xf32, #tpu.memory_space<vmem>> -> memref<1x8x128xf32, #tpu.memory_space<vmem>>
    %dma_wait3A_1061 = tpu.memref_squeeze %dma_wait3A_1060 : memref<1x8x128xf32, #tpu.memory_space<vmem>> -> memref<8x128xf32, #tpu.memory_space<vmem>>
    %dma_wait3A_1062 = tpu.memref_slice %arg2[%multiple_of3A_10, %multiple_of3A_86] : memref<32x1000000xf32, #tpu.memory_space<hbm>> -> memref<8x128xf32, #tpu.memory_space<hbm>>
    %dma_wait3A_1063 = arith.constant 0 : i32
    %dma_wait3A_1064 = arith.constant 0 : i32
    %dma_wait3A_1065 = tpu.memref_slice %arg8[%dma_wait3A_1057, %dma_wait3A_1063, %dma_wait3A_1064] : memref<25x8x128xf32, #tpu.memory_space<vmem>> -> memref<1x8x128xf32, #tpu.memory_space<vmem>>
    %dma_wait3A_1066 = tpu.memref_squeeze %dma_wait3A_1065 : memref<1x8x128xf32, #tpu.memory_space<vmem>> -> memref<8x128xf32, #tpu.memory_space<vmem>>
    %dma_wait3A_1067 = tpu.memref_slice %arg2[%multiple_of3A_10, %multiple_of3A_86] : memref<32x1000000xf32, #tpu.memory_space<hbm>> -> memref<8x128xf32, #tpu.memory_space<hbm>>
    tpu.wait_dma2 semaphore(%arg12 : memref<!tpu.dma_semaphore, #tpu.memory_space<semaphore_mem>>) src(%dma_wait3A_1067 : memref<8x128xf32, #tpu.memory_space<hbm>>) dst(%dma_wait3A_1066 : memref<8x128xf32, #tpu.memory_space<vmem>>)
    %dma_wait3A_1068 = arith.constant 6 : i32
    %dma_wait3A_1069 = arith.constant 0 : i32
    %dma_wait3A_1070 = arith.constant 0 : i32
    %dma_wait3A_1071 = tpu.memref_slice %arg8[%dma_wait3A_1068, %dma_wait3A_1069, %dma_wait3A_1070] : memref<25x8x128xf32, #tpu.memory_space<vmem>> -> memref<1x8x128xf32, #tpu.memory_space<vmem>>
    %dma_wait3A_1072 = tpu.memref_squeeze %dma_wait3A_1071 : memref<1x8x128xf32, #tpu.memory_space<vmem>> -> memref<8x128xf32, #tpu.memory_space<vmem>>
    %dma_wait3A_1073 = tpu.memref_slice %arg2[%multiple_of3A_10, %multiple_of3A_104] : memref<32x1000000xf32, #tpu.memory_space<hbm>> -> memref<8x128xf32, #tpu.memory_space<hbm>>
    %dma_wait3A_1074 = arith.constant 0 : i32
    %dma_wait3A_1075 = arith.constant 0 : i32
    %dma_wait3A_1076 = tpu.memref_slice %arg8[%dma_wait3A_1068, %dma_wait3A_1074, %dma_wait3A_1075] : memref<25x8x128xf32, #tpu.memory_space<vmem>> -> memref<1x8x128xf32, #tpu.memory_space<vmem>>
    %dma_wait3A_1077 = tpu.memref_squeeze %dma_wait3A_1076 : memref<1x8x128xf32, #tpu.memory_space<vmem>> -> memref<8x128xf32, #tpu.memory_space<vmem>>
    %dma_wait3A_1078 = tpu.memref_slice %arg2[%multiple_of3A_10, %multiple_of3A_104] : memref<32x1000000xf32, #tpu.memory_space<hbm>> -> memref<8x128xf32, #tpu.memory_space<hbm>>
    tpu.wait_dma2 semaphore(%arg12 : memref<!tpu.dma_semaphore, #tpu.memory_space<semaphore_mem>>) src(%dma_wait3A_1078 : memref<8x128xf32, #tpu.memory_space<hbm>>) dst(%dma_wait3A_1077 : memref<8x128xf32, #tpu.memory_space<vmem>>)
    %dma_wait3A_1079 = arith.constant 7 : i32
    %dma_wait3A_1080 = arith.constant 0 : i32
    %dma_wait3A_1081 = arith.constant 0 : i32
    %dma_wait3A_1082 = tpu.memref_slice %arg8[%dma_wait3A_1079, %dma_wait3A_1080, %dma_wait3A_1081] : memref<25x8x128xf32, #tpu.memory_space<vmem>> -> memref<1x8x128xf32, #tpu.memory_space<vmem>>
    %dma_wait3A_1083 = tpu.memref_squeeze %dma_wait3A_1082 : memref<1x8x128xf32, #tpu.memory_space<vmem>> -> memref<8x128xf32, #tpu.memory_space<vmem>>
    %dma_wait3A_1084 = tpu.memref_slice %arg2[%multiple_of3A_10, %multiple_of3A_122] : memref<32x1000000xf32, #tpu.memory_space<hbm>> -> memref<8x128xf32, #tpu.memory_space<hbm>>
    %dma_wait3A_1085 = arith.constant 0 : i32
    %dma_wait3A_1086 = arith.constant 0 : i32
    %dma_wait3A_1087 = tpu.memref_slice %arg8[%dma_wait3A_1079, %dma_wait3A_1085, %dma_wait3A_1086] : memref<25x8x128xf32, #tpu.memory_space<vmem>> -> memref<1x8x128xf32, #tpu.memory_space<vmem>>
    %dma_wait3A_1088 = tpu.memref_squeeze %dma_wait3A_1087 : memref<1x8x128xf32, #tpu.memory_space<vmem>> -> memref<8x128xf32, #tpu.memory_space<vmem>>
    %dma_wait3A_1089 = tpu.memref_slice %arg2[%multiple_of3A_10, %multiple_of3A_122] : memref<32x1000000xf32, #tpu.memory_space<hbm>> -> memref<8x128xf32, #tpu.memory_space<hbm>>
    tpu.wait_dma2 semaphore(%arg12 : memref<!tpu.dma_semaphore, #tpu.memory_space<semaphore_mem>>) src(%dma_wait3A_1089 : memref<8x128xf32, #tpu.memory_space<hbm>>) dst(%dma_wait3A_1088 : memref<8x128xf32, #tpu.memory_space<vmem>>)
    %dma_wait3A_1090 = arith.constant 8 : i32
    %dma_wait3A_1091 = arith.constant 0 : i32
    %dma_wait3A_1092 = arith.constant 0 : i32
    %dma_wait3A_1093 = tpu.memref_slice %arg8[%dma_wait3A_1090, %dma_wait3A_1091, %dma_wait3A_1092] : memref<25x8x128xf32, #tpu.memory_space<vmem>> -> memref<1x8x128xf32, #tpu.memory_space<vmem>>
    %dma_wait3A_1094 = tpu.memref_squeeze %dma_wait3A_1093 : memref<1x8x128xf32, #tpu.memory_space<vmem>> -> memref<8x128xf32, #tpu.memory_space<vmem>>
    %dma_wait3A_1095 = tpu.memref_slice %arg2[%multiple_of3A_10, %multiple_of3A_140] : memref<32x1000000xf32, #tpu.memory_space<hbm>> -> memref<8x128xf32, #tpu.memory_space<hbm>>
    %dma_wait3A_1096 = arith.constant 0 : i32
    %dma_wait3A_1097 = arith.constant 0 : i32
    %dma_wait3A_1098 = tpu.memref_slice %arg8[%dma_wait3A_1090, %dma_wait3A_1096, %dma_wait3A_1097] : memref<25x8x128xf32, #tpu.memory_space<vmem>> -> memref<1x8x128xf32, #tpu.memory_space<vmem>>
    %dma_wait3A_1099 = tpu.memref_squeeze %dma_wait3A_1098 : memref<1x8x128xf32, #tpu.memory_space<vmem>> -> memref<8x128xf32, #tpu.memory_space<vmem>>
    %dma_wait3A_1100 = tpu.memref_slice %arg2[%multiple_of3A_10, %multiple_of3A_140] : memref<32x1000000xf32, #tpu.memory_space<hbm>> -> memref<8x128xf32, #tpu.memory_space<hbm>>
    tpu.wait_dma2 semaphore(%arg12 : memref<!tpu.dma_semaphore, #tpu.memory_space<semaphore_mem>>) src(%dma_wait3A_1100 : memref<8x128xf32, #tpu.memory_space<hbm>>) dst(%dma_wait3A_1099 : memref<8x128xf32, #tpu.memory_space<vmem>>)
    %dma_wait3A_1101 = arith.constant 9 : i32
    %dma_wait3A_1102 = arith.constant 0 : i32
    %dma_wait3A_1103 = arith.constant 0 : i32
    %dma_wait3A_1104 = tpu.memref_slice %arg8[%dma_wait3A_1101, %dma_wait3A_1102, %dma_wait3A_1103] : memref<25x8x128xf32, #tpu.memory_space<vmem>> -> memref<1x8x128xf32, #tpu.memory_space<vmem>>
    %dma_wait3A_1105 = tpu.memref_squeeze %dma_wait3A_1104 : memref<1x8x128xf32, #tpu.memory_space<vmem>> -> memref<8x128xf32, #tpu.memory_space<vmem>>
    %dma_wait3A_1106 = tpu.memref_slice %arg2[%multiple_of3A_10, %multiple_of3A_158] : memref<32x1000000xf32, #tpu.memory_space<hbm>> -> memref<8x128xf32, #tpu.memory_space<hbm>>
    %dma_wait3A_1107 = arith.constant 0 : i32
    %dma_wait3A_1108 = arith.constant 0 : i32
    %dma_wait3A_1109 = tpu.memref_slice %arg8[%dma_wait3A_1101, %dma_wait3A_1107, %dma_wait3A_1108] : memref<25x8x128xf32, #tpu.memory_space<vmem>> -> memref<1x8x128xf32, #tpu.memory_space<vmem>>
    %dma_wait3A_1110 = tpu.memref_squeeze %dma_wait3A_1109 : memref<1x8x128xf32, #tpu.memory_space<vmem>> -> memref<8x128xf32, #tpu.memory_space<vmem>>
    %dma_wait3A_1111 = tpu.memref_slice %arg2[%multiple_of3A_10, %multiple_of3A_158] : memref<32x1000000xf32, #tpu.memory_space<hbm>> -> memref<8x128xf32, #tpu.memory_space<hbm>>
    tpu.wait_dma2 semaphore(%arg12 : memref<!tpu.dma_semaphore, #tpu.memory_space<semaphore_mem>>) src(%dma_wait3A_1111 : memref<8x128xf32, #tpu.memory_space<hbm>>) dst(%dma_wait3A_1110 : memref<8x128xf32, #tpu.memory_space<vmem>>)
    %dma_wait3A_1112 = arith.constant 10 : i32
    %dma_wait3A_1113 = arith.constant 0 : i32
    %dma_wait3A_1114 = arith.constant 0 : i32
    %dma_wait3A_1115 = tpu.memref_slice %arg8[%dma_wait3A_1112, %dma_wait3A_1113, %dma_wait3A_1114] : memref<25x8x128xf32, #tpu.memory_space<vmem>> -> memref<1x8x128xf32, #tpu.memory_space<vmem>>
    %dma_wait3A_1116 = tpu.memref_squeeze %dma_wait3A_1115 : memref<1x8x128xf32, #tpu.memory_space<vmem>> -> memref<8x128xf32, #tpu.memory_space<vmem>>
    %dma_wait3A_1117 = tpu.memref_slice %arg2[%multiple_of3A_10, %multiple_of3A_176] : memref<32x1000000xf32, #tpu.memory_space<hbm>> -> memref<8x128xf32, #tpu.memory_space<hbm>>
    %dma_wait3A_1118 = arith.constant 0 : i32
    %dma_wait3A_1119 = arith.constant 0 : i32
    %dma_wait3A_1120 = tpu.memref_slice %arg8[%dma_wait3A_1112, %dma_wait3A_1118, %dma_wait3A_1119] : memref<25x8x128xf32, #tpu.memory_space<vmem>> -> memref<1x8x128xf32, #tpu.memory_space<vmem>>
    %dma_wait3A_1121 = tpu.memref_squeeze %dma_wait3A_1120 : memref<1x8x128xf32, #tpu.memory_space<vmem>> -> memref<8x128xf32, #tpu.memory_space<vmem>>
    %dma_wait3A_1122 = tpu.memref_slice %arg2[%multiple_of3A_10, %multiple_of3A_176] : memref<32x1000000xf32, #tpu.memory_space<hbm>> -> memref<8x128xf32, #tpu.memory_space<hbm>>
    tpu.wait_dma2 semaphore(%arg12 : memref<!tpu.dma_semaphore, #tpu.memory_space<semaphore_mem>>) src(%dma_wait3A_1122 : memref<8x128xf32, #tpu.memory_space<hbm>>) dst(%dma_wait3A_1121 : memref<8x128xf32, #tpu.memory_space<vmem>>)
    %dma_wait3A_1123 = arith.constant 11 : i32
    %dma_wait3A_1124 = arith.constant 0 : i32
    %dma_wait3A_1125 = arith.constant 0 : i32
    %dma_wait3A_1126 = tpu.memref_slice %arg8[%dma_wait3A_1123, %dma_wait3A_1124, %dma_wait3A_1125] : memref<25x8x128xf32, #tpu.memory_space<vmem>> -> memref<1x8x128xf32, #tpu.memory_space<vmem>>
    %dma_wait3A_1127 = tpu.memref_squeeze %dma_wait3A_1126 : memref<1x8x128xf32, #tpu.memory_space<vmem>> -> memref<8x128xf32, #tpu.memory_space<vmem>>
    %dma_wait3A_1128 = tpu.memref_slice %arg2[%multiple_of3A_10, %multiple_of3A_194] : memref<32x1000000xf32, #tpu.memory_space<hbm>> -> memref<8x128xf32, #tpu.memory_space<hbm>>
    %dma_wait3A_1129 = arith.constant 0 : i32
    %dma_wait3A_1130 = arith.constant 0 : i32
    %dma_wait3A_1131 = tpu.memref_slice %arg8[%dma_wait3A_1123, %dma_wait3A_1129, %dma_wait3A_1130] : memref<25x8x128xf32, #tpu.memory_space<vmem>> -> memref<1x8x128xf32, #tpu.memory_space<vmem>>
    %dma_wait3A_1132 = tpu.memref_squeeze %dma_wait3A_1131 : memref<1x8x128xf32, #tpu.memory_space<vmem>> -> memref<8x128xf32, #tpu.memory_space<vmem>>
    %dma_wait3A_1133 = tpu.memref_slice %arg2[%multiple_of3A_10, %multiple_of3A_194] : memref<32x1000000xf32, #tpu.memory_space<hbm>> -> memref<8x128xf32, #tpu.memory_space<hbm>>
    tpu.wait_dma2 semaphore(%arg12 : memref<!tpu.dma_semaphore, #tpu.memory_space<semaphore_mem>>) src(%dma_wait3A_1133 : memref<8x128xf32, #tpu.memory_space<hbm>>) dst(%dma_wait3A_1132 : memref<8x128xf32, #tpu.memory_space<vmem>>)
    %dma_wait3A_1134 = arith.constant 12 : i32
    %dma_wait3A_1135 = arith.constant 0 : i32
    %dma_wait3A_1136 = arith.constant 0 : i32
    %dma_wait3A_1137 = tpu.memref_slice %arg8[%dma_wait3A_1134, %dma_wait3A_1135, %dma_wait3A_1136] : memref<25x8x128xf32, #tpu.memory_space<vmem>> -> memref<1x8x128xf32, #tpu.memory_space<vmem>>
    %dma_wait3A_1138 = tpu.memref_squeeze %dma_wait3A_1137 : memref<1x8x128xf32, #tpu.memory_space<vmem>> -> memref<8x128xf32, #tpu.memory_space<vmem>>
    %dma_wait3A_1139 = tpu.memref_slice %arg2[%multiple_of3A_10, %multiple_of3A_212] : memref<32x1000000xf32, #tpu.memory_space<hbm>> -> memref<8x128xf32, #tpu.memory_space<hbm>>
    %dma_wait3A_1140 = arith.constant 0 : i32
    %dma_wait3A_1141 = arith.constant 0 : i32
    %dma_wait3A_1142 = tpu.memref_slice %arg8[%dma_wait3A_1134, %dma_wait3A_1140, %dma_wait3A_1141] : memref<25x8x128xf32, #tpu.memory_space<vmem>> -> memref<1x8x128xf32, #tpu.memory_space<vmem>>
    %dma_wait3A_1143 = tpu.memref_squeeze %dma_wait3A_1142 : memref<1x8x128xf32, #tpu.memory_space<vmem>> -> memref<8x128xf32, #tpu.memory_space<vmem>>
    %dma_wait3A_1144 = tpu.memref_slice %arg2[%multiple_of3A_10, %multiple_of3A_212] : memref<32x1000000xf32, #tpu.memory_space<hbm>> -> memref<8x128xf32, #tpu.memory_space<hbm>>
    tpu.wait_dma2 semaphore(%arg12 : memref<!tpu.dma_semaphore, #tpu.memory_space<semaphore_mem>>) src(%dma_wait3A_1144 : memref<8x128xf32, #tpu.memory_space<hbm>>) dst(%dma_wait3A_1143 : memref<8x128xf32, #tpu.memory_space<vmem>>)
    %dma_wait3A_1145 = arith.constant 13 : i32
    %dma_wait3A_1146 = arith.constant 0 : i32
    %dma_wait3A_1147 = arith.constant 0 : i32
    %dma_wait3A_1148 = tpu.memref_slice %arg8[%dma_wait3A_1145, %dma_wait3A_1146, %dma_wait3A_1147] : memref<25x8x128xf32, #tpu.memory_space<vmem>> -> memref<1x8x128xf32, #tpu.memory_space<vmem>>
    %dma_wait3A_1149 = tpu.memref_squeeze %dma_wait3A_1148 : memref<1x8x128xf32, #tpu.memory_space<vmem>> -> memref<8x128xf32, #tpu.memory_space<vmem>>
    %dma_wait3A_1150 = tpu.memref_slice %arg2[%multiple_of3A_10, %multiple_of3A_230] : memref<32x1000000xf32, #tpu.memory_space<hbm>> -> memref<8x128xf32, #tpu.memory_space<hbm>>
    %dma_wait3A_1151 = arith.constant 0 : i32
    %dma_wait3A_1152 = arith.constant 0 : i32
    %dma_wait3A_1153 = tpu.memref_slice %arg8[%dma_wait3A_1145, %dma_wait3A_1151, %dma_wait3A_1152] : memref<25x8x128xf32, #tpu.memory_space<vmem>> -> memref<1x8x128xf32, #tpu.memory_space<vmem>>
    %dma_wait3A_1154 = tpu.memref_squeeze %dma_wait3A_1153 : memref<1x8x128xf32, #tpu.memory_space<vmem>> -> memref<8x128xf32, #tpu.memory_space<vmem>>
    %dma_wait3A_1155 = tpu.memref_slice %arg2[%multiple_of3A_10, %multiple_of3A_230] : memref<32x1000000xf32, #tpu.memory_space<hbm>> -> memref<8x128xf32, #tpu.memory_space<hbm>>
    tpu.wait_dma2 semaphore(%arg12 : memref<!tpu.dma_semaphore, #tpu.memory_space<semaphore_mem>>) src(%dma_wait3A_1155 : memref<8x128xf32, #tpu.memory_space<hbm>>) dst(%dma_wait3A_1154 : memref<8x128xf32, #tpu.memory_space<vmem>>)
    %dma_wait3A_1156 = arith.constant 14 : i32
    %dma_wait3A_1157 = arith.constant 0 : i32
    %dma_wait3A_1158 = arith.constant 0 : i32
    %dma_wait3A_1159 = tpu.memref_slice %arg8[%dma_wait3A_1156, %dma_wait3A_1157, %dma_wait3A_1158] : memref<25x8x128xf32, #tpu.memory_space<vmem>> -> memref<1x8x128xf32, #tpu.memory_space<vmem>>
    %dma_wait3A_1160 = tpu.memref_squeeze %dma_wait3A_1159 : memref<1x8x128xf32, #tpu.memory_space<vmem>> -> memref<8x128xf32, #tpu.memory_space<vmem>>
    %dma_wait3A_1161 = tpu.memref_slice %arg2[%multiple_of3A_10, %multiple_of3A_248] : memref<32x1000000xf32, #tpu.memory_space<hbm>> -> memref<8x128xf32, #tpu.memory_space<hbm>>
    %dma_wait3A_1162 = arith.constant 0 : i32
    %dma_wait3A_1163 = arith.constant 0 : i32
    %dma_wait3A_1164 = tpu.memref_slice %arg8[%dma_wait3A_1156, %dma_wait3A_1162, %dma_wait3A_1163] : memref<25x8x128xf32, #tpu.memory_space<vmem>> -> memref<1x8x128xf32, #tpu.memory_space<vmem>>
    %dma_wait3A_1165 = tpu.memref_squeeze %dma_wait3A_1164 : memref<1x8x128xf32, #tpu.memory_space<vmem>> -> memref<8x128xf32, #tpu.memory_space<vmem>>
    %dma_wait3A_1166 = tpu.memref_slice %arg2[%multiple_of3A_10, %multiple_of3A_248] : memref<32x1000000xf32, #tpu.memory_space<hbm>> -> memref<8x128xf32, #tpu.memory_space<hbm>>
    tpu.wait_dma2 semaphore(%arg12 : memref<!tpu.dma_semaphore, #tpu.memory_space<semaphore_mem>>) src(%dma_wait3A_1166 : memref<8x128xf32, #tpu.memory_space<hbm>>) dst(%dma_wait3A_1165 : memref<8x128xf32, #tpu.memory_space<vmem>>)
    %dma_wait3A_1167 = arith.constant 15 : i32
    %dma_wait3A_1168 = arith.constant 0 : i32
    %dma_wait3A_1169 = arith.constant 0 : i32
    %dma_wait3A_1170 = tpu.memref_slice %arg8[%dma_wait3A_1167, %dma_wait3A_1168, %dma_wait3A_1169] : memref<25x8x128xf32, #tpu.memory_space<vmem>> -> memref<1x8x128xf32, #tpu.memory_space<vmem>>
    %dma_wait3A_1171 = tpu.memref_squeeze %dma_wait3A_1170 : memref<1x8x128xf32, #tpu.memory_space<vmem>> -> memref<8x128xf32, #tpu.memory_space<vmem>>
    %dma_wait3A_1172 = tpu.memref_slice %arg2[%multiple_of3A_10, %multiple_of3A_266] : memref<32x1000000xf32, #tpu.memory_space<hbm>> -> memref<8x128xf32, #tpu.memory_space<hbm>>
    %dma_wait3A_1173 = arith.constant 0 : i32
    %dma_wait3A_1174 = arith.constant 0 : i32
    %dma_wait3A_1175 = tpu.memref_slice %arg8[%dma_wait3A_1167, %dma_wait3A_1173, %dma_wait3A_1174] : memref<25x8x128xf32, #tpu.memory_space<vmem>> -> memref<1x8x128xf32, #tpu.memory_space<vmem>>
    %dma_wait3A_1176 = tpu.memref_squeeze %dma_wait3A_1175 : memref<1x8x128xf32, #tpu.memory_space<vmem>> -> memref<8x128xf32, #tpu.memory_space<vmem>>
    %dma_wait3A_1177 = tpu.memref_slice %arg2[%multiple_of3A_10, %multiple_of3A_266] : memref<32x1000000xf32, #tpu.memory_space<hbm>> -> memref<8x128xf32, #tpu.memory_space<hbm>>
    tpu.wait_dma2 semaphore(%arg12 : memref<!tpu.dma_semaphore, #tpu.memory_space<semaphore_mem>>) src(%dma_wait3A_1177 : memref<8x128xf32, #tpu.memory_space<hbm>>) dst(%dma_wait3A_1176 : memref<8x128xf32, #tpu.memory_space<vmem>>)
    %dma_wait3A_1178 = arith.constant 16 : i32
    %dma_wait3A_1179 = arith.constant 0 : i32
    %dma_wait3A_1180 = arith.constant 0 : i32
    %dma_wait3A_1181 = tpu.memref_slice %arg8[%dma_wait3A_1178, %dma_wait3A_1179, %dma_wait3A_1180] : memref<25x8x128xf32, #tpu.memory_space<vmem>> -> memref<1x8x128xf32, #tpu.memory_space<vmem>>
    %dma_wait3A_1182 = tpu.memref_squeeze %dma_wait3A_1181 : memref<1x8x128xf32, #tpu.memory_space<vmem>> -> memref<8x128xf32, #tpu.memory_space<vmem>>
    %dma_wait3A_1183 = tpu.memref_slice %arg2[%multiple_of3A_10, %multiple_of3A_284] : memref<32x1000000xf32, #tpu.memory_space<hbm>> -> memref<8x128xf32, #tpu.memory_space<hbm>>
    %dma_wait3A_1184 = arith.constant 0 : i32
    %dma_wait3A_1185 = arith.constant 0 : i32
    %dma_wait3A_1186 = tpu.memref_slice %arg8[%dma_wait3A_1178, %dma_wait3A_1184, %dma_wait3A_1185] : memref<25x8x128xf32, #tpu.memory_space<vmem>> -> memref<1x8x128xf32, #tpu.memory_space<vmem>>
    %dma_wait3A_1187 = tpu.memref_squeeze %dma_wait3A_1186 : memref<1x8x128xf32, #tpu.memory_space<vmem>> -> memref<8x128xf32, #tpu.memory_space<vmem>>
    %dma_wait3A_1188 = tpu.memref_slice %arg2[%multiple_of3A_10, %multiple_of3A_284] : memref<32x1000000xf32, #tpu.memory_space<hbm>> -> memref<8x128xf32, #tpu.memory_space<hbm>>
    tpu.wait_dma2 semaphore(%arg12 : memref<!tpu.dma_semaphore, #tpu.memory_space<semaphore_mem>>) src(%dma_wait3A_1188 : memref<8x128xf32, #tpu.memory_space<hbm>>) dst(%dma_wait3A_1187 : memref<8x128xf32, #tpu.memory_space<vmem>>)
    %dma_wait3A_1189 = arith.constant 17 : i32
    %dma_wait3A_1190 = arith.constant 0 : i32
    %dma_wait3A_1191 = arith.constant 0 : i32
    %dma_wait3A_1192 = tpu.memref_slice %arg8[%dma_wait3A_1189, %dma_wait3A_1190, %dma_wait3A_1191] : memref<25x8x128xf32, #tpu.memory_space<vmem>> -> memref<1x8x128xf32, #tpu.memory_space<vmem>>
    %dma_wait3A_1193 = tpu.memref_squeeze %dma_wait3A_1192 : memref<1x8x128xf32, #tpu.memory_space<vmem>> -> memref<8x128xf32, #tpu.memory_space<vmem>>
    %dma_wait3A_1194 = tpu.memref_slice %arg2[%multiple_of3A_10, %multiple_of3A_302] : memref<32x1000000xf32, #tpu.memory_space<hbm>> -> memref<8x128xf32, #tpu.memory_space<hbm>>
    %dma_wait3A_1195 = arith.constant 0 : i32
    %dma_wait3A_1196 = arith.constant 0 : i32
    %dma_wait3A_1197 = tpu.memref_slice %arg8[%dma_wait3A_1189, %dma_wait3A_1195, %dma_wait3A_1196] : memref<25x8x128xf32, #tpu.memory_space<vmem>> -> memref<1x8x128xf32, #tpu.memory_space<vmem>>
    %dma_wait3A_1198 = tpu.memref_squeeze %dma_wait3A_1197 : memref<1x8x128xf32, #tpu.memory_space<vmem>> -> memref<8x128xf32, #tpu.memory_space<vmem>>
    %dma_wait3A_1199 = tpu.memref_slice %arg2[%multiple_of3A_10, %multiple_of3A_302] : memref<32x1000000xf32, #tpu.memory_space<hbm>> -> memref<8x128xf32, #tpu.memory_space<hbm>>
    tpu.wait_dma2 semaphore(%arg12 : memref<!tpu.dma_semaphore, #tpu.memory_space<semaphore_mem>>) src(%dma_wait3A_1199 : memref<8x128xf32, #tpu.memory_space<hbm>>) dst(%dma_wait3A_1198 : memref<8x128xf32, #tpu.memory_space<vmem>>)
    %dma_wait3A_1200 = arith.constant 18 : i32
    %dma_wait3A_1201 = arith.constant 0 : i32
    %dma_wait3A_1202 = arith.constant 0 : i32
    %dma_wait3A_1203 = tpu.memref_slice %arg8[%dma_wait3A_1200, %dma_wait3A_1201, %dma_wait3A_1202] : memref<25x8x128xf32, #tpu.memory_space<vmem>> -> memref<1x8x128xf32, #tpu.memory_space<vmem>>
    %dma_wait3A_1204 = tpu.memref_squeeze %dma_wait3A_1203 : memref<1x8x128xf32, #tpu.memory_space<vmem>> -> memref<8x128xf32, #tpu.memory_space<vmem>>
    %dma_wait3A_1205 = tpu.memref_slice %arg2[%multiple_of3A_10, %multiple_of3A_320] : memref<32x1000000xf32, #tpu.memory_space<hbm>> -> memref<8x128xf32, #tpu.memory_space<hbm>>
    %dma_wait3A_1206 = arith.constant 0 : i32
    %dma_wait3A_1207 = arith.constant 0 : i32
    %dma_wait3A_1208 = tpu.memref_slice %arg8[%dma_wait3A_1200, %dma_wait3A_1206, %dma_wait3A_1207] : memref<25x8x128xf32, #tpu.memory_space<vmem>> -> memref<1x8x128xf32, #tpu.memory_space<vmem>>
    %dma_wait3A_1209 = tpu.memref_squeeze %dma_wait3A_1208 : memref<1x8x128xf32, #tpu.memory_space<vmem>> -> memref<8x128xf32, #tpu.memory_space<vmem>>
    %dma_wait3A_1210 = tpu.memref_slice %arg2[%multiple_of3A_10, %multiple_of3A_320] : memref<32x1000000xf32, #tpu.memory_space<hbm>> -> memref<8x128xf32, #tpu.memory_space<hbm>>
    tpu.wait_dma2 semaphore(%arg12 : memref<!tpu.dma_semaphore, #tpu.memory_space<semaphore_mem>>) src(%dma_wait3A_1210 : memref<8x128xf32, #tpu.memory_space<hbm>>) dst(%dma_wait3A_1209 : memref<8x128xf32, #tpu.memory_space<vmem>>)
    %dma_wait3A_1211 = arith.constant 19 : i32
    %dma_wait3A_1212 = arith.constant 0 : i32
    %dma_wait3A_1213 = arith.constant 0 : i32
    %dma_wait3A_1214 = tpu.memref_slice %arg8[%dma_wait3A_1211, %dma_wait3A_1212, %dma_wait3A_1213] : memref<25x8x128xf32, #tpu.memory_space<vmem>> -> memref<1x8x128xf32, #tpu.memory_space<vmem>>
    %dma_wait3A_1215 = tpu.memref_squeeze %dma_wait3A_1214 : memref<1x8x128xf32, #tpu.memory_space<vmem>> -> memref<8x128xf32, #tpu.memory_space<vmem>>
    %dma_wait3A_1216 = tpu.memref_slice %arg2[%multiple_of3A_10, %multiple_of3A_338] : memref<32x1000000xf32, #tpu.memory_space<hbm>> -> memref<8x128xf32, #tpu.memory_space<hbm>>
    %dma_wait3A_1217 = arith.constant 0 : i32
    %dma_wait3A_1218 = arith.constant 0 : i32
    %dma_wait3A_1219 = tpu.memref_slice %arg8[%dma_wait3A_1211, %dma_wait3A_1217, %dma_wait3A_1218] : memref<25x8x128xf32, #tpu.memory_space<vmem>> -> memref<1x8x128xf32, #tpu.memory_space<vmem>>
    %dma_wait3A_1220 = tpu.memref_squeeze %dma_wait3A_1219 : memref<1x8x128xf32, #tpu.memory_space<vmem>> -> memref<8x128xf32, #tpu.memory_space<vmem>>
    %dma_wait3A_1221 = tpu.memref_slice %arg2[%multiple_of3A_10, %multiple_of3A_338] : memref<32x1000000xf32, #tpu.memory_space<hbm>> -> memref<8x128xf32, #tpu.memory_space<hbm>>
    tpu.wait_dma2 semaphore(%arg12 : memref<!tpu.dma_semaphore, #tpu.memory_space<semaphore_mem>>) src(%dma_wait3A_1221 : memref<8x128xf32, #tpu.memory_space<hbm>>) dst(%dma_wait3A_1220 : memref<8x128xf32, #tpu.memory_space<vmem>>)
    %dma_wait3A_1222 = arith.constant 20 : i32
    %dma_wait3A_1223 = arith.constant 0 : i32
    %dma_wait3A_1224 = arith.constant 0 : i32
    %dma_wait3A_1225 = tpu.memref_slice %arg8[%dma_wait3A_1222, %dma_wait3A_1223, %dma_wait3A_1224] : memref<25x8x128xf32, #tpu.memory_space<vmem>> -> memref<1x8x128xf32, #tpu.memory_space<vmem>>
    %dma_wait3A_1226 = tpu.memref_squeeze %dma_wait3A_1225 : memref<1x8x128xf32, #tpu.memory_space<vmem>> -> memref<8x128xf32, #tpu.memory_space<vmem>>
    %dma_wait3A_1227 = tpu.memref_slice %arg2[%multiple_of3A_10, %multiple_of3A_356] : memref<32x1000000xf32, #tpu.memory_space<hbm>> -> memref<8x128xf32, #tpu.memory_space<hbm>>
    %dma_wait3A_1228 = arith.constant 0 : i32
    %dma_wait3A_1229 = arith.constant 0 : i32
    %dma_wait3A_1230 = tpu.memref_slice %arg8[%dma_wait3A_1222, %dma_wait3A_1228, %dma_wait3A_1229] : memref<25x8x128xf32, #tpu.memory_space<vmem>> -> memref<1x8x128xf32, #tpu.memory_space<vmem>>
    %dma_wait3A_1231 = tpu.memref_squeeze %dma_wait3A_1230 : memref<1x8x128xf32, #tpu.memory_space<vmem>> -> memref<8x128xf32, #tpu.memory_space<vmem>>
    %dma_wait3A_1232 = tpu.memref_slice %arg2[%multiple_of3A_10, %multiple_of3A_356] : memref<32x1000000xf32, #tpu.memory_space<hbm>> -> memref<8x128xf32, #tpu.memory_space<hbm>>
    tpu.wait_dma2 semaphore(%arg12 : memref<!tpu.dma_semaphore, #tpu.memory_space<semaphore_mem>>) src(%dma_wait3A_1232 : memref<8x128xf32, #tpu.memory_space<hbm>>) dst(%dma_wait3A_1231 : memref<8x128xf32, #tpu.memory_space<vmem>>)
    %dma_wait3A_1233 = arith.constant 21 : i32
    %dma_wait3A_1234 = arith.constant 0 : i32
    %dma_wait3A_1235 = arith.constant 0 : i32
    %dma_wait3A_1236 = tpu.memref_slice %arg8[%dma_wait3A_1233, %dma_wait3A_1234, %dma_wait3A_1235] : memref<25x8x128xf32, #tpu.memory_space<vmem>> -> memref<1x8x128xf32, #tpu.memory_space<vmem>>
    %dma_wait3A_1237 = tpu.memref_squeeze %dma_wait3A_1236 : memref<1x8x128xf32, #tpu.memory_space<vmem>> -> memref<8x128xf32, #tpu.memory_space<vmem>>
    %dma_wait3A_1238 = tpu.memref_slice %arg2[%multiple_of3A_10, %multiple_of3A_374] : memref<32x1000000xf32, #tpu.memory_space<hbm>> -> memref<8x128xf32, #tpu.memory_space<hbm>>
    %dma_wait3A_1239 = arith.constant 0 : i32
    %dma_wait3A_1240 = arith.constant 0 : i32
    %dma_wait3A_1241 = tpu.memref_slice %arg8[%dma_wait3A_1233, %dma_wait3A_1239, %dma_wait3A_1240] : memref<25x8x128xf32, #tpu.memory_space<vmem>> -> memref<1x8x128xf32, #tpu.memory_space<vmem>>
    %dma_wait3A_1242 = tpu.memref_squeeze %dma_wait3A_1241 : memref<1x8x128xf32, #tpu.memory_space<vmem>> -> memref<8x128xf32, #tpu.memory_space<vmem>>
    %dma_wait3A_1243 = tpu.memref_slice %arg2[%multiple_of3A_10, %multiple_of3A_374] : memref<32x1000000xf32, #tpu.memory_space<hbm>> -> memref<8x128xf32, #tpu.memory_space<hbm>>
    tpu.wait_dma2 semaphore(%arg12 : memref<!tpu.dma_semaphore, #tpu.memory_space<semaphore_mem>>) src(%dma_wait3A_1243 : memref<8x128xf32, #tpu.memory_space<hbm>>) dst(%dma_wait3A_1242 : memref<8x128xf32, #tpu.memory_space<vmem>>)
    %dma_wait3A_1244 = arith.constant 22 : i32
    %dma_wait3A_1245 = arith.constant 0 : i32
    %dma_wait3A_1246 = arith.constant 0 : i32
    %dma_wait3A_1247 = tpu.memref_slice %arg8[%dma_wait3A_1244, %dma_wait3A_1245, %dma_wait3A_1246] : memref<25x8x128xf32, #tpu.memory_space<vmem>> -> memref<1x8x128xf32, #tpu.memory_space<vmem>>
    %dma_wait3A_1248 = tpu.memref_squeeze %dma_wait3A_1247 : memref<1x8x128xf32, #tpu.memory_space<vmem>> -> memref<8x128xf32, #tpu.memory_space<vmem>>
    %dma_wait3A_1249 = tpu.memref_slice %arg2[%multiple_of3A_10, %multiple_of3A_392] : memref<32x1000000xf32, #tpu.memory_space<hbm>> -> memref<8x128xf32, #tpu.memory_space<hbm>>
    %dma_wait3A_1250 = arith.constant 0 : i32
    %dma_wait3A_1251 = arith.constant 0 : i32
    %dma_wait3A_1252 = tpu.memref_slice %arg8[%dma_wait3A_1244, %dma_wait3A_1250, %dma_wait3A_1251] : memref<25x8x128xf32, #tpu.memory_space<vmem>> -> memref<1x8x128xf32, #tpu.memory_space<vmem>>
    %dma_wait3A_1253 = tpu.memref_squeeze %dma_wait3A_1252 : memref<1x8x128xf32, #tpu.memory_space<vmem>> -> memref<8x128xf32, #tpu.memory_space<vmem>>
    %dma_wait3A_1254 = tpu.memref_slice %arg2[%multiple_of3A_10, %multiple_of3A_392] : memref<32x1000000xf32, #tpu.memory_space<hbm>> -> memref<8x128xf32, #tpu.memory_space<hbm>>
    tpu.wait_dma2 semaphore(%arg12 : memref<!tpu.dma_semaphore, #tpu.memory_space<semaphore_mem>>) src(%dma_wait3A_1254 : memref<8x128xf32, #tpu.memory_space<hbm>>) dst(%dma_wait3A_1253 : memref<8x128xf32, #tpu.memory_space<vmem>>)
    %dma_wait3A_1255 = arith.constant 23 : i32
    %dma_wait3A_1256 = arith.constant 0 : i32
    %dma_wait3A_1257 = arith.constant 0 : i32
    %dma_wait3A_1258 = tpu.memref_slice %arg8[%dma_wait3A_1255, %dma_wait3A_1256, %dma_wait3A_1257] : memref<25x8x128xf32, #tpu.memory_space<vmem>> -> memref<1x8x128xf32, #tpu.memory_space<vmem>>
    %dma_wait3A_1259 = tpu.memref_squeeze %dma_wait3A_1258 : memref<1x8x128xf32, #tpu.memory_space<vmem>> -> memref<8x128xf32, #tpu.memory_space<vmem>>
    %dma_wait3A_1260 = tpu.memref_slice %arg2[%multiple_of3A_10, %multiple_of3A_410] : memref<32x1000000xf32, #tpu.memory_space<hbm>> -> memref<8x128xf32, #tpu.memory_space<hbm>>
    %dma_wait3A_1261 = arith.constant 0 : i32
    %dma_wait3A_1262 = arith.constant 0 : i32
    %dma_wait3A_1263 = tpu.memref_slice %arg8[%dma_wait3A_1255, %dma_wait3A_1261, %dma_wait3A_1262] : memref<25x8x128xf32, #tpu.memory_space<vmem>> -> memref<1x8x128xf32, #tpu.memory_space<vmem>>
    %dma_wait3A_1264 = tpu.memref_squeeze %dma_wait3A_1263 : memref<1x8x128xf32, #tpu.memory_space<vmem>> -> memref<8x128xf32, #tpu.memory_space<vmem>>
    %dma_wait3A_1265 = tpu.memref_slice %arg2[%multiple_of3A_10, %multiple_of3A_410] : memref<32x1000000xf32, #tpu.memory_space<hbm>> -> memref<8x128xf32, #tpu.memory_space<hbm>>
    tpu.wait_dma2 semaphore(%arg12 : memref<!tpu.dma_semaphore, #tpu.memory_space<semaphore_mem>>) src(%dma_wait3A_1265 : memref<8x128xf32, #tpu.memory_space<hbm>>) dst(%dma_wait3A_1264 : memref<8x128xf32, #tpu.memory_space<vmem>>)
    %dma_wait3A_1266 = arith.constant 24 : i32
    %dma_wait3A_1267 = arith.constant 0 : i32
    %dma_wait3A_1268 = arith.constant 0 : i32
    %dma_wait3A_1269 = tpu.memref_slice %arg8[%dma_wait3A_1266, %dma_wait3A_1267, %dma_wait3A_1268] : memref<25x8x128xf32, #tpu.memory_space<vmem>> -> memref<1x8x128xf32, #tpu.memory_space<vmem>>
    %dma_wait3A_1270 = tpu.memref_squeeze %dma_wait3A_1269 : memref<1x8x128xf32, #tpu.memory_space<vmem>> -> memref<8x128xf32, #tpu.memory_space<vmem>>
    %dma_wait3A_1271 = tpu.memref_slice %arg2[%multiple_of3A_10, %multiple_of3A_428] : memref<32x1000000xf32, #tpu.memory_space<hbm>> -> memref<8x128xf32, #tpu.memory_space<hbm>>
    %dma_wait3A_1272 = arith.constant 0 : i32
    %dma_wait3A_1273 = arith.constant 0 : i32
    %dma_wait3A_1274 = tpu.memref_slice %arg8[%dma_wait3A_1266, %dma_wait3A_1272, %dma_wait3A_1273] : memref<25x8x128xf32, #tpu.memory_space<vmem>> -> memref<1x8x128xf32, #tpu.memory_space<vmem>>
    %dma_wait3A_1275 = tpu.memref_squeeze %dma_wait3A_1274 : memref<1x8x128xf32, #tpu.memory_space<vmem>> -> memref<8x128xf32, #tpu.memory_space<vmem>>
    %dma_wait3A_1276 = tpu.memref_slice %arg2[%multiple_of3A_10, %multiple_of3A_428] : memref<32x1000000xf32, #tpu.memory_space<hbm>> -> memref<8x128xf32, #tpu.memory_space<hbm>>
    tpu.wait_dma2 semaphore(%arg12 : memref<!tpu.dma_semaphore, #tpu.memory_space<semaphore_mem>>) src(%dma_wait3A_1276 : memref<8x128xf32, #tpu.memory_space<hbm>>) dst(%dma_wait3A_1275 : memref<8x128xf32, #tpu.memory_space<vmem>>)
    %mul3A_1277 = arith.constant 0 : i32
    %mul3A_1278 = vector.broadcast %mul3A_1277 : i32 to vector<16xi32>
    %mul3A_1279 = arith.muli %iota3A, %mul3A_1278 : vector<16xi32>
    %and3A_1280 = arith.constant 7 : i32
    %and3A_1281 = arith.andi %add3A, %and3A_1280 : i32
    %add3A_1282 = vector.broadcast %and3A_1281 : i32 to vector<16xi32>
    %add3A_1283 = arith.addi %mul3A_1279, %add3A_1282 : vector<16xi32>
    %add3A_1284 = arith.constant 1 : i32
    %add3A_1285 = vector.broadcast %add3A_1284 : i32 to vector<16xi32>
    %add3A_1286 = arith.addi %iota3A, %add3A_1285 : vector<16xi32>
    %and3A_1287 = arith.constant 127 : i32
    %and3A_1288 = vector.broadcast %and3A_1287 : i32 to vector<16xi32>
    %and3A_1289 = arith.andi %get3A_3, %and3A_1288 : vector<16xi32>
    %gather3A = tpu.vector_load_idx %arg8[%add3A_1286, %add3A_1283, %and3A_1289] : memref<25x8x128xf32, #tpu.memory_space<vmem>>[vector<16xi32>, vector<16xi32>, vector<16xi32>], vector<16xf32>,
    %add3A_1290 = arith.constant 1 : i32
    %add3A_1291 = vector.broadcast %add3A_1290 : i32 to vector<16xi32>
    %add3A_1292 = arith.addi %iota3A, %add3A_1291 : vector<16xi32>
    %add3A_1293 = arith.constant 16 : i32
    %add3A_1294 = vector.broadcast %add3A_1293 : i32 to vector<16xi32>
    %add3A_1295 = arith.addi %add3A_1292, %add3A_1294 : vector<16xi32>
    %and3A_1296 = arith.constant 127 : i32
    %and3A_1297 = vector.broadcast %and3A_1296 : i32 to vector<16xi32>
    %and3A_1298 = arith.andi %select_n3A, %and3A_1297 : vector<16xi32>
    %gather3A_1299 = tpu.vector_load_idx %arg8[%add3A_1295, %add3A_1283, %and3A_1298] : memref<25x8x128xf32, #tpu.memory_space<vmem>>[vector<16xi32>, vector<16xi32>, vector<16xi32>], vector<16xf32>,
    %lt3A_1300 = arith.constant 8 : i32
    %lt3A_1301 = vector.broadcast %lt3A_1300 : i32 to vector<16xi32>
    %lt3A_1302 = arith.cmpi slt, %iota3A, %lt3A_1301 : vector<16xi32>
    %jit3A_1303 = arith.constant 0xFF800000 : f32
    %broadcast_in_dim3A_1304 = vector.broadcast %jit3A_1303 : f32 to vector<16xf32>
    %select_n3A_1305 = arith.select %lt3A_1302, %gather3A_1299, %broadcast_in_dim3A_1304 : vector<16xi1>, vector<16xf32>
    %eq3A_1306 = arith.constant 0 : i32
    %eq3A_1307 = vector.broadcast %eq3A_1306 : i32 to vector<16xi32>
    %eq3A_1308 = arith.cmpi eq, %add3A_1002, %eq3A_1307 : vector<16xi32>
    %jit3A_1309 = arith.constant 0xFF800000 : f32
    %broadcast_in_dim3A_1310 = vector.broadcast %jit3A_1309 : f32 to vector<16xf32>
    %select_n3A_1311 = arith.select %eq3A_1308, %gather3A, %broadcast_in_dim3A_1310 : vector<16xi1>, vector<16xf32>
    %eq3A_1312 = arith.constant 0 : i32
    %eq3A_1313 = vector.broadcast %eq3A_1312 : i32 to vector<16xi32>
    %eq3A_1314 = arith.cmpi eq, %add3A_1013, %eq3A_1313 : vector<16xi32>
    %jit3A_1315 = arith.constant 0xFF800000 : f32
    %broadcast_in_dim3A_1316 = vector.broadcast %jit3A_1315 : f32 to vector<16xf32>
    %select_n3A_1317 = arith.select %eq3A_1314, %select_n3A_1305, %broadcast_in_dim3A_1316 : vector<16xi1>, vector<16xf32>
    %slice3A_1318 = vector.extract_strided_slice %gather3A {offsets = [0], sizes = [1], strides = [1]} : vector<16xf32> to vector<1xf32>
    %squeeze3A_1319 = vector.extract %slice3A_1318[0] : f32 from vector<1xf32>
    %slice3A_1320 = vector.extract_strided_slice %select_n3A_1311 {offsets = [0], sizes = [1], strides = [1]} : vector<16xf32> to vector<1xf32>
    %squeeze3A_1321 = vector.extract %slice3A_1320[0] : f32 from vector<1xf32>
    %slice3A_1322 = vector.extract_strided_slice %get3A_3 {offsets = [0], sizes = [1], strides = [1]} : vector<16xi32> to vector<1xi32>
    %squeeze3A_1323 = vector.extract %slice3A_1322[0] : i32 from vector<1xi32>
    %add3A_1324 = arith.constant 0 : i32
    %add3A_1325 = vector.broadcast %add3A_1324 : i32 to vector<16xi32>
    %add3A_1326 = arith.addi %iota3A, %add3A_1325 : vector<16xi32>
    %gt3A_1327 = arith.constant 0 : i32
    %gt3A_1328 = vector.broadcast %gt3A_1327 : i32 to vector<16xi32>
    %gt3A_1329 = arith.cmpi sgt, %add3A_1326, %gt3A_1328 : vector<16xi32>
    %gt3A_1330 = vector.broadcast %squeeze3A_1319 : f32 to vector<16xf32>
    %gt3A_1331 = arith.cmpf ogt, %gt3A_1330, %gather3A : vector<16xf32>
    %eq3A_1332 = vector.broadcast %squeeze3A_1319 : f32 to vector<16xf32>
    %eq3A_1333 = arith.cmpf oeq, %eq3A_1332, %gather3A : vector<16xf32>
    %and3A_1334 = arith.andi %eq3A_1333, %gt3A_1329 : vector<16xi1>
    %or3A = arith.ori %gt3A_1331, %and3A_1334 : vector<16xi1>
    %convert_element_type3A_1335 = arith.extui %or3A : vector<16xi1> to vector<16xi32>
    %add3A_1336 = arith.addi %broadcast_in_dim3A_441, %convert_element_type3A_1335 : vector<16xi32>
    %gt3A_1337 = vector.broadcast %squeeze3A_1321 : f32 to vector<16xf32>
    %gt3A_1338 = arith.cmpf ogt, %gt3A_1337, %gather3A : vector<16xf32>
    %eq3A_1339 = vector.broadcast %squeeze3A_1321 : f32 to vector<16xf32>
    %eq3A_1340 = arith.cmpf oeq, %eq3A_1339, %gather3A : vector<16xf32>
    %lt3A_1341 = vector.broadcast %squeeze3A_1323 : i32 to vector<16xi32>
    %lt3A_1342 = arith.cmpi slt, %lt3A_1341, %get3A_3 : vector<16xi32>
    %eq3A_1343 = vector.broadcast %squeeze3A_1323 : i32 to vector<16xi32>
    %eq3A_1344 = arith.cmpi eq, %eq3A_1343, %get3A_3 : vector<16xi32>
    %and3A_1345 = arith.andi %eq3A_1344, %gt3A_1329 : vector<16xi1>
    %or3A_1346 = arith.ori %lt3A_1342, %and3A_1345 : vector<16xi1>
    %and3A_1347 = arith.andi %eq3A_1340, %or3A_1346 : vector<16xi1>
    %or3A_1348 = arith.ori %gt3A_1338, %and3A_1347 : vector<16xi1>
    %convert_element_type3A_1349 = arith.extui %or3A_1348 : vector<16xi1> to vector<16xi32>
    %add3A_1350 = arith.addi %broadcast_in_dim3A_441, %convert_element_type3A_1349 : vector<16xi32>
    %add3A_1351 = arith.constant 16 : i32
    %add3A_1352 = vector.broadcast %add3A_1351 : i32 to vector<16xi32>
    %add3A_1353 = arith.addi %iota3A, %add3A_1352 : vector<16xi32>
    %gt3A_1354 = arith.constant 0 : i32
    %gt3A_1355 = vector.broadcast %gt3A_1354 : i32 to vector<16xi32>
    %gt3A_1356 = arith.cmpi sgt, %add3A_1353, %gt3A_1355 : vector<16xi32>
    %gt3A_1357 = vector.broadcast %squeeze3A_1319 : f32 to vector<16xf32>
    %gt3A_1358 = arith.cmpf ogt, %gt3A_1357, %select_n3A_1305 : vector<16xf32>
    %eq3A_1359 = vector.broadcast %squeeze3A_1319 : f32 to vector<16xf32>
    %eq3A_1360 = arith.cmpf oeq, %eq3A_1359, %select_n3A_1305 : vector<16xf32>
    %and3A_1361 = arith.andi %eq3A_1360, %gt3A_1356 : vector<16xi1>
    %or3A_1362 = arith.ori %gt3A_1358, %and3A_1361 : vector<16xi1>
    %convert_element_type3A_1363 = arith.extui %or3A_1362 : vector<16xi1> to vector<16xi32>
    %add3A_1364 = arith.addi %broadcast_in_dim3A_441, %convert_element_type3A_1363 : vector<16xi32>
    %gt3A_1365 = vector.broadcast %squeeze3A_1321 : f32 to vector<16xf32>
    %gt3A_1366 = arith.cmpf ogt, %gt3A_1365, %select_n3A_1305 : vector<16xf32>
    %eq3A_1367 = vector.broadcast %squeeze3A_1321 : f32 to vector<16xf32>
    %eq3A_1368 = arith.cmpf oeq, %eq3A_1367, %select_n3A_1305 : vector<16xf32>
    %lt3A_1369 = vector.broadcast %squeeze3A_1323 : i32 to vector<16xi32>
    %lt3A_1370 = arith.cmpi slt, %lt3A_1369, %select_n3A : vector<16xi32>
    %eq3A_1371 = vector.broadcast %squeeze3A_1323 : i32 to vector<16xi32>
    %eq3A_1372 = arith.cmpi eq, %eq3A_1371, %select_n3A : vector<16xi32>
    %and3A_1373 = arith.andi %eq3A_1372, %gt3A_1356 : vector<16xi1>
    %or3A_1374 = arith.ori %lt3A_1370, %and3A_1373 : vector<16xi1>
    %and3A_1375 = arith.andi %eq3A_1368, %or3A_1374 : vector<16xi1>
    %or3A_1376 = arith.ori %gt3A_1366, %and3A_1375 : vector<16xi1>
    %convert_element_type3A_1377 = arith.extui %or3A_1376 : vector<16xi1> to vector<16xi32>
    %add3A_1378 = arith.addi %broadcast_in_dim3A_441, %convert_element_type3A_1377 : vector<16xi32>
    %slice3A_1379 = vector.extract_strided_slice %gather3A {offsets = [1], sizes = [1], strides = [1]} : vector<16xf32> to vector<1xf32>
    %squeeze3A_1380 = vector.extract %slice3A_1379[0] : f32 from vector<1xf32>
    %slice3A_1381 = vector.extract_strided_slice %select_n3A_1311 {offsets = [1], sizes = [1], strides = [1]} : vector<16xf32> to vector<1xf32>
    %squeeze3A_1382 = vector.extract %slice3A_1381[0] : f32 from vector<1xf32>
    %slice3A_1383 = vector.extract_strided_slice %get3A_3 {offsets = [1], sizes = [1], strides = [1]} : vector<16xi32> to vector<1xi32>
    %squeeze3A_1384 = vector.extract %slice3A_1383[0] : i32 from vector<1xi32>
    %add3A_1385 = arith.constant 0 : i32
    %add3A_1386 = vector.broadcast %add3A_1385 : i32 to vector<16xi32>
    %add3A_1387 = arith.addi %iota3A, %add3A_1386 : vector<16xi32>
    %gt3A_1388 = arith.constant 1 : i32
    %gt3A_1389 = vector.broadcast %gt3A_1388 : i32 to vector<16xi32>
    %gt3A_1390 = arith.cmpi sgt, %add3A_1387, %gt3A_1389 : vector<16xi32>
    %gt3A_1391 = vector.broadcast %squeeze3A_1380 : f32 to vector<16xf32>
    %gt3A_1392 = arith.cmpf ogt, %gt3A_1391, %gather3A : vector<16xf32>
    %eq3A_1393 = vector.broadcast %squeeze3A_1380 : f32 to vector<16xf32>
    %eq3A_1394 = arith.cmpf oeq, %eq3A_1393, %gather3A : vector<16xf32>
    %and3A_1395 = arith.andi %eq3A_1394, %gt3A_1390 : vector<16xi1>
    %or3A_1396 = arith.ori %gt3A_1392, %and3A_1395 : vector<16xi1>
    %convert_element_type3A_1397 = arith.extui %or3A_1396 : vector<16xi1> to vector<16xi32>
    %add3A_1398 = arith.addi %add3A_1336, %convert_element_type3A_1397 : vector<16xi32>
    %gt3A_1399 = vector.broadcast %squeeze3A_1382 : f32 to vector<16xf32>
    %gt3A_1400 = arith.cmpf ogt, %gt3A_1399, %gather3A : vector<16xf32>
    %eq3A_1401 = vector.broadcast %squeeze3A_1382 : f32 to vector<16xf32>
    %eq3A_1402 = arith.cmpf oeq, %eq3A_1401, %gather3A : vector<16xf32>
    %lt3A_1403 = vector.broadcast %squeeze3A_1384 : i32 to vector<16xi32>
    %lt3A_1404 = arith.cmpi slt, %lt3A_1403, %get3A_3 : vector<16xi32>
    %eq3A_1405 = vector.broadcast %squeeze3A_1384 : i32 to vector<16xi32>
    %eq3A_1406 = arith.cmpi eq, %eq3A_1405, %get3A_3 : vector<16xi32>
    %and3A_1407 = arith.andi %eq3A_1406, %gt3A_1390 : vector<16xi1>
    %or3A_1408 = arith.ori %lt3A_1404, %and3A_1407 : vector<16xi1>
    %and3A_1409 = arith.andi %eq3A_1402, %or3A_1408 : vector<16xi1>
    %or3A_1410 = arith.ori %gt3A_1400, %and3A_1409 : vector<16xi1>
    %convert_element_type3A_1411 = arith.extui %or3A_1410 : vector<16xi1> to vector<16xi32>
    %add3A_1412 = arith.addi %add3A_1350, %convert_element_type3A_1411 : vector<16xi32>
    %add3A_1413 = arith.constant 16 : i32
    %add3A_1414 = vector.broadcast %add3A_1413 : i32 to vector<16xi32>
    %add3A_1415 = arith.addi %iota3A, %add3A_1414 : vector<16xi32>
    %gt3A_1416 = arith.constant 1 : i32
    %gt3A_1417 = vector.broadcast %gt3A_1416 : i32 to vector<16xi32>
    %gt3A_1418 = arith.cmpi sgt, %add3A_1415, %gt3A_1417 : vector<16xi32>
    %gt3A_1419 = vector.broadcast %squeeze3A_1380 : f32 to vector<16xf32>
    %gt3A_1420 = arith.cmpf ogt, %gt3A_1419, %select_n3A_1305 : vector<16xf32>
    %eq3A_1421 = vector.broadcast %squeeze3A_1380 : f32 to vector<16xf32>
    %eq3A_1422 = arith.cmpf oeq, %eq3A_1421, %select_n3A_1305 : vector<16xf32>
    %and3A_1423 = arith.andi %eq3A_1422, %gt3A_1418 : vector<16xi1>
    %or3A_1424 = arith.ori %gt3A_1420, %and3A_1423 : vector<16xi1>
    %convert_element_type3A_1425 = arith.extui %or3A_1424 : vector<16xi1> to vector<16xi32>
    %add3A_1426 = arith.addi %add3A_1364, %convert_element_type3A_1425 : vector<16xi32>
    %gt3A_1427 = vector.broadcast %squeeze3A_1382 : f32 to vector<16xf32>
    %gt3A_1428 = arith.cmpf ogt, %gt3A_1427, %select_n3A_1305 : vector<16xf32>
    %eq3A_1429 = vector.broadcast %squeeze3A_1382 : f32 to vector<16xf32>
    %eq3A_1430 = arith.cmpf oeq, %eq3A_1429, %select_n3A_1305 : vector<16xf32>
    %lt3A_1431 = vector.broadcast %squeeze3A_1384 : i32 to vector<16xi32>
    %lt3A_1432 = arith.cmpi slt, %lt3A_1431, %select_n3A : vector<16xi32>
    %eq3A_1433 = vector.broadcast %squeeze3A_1384 : i32 to vector<16xi32>
    %eq3A_1434 = arith.cmpi eq, %eq3A_1433, %select_n3A : vector<16xi32>
    %and3A_1435 = arith.andi %eq3A_1434, %gt3A_1418 : vector<16xi1>
    %or3A_1436 = arith.ori %lt3A_1432, %and3A_1435 : vector<16xi1>
    %and3A_1437 = arith.andi %eq3A_1430, %or3A_1436 : vector<16xi1>
    %or3A_1438 = arith.ori %gt3A_1428, %and3A_1437 : vector<16xi1>
    %convert_element_type3A_1439 = arith.extui %or3A_1438 : vector<16xi1> to vector<16xi32>
    %add3A_1440 = arith.addi %add3A_1378, %convert_element_type3A_1439 : vector<16xi32>
    %slice3A_1441 = vector.extract_strided_slice %gather3A {offsets = [2], sizes = [1], strides = [1]} : vector<16xf32> to vector<1xf32>
    %squeeze3A_1442 = vector.extract %slice3A_1441[0] : f32 from vector<1xf32>
    %slice3A_1443 = vector.extract_strided_slice %select_n3A_1311 {offsets = [2], sizes = [1], strides = [1]} : vector<16xf32> to vector<1xf32>
    %squeeze3A_1444 = vector.extract %slice3A_1443[0] : f32 from vector<1xf32>
    %slice3A_1445 = vector.extract_strided_slice %get3A_3 {offsets = [2], sizes = [1], strides = [1]} : vector<16xi32> to vector<1xi32>
    %squeeze3A_1446 = vector.extract %slice3A_1445[0] : i32 from vector<1xi32>
    %add3A_1447 = arith.constant 0 : i32
    %add3A_1448 = vector.broadcast %add3A_1447 : i32 to vector<16xi32>
    %add3A_1449 = arith.addi %iota3A, %add3A_1448 : vector<16xi32>
    %gt3A_1450 = arith.constant 2 : i32
    %gt3A_1451 = vector.broadcast %gt3A_1450 : i32 to vector<16xi32>
    %gt3A_1452 = arith.cmpi sgt, %add3A_1449, %gt3A_1451 : vector<16xi32>
    %gt3A_1453 = vector.broadcast %squeeze3A_1442 : f32 to vector<16xf32>
    %gt3A_1454 = arith.cmpf ogt, %gt3A_1453, %gather3A : vector<16xf32>
    %eq3A_1455 = vector.broadcast %squeeze3A_1442 : f32 to vector<16xf32>
    %eq3A_1456 = arith.cmpf oeq, %eq3A_1455, %gather3A : vector<16xf32>
    %and3A_1457 = arith.andi %eq3A_1456, %gt3A_1452 : vector<16xi1>
    %or3A_1458 = arith.ori %gt3A_1454, %and3A_1457 : vector<16xi1>
    %convert_element_type3A_1459 = arith.extui %or3A_1458 : vector<16xi1> to vector<16xi32>
    %add3A_1460 = arith.addi %add3A_1398, %convert_element_type3A_1459 : vector<16xi32>
    %gt3A_1461 = vector.broadcast %squeeze3A_1444 : f32 to vector<16xf32>
    %gt3A_1462 = arith.cmpf ogt, %gt3A_1461, %gather3A : vector<16xf32>
    %eq3A_1463 = vector.broadcast %squeeze3A_1444 : f32 to vector<16xf32>
    %eq3A_1464 = arith.cmpf oeq, %eq3A_1463, %gather3A : vector<16xf32>
    %lt3A_1465 = vector.broadcast %squeeze3A_1446 : i32 to vector<16xi32>
    %lt3A_1466 = arith.cmpi slt, %lt3A_1465, %get3A_3 : vector<16xi32>
    %eq3A_1467 = vector.broadcast %squeeze3A_1446 : i32 to vector<16xi32>
    %eq3A_1468 = arith.cmpi eq, %eq3A_1467, %get3A_3 : vector<16xi32>
    %and3A_1469 = arith.andi %eq3A_1468, %gt3A_1452 : vector<16xi1>
    %or3A_1470 = arith.ori %lt3A_1466, %and3A_1469 : vector<16xi1>
    %and3A_1471 = arith.andi %eq3A_1464, %or3A_1470 : vector<16xi1>
    %or3A_1472 = arith.ori %gt3A_1462, %and3A_1471 : vector<16xi1>
    %convert_element_type3A_1473 = arith.extui %or3A_1472 : vector<16xi1> to vector<16xi32>
    %add3A_1474 = arith.addi %add3A_1412, %convert_element_type3A_1473 : vector<16xi32>
    %add3A_1475 = arith.constant 16 : i32
    %add3A_1476 = vector.broadcast %add3A_1475 : i32 to vector<16xi32>
    %add3A_1477 = arith.addi %iota3A, %add3A_1476 : vector<16xi32>
    %gt3A_1478 = arith.constant 2 : i32
    %gt3A_1479 = vector.broadcast %gt3A_1478 : i32 to vector<16xi32>
    %gt3A_1480 = arith.cmpi sgt, %add3A_1477, %gt3A_1479 : vector<16xi32>
    %gt3A_1481 = vector.broadcast %squeeze3A_1442 : f32 to vector<16xf32>
    %gt3A_1482 = arith.cmpf ogt, %gt3A_1481, %select_n3A_1305 : vector<16xf32>
    %eq3A_1483 = vector.broadcast %squeeze3A_1442 : f32 to vector<16xf32>
    %eq3A_1484 = arith.cmpf oeq, %eq3A_1483, %select_n3A_1305 : vector<16xf32>
    %and3A_1485 = arith.andi %eq3A_1484, %gt3A_1480 : vector<16xi1>
    %or3A_1486 = arith.ori %gt3A_1482, %and3A_1485 : vector<16xi1>
    %convert_element_type3A_1487 = arith.extui %or3A_1486 : vector<16xi1> to vector<16xi32>
    %add3A_1488 = arith.addi %add3A_1426, %convert_element_type3A_1487 : vector<16xi32>
    %gt3A_1489 = vector.broadcast %squeeze3A_1444 : f32 to vector<16xf32>
    %gt3A_1490 = arith.cmpf ogt, %gt3A_1489, %select_n3A_1305 : vector<16xf32>
    %eq3A_1491 = vector.broadcast %squeeze3A_1444 : f32 to vector<16xf32>
    %eq3A_1492 = arith.cmpf oeq, %eq3A_1491, %select_n3A_1305 : vector<16xf32>
    %lt3A_1493 = vector.broadcast %squeeze3A_1446 : i32 to vector<16xi32>
    %lt3A_1494 = arith.cmpi slt, %lt3A_1493, %select_n3A : vector<16xi32>
    %eq3A_1495 = vector.broadcast %squeeze3A_1446 : i32 to vector<16xi32>
    %eq3A_1496 = arith.cmpi eq, %eq3A_1495, %select_n3A : vector<16xi32>
    %and3A_1497 = arith.andi %eq3A_1496, %gt3A_1480 : vector<16xi1>
    %or3A_1498 = arith.ori %lt3A_1494, %and3A_1497 : vector<16xi1>
    %and3A_1499 = arith.andi %eq3A_1492, %or3A_1498 : vector<16xi1>
    %or3A_1500 = arith.ori %gt3A_1490, %and3A_1499 : vector<16xi1>
    %convert_element_type3A_1501 = arith.extui %or3A_1500 : vector<16xi1> to vector<16xi32>
    %add3A_1502 = arith.addi %add3A_1440, %convert_element_type3A_1501 : vector<16xi32>
    %slice3A_1503 = vector.extract_strided_slice %gather3A {offsets = [3], sizes = [1], strides = [1]} : vector<16xf32> to vector<1xf32>
    %squeeze3A_1504 = vector.extract %slice3A_1503[0] : f32 from vector<1xf32>
    %slice3A_1505 = vector.extract_strided_slice %select_n3A_1311 {offsets = [3], sizes = [1], strides = [1]} : vector<16xf32> to vector<1xf32>
    %squeeze3A_1506 = vector.extract %slice3A_1505[0] : f32 from vector<1xf32>
    %slice3A_1507 = vector.extract_strided_slice %get3A_3 {offsets = [3], sizes = [1], strides = [1]} : vector<16xi32> to vector<1xi32>
    %squeeze3A_1508 = vector.extract %slice3A_1507[0] : i32 from vector<1xi32>
    %add3A_1509 = arith.constant 0 : i32
    %add3A_1510 = vector.broadcast %add3A_1509 : i32 to vector<16xi32>
    %add3A_1511 = arith.addi %iota3A, %add3A_1510 : vector<16xi32>
    %gt3A_1512 = arith.constant 3 : i32
    %gt3A_1513 = vector.broadcast %gt3A_1512 : i32 to vector<16xi32>
    %gt3A_1514 = arith.cmpi sgt, %add3A_1511, %gt3A_1513 : vector<16xi32>
    %gt3A_1515 = vector.broadcast %squeeze3A_1504 : f32 to vector<16xf32>
    %gt3A_1516 = arith.cmpf ogt, %gt3A_1515, %gather3A : vector<16xf32>
    %eq3A_1517 = vector.broadcast %squeeze3A_1504 : f32 to vector<16xf32>
    %eq3A_1518 = arith.cmpf oeq, %eq3A_1517, %gather3A : vector<16xf32>
    %and3A_1519 = arith.andi %eq3A_1518, %gt3A_1514 : vector<16xi1>
    %or3A_1520 = arith.ori %gt3A_1516, %and3A_1519 : vector<16xi1>
    %convert_element_type3A_1521 = arith.extui %or3A_1520 : vector<16xi1> to vector<16xi32>
    %add3A_1522 = arith.addi %add3A_1460, %convert_element_type3A_1521 : vector<16xi32>
    %gt3A_1523 = vector.broadcast %squeeze3A_1506 : f32 to vector<16xf32>
    %gt3A_1524 = arith.cmpf ogt, %gt3A_1523, %gather3A : vector<16xf32>
    %eq3A_1525 = vector.broadcast %squeeze3A_1506 : f32 to vector<16xf32>
    %eq3A_1526 = arith.cmpf oeq, %eq3A_1525, %gather3A : vector<16xf32>
    %lt3A_1527 = vector.broadcast %squeeze3A_1508 : i32 to vector<16xi32>
    %lt3A_1528 = arith.cmpi slt, %lt3A_1527, %get3A_3 : vector<16xi32>
    %eq3A_1529 = vector.broadcast %squeeze3A_1508 : i32 to vector<16xi32>
    %eq3A_1530 = arith.cmpi eq, %eq3A_1529, %get3A_3 : vector<16xi32>
    %and3A_1531 = arith.andi %eq3A_1530, %gt3A_1514 : vector<16xi1>
    %or3A_1532 = arith.ori %lt3A_1528, %and3A_1531 : vector<16xi1>
    %and3A_1533 = arith.andi %eq3A_1526, %or3A_1532 : vector<16xi1>
    %or3A_1534 = arith.ori %gt3A_1524, %and3A_1533 : vector<16xi1>
    %convert_element_type3A_1535 = arith.extui %or3A_1534 : vector<16xi1> to vector<16xi32>
    %add3A_1536 = arith.addi %add3A_1474, %convert_element_type3A_1535 : vector<16xi32>
    %add3A_1537 = arith.constant 16 : i32
    %add3A_1538 = vector.broadcast %add3A_1537 : i32 to vector<16xi32>
    %add3A_1539 = arith.addi %iota3A, %add3A_1538 : vector<16xi32>
    %gt3A_1540 = arith.constant 3 : i32
    %gt3A_1541 = vector.broadcast %gt3A_1540 : i32 to vector<16xi32>
    %gt3A_1542 = arith.cmpi sgt, %add3A_1539, %gt3A_1541 : vector<16xi32>
    %gt3A_1543 = vector.broadcast %squeeze3A_1504 : f32 to vector<16xf32>
    %gt3A_1544 = arith.cmpf ogt, %gt3A_1543, %select_n3A_1305 : vector<16xf32>
    %eq3A_1545 = vector.broadcast %squeeze3A_1504 : f32 to vector<16xf32>
    %eq3A_1546 = arith.cmpf oeq, %eq3A_1545, %select_n3A_1305 : vector<16xf32>
    %and3A_1547 = arith.andi %eq3A_1546, %gt3A_1542 : vector<16xi1>
    %or3A_1548 = arith.ori %gt3A_1544, %and3A_1547 : vector<16xi1>
    %convert_element_type3A_1549 = arith.extui %or3A_1548 : vector<16xi1> to vector<16xi32>
    %add3A_1550 = arith.addi %add3A_1488, %convert_element_type3A_1549 : vector<16xi32>
    %gt3A_1551 = vector.broadcast %squeeze3A_1506 : f32 to vector<16xf32>
    %gt3A_1552 = arith.cmpf ogt, %gt3A_1551, %select_n3A_1305 : vector<16xf32>
    %eq3A_1553 = vector.broadcast %squeeze3A_1506 : f32 to vector<16xf32>
    %eq3A_1554 = arith.cmpf oeq, %eq3A_1553, %select_n3A_1305 : vector<16xf32>
    %lt3A_1555 = vector.broadcast %squeeze3A_1508 : i32 to vector<16xi32>
    %lt3A_1556 = arith.cmpi slt, %lt3A_1555, %select_n3A : vector<16xi32>
    %eq3A_1557 = vector.broadcast %squeeze3A_1508 : i32 to vector<16xi32>
    %eq3A_1558 = arith.cmpi eq, %eq3A_1557, %select_n3A : vector<16xi32>
    %and3A_1559 = arith.andi %eq3A_1558, %gt3A_1542 : vector<16xi1>
    %or3A_1560 = arith.ori %lt3A_1556, %and3A_1559 : vector<16xi1>
    %and3A_1561 = arith.andi %eq3A_1554, %or3A_1560 : vector<16xi1>
    %or3A_1562 = arith.ori %gt3A_1552, %and3A_1561 : vector<16xi1>
    %convert_element_type3A_1563 = arith.extui %or3A_1562 : vector<16xi1> to vector<16xi32>
    %add3A_1564 = arith.addi %add3A_1502, %convert_element_type3A_1563 : vector<16xi32>
    %slice3A_1565 = vector.extract_strided_slice %gather3A {offsets = [4], sizes = [1], strides = [1]} : vector<16xf32> to vector<1xf32>
    %squeeze3A_1566 = vector.extract %slice3A_1565[0] : f32 from vector<1xf32>
    %slice3A_1567 = vector.extract_strided_slice %select_n3A_1311 {offsets = [4], sizes = [1], strides = [1]} : vector<16xf32> to vector<1xf32>
    %squeeze3A_1568 = vector.extract %slice3A_1567[0] : f32 from vector<1xf32>
    %slice3A_1569 = vector.extract_strided_slice %get3A_3 {offsets = [4], sizes = [1], strides = [1]} : vector<16xi32> to vector<1xi32>
    %squeeze3A_1570 = vector.extract %slice3A_1569[0] : i32 from vector<1xi32>
    %add3A_1571 = arith.constant 0 : i32
    %add3A_1572 = vector.broadcast %add3A_1571 : i32 to vector<16xi32>
    %add3A_1573 = arith.addi %iota3A, %add3A_1572 : vector<16xi32>
    %gt3A_1574 = arith.constant 4 : i32
    %gt3A_1575 = vector.broadcast %gt3A_1574 : i32 to vector<16xi32>
    %gt3A_1576 = arith.cmpi sgt, %add3A_1573, %gt3A_1575 : vector<16xi32>
    %gt3A_1577 = vector.broadcast %squeeze3A_1566 : f32 to vector<16xf32>
    %gt3A_1578 = arith.cmpf ogt, %gt3A_1577, %gather3A : vector<16xf32>
    %eq3A_1579 = vector.broadcast %squeeze3A_1566 : f32 to vector<16xf32>
    %eq3A_1580 = arith.cmpf oeq, %eq3A_1579, %gather3A : vector<16xf32>
    %and3A_1581 = arith.andi %eq3A_1580, %gt3A_1576 : vector<16xi1>
    %or3A_1582 = arith.ori %gt3A_1578, %and3A_1581 : vector<16xi1>
    %convert_element_type3A_1583 = arith.extui %or3A_1582 : vector<16xi1> to vector<16xi32>
    %add3A_1584 = arith.addi %add3A_1522, %convert_element_type3A_1583 : vector<16xi32>
    %gt3A_1585 = vector.broadcast %squeeze3A_1568 : f32 to vector<16xf32>
    %gt3A_1586 = arith.cmpf ogt, %gt3A_1585, %gather3A : vector<16xf32>
    %eq3A_1587 = vector.broadcast %squeeze3A_1568 : f32 to vector<16xf32>
    %eq3A_1588 = arith.cmpf oeq, %eq3A_1587, %gather3A : vector<16xf32>
    %lt3A_1589 = vector.broadcast %squeeze3A_1570 : i32 to vector<16xi32>
    %lt3A_1590 = arith.cmpi slt, %lt3A_1589, %get3A_3 : vector<16xi32>
    %eq3A_1591 = vector.broadcast %squeeze3A_1570 : i32 to vector<16xi32>
    %eq3A_1592 = arith.cmpi eq, %eq3A_1591, %get3A_3 : vector<16xi32>
    %and3A_1593 = arith.andi %eq3A_1592, %gt3A_1576 : vector<16xi1>
    %or3A_1594 = arith.ori %lt3A_1590, %and3A_1593 : vector<16xi1>
    %and3A_1595 = arith.andi %eq3A_1588, %or3A_1594 : vector<16xi1>
    %or3A_1596 = arith.ori %gt3A_1586, %and3A_1595 : vector<16xi1>
    %convert_element_type3A_1597 = arith.extui %or3A_1596 : vector<16xi1> to vector<16xi32>
    %add3A_1598 = arith.addi %add3A_1536, %convert_element_type3A_1597 : vector<16xi32>
    %add3A_1599 = arith.constant 16 : i32
    %add3A_1600 = vector.broadcast %add3A_1599 : i32 to vector<16xi32>
    %add3A_1601 = arith.addi %iota3A, %add3A_1600 : vector<16xi32>
    %gt3A_1602 = arith.constant 4 : i32
    %gt3A_1603 = vector.broadcast %gt3A_1602 : i32 to vector<16xi32>
    %gt3A_1604 = arith.cmpi sgt, %add3A_1601, %gt3A_1603 : vector<16xi32>
    %gt3A_1605 = vector.broadcast %squeeze3A_1566 : f32 to vector<16xf32>
    %gt3A_1606 = arith.cmpf ogt, %gt3A_1605, %select_n3A_1305 : vector<16xf32>
    %eq3A_1607 = vector.broadcast %squeeze3A_1566 : f32 to vector<16xf32>
    %eq3A_1608 = arith.cmpf oeq, %eq3A_1607, %select_n3A_1305 : vector<16xf32>
    %and3A_1609 = arith.andi %eq3A_1608, %gt3A_1604 : vector<16xi1>
    %or3A_1610 = arith.ori %gt3A_1606, %and3A_1609 : vector<16xi1>
    %convert_element_type3A_1611 = arith.extui %or3A_1610 : vector<16xi1> to vector<16xi32>
    %add3A_1612 = arith.addi %add3A_1550, %convert_element_type3A_1611 : vector<16xi32>
    %gt3A_1613 = vector.broadcast %squeeze3A_1568 : f32 to vector<16xf32>
    %gt3A_1614 = arith.cmpf ogt, %gt3A_1613, %select_n3A_1305 : vector<16xf32>
    %eq3A_1615 = vector.broadcast %squeeze3A_1568 : f32 to vector<16xf32>
    %eq3A_1616 = arith.cmpf oeq, %eq3A_1615, %select_n3A_1305 : vector<16xf32>
    %lt3A_1617 = vector.broadcast %squeeze3A_1570 : i32 to vector<16xi32>
    %lt3A_1618 = arith.cmpi slt, %lt3A_1617, %select_n3A : vector<16xi32>
    %eq3A_1619 = vector.broadcast %squeeze3A_1570 : i32 to vector<16xi32>
    %eq3A_1620 = arith.cmpi eq, %eq3A_1619, %select_n3A : vector<16xi32>
    %and3A_1621 = arith.andi %eq3A_1620, %gt3A_1604 : vector<16xi1>
    %or3A_1622 = arith.ori %lt3A_1618, %and3A_1621 : vector<16xi1>
    %and3A_1623 = arith.andi %eq3A_1616, %or3A_1622 : vector<16xi1>
    %or3A_1624 = arith.ori %gt3A_1614, %and3A_1623 : vector<16xi1>
    %convert_element_type3A_1625 = arith.extui %or3A_1624 : vector<16xi1> to vector<16xi32>
    %add3A_1626 = arith.addi %add3A_1564, %convert_element_type3A_1625 : vector<16xi32>
    %slice3A_1627 = vector.extract_strided_slice %gather3A {offsets = [5], sizes = [1], strides = [1]} : vector<16xf32> to vector<1xf32>
    %squeeze3A_1628 = vector.extract %slice3A_1627[0] : f32 from vector<1xf32>
    %slice3A_1629 = vector.extract_strided_slice %select_n3A_1311 {offsets = [5], sizes = [1], strides = [1]} : vector<16xf32> to vector<1xf32>
    %squeeze3A_1630 = vector.extract %slice3A_1629[0] : f32 from vector<1xf32>
    %slice3A_1631 = vector.extract_strided_slice %get3A_3 {offsets = [5], sizes = [1], strides = [1]} : vector<16xi32> to vector<1xi32>
    %squeeze3A_1632 = vector.extract %slice3A_1631[0] : i32 from vector<1xi32>
    %add3A_1633 = arith.constant 0 : i32
    %add3A_1634 = vector.broadcast %add3A_1633 : i32 to vector<16xi32>
    %add3A_1635 = arith.addi %iota3A, %add3A_1634 : vector<16xi32>
    %gt3A_1636 = arith.constant 5 : i32
    %gt3A_1637 = vector.broadcast %gt3A_1636 : i32 to vector<16xi32>
    %gt3A_1638 = arith.cmpi sgt, %add3A_1635, %gt3A_1637 : vector<16xi32>
    %gt3A_1639 = vector.broadcast %squeeze3A_1628 : f32 to vector<16xf32>
    %gt3A_1640 = arith.cmpf ogt, %gt3A_1639, %gather3A : vector<16xf32>
    %eq3A_1641 = vector.broadcast %squeeze3A_1628 : f32 to vector<16xf32>
    %eq3A_1642 = arith.cmpf oeq, %eq3A_1641, %gather3A : vector<16xf32>
    %and3A_1643 = arith.andi %eq3A_1642, %gt3A_1638 : vector<16xi1>
    %or3A_1644 = arith.ori %gt3A_1640, %and3A_1643 : vector<16xi1>
    %convert_element_type3A_1645 = arith.extui %or3A_1644 : vector<16xi1> to vector<16xi32>
    %add3A_1646 = arith.addi %add3A_1584, %convert_element_type3A_1645 : vector<16xi32>
    %gt3A_1647 = vector.broadcast %squeeze3A_1630 : f32 to vector<16xf32>
    %gt3A_1648 = arith.cmpf ogt, %gt3A_1647, %gather3A : vector<16xf32>
    %eq3A_1649 = vector.broadcast %squeeze3A_1630 : f32 to vector<16xf32>
    %eq3A_1650 = arith.cmpf oeq, %eq3A_1649, %gather3A : vector<16xf32>
    %lt3A_1651 = vector.broadcast %squeeze3A_1632 : i32 to vector<16xi32>
    %lt3A_1652 = arith.cmpi slt, %lt3A_1651, %get3A_3 : vector<16xi32>
    %eq3A_1653 = vector.broadcast %squeeze3A_1632 : i32 to vector<16xi32>
    %eq3A_1654 = arith.cmpi eq, %eq3A_1653, %get3A_3 : vector<16xi32>
    %and3A_1655 = arith.andi %eq3A_1654, %gt3A_1638 : vector<16xi1>
    %or3A_1656 = arith.ori %lt3A_1652, %and3A_1655 : vector<16xi1>
    %and3A_1657 = arith.andi %eq3A_1650, %or3A_1656 : vector<16xi1>
    %or3A_1658 = arith.ori %gt3A_1648, %and3A_1657 : vector<16xi1>
    %convert_element_type3A_1659 = arith.extui %or3A_1658 : vector<16xi1> to vector<16xi32>
    %add3A_1660 = arith.addi %add3A_1598, %convert_element_type3A_1659 : vector<16xi32>
    %add3A_1661 = arith.constant 16 : i32
    %add3A_1662 = vector.broadcast %add3A_1661 : i32 to vector<16xi32>
    %add3A_1663 = arith.addi %iota3A, %add3A_1662 : vector<16xi32>
    %gt3A_1664 = arith.constant 5 : i32
    %gt3A_1665 = vector.broadcast %gt3A_1664 : i32 to vector<16xi32>
    %gt3A_1666 = arith.cmpi sgt, %add3A_1663, %gt3A_1665 : vector<16xi32>
    %gt3A_1667 = vector.broadcast %squeeze3A_1628 : f32 to vector<16xf32>
    %gt3A_1668 = arith.cmpf ogt, %gt3A_1667, %select_n3A_1305 : vector<16xf32>
    %eq3A_1669 = vector.broadcast %squeeze3A_1628 : f32 to vector<16xf32>
    %eq3A_1670 = arith.cmpf oeq, %eq3A_1669, %select_n3A_1305 : vector<16xf32>
    %and3A_1671 = arith.andi %eq3A_1670, %gt3A_1666 : vector<16xi1>
    %or3A_1672 = arith.ori %gt3A_1668, %and3A_1671 : vector<16xi1>
    %convert_element_type3A_1673 = arith.extui %or3A_1672 : vector<16xi1> to vector<16xi32>
    %add3A_1674 = arith.addi %add3A_1612, %convert_element_type3A_1673 : vector<16xi32>
    %gt3A_1675 = vector.broadcast %squeeze3A_1630 : f32 to vector<16xf32>
    %gt3A_1676 = arith.cmpf ogt, %gt3A_1675, %select_n3A_1305 : vector<16xf32>
    %eq3A_1677 = vector.broadcast %squeeze3A_1630 : f32 to vector<16xf32>
    %eq3A_1678 = arith.cmpf oeq, %eq3A_1677, %select_n3A_1305 : vector<16xf32>
    %lt3A_1679 = vector.broadcast %squeeze3A_1632 : i32 to vector<16xi32>
    %lt3A_1680 = arith.cmpi slt, %lt3A_1679, %select_n3A : vector<16xi32>
    %eq3A_1681 = vector.broadcast %squeeze3A_1632 : i32 to vector<16xi32>
    %eq3A_1682 = arith.cmpi eq, %eq3A_1681, %select_n3A : vector<16xi32>
    %and3A_1683 = arith.andi %eq3A_1682, %gt3A_1666 : vector<16xi1>
    %or3A_1684 = arith.ori %lt3A_1680, %and3A_1683 : vector<16xi1>
    %and3A_1685 = arith.andi %eq3A_1678, %or3A_1684 : vector<16xi1>
    %or3A_1686 = arith.ori %gt3A_1676, %and3A_1685 : vector<16xi1>
    %convert_element_type3A_1687 = arith.extui %or3A_1686 : vector<16xi1> to vector<16xi32>
    %add3A_1688 = arith.addi %add3A_1626, %convert_element_type3A_1687 : vector<16xi32>
    %slice3A_1689 = vector.extract_strided_slice %gather3A {offsets = [6], sizes = [1], strides = [1]} : vector<16xf32> to vector<1xf32>
    %squeeze3A_1690 = vector.extract %slice3A_1689[0] : f32 from vector<1xf32>
    %slice3A_1691 = vector.extract_strided_slice %select_n3A_1311 {offsets = [6], sizes = [1], strides = [1]} : vector<16xf32> to vector<1xf32>
    %squeeze3A_1692 = vector.extract %slice3A_1691[0] : f32 from vector<1xf32>
    %slice3A_1693 = vector.extract_strided_slice %get3A_3 {offsets = [6], sizes = [1], strides = [1]} : vector<16xi32> to vector<1xi32>
    %squeeze3A_1694 = vector.extract %slice3A_1693[0] : i32 from vector<1xi32>
    %add3A_1695 = arith.constant 0 : i32
    %add3A_1696 = vector.broadcast %add3A_1695 : i32 to vector<16xi32>
    %add3A_1697 = arith.addi %iota3A, %add3A_1696 : vector<16xi32>
    %gt3A_1698 = arith.constant 6 : i32
    %gt3A_1699 = vector.broadcast %gt3A_1698 : i32 to vector<16xi32>
    %gt3A_1700 = arith.cmpi sgt, %add3A_1697, %gt3A_1699 : vector<16xi32>
    %gt3A_1701 = vector.broadcast %squeeze3A_1690 : f32 to vector<16xf32>
    %gt3A_1702 = arith.cmpf ogt, %gt3A_1701, %gather3A : vector<16xf32>
    %eq3A_1703 = vector.broadcast %squeeze3A_1690 : f32 to vector<16xf32>
    %eq3A_1704 = arith.cmpf oeq, %eq3A_1703, %gather3A : vector<16xf32>
    %and3A_1705 = arith.andi %eq3A_1704, %gt3A_1700 : vector<16xi1>
    %or3A_1706 = arith.ori %gt3A_1702, %and3A_1705 : vector<16xi1>
    %convert_element_type3A_1707 = arith.extui %or3A_1706 : vector<16xi1> to vector<16xi32>
    %add3A_1708 = arith.addi %add3A_1646, %convert_element_type3A_1707 : vector<16xi32>
    %gt3A_1709 = vector.broadcast %squeeze3A_1692 : f32 to vector<16xf32>
    %gt3A_1710 = arith.cmpf ogt, %gt3A_1709, %gather3A : vector<16xf32>
    %eq3A_1711 = vector.broadcast %squeeze3A_1692 : f32 to vector<16xf32>
    %eq3A_1712 = arith.cmpf oeq, %eq3A_1711, %gather3A : vector<16xf32>
    %lt3A_1713 = vector.broadcast %squeeze3A_1694 : i32 to vector<16xi32>
    %lt3A_1714 = arith.cmpi slt, %lt3A_1713, %get3A_3 : vector<16xi32>
    %eq3A_1715 = vector.broadcast %squeeze3A_1694 : i32 to vector<16xi32>
    %eq3A_1716 = arith.cmpi eq, %eq3A_1715, %get3A_3 : vector<16xi32>
    %and3A_1717 = arith.andi %eq3A_1716, %gt3A_1700 : vector<16xi1>
    %or3A_1718 = arith.ori %lt3A_1714, %and3A_1717 : vector<16xi1>
    %and3A_1719 = arith.andi %eq3A_1712, %or3A_1718 : vector<16xi1>
    %or3A_1720 = arith.ori %gt3A_1710, %and3A_1719 : vector<16xi1>
    %convert_element_type3A_1721 = arith.extui %or3A_1720 : vector<16xi1> to vector<16xi32>
    %add3A_1722 = arith.addi %add3A_1660, %convert_element_type3A_1721 : vector<16xi32>
    %add3A_1723 = arith.constant 16 : i32
    %add3A_1724 = vector.broadcast %add3A_1723 : i32 to vector<16xi32>
    %add3A_1725 = arith.addi %iota3A, %add3A_1724 : vector<16xi32>
    %gt3A_1726 = arith.constant 6 : i32
    %gt3A_1727 = vector.broadcast %gt3A_1726 : i32 to vector<16xi32>
    %gt3A_1728 = arith.cmpi sgt, %add3A_1725, %gt3A_1727 : vector<16xi32>
    %gt3A_1729 = vector.broadcast %squeeze3A_1690 : f32 to vector<16xf32>
    %gt3A_1730 = arith.cmpf ogt, %gt3A_1729, %select_n3A_1305 : vector<16xf32>
    %eq3A_1731 = vector.broadcast %squeeze3A_1690 : f32 to vector<16xf32>
    %eq3A_1732 = arith.cmpf oeq, %eq3A_1731, %select_n3A_1305 : vector<16xf32>
    %and3A_1733 = arith.andi %eq3A_1732, %gt3A_1728 : vector<16xi1>
    %or3A_1734 = arith.ori %gt3A_1730, %and3A_1733 : vector<16xi1>
    %convert_element_type3A_1735 = arith.extui %or3A_1734 : vector<16xi1> to vector<16xi32>
    %add3A_1736 = arith.addi %add3A_1674, %convert_element_type3A_1735 : vector<16xi32>
    %gt3A_1737 = vector.broadcast %squeeze3A_1692 : f32 to vector<16xf32>
    %gt3A_1738 = arith.cmpf ogt, %gt3A_1737, %select_n3A_1305 : vector<16xf32>
    %eq3A_1739 = vector.broadcast %squeeze3A_1692 : f32 to vector<16xf32>
    %eq3A_1740 = arith.cmpf oeq, %eq3A_1739, %select_n3A_1305 : vector<16xf32>
    %lt3A_1741 = vector.broadcast %squeeze3A_1694 : i32 to vector<16xi32>
    %lt3A_1742 = arith.cmpi slt, %lt3A_1741, %select_n3A : vector<16xi32>
    %eq3A_1743 = vector.broadcast %squeeze3A_1694 : i32 to vector<16xi32>
    %eq3A_1744 = arith.cmpi eq, %eq3A_1743, %select_n3A : vector<16xi32>
    %and3A_1745 = arith.andi %eq3A_1744, %gt3A_1728 : vector<16xi1>
    %or3A_1746 = arith.ori %lt3A_1742, %and3A_1745 : vector<16xi1>
    %and3A_1747 = arith.andi %eq3A_1740, %or3A_1746 : vector<16xi1>
    %or3A_1748 = arith.ori %gt3A_1738, %and3A_1747 : vector<16xi1>
    %convert_element_type3A_1749 = arith.extui %or3A_1748 : vector<16xi1> to vector<16xi32>
    %add3A_1750 = arith.addi %add3A_1688, %convert_element_type3A_1749 : vector<16xi32>
    %slice3A_1751 = vector.extract_strided_slice %gather3A {offsets = [7], sizes = [1], strides = [1]} : vector<16xf32> to vector<1xf32>
    %squeeze3A_1752 = vector.extract %slice3A_1751[0] : f32 from vector<1xf32>
    %slice3A_1753 = vector.extract_strided_slice %select_n3A_1311 {offsets = [7], sizes = [1], strides = [1]} : vector<16xf32> to vector<1xf32>
    %squeeze3A_1754 = vector.extract %slice3A_1753[0] : f32 from vector<1xf32>
    %slice3A_1755 = vector.extract_strided_slice %get3A_3 {offsets = [7], sizes = [1], strides = [1]} : vector<16xi32> to vector<1xi32>
    %squeeze3A_1756 = vector.extract %slice3A_1755[0] : i32 from vector<1xi32>
    %add3A_1757 = arith.constant 0 : i32
    %add3A_1758 = vector.broadcast %add3A_1757 : i32 to vector<16xi32>
    %add3A_1759 = arith.addi %iota3A, %add3A_1758 : vector<16xi32>
    %gt3A_1760 = arith.constant 7 : i32
    %gt3A_1761 = vector.broadcast %gt3A_1760 : i32 to vector<16xi32>
    %gt3A_1762 = arith.cmpi sgt, %add3A_1759, %gt3A_1761 : vector<16xi32>
    %gt3A_1763 = vector.broadcast %squeeze3A_1752 : f32 to vector<16xf32>
    %gt3A_1764 = arith.cmpf ogt, %gt3A_1763, %gather3A : vector<16xf32>
    %eq3A_1765 = vector.broadcast %squeeze3A_1752 : f32 to vector<16xf32>
    %eq3A_1766 = arith.cmpf oeq, %eq3A_1765, %gather3A : vector<16xf32>
    %and3A_1767 = arith.andi %eq3A_1766, %gt3A_1762 : vector<16xi1>
    %or3A_1768 = arith.ori %gt3A_1764, %and3A_1767 : vector<16xi1>
    %convert_element_type3A_1769 = arith.extui %or3A_1768 : vector<16xi1> to vector<16xi32>
    %add3A_1770 = arith.addi %add3A_1708, %convert_element_type3A_1769 : vector<16xi32>
    %gt3A_1771 = vector.broadcast %squeeze3A_1754 : f32 to vector<16xf32>
    %gt3A_1772 = arith.cmpf ogt, %gt3A_1771, %gather3A : vector<16xf32>
    %eq3A_1773 = vector.broadcast %squeeze3A_1754 : f32 to vector<16xf32>
    %eq3A_1774 = arith.cmpf oeq, %eq3A_1773, %gather3A : vector<16xf32>
    %lt3A_1775 = vector.broadcast %squeeze3A_1756 : i32 to vector<16xi32>
    %lt3A_1776 = arith.cmpi slt, %lt3A_1775, %get3A_3 : vector<16xi32>
    %eq3A_1777 = vector.broadcast %squeeze3A_1756 : i32 to vector<16xi32>
    %eq3A_1778 = arith.cmpi eq, %eq3A_1777, %get3A_3 : vector<16xi32>
    %and3A_1779 = arith.andi %eq3A_1778, %gt3A_1762 : vector<16xi1>
    %or3A_1780 = arith.ori %lt3A_1776, %and3A_1779 : vector<16xi1>
    %and3A_1781 = arith.andi %eq3A_1774, %or3A_1780 : vector<16xi1>
    %or3A_1782 = arith.ori %gt3A_1772, %and3A_1781 : vector<16xi1>
    %convert_element_type3A_1783 = arith.extui %or3A_1782 : vector<16xi1> to vector<16xi32>
    %add3A_1784 = arith.addi %add3A_1722, %convert_element_type3A_1783 : vector<16xi32>
    %add3A_1785 = arith.constant 16 : i32
    %add3A_1786 = vector.broadcast %add3A_1785 : i32 to vector<16xi32>
    %add3A_1787 = arith.addi %iota3A, %add3A_1786 : vector<16xi32>
    %gt3A_1788 = arith.constant 7 : i32
    %gt3A_1789 = vector.broadcast %gt3A_1788 : i32 to vector<16xi32>
    %gt3A_1790 = arith.cmpi sgt, %add3A_1787, %gt3A_1789 : vector<16xi32>
    %gt3A_1791 = vector.broadcast %squeeze3A_1752 : f32 to vector<16xf32>
    %gt3A_1792 = arith.cmpf ogt, %gt3A_1791, %select_n3A_1305 : vector<16xf32>
    %eq3A_1793 = vector.broadcast %squeeze3A_1752 : f32 to vector<16xf32>
    %eq3A_1794 = arith.cmpf oeq, %eq3A_1793, %select_n3A_1305 : vector<16xf32>
    %and3A_1795 = arith.andi %eq3A_1794, %gt3A_1790 : vector<16xi1>
    %or3A_1796 = arith.ori %gt3A_1792, %and3A_1795 : vector<16xi1>
    %convert_element_type3A_1797 = arith.extui %or3A_1796 : vector<16xi1> to vector<16xi32>
    %add3A_1798 = arith.addi %add3A_1736, %convert_element_type3A_1797 : vector<16xi32>
    %gt3A_1799 = vector.broadcast %squeeze3A_1754 : f32 to vector<16xf32>
    %gt3A_1800 = arith.cmpf ogt, %gt3A_1799, %select_n3A_1305 : vector<16xf32>
    %eq3A_1801 = vector.broadcast %squeeze3A_1754 : f32 to vector<16xf32>
    %eq3A_1802 = arith.cmpf oeq, %eq3A_1801, %select_n3A_1305 : vector<16xf32>
    %lt3A_1803 = vector.broadcast %squeeze3A_1756 : i32 to vector<16xi32>
    %lt3A_1804 = arith.cmpi slt, %lt3A_1803, %select_n3A : vector<16xi32>
    %eq3A_1805 = vector.broadcast %squeeze3A_1756 : i32 to vector<16xi32>
    %eq3A_1806 = arith.cmpi eq, %eq3A_1805, %select_n3A : vector<16xi32>
    %and3A_1807 = arith.andi %eq3A_1806, %gt3A_1790 : vector<16xi1>
    %or3A_1808 = arith.ori %lt3A_1804, %and3A_1807 : vector<16xi1>
    %and3A_1809 = arith.andi %eq3A_1802, %or3A_1808 : vector<16xi1>
    %or3A_1810 = arith.ori %gt3A_1800, %and3A_1809 : vector<16xi1>
    %convert_element_type3A_1811 = arith.extui %or3A_1810 : vector<16xi1> to vector<16xi32>
    %add3A_1812 = arith.addi %add3A_1750, %convert_element_type3A_1811 : vector<16xi32>
    %slice3A_1813 = vector.extract_strided_slice %gather3A {offsets = [8], sizes = [1], strides = [1]} : vector<16xf32> to vector<1xf32>
    %squeeze3A_1814 = vector.extract %slice3A_1813[0] : f32 from vector<1xf32>
    %slice3A_1815 = vector.extract_strided_slice %select_n3A_1311 {offsets = [8], sizes = [1], strides = [1]} : vector<16xf32> to vector<1xf32>
    %squeeze3A_1816 = vector.extract %slice3A_1815[0] : f32 from vector<1xf32>
    %slice3A_1817 = vector.extract_strided_slice %get3A_3 {offsets = [8], sizes = [1], strides = [1]} : vector<16xi32> to vector<1xi32>
    %squeeze3A_1818 = vector.extract %slice3A_1817[0] : i32 from vector<1xi32>
    %add3A_1819 = arith.constant 0 : i32
    %add3A_1820 = vector.broadcast %add3A_1819 : i32 to vector<16xi32>
    %add3A_1821 = arith.addi %iota3A, %add3A_1820 : vector<16xi32>
    %gt3A_1822 = arith.constant 8 : i32
    %gt3A_1823 = vector.broadcast %gt3A_1822 : i32 to vector<16xi32>
    %gt3A_1824 = arith.cmpi sgt, %add3A_1821, %gt3A_1823 : vector<16xi32>
    %gt3A_1825 = vector.broadcast %squeeze3A_1814 : f32 to vector<16xf32>
    %gt3A_1826 = arith.cmpf ogt, %gt3A_1825, %gather3A : vector<16xf32>
    %eq3A_1827 = vector.broadcast %squeeze3A_1814 : f32 to vector<16xf32>
    %eq3A_1828 = arith.cmpf oeq, %eq3A_1827, %gather3A : vector<16xf32>
    %and3A_1829 = arith.andi %eq3A_1828, %gt3A_1824 : vector<16xi1>
    %or3A_1830 = arith.ori %gt3A_1826, %and3A_1829 : vector<16xi1>
    %convert_element_type3A_1831 = arith.extui %or3A_1830 : vector<16xi1> to vector<16xi32>
    %add3A_1832 = arith.addi %add3A_1770, %convert_element_type3A_1831 : vector<16xi32>
    %gt3A_1833 = vector.broadcast %squeeze3A_1816 : f32 to vector<16xf32>
    %gt3A_1834 = arith.cmpf ogt, %gt3A_1833, %gather3A : vector<16xf32>
    %eq3A_1835 = vector.broadcast %squeeze3A_1816 : f32 to vector<16xf32>
    %eq3A_1836 = arith.cmpf oeq, %eq3A_1835, %gather3A : vector<16xf32>
    %lt3A_1837 = vector.broadcast %squeeze3A_1818 : i32 to vector<16xi32>
    %lt3A_1838 = arith.cmpi slt, %lt3A_1837, %get3A_3 : vector<16xi32>
    %eq3A_1839 = vector.broadcast %squeeze3A_1818 : i32 to vector<16xi32>
    %eq3A_1840 = arith.cmpi eq, %eq3A_1839, %get3A_3 : vector<16xi32>
    %and3A_1841 = arith.andi %eq3A_1840, %gt3A_1824 : vector<16xi1>
    %or3A_1842 = arith.ori %lt3A_1838, %and3A_1841 : vector<16xi1>
    %and3A_1843 = arith.andi %eq3A_1836, %or3A_1842 : vector<16xi1>
    %or3A_1844 = arith.ori %gt3A_1834, %and3A_1843 : vector<16xi1>
    %convert_element_type3A_1845 = arith.extui %or3A_1844 : vector<16xi1> to vector<16xi32>
    %add3A_1846 = arith.addi %add3A_1784, %convert_element_type3A_1845 : vector<16xi32>
    %add3A_1847 = arith.constant 16 : i32
    %add3A_1848 = vector.broadcast %add3A_1847 : i32 to vector<16xi32>
    %add3A_1849 = arith.addi %iota3A, %add3A_1848 : vector<16xi32>
    %gt3A_1850 = arith.constant 8 : i32
    %gt3A_1851 = vector.broadcast %gt3A_1850 : i32 to vector<16xi32>
    %gt3A_1852 = arith.cmpi sgt, %add3A_1849, %gt3A_1851 : vector<16xi32>
    %gt3A_1853 = vector.broadcast %squeeze3A_1814 : f32 to vector<16xf32>
    %gt3A_1854 = arith.cmpf ogt, %gt3A_1853, %select_n3A_1305 : vector<16xf32>
    %eq3A_1855 = vector.broadcast %squeeze3A_1814 : f32 to vector<16xf32>
    %eq3A_1856 = arith.cmpf oeq, %eq3A_1855, %select_n3A_1305 : vector<16xf32>
    %and3A_1857 = arith.andi %eq3A_1856, %gt3A_1852 : vector<16xi1>
    %or3A_1858 = arith.ori %gt3A_1854, %and3A_1857 : vector<16xi1>
    %convert_element_type3A_1859 = arith.extui %or3A_1858 : vector<16xi1> to vector<16xi32>
    %add3A_1860 = arith.addi %add3A_1798, %convert_element_type3A_1859 : vector<16xi32>
    %gt3A_1861 = vector.broadcast %squeeze3A_1816 : f32 to vector<16xf32>
    %gt3A_1862 = arith.cmpf ogt, %gt3A_1861, %select_n3A_1305 : vector<16xf32>
    %eq3A_1863 = vector.broadcast %squeeze3A_1816 : f32 to vector<16xf32>
    %eq3A_1864 = arith.cmpf oeq, %eq3A_1863, %select_n3A_1305 : vector<16xf32>
    %lt3A_1865 = vector.broadcast %squeeze3A_1818 : i32 to vector<16xi32>
    %lt3A_1866 = arith.cmpi slt, %lt3A_1865, %select_n3A : vector<16xi32>
    %eq3A_1867 = vector.broadcast %squeeze3A_1818 : i32 to vector<16xi32>
    %eq3A_1868 = arith.cmpi eq, %eq3A_1867, %select_n3A : vector<16xi32>
    %and3A_1869 = arith.andi %eq3A_1868, %gt3A_1852 : vector<16xi1>
    %or3A_1870 = arith.ori %lt3A_1866, %and3A_1869 : vector<16xi1>
    %and3A_1871 = arith.andi %eq3A_1864, %or3A_1870 : vector<16xi1>
    %or3A_1872 = arith.ori %gt3A_1862, %and3A_1871 : vector<16xi1>
    %convert_element_type3A_1873 = arith.extui %or3A_1872 : vector<16xi1> to vector<16xi32>
    %add3A_1874 = arith.addi %add3A_1812, %convert_element_type3A_1873 : vector<16xi32>
    %slice3A_1875 = vector.extract_strided_slice %gather3A {offsets = [9], sizes = [1], strides = [1]} : vector<16xf32> to vector<1xf32>
    %squeeze3A_1876 = vector.extract %slice3A_1875[0] : f32 from vector<1xf32>
    %slice3A_1877 = vector.extract_strided_slice %select_n3A_1311 {offsets = [9], sizes = [1], strides = [1]} : vector<16xf32> to vector<1xf32>
    %squeeze3A_1878 = vector.extract %slice3A_1877[0] : f32 from vector<1xf32>
    %slice3A_1879 = vector.extract_strided_slice %get3A_3 {offsets = [9], sizes = [1], strides = [1]} : vector<16xi32> to vector<1xi32>
    %squeeze3A_1880 = vector.extract %slice3A_1879[0] : i32 from vector<1xi32>
    %add3A_1881 = arith.constant 0 : i32
    %add3A_1882 = vector.broadcast %add3A_1881 : i32 to vector<16xi32>
    %add3A_1883 = arith.addi %iota3A, %add3A_1882 : vector<16xi32>
    %gt3A_1884 = arith.constant 9 : i32
    %gt3A_1885 = vector.broadcast %gt3A_1884 : i32 to vector<16xi32>
    %gt3A_1886 = arith.cmpi sgt, %add3A_1883, %gt3A_1885 : vector<16xi32>
    %gt3A_1887 = vector.broadcast %squeeze3A_1876 : f32 to vector<16xf32>
    %gt3A_1888 = arith.cmpf ogt, %gt3A_1887, %gather3A : vector<16xf32>
    %eq3A_1889 = vector.broadcast %squeeze3A_1876 : f32 to vector<16xf32>
    %eq3A_1890 = arith.cmpf oeq, %eq3A_1889, %gather3A : vector<16xf32>
    %and3A_1891 = arith.andi %eq3A_1890, %gt3A_1886 : vector<16xi1>
    %or3A_1892 = arith.ori %gt3A_1888, %and3A_1891 : vector<16xi1>
    %convert_element_type3A_1893 = arith.extui %or3A_1892 : vector<16xi1> to vector<16xi32>
    %add3A_1894 = arith.addi %add3A_1832, %convert_element_type3A_1893 : vector<16xi32>
    %gt3A_1895 = vector.broadcast %squeeze3A_1878 : f32 to vector<16xf32>
    %gt3A_1896 = arith.cmpf ogt, %gt3A_1895, %gather3A : vector<16xf32>
    %eq3A_1897 = vector.broadcast %squeeze3A_1878 : f32 to vector<16xf32>
    %eq3A_1898 = arith.cmpf oeq, %eq3A_1897, %gather3A : vector<16xf32>
    %lt3A_1899 = vector.broadcast %squeeze3A_1880 : i32 to vector<16xi32>
    %lt3A_1900 = arith.cmpi slt, %lt3A_1899, %get3A_3 : vector<16xi32>
    %eq3A_1901 = vector.broadcast %squeeze3A_1880 : i32 to vector<16xi32>
    %eq3A_1902 = arith.cmpi eq, %eq3A_1901, %get3A_3 : vector<16xi32>
    %and3A_1903 = arith.andi %eq3A_1902, %gt3A_1886 : vector<16xi1>
    %or3A_1904 = arith.ori %lt3A_1900, %and3A_1903 : vector<16xi1>
    %and3A_1905 = arith.andi %eq3A_1898, %or3A_1904 : vector<16xi1>
    %or3A_1906 = arith.ori %gt3A_1896, %and3A_1905 : vector<16xi1>
    %convert_element_type3A_1907 = arith.extui %or3A_1906 : vector<16xi1> to vector<16xi32>
    %add3A_1908 = arith.addi %add3A_1846, %convert_element_type3A_1907 : vector<16xi32>
    %add3A_1909 = arith.constant 16 : i32
    %add3A_1910 = vector.broadcast %add3A_1909 : i32 to vector<16xi32>
    %add3A_1911 = arith.addi %iota3A, %add3A_1910 : vector<16xi32>
    %gt3A_1912 = arith.constant 9 : i32
    %gt3A_1913 = vector.broadcast %gt3A_1912 : i32 to vector<16xi32>
    %gt3A_1914 = arith.cmpi sgt, %add3A_1911, %gt3A_1913 : vector<16xi32>
    %gt3A_1915 = vector.broadcast %squeeze3A_1876 : f32 to vector<16xf32>
    %gt3A_1916 = arith.cmpf ogt, %gt3A_1915, %select_n3A_1305 : vector<16xf32>
    %eq3A_1917 = vector.broadcast %squeeze3A_1876 : f32 to vector<16xf32>
    %eq3A_1918 = arith.cmpf oeq, %eq3A_1917, %select_n3A_1305 : vector<16xf32>
    %and3A_1919 = arith.andi %eq3A_1918, %gt3A_1914 : vector<16xi1>
    %or3A_1920 = arith.ori %gt3A_1916, %and3A_1919 : vector<16xi1>
    %convert_element_type3A_1921 = arith.extui %or3A_1920 : vector<16xi1> to vector<16xi32>
    %add3A_1922 = arith.addi %add3A_1860, %convert_element_type3A_1921 : vector<16xi32>
    %gt3A_1923 = vector.broadcast %squeeze3A_1878 : f32 to vector<16xf32>
    %gt3A_1924 = arith.cmpf ogt, %gt3A_1923, %select_n3A_1305 : vector<16xf32>
    %eq3A_1925 = vector.broadcast %squeeze3A_1878 : f32 to vector<16xf32>
    %eq3A_1926 = arith.cmpf oeq, %eq3A_1925, %select_n3A_1305 : vector<16xf32>
    %lt3A_1927 = vector.broadcast %squeeze3A_1880 : i32 to vector<16xi32>
    %lt3A_1928 = arith.cmpi slt, %lt3A_1927, %select_n3A : vector<16xi32>
    %eq3A_1929 = vector.broadcast %squeeze3A_1880 : i32 to vector<16xi32>
    %eq3A_1930 = arith.cmpi eq, %eq3A_1929, %select_n3A : vector<16xi32>
    %and3A_1931 = arith.andi %eq3A_1930, %gt3A_1914 : vector<16xi1>
    %or3A_1932 = arith.ori %lt3A_1928, %and3A_1931 : vector<16xi1>
    %and3A_1933 = arith.andi %eq3A_1926, %or3A_1932 : vector<16xi1>
    %or3A_1934 = arith.ori %gt3A_1924, %and3A_1933 : vector<16xi1>
    %convert_element_type3A_1935 = arith.extui %or3A_1934 : vector<16xi1> to vector<16xi32>
    %add3A_1936 = arith.addi %add3A_1874, %convert_element_type3A_1935 : vector<16xi32>
    %slice3A_1937 = vector.extract_strided_slice %gather3A {offsets = [10], sizes = [1], strides = [1]} : vector<16xf32> to vector<1xf32>
    %squeeze3A_1938 = vector.extract %slice3A_1937[0] : f32 from vector<1xf32>
    %slice3A_1939 = vector.extract_strided_slice %select_n3A_1311 {offsets = [10], sizes = [1], strides = [1]} : vector<16xf32> to vector<1xf32>
    %squeeze3A_1940 = vector.extract %slice3A_1939[0] : f32 from vector<1xf32>
    %slice3A_1941 = vector.extract_strided_slice %get3A_3 {offsets = [10], sizes = [1], strides = [1]} : vector<16xi32> to vector<1xi32>
    %squeeze3A_1942 = vector.extract %slice3A_1941[0] : i32 from vector<1xi32>
    %add3A_1943 = arith.constant 0 : i32
    %add3A_1944 = vector.broadcast %add3A_1943 : i32 to vector<16xi32>
    %add3A_1945 = arith.addi %iota3A, %add3A_1944 : vector<16xi32>
    %gt3A_1946 = arith.constant 10 : i32
    %gt3A_1947 = vector.broadcast %gt3A_1946 : i32 to vector<16xi32>
    %gt3A_1948 = arith.cmpi sgt, %add3A_1945, %gt3A_1947 : vector<16xi32>
    %gt3A_1949 = vector.broadcast %squeeze3A_1938 : f32 to vector<16xf32>
    %gt3A_1950 = arith.cmpf ogt, %gt3A_1949, %gather3A : vector<16xf32>
    %eq3A_1951 = vector.broadcast %squeeze3A_1938 : f32 to vector<16xf32>
    %eq3A_1952 = arith.cmpf oeq, %eq3A_1951, %gather3A : vector<16xf32>
    %and3A_1953 = arith.andi %eq3A_1952, %gt3A_1948 : vector<16xi1>
    %or3A_1954 = arith.ori %gt3A_1950, %and3A_1953 : vector<16xi1>
    %convert_element_type3A_1955 = arith.extui %or3A_1954 : vector<16xi1> to vector<16xi32>
    %add3A_1956 = arith.addi %add3A_1894, %convert_element_type3A_1955 : vector<16xi32>
    %gt3A_1957 = vector.broadcast %squeeze3A_1940 : f32 to vector<16xf32>
    %gt3A_1958 = arith.cmpf ogt, %gt3A_1957, %gather3A : vector<16xf32>
    %eq3A_1959 = vector.broadcast %squeeze3A_1940 : f32 to vector<16xf32>
    %eq3A_1960 = arith.cmpf oeq, %eq3A_1959, %gather3A : vector<16xf32>
    %lt3A_1961 = vector.broadcast %squeeze3A_1942 : i32 to vector<16xi32>
    %lt3A_1962 = arith.cmpi slt, %lt3A_1961, %get3A_3 : vector<16xi32>
    %eq3A_1963 = vector.broadcast %squeeze3A_1942 : i32 to vector<16xi32>
    %eq3A_1964 = arith.cmpi eq, %eq3A_1963, %get3A_3 : vector<16xi32>
    %and3A_1965 = arith.andi %eq3A_1964, %gt3A_1948 : vector<16xi1>
    %or3A_1966 = arith.ori %lt3A_1962, %and3A_1965 : vector<16xi1>
    %and3A_1967 = arith.andi %eq3A_1960, %or3A_1966 : vector<16xi1>
    %or3A_1968 = arith.ori %gt3A_1958, %and3A_1967 : vector<16xi1>
    %convert_element_type3A_1969 = arith.extui %or3A_1968 : vector<16xi1> to vector<16xi32>
    %add3A_1970 = arith.addi %add3A_1908, %convert_element_type3A_1969 : vector<16xi32>
    %add3A_1971 = arith.constant 16 : i32
    %add3A_1972 = vector.broadcast %add3A_1971 : i32 to vector<16xi32>
    %add3A_1973 = arith.addi %iota3A, %add3A_1972 : vector<16xi32>
    %gt3A_1974 = arith.constant 10 : i32
    %gt3A_1975 = vector.broadcast %gt3A_1974 : i32 to vector<16xi32>
    %gt3A_1976 = arith.cmpi sgt, %add3A_1973, %gt3A_1975 : vector<16xi32>
    %gt3A_1977 = vector.broadcast %squeeze3A_1938 : f32 to vector<16xf32>
    %gt3A_1978 = arith.cmpf ogt, %gt3A_1977, %select_n3A_1305 : vector<16xf32>
    %eq3A_1979 = vector.broadcast %squeeze3A_1938 : f32 to vector<16xf32>
    %eq3A_1980 = arith.cmpf oeq, %eq3A_1979, %select_n3A_1305 : vector<16xf32>
    %and3A_1981 = arith.andi %eq3A_1980, %gt3A_1976 : vector<16xi1>
    %or3A_1982 = arith.ori %gt3A_1978, %and3A_1981 : vector<16xi1>
    %convert_element_type3A_1983 = arith.extui %or3A_1982 : vector<16xi1> to vector<16xi32>
    %add3A_1984 = arith.addi %add3A_1922, %convert_element_type3A_1983 : vector<16xi32>
    %gt3A_1985 = vector.broadcast %squeeze3A_1940 : f32 to vector<16xf32>
    %gt3A_1986 = arith.cmpf ogt, %gt3A_1985, %select_n3A_1305 : vector<16xf32>
    %eq3A_1987 = vector.broadcast %squeeze3A_1940 : f32 to vector<16xf32>
    %eq3A_1988 = arith.cmpf oeq, %eq3A_1987, %select_n3A_1305 : vector<16xf32>
    %lt3A_1989 = vector.broadcast %squeeze3A_1942 : i32 to vector<16xi32>
    %lt3A_1990 = arith.cmpi slt, %lt3A_1989, %select_n3A : vector<16xi32>
    %eq3A_1991 = vector.broadcast %squeeze3A_1942 : i32 to vector<16xi32>
    %eq3A_1992 = arith.cmpi eq, %eq3A_1991, %select_n3A : vector<16xi32>
    %and3A_1993 = arith.andi %eq3A_1992, %gt3A_1976 : vector<16xi1>
    %or3A_1994 = arith.ori %lt3A_1990, %and3A_1993 : vector<16xi1>
    %and3A_1995 = arith.andi %eq3A_1988, %or3A_1994 : vector<16xi1>
    %or3A_1996 = arith.ori %gt3A_1986, %and3A_1995 : vector<16xi1>
    %convert_element_type3A_1997 = arith.extui %or3A_1996 : vector<16xi1> to vector<16xi32>
    %add3A_1998 = arith.addi %add3A_1936, %convert_element_type3A_1997 : vector<16xi32>
    %slice3A_1999 = vector.extract_strided_slice %gather3A {offsets = [11], sizes = [1], strides = [1]} : vector<16xf32> to vector<1xf32>
    %squeeze3A_2000 = vector.extract %slice3A_1999[0] : f32 from vector<1xf32>
    %slice3A_2001 = vector.extract_strided_slice %select_n3A_1311 {offsets = [11], sizes = [1], strides = [1]} : vector<16xf32> to vector<1xf32>
    %squeeze3A_2002 = vector.extract %slice3A_2001[0] : f32 from vector<1xf32>
    %slice3A_2003 = vector.extract_strided_slice %get3A_3 {offsets = [11], sizes = [1], strides = [1]} : vector<16xi32> to vector<1xi32>
    %squeeze3A_2004 = vector.extract %slice3A_2003[0] : i32 from vector<1xi32>
    %add3A_2005 = arith.constant 0 : i32
    %add3A_2006 = vector.broadcast %add3A_2005 : i32 to vector<16xi32>
    %add3A_2007 = arith.addi %iota3A, %add3A_2006 : vector<16xi32>
    %gt3A_2008 = arith.constant 11 : i32
    %gt3A_2009 = vector.broadcast %gt3A_2008 : i32 to vector<16xi32>
    %gt3A_2010 = arith.cmpi sgt, %add3A_2007, %gt3A_2009 : vector<16xi32>
    %gt3A_2011 = vector.broadcast %squeeze3A_2000 : f32 to vector<16xf32>
    %gt3A_2012 = arith.cmpf ogt, %gt3A_2011, %gather3A : vector<16xf32>
    %eq3A_2013 = vector.broadcast %squeeze3A_2000 : f32 to vector<16xf32>
    %eq3A_2014 = arith.cmpf oeq, %eq3A_2013, %gather3A : vector<16xf32>
    %and3A_2015 = arith.andi %eq3A_2014, %gt3A_2010 : vector<16xi1>
    %or3A_2016 = arith.ori %gt3A_2012, %and3A_2015 : vector<16xi1>
    %convert_element_type3A_2017 = arith.extui %or3A_2016 : vector<16xi1> to vector<16xi32>
    %add3A_2018 = arith.addi %add3A_1956, %convert_element_type3A_2017 : vector<16xi32>
    %gt3A_2019 = vector.broadcast %squeeze3A_2002 : f32 to vector<16xf32>
    %gt3A_2020 = arith.cmpf ogt, %gt3A_2019, %gather3A : vector<16xf32>
    %eq3A_2021 = vector.broadcast %squeeze3A_2002 : f32 to vector<16xf32>
    %eq3A_2022 = arith.cmpf oeq, %eq3A_2021, %gather3A : vector<16xf32>
    %lt3A_2023 = vector.broadcast %squeeze3A_2004 : i32 to vector<16xi32>
    %lt3A_2024 = arith.cmpi slt, %lt3A_2023, %get3A_3 : vector<16xi32>
    %eq3A_2025 = vector.broadcast %squeeze3A_2004 : i32 to vector<16xi32>
    %eq3A_2026 = arith.cmpi eq, %eq3A_2025, %get3A_3 : vector<16xi32>
    %and3A_2027 = arith.andi %eq3A_2026, %gt3A_2010 : vector<16xi1>
    %or3A_2028 = arith.ori %lt3A_2024, %and3A_2027 : vector<16xi1>
    %and3A_2029 = arith.andi %eq3A_2022, %or3A_2028 : vector<16xi1>
    %or3A_2030 = arith.ori %gt3A_2020, %and3A_2029 : vector<16xi1>
    %convert_element_type3A_2031 = arith.extui %or3A_2030 : vector<16xi1> to vector<16xi32>
    %add3A_2032 = arith.addi %add3A_1970, %convert_element_type3A_2031 : vector<16xi32>
    %add3A_2033 = arith.constant 16 : i32
    %add3A_2034 = vector.broadcast %add3A_2033 : i32 to vector<16xi32>
    %add3A_2035 = arith.addi %iota3A, %add3A_2034 : vector<16xi32>
    %gt3A_2036 = arith.constant 11 : i32
    %gt3A_2037 = vector.broadcast %gt3A_2036 : i32 to vector<16xi32>
    %gt3A_2038 = arith.cmpi sgt, %add3A_2035, %gt3A_2037 : vector<16xi32>
    %gt3A_2039 = vector.broadcast %squeeze3A_2000 : f32 to vector<16xf32>
    %gt3A_2040 = arith.cmpf ogt, %gt3A_2039, %select_n3A_1305 : vector<16xf32>
    %eq3A_2041 = vector.broadcast %squeeze3A_2000 : f32 to vector<16xf32>
    %eq3A_2042 = arith.cmpf oeq, %eq3A_2041, %select_n3A_1305 : vector<16xf32>
    %and3A_2043 = arith.andi %eq3A_2042, %gt3A_2038 : vector<16xi1>
    %or3A_2044 = arith.ori %gt3A_2040, %and3A_2043 : vector<16xi1>
    %convert_element_type3A_2045 = arith.extui %or3A_2044 : vector<16xi1> to vector<16xi32>
    %add3A_2046 = arith.addi %add3A_1984, %convert_element_type3A_2045 : vector<16xi32>
    %gt3A_2047 = vector.broadcast %squeeze3A_2002 : f32 to vector<16xf32>
    %gt3A_2048 = arith.cmpf ogt, %gt3A_2047, %select_n3A_1305 : vector<16xf32>
    %eq3A_2049 = vector.broadcast %squeeze3A_2002 : f32 to vector<16xf32>
    %eq3A_2050 = arith.cmpf oeq, %eq3A_2049, %select_n3A_1305 : vector<16xf32>
    %lt3A_2051 = vector.broadcast %squeeze3A_2004 : i32 to vector<16xi32>
    %lt3A_2052 = arith.cmpi slt, %lt3A_2051, %select_n3A : vector<16xi32>
    %eq3A_2053 = vector.broadcast %squeeze3A_2004 : i32 to vector<16xi32>
    %eq3A_2054 = arith.cmpi eq, %eq3A_2053, %select_n3A : vector<16xi32>
    %and3A_2055 = arith.andi %eq3A_2054, %gt3A_2038 : vector<16xi1>
    %or3A_2056 = arith.ori %lt3A_2052, %and3A_2055 : vector<16xi1>
    %and3A_2057 = arith.andi %eq3A_2050, %or3A_2056 : vector<16xi1>
    %or3A_2058 = arith.ori %gt3A_2048, %and3A_2057 : vector<16xi1>
    %convert_element_type3A_2059 = arith.extui %or3A_2058 : vector<16xi1> to vector<16xi32>
    %add3A_2060 = arith.addi %add3A_1998, %convert_element_type3A_2059 : vector<16xi32>
    %slice3A_2061 = vector.extract_strided_slice %gather3A {offsets = [12], sizes = [1], strides = [1]} : vector<16xf32> to vector<1xf32>
    %squeeze3A_2062 = vector.extract %slice3A_2061[0] : f32 from vector<1xf32>
    %slice3A_2063 = vector.extract_strided_slice %select_n3A_1311 {offsets = [12], sizes = [1], strides = [1]} : vector<16xf32> to vector<1xf32>
    %squeeze3A_2064 = vector.extract %slice3A_2063[0] : f32 from vector<1xf32>
    %slice3A_2065 = vector.extract_strided_slice %get3A_3 {offsets = [12], sizes = [1], strides = [1]} : vector<16xi32> to vector<1xi32>
    %squeeze3A_2066 = vector.extract %slice3A_2065[0] : i32 from vector<1xi32>
    %add3A_2067 = arith.constant 0 : i32
    %add3A_2068 = vector.broadcast %add3A_2067 : i32 to vector<16xi32>
    %add3A_2069 = arith.addi %iota3A, %add3A_2068 : vector<16xi32>
    %gt3A_2070 = arith.constant 12 : i32
    %gt3A_2071 = vector.broadcast %gt3A_2070 : i32 to vector<16xi32>
    %gt3A_2072 = arith.cmpi sgt, %add3A_2069, %gt3A_2071 : vector<16xi32>
    %gt3A_2073 = vector.broadcast %squeeze3A_2062 : f32 to vector<16xf32>
    %gt3A_2074 = arith.cmpf ogt, %gt3A_2073, %gather3A : vector<16xf32>
    %eq3A_2075 = vector.broadcast %squeeze3A_2062 : f32 to vector<16xf32>
    %eq3A_2076 = arith.cmpf oeq, %eq3A_2075, %gather3A : vector<16xf32>
    %and3A_2077 = arith.andi %eq3A_2076, %gt3A_2072 : vector<16xi1>
    %or3A_2078 = arith.ori %gt3A_2074, %and3A_2077 : vector<16xi1>
    %convert_element_type3A_2079 = arith.extui %or3A_2078 : vector<16xi1> to vector<16xi32>
    %add3A_2080 = arith.addi %add3A_2018, %convert_element_type3A_2079 : vector<16xi32>
    %gt3A_2081 = vector.broadcast %squeeze3A_2064 : f32 to vector<16xf32>
    %gt3A_2082 = arith.cmpf ogt, %gt3A_2081, %gather3A : vector<16xf32>
    %eq3A_2083 = vector.broadcast %squeeze3A_2064 : f32 to vector<16xf32>
    %eq3A_2084 = arith.cmpf oeq, %eq3A_2083, %gather3A : vector<16xf32>
    %lt3A_2085 = vector.broadcast %squeeze3A_2066 : i32 to vector<16xi32>
    %lt3A_2086 = arith.cmpi slt, %lt3A_2085, %get3A_3 : vector<16xi32>
    %eq3A_2087 = vector.broadcast %squeeze3A_2066 : i32 to vector<16xi32>
    %eq3A_2088 = arith.cmpi eq, %eq3A_2087, %get3A_3 : vector<16xi32>
    %and3A_2089 = arith.andi %eq3A_2088, %gt3A_2072 : vector<16xi1>
    %or3A_2090 = arith.ori %lt3A_2086, %and3A_2089 : vector<16xi1>
    %and3A_2091 = arith.andi %eq3A_2084, %or3A_2090 : vector<16xi1>
    %or3A_2092 = arith.ori %gt3A_2082, %and3A_2091 : vector<16xi1>
    %convert_element_type3A_2093 = arith.extui %or3A_2092 : vector<16xi1> to vector<16xi32>
    %add3A_2094 = arith.addi %add3A_2032, %convert_element_type3A_2093 : vector<16xi32>
    %add3A_2095 = arith.constant 16 : i32
    %add3A_2096 = vector.broadcast %add3A_2095 : i32 to vector<16xi32>
    %add3A_2097 = arith.addi %iota3A, %add3A_2096 : vector<16xi32>
    %gt3A_2098 = arith.constant 12 : i32
    %gt3A_2099 = vector.broadcast %gt3A_2098 : i32 to vector<16xi32>
    %gt3A_2100 = arith.cmpi sgt, %add3A_2097, %gt3A_2099 : vector<16xi32>
    %gt3A_2101 = vector.broadcast %squeeze3A_2062 : f32 to vector<16xf32>
    %gt3A_2102 = arith.cmpf ogt, %gt3A_2101, %select_n3A_1305 : vector<16xf32>
    %eq3A_2103 = vector.broadcast %squeeze3A_2062 : f32 to vector<16xf32>
    %eq3A_2104 = arith.cmpf oeq, %eq3A_2103, %select_n3A_1305 : vector<16xf32>
    %and3A_2105 = arith.andi %eq3A_2104, %gt3A_2100 : vector<16xi1>
    %or3A_2106 = arith.ori %gt3A_2102, %and3A_2105 : vector<16xi1>
    %convert_element_type3A_2107 = arith.extui %or3A_2106 : vector<16xi1> to vector<16xi32>
    %add3A_2108 = arith.addi %add3A_2046, %convert_element_type3A_2107 : vector<16xi32>
    %gt3A_2109 = vector.broadcast %squeeze3A_2064 : f32 to vector<16xf32>
    %gt3A_2110 = arith.cmpf ogt, %gt3A_2109, %select_n3A_1305 : vector<16xf32>
    %eq3A_2111 = vector.broadcast %squeeze3A_2064 : f32 to vector<16xf32>
    %eq3A_2112 = arith.cmpf oeq, %eq3A_2111, %select_n3A_1305 : vector<16xf32>
    %lt3A_2113 = vector.broadcast %squeeze3A_2066 : i32 to vector<16xi32>
    %lt3A_2114 = arith.cmpi slt, %lt3A_2113, %select_n3A : vector<16xi32>
    %eq3A_2115 = vector.broadcast %squeeze3A_2066 : i32 to vector<16xi32>
    %eq3A_2116 = arith.cmpi eq, %eq3A_2115, %select_n3A : vector<16xi32>
    %and3A_2117 = arith.andi %eq3A_2116, %gt3A_2100 : vector<16xi1>
    %or3A_2118 = arith.ori %lt3A_2114, %and3A_2117 : vector<16xi1>
    %and3A_2119 = arith.andi %eq3A_2112, %or3A_2118 : vector<16xi1>
    %or3A_2120 = arith.ori %gt3A_2110, %and3A_2119 : vector<16xi1>
    %convert_element_type3A_2121 = arith.extui %or3A_2120 : vector<16xi1> to vector<16xi32>
    %add3A_2122 = arith.addi %add3A_2060, %convert_element_type3A_2121 : vector<16xi32>
    %slice3A_2123 = vector.extract_strided_slice %gather3A {offsets = [13], sizes = [1], strides = [1]} : vector<16xf32> to vector<1xf32>
    %squeeze3A_2124 = vector.extract %slice3A_2123[0] : f32 from vector<1xf32>
    %slice3A_2125 = vector.extract_strided_slice %select_n3A_1311 {offsets = [13], sizes = [1], strides = [1]} : vector<16xf32> to vector<1xf32>
    %squeeze3A_2126 = vector.extract %slice3A_2125[0] : f32 from vector<1xf32>
    %slice3A_2127 = vector.extract_strided_slice %get3A_3 {offsets = [13], sizes = [1], strides = [1]} : vector<16xi32> to vector<1xi32>
    %squeeze3A_2128 = vector.extract %slice3A_2127[0] : i32 from vector<1xi32>
    %add3A_2129 = arith.constant 0 : i32
    %add3A_2130 = vector.broadcast %add3A_2129 : i32 to vector<16xi32>
    %add3A_2131 = arith.addi %iota3A, %add3A_2130 : vector<16xi32>
    %gt3A_2132 = arith.constant 13 : i32
    %gt3A_2133 = vector.broadcast %gt3A_2132 : i32 to vector<16xi32>
    %gt3A_2134 = arith.cmpi sgt, %add3A_2131, %gt3A_2133 : vector<16xi32>
    %gt3A_2135 = vector.broadcast %squeeze3A_2124 : f32 to vector<16xf32>
    %gt3A_2136 = arith.cmpf ogt, %gt3A_2135, %gather3A : vector<16xf32>
    %eq3A_2137 = vector.broadcast %squeeze3A_2124 : f32 to vector<16xf32>
    %eq3A_2138 = arith.cmpf oeq, %eq3A_2137, %gather3A : vector<16xf32>
    %and3A_2139 = arith.andi %eq3A_2138, %gt3A_2134 : vector<16xi1>
    %or3A_2140 = arith.ori %gt3A_2136, %and3A_2139 : vector<16xi1>
    %convert_element_type3A_2141 = arith.extui %or3A_2140 : vector<16xi1> to vector<16xi32>
    %add3A_2142 = arith.addi %add3A_2080, %convert_element_type3A_2141 : vector<16xi32>
    %gt3A_2143 = vector.broadcast %squeeze3A_2126 : f32 to vector<16xf32>
    %gt3A_2144 = arith.cmpf ogt, %gt3A_2143, %gather3A : vector<16xf32>
    %eq3A_2145 = vector.broadcast %squeeze3A_2126 : f32 to vector<16xf32>
    %eq3A_2146 = arith.cmpf oeq, %eq3A_2145, %gather3A : vector<16xf32>
    %lt3A_2147 = vector.broadcast %squeeze3A_2128 : i32 to vector<16xi32>
    %lt3A_2148 = arith.cmpi slt, %lt3A_2147, %get3A_3 : vector<16xi32>
    %eq3A_2149 = vector.broadcast %squeeze3A_2128 : i32 to vector<16xi32>
    %eq3A_2150 = arith.cmpi eq, %eq3A_2149, %get3A_3 : vector<16xi32>
    %and3A_2151 = arith.andi %eq3A_2150, %gt3A_2134 : vector<16xi1>
    %or3A_2152 = arith.ori %lt3A_2148, %and3A_2151 : vector<16xi1>
    %and3A_2153 = arith.andi %eq3A_2146, %or3A_2152 : vector<16xi1>
    %or3A_2154 = arith.ori %gt3A_2144, %and3A_2153 : vector<16xi1>
    %convert_element_type3A_2155 = arith.extui %or3A_2154 : vector<16xi1> to vector<16xi32>
    %add3A_2156 = arith.addi %add3A_2094, %convert_element_type3A_2155 : vector<16xi32>
    %add3A_2157 = arith.constant 16 : i32
    %add3A_2158 = vector.broadcast %add3A_2157 : i32 to vector<16xi32>
    %add3A_2159 = arith.addi %iota3A, %add3A_2158 : vector<16xi32>
    %gt3A_2160 = arith.constant 13 : i32
    %gt3A_2161 = vector.broadcast %gt3A_2160 : i32 to vector<16xi32>
    %gt3A_2162 = arith.cmpi sgt, %add3A_2159, %gt3A_2161 : vector<16xi32>
    %gt3A_2163 = vector.broadcast %squeeze3A_2124 : f32 to vector<16xf32>
    %gt3A_2164 = arith.cmpf ogt, %gt3A_2163, %select_n3A_1305 : vector<16xf32>
    %eq3A_2165 = vector.broadcast %squeeze3A_2124 : f32 to vector<16xf32>
    %eq3A_2166 = arith.cmpf oeq, %eq3A_2165, %select_n3A_1305 : vector<16xf32>
    %and3A_2167 = arith.andi %eq3A_2166, %gt3A_2162 : vector<16xi1>
    %or3A_2168 = arith.ori %gt3A_2164, %and3A_2167 : vector<16xi1>
    %convert_element_type3A_2169 = arith.extui %or3A_2168 : vector<16xi1> to vector<16xi32>
    %add3A_2170 = arith.addi %add3A_2108, %convert_element_type3A_2169 : vector<16xi32>
    %gt3A_2171 = vector.broadcast %squeeze3A_2126 : f32 to vector<16xf32>
    %gt3A_2172 = arith.cmpf ogt, %gt3A_2171, %select_n3A_1305 : vector<16xf32>
    %eq3A_2173 = vector.broadcast %squeeze3A_2126 : f32 to vector<16xf32>
    %eq3A_2174 = arith.cmpf oeq, %eq3A_2173, %select_n3A_1305 : vector<16xf32>
    %lt3A_2175 = vector.broadcast %squeeze3A_2128 : i32 to vector<16xi32>
    %lt3A_2176 = arith.cmpi slt, %lt3A_2175, %select_n3A : vector<16xi32>
    %eq3A_2177 = vector.broadcast %squeeze3A_2128 : i32 to vector<16xi32>
    %eq3A_2178 = arith.cmpi eq, %eq3A_2177, %select_n3A : vector<16xi32>
    %and3A_2179 = arith.andi %eq3A_2178, %gt3A_2162 : vector<16xi1>
    %or3A_2180 = arith.ori %lt3A_2176, %and3A_2179 : vector<16xi1>
    %and3A_2181 = arith.andi %eq3A_2174, %or3A_2180 : vector<16xi1>
    %or3A_2182 = arith.ori %gt3A_2172, %and3A_2181 : vector<16xi1>
    %convert_element_type3A_2183 = arith.extui %or3A_2182 : vector<16xi1> to vector<16xi32>
    %add3A_2184 = arith.addi %add3A_2122, %convert_element_type3A_2183 : vector<16xi32>
    %slice3A_2185 = vector.extract_strided_slice %gather3A {offsets = [14], sizes = [1], strides = [1]} : vector<16xf32> to vector<1xf32>
    %squeeze3A_2186 = vector.extract %slice3A_2185[0] : f32 from vector<1xf32>
    %slice3A_2187 = vector.extract_strided_slice %select_n3A_1311 {offsets = [14], sizes = [1], strides = [1]} : vector<16xf32> to vector<1xf32>
    %squeeze3A_2188 = vector.extract %slice3A_2187[0] : f32 from vector<1xf32>
    %slice3A_2189 = vector.extract_strided_slice %get3A_3 {offsets = [14], sizes = [1], strides = [1]} : vector<16xi32> to vector<1xi32>
    %squeeze3A_2190 = vector.extract %slice3A_2189[0] : i32 from vector<1xi32>
    %add3A_2191 = arith.constant 0 : i32
    %add3A_2192 = vector.broadcast %add3A_2191 : i32 to vector<16xi32>
    %add3A_2193 = arith.addi %iota3A, %add3A_2192 : vector<16xi32>
    %gt3A_2194 = arith.constant 14 : i32
    %gt3A_2195 = vector.broadcast %gt3A_2194 : i32 to vector<16xi32>
    %gt3A_2196 = arith.cmpi sgt, %add3A_2193, %gt3A_2195 : vector<16xi32>
    %gt3A_2197 = vector.broadcast %squeeze3A_2186 : f32 to vector<16xf32>
    %gt3A_2198 = arith.cmpf ogt, %gt3A_2197, %gather3A : vector<16xf32>
    %eq3A_2199 = vector.broadcast %squeeze3A_2186 : f32 to vector<16xf32>
    %eq3A_2200 = arith.cmpf oeq, %eq3A_2199, %gather3A : vector<16xf32>
    %and3A_2201 = arith.andi %eq3A_2200, %gt3A_2196 : vector<16xi1>
    %or3A_2202 = arith.ori %gt3A_2198, %and3A_2201 : vector<16xi1>
    %convert_element_type3A_2203 = arith.extui %or3A_2202 : vector<16xi1> to vector<16xi32>
    %add3A_2204 = arith.addi %add3A_2142, %convert_element_type3A_2203 : vector<16xi32>
    %gt3A_2205 = vector.broadcast %squeeze3A_2188 : f32 to vector<16xf32>
    %gt3A_2206 = arith.cmpf ogt, %gt3A_2205, %gather3A : vector<16xf32>
    %eq3A_2207 = vector.broadcast %squeeze3A_2188 : f32 to vector<16xf32>
    %eq3A_2208 = arith.cmpf oeq, %eq3A_2207, %gather3A : vector<16xf32>
    %lt3A_2209 = vector.broadcast %squeeze3A_2190 : i32 to vector<16xi32>
    %lt3A_2210 = arith.cmpi slt, %lt3A_2209, %get3A_3 : vector<16xi32>
    %eq3A_2211 = vector.broadcast %squeeze3A_2190 : i32 to vector<16xi32>
    %eq3A_2212 = arith.cmpi eq, %eq3A_2211, %get3A_3 : vector<16xi32>
    %and3A_2213 = arith.andi %eq3A_2212, %gt3A_2196 : vector<16xi1>
    %or3A_2214 = arith.ori %lt3A_2210, %and3A_2213 : vector<16xi1>
    %and3A_2215 = arith.andi %eq3A_2208, %or3A_2214 : vector<16xi1>
    %or3A_2216 = arith.ori %gt3A_2206, %and3A_2215 : vector<16xi1>
    %convert_element_type3A_2217 = arith.extui %or3A_2216 : vector<16xi1> to vector<16xi32>
    %add3A_2218 = arith.addi %add3A_2156, %convert_element_type3A_2217 : vector<16xi32>
    %add3A_2219 = arith.constant 16 : i32
    %add3A_2220 = vector.broadcast %add3A_2219 : i32 to vector<16xi32>
    %add3A_2221 = arith.addi %iota3A, %add3A_2220 : vector<16xi32>
    %gt3A_2222 = arith.constant 14 : i32
    %gt3A_2223 = vector.broadcast %gt3A_2222 : i32 to vector<16xi32>
    %gt3A_2224 = arith.cmpi sgt, %add3A_2221, %gt3A_2223 : vector<16xi32>
    %gt3A_2225 = vector.broadcast %squeeze3A_2186 : f32 to vector<16xf32>
    %gt3A_2226 = arith.cmpf ogt, %gt3A_2225, %select_n3A_1305 : vector<16xf32>
    %eq3A_2227 = vector.broadcast %squeeze3A_2186 : f32 to vector<16xf32>
    %eq3A_2228 = arith.cmpf oeq, %eq3A_2227, %select_n3A_1305 : vector<16xf32>
    %and3A_2229 = arith.andi %eq3A_2228, %gt3A_2224 : vector<16xi1>
    %or3A_2230 = arith.ori %gt3A_2226, %and3A_2229 : vector<16xi1>
    %convert_element_type3A_2231 = arith.extui %or3A_2230 : vector<16xi1> to vector<16xi32>
    %add3A_2232 = arith.addi %add3A_2170, %convert_element_type3A_2231 : vector<16xi32>
    %gt3A_2233 = vector.broadcast %squeeze3A_2188 : f32 to vector<16xf32>
    %gt3A_2234 = arith.cmpf ogt, %gt3A_2233, %select_n3A_1305 : vector<16xf32>
    %eq3A_2235 = vector.broadcast %squeeze3A_2188 : f32 to vector<16xf32>
    %eq3A_2236 = arith.cmpf oeq, %eq3A_2235, %select_n3A_1305 : vector<16xf32>
    %lt3A_2237 = vector.broadcast %squeeze3A_2190 : i32 to vector<16xi32>
    %lt3A_2238 = arith.cmpi slt, %lt3A_2237, %select_n3A : vector<16xi32>
    %eq3A_2239 = vector.broadcast %squeeze3A_2190 : i32 to vector<16xi32>
    %eq3A_2240 = arith.cmpi eq, %eq3A_2239, %select_n3A : vector<16xi32>
    %and3A_2241 = arith.andi %eq3A_2240, %gt3A_2224 : vector<16xi1>
    %or3A_2242 = arith.ori %lt3A_2238, %and3A_2241 : vector<16xi1>
    %and3A_2243 = arith.andi %eq3A_2236, %or3A_2242 : vector<16xi1>
    %or3A_2244 = arith.ori %gt3A_2234, %and3A_2243 : vector<16xi1>
    %convert_element_type3A_2245 = arith.extui %or3A_2244 : vector<16xi1> to vector<16xi32>
    %add3A_2246 = arith.addi %add3A_2184, %convert_element_type3A_2245 : vector<16xi32>
    %slice3A_2247 = vector.extract_strided_slice %gather3A {offsets = [15], sizes = [1], strides = [1]} : vector<16xf32> to vector<1xf32>
    %squeeze3A_2248 = vector.extract %slice3A_2247[0] : f32 from vector<1xf32>
    %slice3A_2249 = vector.extract_strided_slice %select_n3A_1311 {offsets = [15], sizes = [1], strides = [1]} : vector<16xf32> to vector<1xf32>
    %squeeze3A_2250 = vector.extract %slice3A_2249[0] : f32 from vector<1xf32>
    %slice3A_2251 = vector.extract_strided_slice %get3A_3 {offsets = [15], sizes = [1], strides = [1]} : vector<16xi32> to vector<1xi32>
    %squeeze3A_2252 = vector.extract %slice3A_2251[0] : i32 from vector<1xi32>
    %add3A_2253 = arith.constant 0 : i32
    %add3A_2254 = vector.broadcast %add3A_2253 : i32 to vector<16xi32>
    %add3A_2255 = arith.addi %iota3A, %add3A_2254 : vector<16xi32>
    %gt3A_2256 = arith.constant 15 : i32
    %gt3A_2257 = vector.broadcast %gt3A_2256 : i32 to vector<16xi32>
    %gt3A_2258 = arith.cmpi sgt, %add3A_2255, %gt3A_2257 : vector<16xi32>
    %gt3A_2259 = vector.broadcast %squeeze3A_2248 : f32 to vector<16xf32>
    %gt3A_2260 = arith.cmpf ogt, %gt3A_2259, %gather3A : vector<16xf32>
    %eq3A_2261 = vector.broadcast %squeeze3A_2248 : f32 to vector<16xf32>
    %eq3A_2262 = arith.cmpf oeq, %eq3A_2261, %gather3A : vector<16xf32>
    %and3A_2263 = arith.andi %eq3A_2262, %gt3A_2258 : vector<16xi1>
    %or3A_2264 = arith.ori %gt3A_2260, %and3A_2263 : vector<16xi1>
    %convert_element_type3A_2265 = arith.extui %or3A_2264 : vector<16xi1> to vector<16xi32>
    %add3A_2266 = arith.addi %add3A_2204, %convert_element_type3A_2265 : vector<16xi32>
    %gt3A_2267 = vector.broadcast %squeeze3A_2250 : f32 to vector<16xf32>
    %gt3A_2268 = arith.cmpf ogt, %gt3A_2267, %gather3A : vector<16xf32>
    %eq3A_2269 = vector.broadcast %squeeze3A_2250 : f32 to vector<16xf32>
    %eq3A_2270 = arith.cmpf oeq, %eq3A_2269, %gather3A : vector<16xf32>
    %lt3A_2271 = vector.broadcast %squeeze3A_2252 : i32 to vector<16xi32>
    %lt3A_2272 = arith.cmpi slt, %lt3A_2271, %get3A_3 : vector<16xi32>
    %eq3A_2273 = vector.broadcast %squeeze3A_2252 : i32 to vector<16xi32>
    %eq3A_2274 = arith.cmpi eq, %eq3A_2273, %get3A_3 : vector<16xi32>
    %and3A_2275 = arith.andi %eq3A_2274, %gt3A_2258 : vector<16xi1>
    %or3A_2276 = arith.ori %lt3A_2272, %and3A_2275 : vector<16xi1>
    %and3A_2277 = arith.andi %eq3A_2270, %or3A_2276 : vector<16xi1>
    %or3A_2278 = arith.ori %gt3A_2268, %and3A_2277 : vector<16xi1>
    %convert_element_type3A_2279 = arith.extui %or3A_2278 : vector<16xi1> to vector<16xi32>
    %add3A_2280 = arith.addi %add3A_2218, %convert_element_type3A_2279 : vector<16xi32>
    %add3A_2281 = arith.constant 16 : i32
    %add3A_2282 = vector.broadcast %add3A_2281 : i32 to vector<16xi32>
    %add3A_2283 = arith.addi %iota3A, %add3A_2282 : vector<16xi32>
    %gt3A_2284 = arith.constant 15 : i32
    %gt3A_2285 = vector.broadcast %gt3A_2284 : i32 to vector<16xi32>
    %gt3A_2286 = arith.cmpi sgt, %add3A_2283, %gt3A_2285 : vector<16xi32>
    %gt3A_2287 = vector.broadcast %squeeze3A_2248 : f32 to vector<16xf32>
    %gt3A_2288 = arith.cmpf ogt, %gt3A_2287, %select_n3A_1305 : vector<16xf32>
    %eq3A_2289 = vector.broadcast %squeeze3A_2248 : f32 to vector<16xf32>
    %eq3A_2290 = arith.cmpf oeq, %eq3A_2289, %select_n3A_1305 : vector<16xf32>
    %and3A_2291 = arith.andi %eq3A_2290, %gt3A_2286 : vector<16xi1>
    %or3A_2292 = arith.ori %gt3A_2288, %and3A_2291 : vector<16xi1>
    %convert_element_type3A_2293 = arith.extui %or3A_2292 : vector<16xi1> to vector<16xi32>
    %add3A_2294 = arith.addi %add3A_2232, %convert_element_type3A_2293 : vector<16xi32>
    %gt3A_2295 = vector.broadcast %squeeze3A_2250 : f32 to vector<16xf32>
    %gt3A_2296 = arith.cmpf ogt, %gt3A_2295, %select_n3A_1305 : vector<16xf32>
    %eq3A_2297 = vector.broadcast %squeeze3A_2250 : f32 to vector<16xf32>
    %eq3A_2298 = arith.cmpf oeq, %eq3A_2297, %select_n3A_1305 : vector<16xf32>
    %lt3A_2299 = vector.broadcast %squeeze3A_2252 : i32 to vector<16xi32>
    %lt3A_2300 = arith.cmpi slt, %lt3A_2299, %select_n3A : vector<16xi32>
    %eq3A_2301 = vector.broadcast %squeeze3A_2252 : i32 to vector<16xi32>
    %eq3A_2302 = arith.cmpi eq, %eq3A_2301, %select_n3A : vector<16xi32>
    %and3A_2303 = arith.andi %eq3A_2302, %gt3A_2286 : vector<16xi1>
    %or3A_2304 = arith.ori %lt3A_2300, %and3A_2303 : vector<16xi1>
    %and3A_2305 = arith.andi %eq3A_2298, %or3A_2304 : vector<16xi1>
    %or3A_2306 = arith.ori %gt3A_2296, %and3A_2305 : vector<16xi1>
    %convert_element_type3A_2307 = arith.extui %or3A_2306 : vector<16xi1> to vector<16xi32>
    %add3A_2308 = arith.addi %add3A_2246, %convert_element_type3A_2307 : vector<16xi32>
    %slice3A_2309 = vector.extract_strided_slice %select_n3A_1305 {offsets = [0], sizes = [1], strides = [1]} : vector<16xf32> to vector<1xf32>
    %squeeze3A_2310 = vector.extract %slice3A_2309[0] : f32 from vector<1xf32>
    %slice3A_2311 = vector.extract_strided_slice %select_n3A_1317 {offsets = [0], sizes = [1], strides = [1]} : vector<16xf32> to vector<1xf32>
    %squeeze3A_2312 = vector.extract %slice3A_2311[0] : f32 from vector<1xf32>
    %slice3A_2313 = vector.extract_strided_slice %select_n3A {offsets = [0], sizes = [1], strides = [1]} : vector<16xi32> to vector<1xi32>
    %squeeze3A_2314 = vector.extract %slice3A_2313[0] : i32 from vector<1xi32>
    %add3A_2315 = arith.constant 0 : i32
    %add3A_2316 = vector.broadcast %add3A_2315 : i32 to vector<16xi32>
    %add3A_2317 = arith.addi %iota3A, %add3A_2316 : vector<16xi32>
    %gt3A_2318 = arith.constant 16 : i32
    %gt3A_2319 = vector.broadcast %gt3A_2318 : i32 to vector<16xi32>
    %gt3A_2320 = arith.cmpi sgt, %add3A_2317, %gt3A_2319 : vector<16xi32>
    %gt3A_2321 = vector.broadcast %squeeze3A_2310 : f32 to vector<16xf32>
    %gt3A_2322 = arith.cmpf ogt, %gt3A_2321, %gather3A : vector<16xf32>
    %eq3A_2323 = vector.broadcast %squeeze3A_2310 : f32 to vector<16xf32>
    %eq3A_2324 = arith.cmpf oeq, %eq3A_2323, %gather3A : vector<16xf32>
    %and3A_2325 = arith.andi %eq3A_2324, %gt3A_2320 : vector<16xi1>
    %or3A_2326 = arith.ori %gt3A_2322, %and3A_2325 : vector<16xi1>
    %convert_element_type3A_2327 = arith.extui %or3A_2326 : vector<16xi1> to vector<16xi32>
    %add3A_2328 = arith.addi %add3A_2266, %convert_element_type3A_2327 : vector<16xi32>
    %gt3A_2329 = vector.broadcast %squeeze3A_2312 : f32 to vector<16xf32>
    %gt3A_2330 = arith.cmpf ogt, %gt3A_2329, %gather3A : vector<16xf32>
    %eq3A_2331 = vector.broadcast %squeeze3A_2312 : f32 to vector<16xf32>
    %eq3A_2332 = arith.cmpf oeq, %eq3A_2331, %gather3A : vector<16xf32>
    %lt3A_2333 = vector.broadcast %squeeze3A_2314 : i32 to vector<16xi32>
    %lt3A_2334 = arith.cmpi slt, %lt3A_2333, %get3A_3 : vector<16xi32>
    %eq3A_2335 = vector.broadcast %squeeze3A_2314 : i32 to vector<16xi32>
    %eq3A_2336 = arith.cmpi eq, %eq3A_2335, %get3A_3 : vector<16xi32>
    %and3A_2337 = arith.andi %eq3A_2336, %gt3A_2320 : vector<16xi1>
    %or3A_2338 = arith.ori %lt3A_2334, %and3A_2337 : vector<16xi1>
    %and3A_2339 = arith.andi %eq3A_2332, %or3A_2338 : vector<16xi1>
    %or3A_2340 = arith.ori %gt3A_2330, %and3A_2339 : vector<16xi1>
    %convert_element_type3A_2341 = arith.extui %or3A_2340 : vector<16xi1> to vector<16xi32>
    %add3A_2342 = arith.addi %add3A_2280, %convert_element_type3A_2341 : vector<16xi32>
    %add3A_2343 = arith.constant 16 : i32
    %add3A_2344 = vector.broadcast %add3A_2343 : i32 to vector<16xi32>
    %add3A_2345 = arith.addi %iota3A, %add3A_2344 : vector<16xi32>
    %gt3A_2346 = arith.constant 16 : i32
    %gt3A_2347 = vector.broadcast %gt3A_2346 : i32 to vector<16xi32>
    %gt3A_2348 = arith.cmpi sgt, %add3A_2345, %gt3A_2347 : vector<16xi32>
    %gt3A_2349 = vector.broadcast %squeeze3A_2310 : f32 to vector<16xf32>
    %gt3A_2350 = arith.cmpf ogt, %gt3A_2349, %select_n3A_1305 : vector<16xf32>
    %eq3A_2351 = vector.broadcast %squeeze3A_2310 : f32 to vector<16xf32>
    %eq3A_2352 = arith.cmpf oeq, %eq3A_2351, %select_n3A_1305 : vector<16xf32>
    %and3A_2353 = arith.andi %eq3A_2352, %gt3A_2348 : vector<16xi1>
    %or3A_2354 = arith.ori %gt3A_2350, %and3A_2353 : vector<16xi1>
    %convert_element_type3A_2355 = arith.extui %or3A_2354 : vector<16xi1> to vector<16xi32>
    %add3A_2356 = arith.addi %add3A_2294, %convert_element_type3A_2355 : vector<16xi32>
    %gt3A_2357 = vector.broadcast %squeeze3A_2312 : f32 to vector<16xf32>
    %gt3A_2358 = arith.cmpf ogt, %gt3A_2357, %select_n3A_1305 : vector<16xf32>
    %eq3A_2359 = vector.broadcast %squeeze3A_2312 : f32 to vector<16xf32>
    %eq3A_2360 = arith.cmpf oeq, %eq3A_2359, %select_n3A_1305 : vector<16xf32>
    %lt3A_2361 = vector.broadcast %squeeze3A_2314 : i32 to vector<16xi32>
    %lt3A_2362 = arith.cmpi slt, %lt3A_2361, %select_n3A : vector<16xi32>
    %eq3A_2363 = vector.broadcast %squeeze3A_2314 : i32 to vector<16xi32>
    %eq3A_2364 = arith.cmpi eq, %eq3A_2363, %select_n3A : vector<16xi32>
    %and3A_2365 = arith.andi %eq3A_2364, %gt3A_2348 : vector<16xi1>
    %or3A_2366 = arith.ori %lt3A_2362, %and3A_2365 : vector<16xi1>
    %and3A_2367 = arith.andi %eq3A_2360, %or3A_2366 : vector<16xi1>
    %or3A_2368 = arith.ori %gt3A_2358, %and3A_2367 : vector<16xi1>
    %convert_element_type3A_2369 = arith.extui %or3A_2368 : vector<16xi1> to vector<16xi32>
    %add3A_2370 = arith.addi %add3A_2308, %convert_element_type3A_2369 : vector<16xi32>
    %slice3A_2371 = vector.extract_strided_slice %select_n3A_1305 {offsets = [1], sizes = [1], strides = [1]} : vector<16xf32> to vector<1xf32>
    %squeeze3A_2372 = vector.extract %slice3A_2371[0] : f32 from vector<1xf32>
    %slice3A_2373 = vector.extract_strided_slice %select_n3A_1317 {offsets = [1], sizes = [1], strides = [1]} : vector<16xf32> to vector<1xf32>
    %squeeze3A_2374 = vector.extract %slice3A_2373[0] : f32 from vector<1xf32>
    %slice3A_2375 = vector.extract_strided_slice %select_n3A {offsets = [1], sizes = [1], strides = [1]} : vector<16xi32> to vector<1xi32>
    %squeeze3A_2376 = vector.extract %slice3A_2375[0] : i32 from vector<1xi32>
    %add3A_2377 = arith.constant 0 : i32
    %add3A_2378 = vector.broadcast %add3A_2377 : i32 to vector<16xi32>
    %add3A_2379 = arith.addi %iota3A, %add3A_2378 : vector<16xi32>
    %gt3A_2380 = arith.constant 17 : i32
    %gt3A_2381 = vector.broadcast %gt3A_2380 : i32 to vector<16xi32>
    %gt3A_2382 = arith.cmpi sgt, %add3A_2379, %gt3A_2381 : vector<16xi32>
    %gt3A_2383 = vector.broadcast %squeeze3A_2372 : f32 to vector<16xf32>
    %gt3A_2384 = arith.cmpf ogt, %gt3A_2383, %gather3A : vector<16xf32>
    %eq3A_2385 = vector.broadcast %squeeze3A_2372 : f32 to vector<16xf32>
    %eq3A_2386 = arith.cmpf oeq, %eq3A_2385, %gather3A : vector<16xf32>
    %and3A_2387 = arith.andi %eq3A_2386, %gt3A_2382 : vector<16xi1>
    %or3A_2388 = arith.ori %gt3A_2384, %and3A_2387 : vector<16xi1>
    %convert_element_type3A_2389 = arith.extui %or3A_2388 : vector<16xi1> to vector<16xi32>
    %add3A_2390 = arith.addi %add3A_2328, %convert_element_type3A_2389 : vector<16xi32>
    %gt3A_2391 = vector.broadcast %squeeze3A_2374 : f32 to vector<16xf32>
    %gt3A_2392 = arith.cmpf ogt, %gt3A_2391, %gather3A : vector<16xf32>
    %eq3A_2393 = vector.broadcast %squeeze3A_2374 : f32 to vector<16xf32>
    %eq3A_2394 = arith.cmpf oeq, %eq3A_2393, %gather3A : vector<16xf32>
    %lt3A_2395 = vector.broadcast %squeeze3A_2376 : i32 to vector<16xi32>
    %lt3A_2396 = arith.cmpi slt, %lt3A_2395, %get3A_3 : vector<16xi32>
    %eq3A_2397 = vector.broadcast %squeeze3A_2376 : i32 to vector<16xi32>
    %eq3A_2398 = arith.cmpi eq, %eq3A_2397, %get3A_3 : vector<16xi32>
    %and3A_2399 = arith.andi %eq3A_2398, %gt3A_2382 : vector<16xi1>
    %or3A_2400 = arith.ori %lt3A_2396, %and3A_2399 : vector<16xi1>
    %and3A_2401 = arith.andi %eq3A_2394, %or3A_2400 : vector<16xi1>
    %or3A_2402 = arith.ori %gt3A_2392, %and3A_2401 : vector<16xi1>
    %convert_element_type3A_2403 = arith.extui %or3A_2402 : vector<16xi1> to vector<16xi32>
    %add3A_2404 = arith.addi %add3A_2342, %convert_element_type3A_2403 : vector<16xi32>
    %add3A_2405 = arith.constant 16 : i32
    %add3A_2406 = vector.broadcast %add3A_2405 : i32 to vector<16xi32>
    %add3A_2407 = arith.addi %iota3A, %add3A_2406 : vector<16xi32>
    %gt3A_2408 = arith.constant 17 : i32
    %gt3A_2409 = vector.broadcast %gt3A_2408 : i32 to vector<16xi32>
    %gt3A_2410 = arith.cmpi sgt, %add3A_2407, %gt3A_2409 : vector<16xi32>
    %gt3A_2411 = vector.broadcast %squeeze3A_2372 : f32 to vector<16xf32>
    %gt3A_2412 = arith.cmpf ogt, %gt3A_2411, %select_n3A_1305 : vector<16xf32>
    %eq3A_2413 = vector.broadcast %squeeze3A_2372 : f32 to vector<16xf32>
    %eq3A_2414 = arith.cmpf oeq, %eq3A_2413, %select_n3A_1305 : vector<16xf32>
    %and3A_2415 = arith.andi %eq3A_2414, %gt3A_2410 : vector<16xi1>
    %or3A_2416 = arith.ori %gt3A_2412, %and3A_2415 : vector<16xi1>
    %convert_element_type3A_2417 = arith.extui %or3A_2416 : vector<16xi1> to vector<16xi32>
    %add3A_2418 = arith.addi %add3A_2356, %convert_element_type3A_2417 : vector<16xi32>
    %gt3A_2419 = vector.broadcast %squeeze3A_2374 : f32 to vector<16xf32>
    %gt3A_2420 = arith.cmpf ogt, %gt3A_2419, %select_n3A_1305 : vector<16xf32>
    %eq3A_2421 = vector.broadcast %squeeze3A_2374 : f32 to vector<16xf32>
    %eq3A_2422 = arith.cmpf oeq, %eq3A_2421, %select_n3A_1305 : vector<16xf32>
    %lt3A_2423 = vector.broadcast %squeeze3A_2376 : i32 to vector<16xi32>
    %lt3A_2424 = arith.cmpi slt, %lt3A_2423, %select_n3A : vector<16xi32>
    %eq3A_2425 = vector.broadcast %squeeze3A_2376 : i32 to vector<16xi32>
    %eq3A_2426 = arith.cmpi eq, %eq3A_2425, %select_n3A : vector<16xi32>
    %and3A_2427 = arith.andi %eq3A_2426, %gt3A_2410 : vector<16xi1>
    %or3A_2428 = arith.ori %lt3A_2424, %and3A_2427 : vector<16xi1>
    %and3A_2429 = arith.andi %eq3A_2422, %or3A_2428 : vector<16xi1>
    %or3A_2430 = arith.ori %gt3A_2420, %and3A_2429 : vector<16xi1>
    %convert_element_type3A_2431 = arith.extui %or3A_2430 : vector<16xi1> to vector<16xi32>
    %add3A_2432 = arith.addi %add3A_2370, %convert_element_type3A_2431 : vector<16xi32>
    %slice3A_2433 = vector.extract_strided_slice %select_n3A_1305 {offsets = [2], sizes = [1], strides = [1]} : vector<16xf32> to vector<1xf32>
    %squeeze3A_2434 = vector.extract %slice3A_2433[0] : f32 from vector<1xf32>
    %slice3A_2435 = vector.extract_strided_slice %select_n3A_1317 {offsets = [2], sizes = [1], strides = [1]} : vector<16xf32> to vector<1xf32>
    %squeeze3A_2436 = vector.extract %slice3A_2435[0] : f32 from vector<1xf32>
    %slice3A_2437 = vector.extract_strided_slice %select_n3A {offsets = [2], sizes = [1], strides = [1]} : vector<16xi32> to vector<1xi32>
    %squeeze3A_2438 = vector.extract %slice3A_2437[0] : i32 from vector<1xi32>
    %add3A_2439 = arith.constant 0 : i32
    %add3A_2440 = vector.broadcast %add3A_2439 : i32 to vector<16xi32>
    %add3A_2441 = arith.addi %iota3A, %add3A_2440 : vector<16xi32>
    %gt3A_2442 = arith.constant 18 : i32
    %gt3A_2443 = vector.broadcast %gt3A_2442 : i32 to vector<16xi32>
    %gt3A_2444 = arith.cmpi sgt, %add3A_2441, %gt3A_2443 : vector<16xi32>
    %gt3A_2445 = vector.broadcast %squeeze3A_2434 : f32 to vector<16xf32>
    %gt3A_2446 = arith.cmpf ogt, %gt3A_2445, %gather3A : vector<16xf32>
    %eq3A_2447 = vector.broadcast %squeeze3A_2434 : f32 to vector<16xf32>
    %eq3A_2448 = arith.cmpf oeq, %eq3A_2447, %gather3A : vector<16xf32>
    %and3A_2449 = arith.andi %eq3A_2448, %gt3A_2444 : vector<16xi1>
    %or3A_2450 = arith.ori %gt3A_2446, %and3A_2449 : vector<16xi1>
    %convert_element_type3A_2451 = arith.extui %or3A_2450 : vector<16xi1> to vector<16xi32>
    %add3A_2452 = arith.addi %add3A_2390, %convert_element_type3A_2451 : vector<16xi32>
    %gt3A_2453 = vector.broadcast %squeeze3A_2436 : f32 to vector<16xf32>
    %gt3A_2454 = arith.cmpf ogt, %gt3A_2453, %gather3A : vector<16xf32>
    %eq3A_2455 = vector.broadcast %squeeze3A_2436 : f32 to vector<16xf32>
    %eq3A_2456 = arith.cmpf oeq, %eq3A_2455, %gather3A : vector<16xf32>
    %lt3A_2457 = vector.broadcast %squeeze3A_2438 : i32 to vector<16xi32>
    %lt3A_2458 = arith.cmpi slt, %lt3A_2457, %get3A_3 : vector<16xi32>
    %eq3A_2459 = vector.broadcast %squeeze3A_2438 : i32 to vector<16xi32>
    %eq3A_2460 = arith.cmpi eq, %eq3A_2459, %get3A_3 : vector<16xi32>
    %and3A_2461 = arith.andi %eq3A_2460, %gt3A_2444 : vector<16xi1>
    %or3A_2462 = arith.ori %lt3A_2458, %and3A_2461 : vector<16xi1>
    %and3A_2463 = arith.andi %eq3A_2456, %or3A_2462 : vector<16xi1>
    %or3A_2464 = arith.ori %gt3A_2454, %and3A_2463 : vector<16xi1>
    %convert_element_type3A_2465 = arith.extui %or3A_2464 : vector<16xi1> to vector<16xi32>
    %add3A_2466 = arith.addi %add3A_2404, %convert_element_type3A_2465 : vector<16xi32>
    %add3A_2467 = arith.constant 16 : i32
    %add3A_2468 = vector.broadcast %add3A_2467 : i32 to vector<16xi32>
    %add3A_2469 = arith.addi %iota3A, %add3A_2468 : vector<16xi32>
    %gt3A_2470 = arith.constant 18 : i32
    %gt3A_2471 = vector.broadcast %gt3A_2470 : i32 to vector<16xi32>
    %gt3A_2472 = arith.cmpi sgt, %add3A_2469, %gt3A_2471 : vector<16xi32>
    %gt3A_2473 = vector.broadcast %squeeze3A_2434 : f32 to vector<16xf32>
    %gt3A_2474 = arith.cmpf ogt, %gt3A_2473, %select_n3A_1305 : vector<16xf32>
    %eq3A_2475 = vector.broadcast %squeeze3A_2434 : f32 to vector<16xf32>
    %eq3A_2476 = arith.cmpf oeq, %eq3A_2475, %select_n3A_1305 : vector<16xf32>
    %and3A_2477 = arith.andi %eq3A_2476, %gt3A_2472 : vector<16xi1>
    %or3A_2478 = arith.ori %gt3A_2474, %and3A_2477 : vector<16xi1>
    %convert_element_type3A_2479 = arith.extui %or3A_2478 : vector<16xi1> to vector<16xi32>
    %add3A_2480 = arith.addi %add3A_2418, %convert_element_type3A_2479 : vector<16xi32>
    %gt3A_2481 = vector.broadcast %squeeze3A_2436 : f32 to vector<16xf32>
    %gt3A_2482 = arith.cmpf ogt, %gt3A_2481, %select_n3A_1305 : vector<16xf32>
    %eq3A_2483 = vector.broadcast %squeeze3A_2436 : f32 to vector<16xf32>
    %eq3A_2484 = arith.cmpf oeq, %eq3A_2483, %select_n3A_1305 : vector<16xf32>
    %lt3A_2485 = vector.broadcast %squeeze3A_2438 : i32 to vector<16xi32>
    %lt3A_2486 = arith.cmpi slt, %lt3A_2485, %select_n3A : vector<16xi32>
    %eq3A_2487 = vector.broadcast %squeeze3A_2438 : i32 to vector<16xi32>
    %eq3A_2488 = arith.cmpi eq, %eq3A_2487, %select_n3A : vector<16xi32>
    %and3A_2489 = arith.andi %eq3A_2488, %gt3A_2472 : vector<16xi1>
    %or3A_2490 = arith.ori %lt3A_2486, %and3A_2489 : vector<16xi1>
    %and3A_2491 = arith.andi %eq3A_2484, %or3A_2490 : vector<16xi1>
    %or3A_2492 = arith.ori %gt3A_2482, %and3A_2491 : vector<16xi1>
    %convert_element_type3A_2493 = arith.extui %or3A_2492 : vector<16xi1> to vector<16xi32>
    %add3A_2494 = arith.addi %add3A_2432, %convert_element_type3A_2493 : vector<16xi32>
    %slice3A_2495 = vector.extract_strided_slice %select_n3A_1305 {offsets = [3], sizes = [1], strides = [1]} : vector<16xf32> to vector<1xf32>
    %squeeze3A_2496 = vector.extract %slice3A_2495[0] : f32 from vector<1xf32>
    %slice3A_2497 = vector.extract_strided_slice %select_n3A_1317 {offsets = [3], sizes = [1], strides = [1]} : vector<16xf32> to vector<1xf32>
    %squeeze3A_2498 = vector.extract %slice3A_2497[0] : f32 from vector<1xf32>
    %slice3A_2499 = vector.extract_strided_slice %select_n3A {offsets = [3], sizes = [1], strides = [1]} : vector<16xi32> to vector<1xi32>
    %squeeze3A_2500 = vector.extract %slice3A_2499[0] : i32 from vector<1xi32>
    %add3A_2501 = arith.constant 0 : i32
    %add3A_2502 = vector.broadcast %add3A_2501 : i32 to vector<16xi32>
    %add3A_2503 = arith.addi %iota3A, %add3A_2502 : vector<16xi32>
    %gt3A_2504 = arith.constant 19 : i32
    %gt3A_2505 = vector.broadcast %gt3A_2504 : i32 to vector<16xi32>
    %gt3A_2506 = arith.cmpi sgt, %add3A_2503, %gt3A_2505 : vector<16xi32>
    %gt3A_2507 = vector.broadcast %squeeze3A_2496 : f32 to vector<16xf32>
    %gt3A_2508 = arith.cmpf ogt, %gt3A_2507, %gather3A : vector<16xf32>
    %eq3A_2509 = vector.broadcast %squeeze3A_2496 : f32 to vector<16xf32>
    %eq3A_2510 = arith.cmpf oeq, %eq3A_2509, %gather3A : vector<16xf32>
    %and3A_2511 = arith.andi %eq3A_2510, %gt3A_2506 : vector<16xi1>
    %or3A_2512 = arith.ori %gt3A_2508, %and3A_2511 : vector<16xi1>
    %convert_element_type3A_2513 = arith.extui %or3A_2512 : vector<16xi1> to vector<16xi32>
    %add3A_2514 = arith.addi %add3A_2452, %convert_element_type3A_2513 : vector<16xi32>
    %gt3A_2515 = vector.broadcast %squeeze3A_2498 : f32 to vector<16xf32>
    %gt3A_2516 = arith.cmpf ogt, %gt3A_2515, %gather3A : vector<16xf32>
    %eq3A_2517 = vector.broadcast %squeeze3A_2498 : f32 to vector<16xf32>
    %eq3A_2518 = arith.cmpf oeq, %eq3A_2517, %gather3A : vector<16xf32>
    %lt3A_2519 = vector.broadcast %squeeze3A_2500 : i32 to vector<16xi32>
    %lt3A_2520 = arith.cmpi slt, %lt3A_2519, %get3A_3 : vector<16xi32>
    %eq3A_2521 = vector.broadcast %squeeze3A_2500 : i32 to vector<16xi32>
    %eq3A_2522 = arith.cmpi eq, %eq3A_2521, %get3A_3 : vector<16xi32>
    %and3A_2523 = arith.andi %eq3A_2522, %gt3A_2506 : vector<16xi1>
    %or3A_2524 = arith.ori %lt3A_2520, %and3A_2523 : vector<16xi1>
    %and3A_2525 = arith.andi %eq3A_2518, %or3A_2524 : vector<16xi1>
    %or3A_2526 = arith.ori %gt3A_2516, %and3A_2525 : vector<16xi1>
    %convert_element_type3A_2527 = arith.extui %or3A_2526 : vector<16xi1> to vector<16xi32>
    %add3A_2528 = arith.addi %add3A_2466, %convert_element_type3A_2527 : vector<16xi32>
    %add3A_2529 = arith.constant 16 : i32
    %add3A_2530 = vector.broadcast %add3A_2529 : i32 to vector<16xi32>
    %add3A_2531 = arith.addi %iota3A, %add3A_2530 : vector<16xi32>
    %gt3A_2532 = arith.constant 19 : i32
    %gt3A_2533 = vector.broadcast %gt3A_2532 : i32 to vector<16xi32>
    %gt3A_2534 = arith.cmpi sgt, %add3A_2531, %gt3A_2533 : vector<16xi32>
    %gt3A_2535 = vector.broadcast %squeeze3A_2496 : f32 to vector<16xf32>
    %gt3A_2536 = arith.cmpf ogt, %gt3A_2535, %select_n3A_1305 : vector<16xf32>
    %eq3A_2537 = vector.broadcast %squeeze3A_2496 : f32 to vector<16xf32>
    %eq3A_2538 = arith.cmpf oeq, %eq3A_2537, %select_n3A_1305 : vector<16xf32>
    %and3A_2539 = arith.andi %eq3A_2538, %gt3A_2534 : vector<16xi1>
    %or3A_2540 = arith.ori %gt3A_2536, %and3A_2539 : vector<16xi1>
    %convert_element_type3A_2541 = arith.extui %or3A_2540 : vector<16xi1> to vector<16xi32>
    %add3A_2542 = arith.addi %add3A_2480, %convert_element_type3A_2541 : vector<16xi32>
    %gt3A_2543 = vector.broadcast %squeeze3A_2498 : f32 to vector<16xf32>
    %gt3A_2544 = arith.cmpf ogt, %gt3A_2543, %select_n3A_1305 : vector<16xf32>
    %eq3A_2545 = vector.broadcast %squeeze3A_2498 : f32 to vector<16xf32>
    %eq3A_2546 = arith.cmpf oeq, %eq3A_2545, %select_n3A_1305 : vector<16xf32>
    %lt3A_2547 = vector.broadcast %squeeze3A_2500 : i32 to vector<16xi32>
    %lt3A_2548 = arith.cmpi slt, %lt3A_2547, %select_n3A : vector<16xi32>
    %eq3A_2549 = vector.broadcast %squeeze3A_2500 : i32 to vector<16xi32>
    %eq3A_2550 = arith.cmpi eq, %eq3A_2549, %select_n3A : vector<16xi32>
    %and3A_2551 = arith.andi %eq3A_2550, %gt3A_2534 : vector<16xi1>
    %or3A_2552 = arith.ori %lt3A_2548, %and3A_2551 : vector<16xi1>
    %and3A_2553 = arith.andi %eq3A_2546, %or3A_2552 : vector<16xi1>
    %or3A_2554 = arith.ori %gt3A_2544, %and3A_2553 : vector<16xi1>
    %convert_element_type3A_2555 = arith.extui %or3A_2554 : vector<16xi1> to vector<16xi32>
    %add3A_2556 = arith.addi %add3A_2494, %convert_element_type3A_2555 : vector<16xi32>
    %slice3A_2557 = vector.extract_strided_slice %select_n3A_1305 {offsets = [4], sizes = [1], strides = [1]} : vector<16xf32> to vector<1xf32>
    %squeeze3A_2558 = vector.extract %slice3A_2557[0] : f32 from vector<1xf32>
    %slice3A_2559 = vector.extract_strided_slice %select_n3A_1317 {offsets = [4], sizes = [1], strides = [1]} : vector<16xf32> to vector<1xf32>
    %squeeze3A_2560 = vector.extract %slice3A_2559[0] : f32 from vector<1xf32>
    %slice3A_2561 = vector.extract_strided_slice %select_n3A {offsets = [4], sizes = [1], strides = [1]} : vector<16xi32> to vector<1xi32>
    %squeeze3A_2562 = vector.extract %slice3A_2561[0] : i32 from vector<1xi32>
    %add3A_2563 = arith.constant 0 : i32
    %add3A_2564 = vector.broadcast %add3A_2563 : i32 to vector<16xi32>
    %add3A_2565 = arith.addi %iota3A, %add3A_2564 : vector<16xi32>
    %gt3A_2566 = arith.constant 20 : i32
    %gt3A_2567 = vector.broadcast %gt3A_2566 : i32 to vector<16xi32>
    %gt3A_2568 = arith.cmpi sgt, %add3A_2565, %gt3A_2567 : vector<16xi32>
    %gt3A_2569 = vector.broadcast %squeeze3A_2558 : f32 to vector<16xf32>
    %gt3A_2570 = arith.cmpf ogt, %gt3A_2569, %gather3A : vector<16xf32>
    %eq3A_2571 = vector.broadcast %squeeze3A_2558 : f32 to vector<16xf32>
    %eq3A_2572 = arith.cmpf oeq, %eq3A_2571, %gather3A : vector<16xf32>
    %and3A_2573 = arith.andi %eq3A_2572, %gt3A_2568 : vector<16xi1>
    %or3A_2574 = arith.ori %gt3A_2570, %and3A_2573 : vector<16xi1>
    %convert_element_type3A_2575 = arith.extui %or3A_2574 : vector<16xi1> to vector<16xi32>
    %add3A_2576 = arith.addi %add3A_2514, %convert_element_type3A_2575 : vector<16xi32>
    %gt3A_2577 = vector.broadcast %squeeze3A_2560 : f32 to vector<16xf32>
    %gt3A_2578 = arith.cmpf ogt, %gt3A_2577, %gather3A : vector<16xf32>
    %eq3A_2579 = vector.broadcast %squeeze3A_2560 : f32 to vector<16xf32>
    %eq3A_2580 = arith.cmpf oeq, %eq3A_2579, %gather3A : vector<16xf32>
    %lt3A_2581 = vector.broadcast %squeeze3A_2562 : i32 to vector<16xi32>
    %lt3A_2582 = arith.cmpi slt, %lt3A_2581, %get3A_3 : vector<16xi32>
    %eq3A_2583 = vector.broadcast %squeeze3A_2562 : i32 to vector<16xi32>
    %eq3A_2584 = arith.cmpi eq, %eq3A_2583, %get3A_3 : vector<16xi32>
    %and3A_2585 = arith.andi %eq3A_2584, %gt3A_2568 : vector<16xi1>
    %or3A_2586 = arith.ori %lt3A_2582, %and3A_2585 : vector<16xi1>
    %and3A_2587 = arith.andi %eq3A_2580, %or3A_2586 : vector<16xi1>
    %or3A_2588 = arith.ori %gt3A_2578, %and3A_2587 : vector<16xi1>
    %convert_element_type3A_2589 = arith.extui %or3A_2588 : vector<16xi1> to vector<16xi32>
    %add3A_2590 = arith.addi %add3A_2528, %convert_element_type3A_2589 : vector<16xi32>
    %add3A_2591 = arith.constant 16 : i32
    %add3A_2592 = vector.broadcast %add3A_2591 : i32 to vector<16xi32>
    %add3A_2593 = arith.addi %iota3A, %add3A_2592 : vector<16xi32>
    %gt3A_2594 = arith.constant 20 : i32
    %gt3A_2595 = vector.broadcast %gt3A_2594 : i32 to vector<16xi32>
    %gt3A_2596 = arith.cmpi sgt, %add3A_2593, %gt3A_2595 : vector<16xi32>
    %gt3A_2597 = vector.broadcast %squeeze3A_2558 : f32 to vector<16xf32>
    %gt3A_2598 = arith.cmpf ogt, %gt3A_2597, %select_n3A_1305 : vector<16xf32>
    %eq3A_2599 = vector.broadcast %squeeze3A_2558 : f32 to vector<16xf32>
    %eq3A_2600 = arith.cmpf oeq, %eq3A_2599, %select_n3A_1305 : vector<16xf32>
    %and3A_2601 = arith.andi %eq3A_2600, %gt3A_2596 : vector<16xi1>
    %or3A_2602 = arith.ori %gt3A_2598, %and3A_2601 : vector<16xi1>
    %convert_element_type3A_2603 = arith.extui %or3A_2602 : vector<16xi1> to vector<16xi32>
    %add3A_2604 = arith.addi %add3A_2542, %convert_element_type3A_2603 : vector<16xi32>
    %gt3A_2605 = vector.broadcast %squeeze3A_2560 : f32 to vector<16xf32>
    %gt3A_2606 = arith.cmpf ogt, %gt3A_2605, %select_n3A_1305 : vector<16xf32>
    %eq3A_2607 = vector.broadcast %squeeze3A_2560 : f32 to vector<16xf32>
    %eq3A_2608 = arith.cmpf oeq, %eq3A_2607, %select_n3A_1305 : vector<16xf32>
    %lt3A_2609 = vector.broadcast %squeeze3A_2562 : i32 to vector<16xi32>
    %lt3A_2610 = arith.cmpi slt, %lt3A_2609, %select_n3A : vector<16xi32>
    %eq3A_2611 = vector.broadcast %squeeze3A_2562 : i32 to vector<16xi32>
    %eq3A_2612 = arith.cmpi eq, %eq3A_2611, %select_n3A : vector<16xi32>
    %and3A_2613 = arith.andi %eq3A_2612, %gt3A_2596 : vector<16xi1>
    %or3A_2614 = arith.ori %lt3A_2610, %and3A_2613 : vector<16xi1>
    %and3A_2615 = arith.andi %eq3A_2608, %or3A_2614 : vector<16xi1>
    %or3A_2616 = arith.ori %gt3A_2606, %and3A_2615 : vector<16xi1>
    %convert_element_type3A_2617 = arith.extui %or3A_2616 : vector<16xi1> to vector<16xi32>
    %add3A_2618 = arith.addi %add3A_2556, %convert_element_type3A_2617 : vector<16xi32>
    %slice3A_2619 = vector.extract_strided_slice %select_n3A_1305 {offsets = [5], sizes = [1], strides = [1]} : vector<16xf32> to vector<1xf32>
    %squeeze3A_2620 = vector.extract %slice3A_2619[0] : f32 from vector<1xf32>
    %slice3A_2621 = vector.extract_strided_slice %select_n3A_1317 {offsets = [5], sizes = [1], strides = [1]} : vector<16xf32> to vector<1xf32>
    %squeeze3A_2622 = vector.extract %slice3A_2621[0] : f32 from vector<1xf32>
    %slice3A_2623 = vector.extract_strided_slice %select_n3A {offsets = [5], sizes = [1], strides = [1]} : vector<16xi32> to vector<1xi32>
    %squeeze3A_2624 = vector.extract %slice3A_2623[0] : i32 from vector<1xi32>
    %add3A_2625 = arith.constant 0 : i32
    %add3A_2626 = vector.broadcast %add3A_2625 : i32 to vector<16xi32>
    %add3A_2627 = arith.addi %iota3A, %add3A_2626 : vector<16xi32>
    %gt3A_2628 = arith.constant 21 : i32
    %gt3A_2629 = vector.broadcast %gt3A_2628 : i32 to vector<16xi32>
    %gt3A_2630 = arith.cmpi sgt, %add3A_2627, %gt3A_2629 : vector<16xi32>
    %gt3A_2631 = vector.broadcast %squeeze3A_2620 : f32 to vector<16xf32>
    %gt3A_2632 = arith.cmpf ogt, %gt3A_2631, %gather3A : vector<16xf32>
    %eq3A_2633 = vector.broadcast %squeeze3A_2620 : f32 to vector<16xf32>
    %eq3A_2634 = arith.cmpf oeq, %eq3A_2633, %gather3A : vector<16xf32>
    %and3A_2635 = arith.andi %eq3A_2634, %gt3A_2630 : vector<16xi1>
    %or3A_2636 = arith.ori %gt3A_2632, %and3A_2635 : vector<16xi1>
    %convert_element_type3A_2637 = arith.extui %or3A_2636 : vector<16xi1> to vector<16xi32>
    %add3A_2638 = arith.addi %add3A_2576, %convert_element_type3A_2637 : vector<16xi32>
    %gt3A_2639 = vector.broadcast %squeeze3A_2622 : f32 to vector<16xf32>
    %gt3A_2640 = arith.cmpf ogt, %gt3A_2639, %gather3A : vector<16xf32>
    %eq3A_2641 = vector.broadcast %squeeze3A_2622 : f32 to vector<16xf32>
    %eq3A_2642 = arith.cmpf oeq, %eq3A_2641, %gather3A : vector<16xf32>
    %lt3A_2643 = vector.broadcast %squeeze3A_2624 : i32 to vector<16xi32>
    %lt3A_2644 = arith.cmpi slt, %lt3A_2643, %get3A_3 : vector<16xi32>
    %eq3A_2645 = vector.broadcast %squeeze3A_2624 : i32 to vector<16xi32>
    %eq3A_2646 = arith.cmpi eq, %eq3A_2645, %get3A_3 : vector<16xi32>
    %and3A_2647 = arith.andi %eq3A_2646, %gt3A_2630 : vector<16xi1>
    %or3A_2648 = arith.ori %lt3A_2644, %and3A_2647 : vector<16xi1>
    %and3A_2649 = arith.andi %eq3A_2642, %or3A_2648 : vector<16xi1>
    %or3A_2650 = arith.ori %gt3A_2640, %and3A_2649 : vector<16xi1>
    %convert_element_type3A_2651 = arith.extui %or3A_2650 : vector<16xi1> to vector<16xi32>
    %add3A_2652 = arith.addi %add3A_2590, %convert_element_type3A_2651 : vector<16xi32>
    %add3A_2653 = arith.constant 16 : i32
    %add3A_2654 = vector.broadcast %add3A_2653 : i32 to vector<16xi32>
    %add3A_2655 = arith.addi %iota3A, %add3A_2654 : vector<16xi32>
    %gt3A_2656 = arith.constant 21 : i32
    %gt3A_2657 = vector.broadcast %gt3A_2656 : i32 to vector<16xi32>
    %gt3A_2658 = arith.cmpi sgt, %add3A_2655, %gt3A_2657 : vector<16xi32>
    %gt3A_2659 = vector.broadcast %squeeze3A_2620 : f32 to vector<16xf32>
    %gt3A_2660 = arith.cmpf ogt, %gt3A_2659, %select_n3A_1305 : vector<16xf32>
    %eq3A_2661 = vector.broadcast %squeeze3A_2620 : f32 to vector<16xf32>
    %eq3A_2662 = arith.cmpf oeq, %eq3A_2661, %select_n3A_1305 : vector<16xf32>
    %and3A_2663 = arith.andi %eq3A_2662, %gt3A_2658 : vector<16xi1>
    %or3A_2664 = arith.ori %gt3A_2660, %and3A_2663 : vector<16xi1>
    %convert_element_type3A_2665 = arith.extui %or3A_2664 : vector<16xi1> to vector<16xi32>
    %add3A_2666 = arith.addi %add3A_2604, %convert_element_type3A_2665 : vector<16xi32>
    %gt3A_2667 = vector.broadcast %squeeze3A_2622 : f32 to vector<16xf32>
    %gt3A_2668 = arith.cmpf ogt, %gt3A_2667, %select_n3A_1305 : vector<16xf32>
    %eq3A_2669 = vector.broadcast %squeeze3A_2622 : f32 to vector<16xf32>
    %eq3A_2670 = arith.cmpf oeq, %eq3A_2669, %select_n3A_1305 : vector<16xf32>
    %lt3A_2671 = vector.broadcast %squeeze3A_2624 : i32 to vector<16xi32>
    %lt3A_2672 = arith.cmpi slt, %lt3A_2671, %select_n3A : vector<16xi32>
    %eq3A_2673 = vector.broadcast %squeeze3A_2624 : i32 to vector<16xi32>
    %eq3A_2674 = arith.cmpi eq, %eq3A_2673, %select_n3A : vector<16xi32>
    %and3A_2675 = arith.andi %eq3A_2674, %gt3A_2658 : vector<16xi1>
    %or3A_2676 = arith.ori %lt3A_2672, %and3A_2675 : vector<16xi1>
    %and3A_2677 = arith.andi %eq3A_2670, %or3A_2676 : vector<16xi1>
    %or3A_2678 = arith.ori %gt3A_2668, %and3A_2677 : vector<16xi1>
    %convert_element_type3A_2679 = arith.extui %or3A_2678 : vector<16xi1> to vector<16xi32>
    %add3A_2680 = arith.addi %add3A_2618, %convert_element_type3A_2679 : vector<16xi32>
    %slice3A_2681 = vector.extract_strided_slice %select_n3A_1305 {offsets = [6], sizes = [1], strides = [1]} : vector<16xf32> to vector<1xf32>
    %squeeze3A_2682 = vector.extract %slice3A_2681[0] : f32 from vector<1xf32>
    %slice3A_2683 = vector.extract_strided_slice %select_n3A_1317 {offsets = [6], sizes = [1], strides = [1]} : vector<16xf32> to vector<1xf32>
    %squeeze3A_2684 = vector.extract %slice3A_2683[0] : f32 from vector<1xf32>
    %slice3A_2685 = vector.extract_strided_slice %select_n3A {offsets = [6], sizes = [1], strides = [1]} : vector<16xi32> to vector<1xi32>
    %squeeze3A_2686 = vector.extract %slice3A_2685[0] : i32 from vector<1xi32>
    %add3A_2687 = arith.constant 0 : i32
    %add3A_2688 = vector.broadcast %add3A_2687 : i32 to vector<16xi32>
    %add3A_2689 = arith.addi %iota3A, %add3A_2688 : vector<16xi32>
    %gt3A_2690 = arith.constant 22 : i32
    %gt3A_2691 = vector.broadcast %gt3A_2690 : i32 to vector<16xi32>
    %gt3A_2692 = arith.cmpi sgt, %add3A_2689, %gt3A_2691 : vector<16xi32>
    %gt3A_2693 = vector.broadcast %squeeze3A_2682 : f32 to vector<16xf32>
    %gt3A_2694 = arith.cmpf ogt, %gt3A_2693, %gather3A : vector<16xf32>
    %eq3A_2695 = vector.broadcast %squeeze3A_2682 : f32 to vector<16xf32>
    %eq3A_2696 = arith.cmpf oeq, %eq3A_2695, %gather3A : vector<16xf32>
    %and3A_2697 = arith.andi %eq3A_2696, %gt3A_2692 : vector<16xi1>
    %or3A_2698 = arith.ori %gt3A_2694, %and3A_2697 : vector<16xi1>
    %convert_element_type3A_2699 = arith.extui %or3A_2698 : vector<16xi1> to vector<16xi32>
    %add3A_2700 = arith.addi %add3A_2638, %convert_element_type3A_2699 : vector<16xi32>
    %gt3A_2701 = vector.broadcast %squeeze3A_2684 : f32 to vector<16xf32>
    %gt3A_2702 = arith.cmpf ogt, %gt3A_2701, %gather3A : vector<16xf32>
    %eq3A_2703 = vector.broadcast %squeeze3A_2684 : f32 to vector<16xf32>
    %eq3A_2704 = arith.cmpf oeq, %eq3A_2703, %gather3A : vector<16xf32>
    %lt3A_2705 = vector.broadcast %squeeze3A_2686 : i32 to vector<16xi32>
    %lt3A_2706 = arith.cmpi slt, %lt3A_2705, %get3A_3 : vector<16xi32>
    %eq3A_2707 = vector.broadcast %squeeze3A_2686 : i32 to vector<16xi32>
    %eq3A_2708 = arith.cmpi eq, %eq3A_2707, %get3A_3 : vector<16xi32>
    %and3A_2709 = arith.andi %eq3A_2708, %gt3A_2692 : vector<16xi1>
    %or3A_2710 = arith.ori %lt3A_2706, %and3A_2709 : vector<16xi1>
    %and3A_2711 = arith.andi %eq3A_2704, %or3A_2710 : vector<16xi1>
    %or3A_2712 = arith.ori %gt3A_2702, %and3A_2711 : vector<16xi1>
    %convert_element_type3A_2713 = arith.extui %or3A_2712 : vector<16xi1> to vector<16xi32>
    %add3A_2714 = arith.addi %add3A_2652, %convert_element_type3A_2713 : vector<16xi32>
    %add3A_2715 = arith.constant 16 : i32
    %add3A_2716 = vector.broadcast %add3A_2715 : i32 to vector<16xi32>
    %add3A_2717 = arith.addi %iota3A, %add3A_2716 : vector<16xi32>
    %gt3A_2718 = arith.constant 22 : i32
    %gt3A_2719 = vector.broadcast %gt3A_2718 : i32 to vector<16xi32>
    %gt3A_2720 = arith.cmpi sgt, %add3A_2717, %gt3A_2719 : vector<16xi32>
    %gt3A_2721 = vector.broadcast %squeeze3A_2682 : f32 to vector<16xf32>
    %gt3A_2722 = arith.cmpf ogt, %gt3A_2721, %select_n3A_1305 : vector<16xf32>
    %eq3A_2723 = vector.broadcast %squeeze3A_2682 : f32 to vector<16xf32>
    %eq3A_2724 = arith.cmpf oeq, %eq3A_2723, %select_n3A_1305 : vector<16xf32>
    %and3A_2725 = arith.andi %eq3A_2724, %gt3A_2720 : vector<16xi1>
    %or3A_2726 = arith.ori %gt3A_2722, %and3A_2725 : vector<16xi1>
    %convert_element_type3A_2727 = arith.extui %or3A_2726 : vector<16xi1> to vector<16xi32>
    %add3A_2728 = arith.addi %add3A_2666, %convert_element_type3A_2727 : vector<16xi32>
    %gt3A_2729 = vector.broadcast %squeeze3A_2684 : f32 to vector<16xf32>
    %gt3A_2730 = arith.cmpf ogt, %gt3A_2729, %select_n3A_1305 : vector<16xf32>
    %eq3A_2731 = vector.broadcast %squeeze3A_2684 : f32 to vector<16xf32>
    %eq3A_2732 = arith.cmpf oeq, %eq3A_2731, %select_n3A_1305 : vector<16xf32>
    %lt3A_2733 = vector.broadcast %squeeze3A_2686 : i32 to vector<16xi32>
    %lt3A_2734 = arith.cmpi slt, %lt3A_2733, %select_n3A : vector<16xi32>
    %eq3A_2735 = vector.broadcast %squeeze3A_2686 : i32 to vector<16xi32>
    %eq3A_2736 = arith.cmpi eq, %eq3A_2735, %select_n3A : vector<16xi32>
    %and3A_2737 = arith.andi %eq3A_2736, %gt3A_2720 : vector<16xi1>
    %or3A_2738 = arith.ori %lt3A_2734, %and3A_2737 : vector<16xi1>
    %and3A_2739 = arith.andi %eq3A_2732, %or3A_2738 : vector<16xi1>
    %or3A_2740 = arith.ori %gt3A_2730, %and3A_2739 : vector<16xi1>
    %convert_element_type3A_2741 = arith.extui %or3A_2740 : vector<16xi1> to vector<16xi32>
    %add3A_2742 = arith.addi %add3A_2680, %convert_element_type3A_2741 : vector<16xi32>
    %slice3A_2743 = vector.extract_strided_slice %select_n3A_1305 {offsets = [7], sizes = [1], strides = [1]} : vector<16xf32> to vector<1xf32>
    %squeeze3A_2744 = vector.extract %slice3A_2743[0] : f32 from vector<1xf32>
    %slice3A_2745 = vector.extract_strided_slice %select_n3A_1317 {offsets = [7], sizes = [1], strides = [1]} : vector<16xf32> to vector<1xf32>
    %squeeze3A_2746 = vector.extract %slice3A_2745[0] : f32 from vector<1xf32>
    %slice3A_2747 = vector.extract_strided_slice %select_n3A {offsets = [7], sizes = [1], strides = [1]} : vector<16xi32> to vector<1xi32>
    %squeeze3A_2748 = vector.extract %slice3A_2747[0] : i32 from vector<1xi32>
    %add3A_2749 = arith.constant 0 : i32
    %add3A_2750 = vector.broadcast %add3A_2749 : i32 to vector<16xi32>
    %add3A_2751 = arith.addi %iota3A, %add3A_2750 : vector<16xi32>
    %gt3A_2752 = arith.constant 23 : i32
    %gt3A_2753 = vector.broadcast %gt3A_2752 : i32 to vector<16xi32>
    %gt3A_2754 = arith.cmpi sgt, %add3A_2751, %gt3A_2753 : vector<16xi32>
    %gt3A_2755 = vector.broadcast %squeeze3A_2744 : f32 to vector<16xf32>
    %gt3A_2756 = arith.cmpf ogt, %gt3A_2755, %gather3A : vector<16xf32>
    %eq3A_2757 = vector.broadcast %squeeze3A_2744 : f32 to vector<16xf32>
    %eq3A_2758 = arith.cmpf oeq, %eq3A_2757, %gather3A : vector<16xf32>
    %and3A_2759 = arith.andi %eq3A_2758, %gt3A_2754 : vector<16xi1>
    %or3A_2760 = arith.ori %gt3A_2756, %and3A_2759 : vector<16xi1>
    %convert_element_type3A_2761 = arith.extui %or3A_2760 : vector<16xi1> to vector<16xi32>
    %add3A_2762 = arith.addi %add3A_2700, %convert_element_type3A_2761 : vector<16xi32>
    %gt3A_2763 = vector.broadcast %squeeze3A_2746 : f32 to vector<16xf32>
    %gt3A_2764 = arith.cmpf ogt, %gt3A_2763, %gather3A : vector<16xf32>
    %eq3A_2765 = vector.broadcast %squeeze3A_2746 : f32 to vector<16xf32>
    %eq3A_2766 = arith.cmpf oeq, %eq3A_2765, %gather3A : vector<16xf32>
    %lt3A_2767 = vector.broadcast %squeeze3A_2748 : i32 to vector<16xi32>
    %lt3A_2768 = arith.cmpi slt, %lt3A_2767, %get3A_3 : vector<16xi32>
    %eq3A_2769 = vector.broadcast %squeeze3A_2748 : i32 to vector<16xi32>
    %eq3A_2770 = arith.cmpi eq, %eq3A_2769, %get3A_3 : vector<16xi32>
    %and3A_2771 = arith.andi %eq3A_2770, %gt3A_2754 : vector<16xi1>
    %or3A_2772 = arith.ori %lt3A_2768, %and3A_2771 : vector<16xi1>
    %and3A_2773 = arith.andi %eq3A_2766, %or3A_2772 : vector<16xi1>
    %or3A_2774 = arith.ori %gt3A_2764, %and3A_2773 : vector<16xi1>
    %convert_element_type3A_2775 = arith.extui %or3A_2774 : vector<16xi1> to vector<16xi32>
    %add3A_2776 = arith.addi %add3A_2714, %convert_element_type3A_2775 : vector<16xi32>
    %add3A_2777 = arith.constant 16 : i32
    %add3A_2778 = vector.broadcast %add3A_2777 : i32 to vector<16xi32>
    %add3A_2779 = arith.addi %iota3A, %add3A_2778 : vector<16xi32>
    %gt3A_2780 = arith.constant 23 : i32
    %gt3A_2781 = vector.broadcast %gt3A_2780 : i32 to vector<16xi32>
    %gt3A_2782 = arith.cmpi sgt, %add3A_2779, %gt3A_2781 : vector<16xi32>
    %gt3A_2783 = vector.broadcast %squeeze3A_2744 : f32 to vector<16xf32>
    %gt3A_2784 = arith.cmpf ogt, %gt3A_2783, %select_n3A_1305 : vector<16xf32>
    %eq3A_2785 = vector.broadcast %squeeze3A_2744 : f32 to vector<16xf32>
    %eq3A_2786 = arith.cmpf oeq, %eq3A_2785, %select_n3A_1305 : vector<16xf32>
    %and3A_2787 = arith.andi %eq3A_2786, %gt3A_2782 : vector<16xi1>
    %or3A_2788 = arith.ori %gt3A_2784, %and3A_2787 : vector<16xi1>
    %convert_element_type3A_2789 = arith.extui %or3A_2788 : vector<16xi1> to vector<16xi32>
    %add3A_2790 = arith.addi %add3A_2728, %convert_element_type3A_2789 : vector<16xi32>
    %gt3A_2791 = vector.broadcast %squeeze3A_2746 : f32 to vector<16xf32>
    %gt3A_2792 = arith.cmpf ogt, %gt3A_2791, %select_n3A_1305 : vector<16xf32>
    %eq3A_2793 = vector.broadcast %squeeze3A_2746 : f32 to vector<16xf32>
    %eq3A_2794 = arith.cmpf oeq, %eq3A_2793, %select_n3A_1305 : vector<16xf32>
    %lt3A_2795 = vector.broadcast %squeeze3A_2748 : i32 to vector<16xi32>
    %lt3A_2796 = arith.cmpi slt, %lt3A_2795, %select_n3A : vector<16xi32>
    %eq3A_2797 = vector.broadcast %squeeze3A_2748 : i32 to vector<16xi32>
    %eq3A_2798 = arith.cmpi eq, %eq3A_2797, %select_n3A : vector<16xi32>
    %and3A_2799 = arith.andi %eq3A_2798, %gt3A_2782 : vector<16xi1>
    %or3A_2800 = arith.ori %lt3A_2796, %and3A_2799 : vector<16xi1>
    %and3A_2801 = arith.andi %eq3A_2794, %or3A_2800 : vector<16xi1>
    %or3A_2802 = arith.ori %gt3A_2792, %and3A_2801 : vector<16xi1>
    %convert_element_type3A_2803 = arith.extui %or3A_2802 : vector<16xi1> to vector<16xi32>
    %add3A_2804 = arith.addi %add3A_2742, %convert_element_type3A_2803 : vector<16xi32>
    %lt3A_2805 = arith.constant 8 : i32
    %lt3A_2806 = vector.broadcast %lt3A_2805 : i32 to vector<16xi32>
    %lt3A_2807 = arith.cmpi slt, %iota3A, %lt3A_2806 : vector<16xi32>
    %ge3A = arith.constant 0 : i32
    %ge3A_2808 = vector.broadcast %ge3A : i32 to vector<16xi32>
    %ge3A_2809 = arith.cmpi sge, %iota3A, %ge3A_2808 : vector<16xi32>
    %eq3A_2810 = arith.constant 0 : i32
    %eq3A_2811 = vector.broadcast %eq3A_2810 : i32 to vector<16xi32>
    %eq3A_2812 = arith.cmpi eq, %add3A_1002, %eq3A_2811 : vector<16xi32>
    %and3A_2813 = arith.andi %ge3A_2809, %eq3A_2812 : vector<16xi1>
    %lt3A_2814 = arith.constant 16 : i32
    %lt3A_2815 = vector.broadcast %lt3A_2814 : i32 to vector<16xi32>
    %lt3A_2816 = arith.cmpi slt, %add3A_2776, %lt3A_2815 : vector<16xi32>
    %and3A_2817 = arith.andi %and3A_2813, %lt3A_2816 : vector<16xi1>
    %min3A = arith.constant 15 : i32
    %min3A_2818 = vector.broadcast %min3A : i32 to vector<16xi32>
    %min3A_2819 = arith.minsi %add3A_2776, %min3A_2818 : vector<16xi32>
    tpu.vector_store_idx %arg9[%min3A_2819], %gather3A masked %and3A_2817 : memref<16xf32, #tpu.memory_space<vmem>>[vector<16xi32>], vector<16xf32>, vector<16xi1>
    tpu.vector_store_idx %arg10[%min3A_2819], %get3A_3 masked %and3A_2817 : memref<16xi32, #tpu.memory_space<vmem>>[vector<16xi32>], vector<16xi32>, vector<16xi1>
    %lt3A_2820 = arith.constant 16 : i32
    %lt3A_2821 = vector.broadcast %lt3A_2820 : i32 to vector<16xi32>
    %lt3A_2822 = arith.cmpi slt, %add3A_2762, %lt3A_2821 : vector<16xi32>
    %and3A_2823 = arith.andi %ge3A_2809, %lt3A_2822 : vector<16xi1>
    %min3A_2824 = arith.constant 15 : i32
    %min3A_2825 = vector.broadcast %min3A_2824 : i32 to vector<16xi32>
    %min3A_2826 = arith.minsi %add3A_2762, %min3A_2825 : vector<16xi32>
    %add3A_2827 = arith.constant 0 : i32
    %add3A_2828 = vector.broadcast %add3A_2827 : i32 to vector<16xi32>
    %add3A_2829 = arith.addi %iota3A, %add3A_2828 : vector<16xi32>
    tpu.vector_store_idx %arg11[%min3A_2826], %add3A_2829 masked %and3A_2823 : memref<16xi32, #tpu.memory_space<vmem>>[vector<16xi32>], vector<16xi32>, vector<16xi1>
    %eq3A_2830 = arith.constant 0 : i32
    %eq3A_2831 = vector.broadcast %eq3A_2830 : i32 to vector<16xi32>
    %eq3A_2832 = arith.cmpi eq, %add3A_1013, %eq3A_2831 : vector<16xi32>
    %and3A_2833 = arith.andi %lt3A_2807, %eq3A_2832 : vector<16xi1>
    %lt3A_2834 = arith.constant 16 : i32
    %lt3A_2835 = vector.broadcast %lt3A_2834 : i32 to vector<16xi32>
    %lt3A_2836 = arith.cmpi slt, %add3A_2804, %lt3A_2835 : vector<16xi32>
    %and3A_2837 = arith.andi %and3A_2833, %lt3A_2836 : vector<16xi1>
    %min3A_2838 = arith.constant 15 : i32
    %min3A_2839 = vector.broadcast %min3A_2838 : i32 to vector<16xi32>
    %min3A_2840 = arith.minsi %add3A_2804, %min3A_2839 : vector<16xi32>
    tpu.vector_store_idx %arg9[%min3A_2840], %select_n3A_1305 masked %and3A_2837 : memref<16xf32, #tpu.memory_space<vmem>>[vector<16xi32>], vector<16xf32>, vector<16xi1>
    tpu.vector_store_idx %arg10[%min3A_2840], %select_n3A masked %and3A_2837 : memref<16xi32, #tpu.memory_space<vmem>>[vector<16xi32>], vector<16xi32>, vector<16xi1>
    %lt3A_2841 = arith.constant 16 : i32
    %lt3A_2842 = vector.broadcast %lt3A_2841 : i32 to vector<16xi32>
    %lt3A_2843 = arith.cmpi slt, %add3A_2790, %lt3A_2842 : vector<16xi32>
    %and3A_2844 = arith.andi %lt3A_2807, %lt3A_2843 : vector<16xi1>
    %min3A_2845 = arith.constant 15 : i32
    %min3A_2846 = vector.broadcast %min3A_2845 : i32 to vector<16xi32>
    %min3A_2847 = arith.minsi %add3A_2790, %min3A_2846 : vector<16xi32>
    %add3A_2848 = arith.constant 16 : i32
    %add3A_2849 = vector.broadcast %add3A_2848 : i32 to vector<16xi32>
    %add3A_2850 = arith.addi %iota3A, %add3A_2849 : vector<16xi32>
    tpu.vector_store_idx %arg11[%min3A_2847], %add3A_2850 masked %and3A_2844 : memref<16xi32, #tpu.memory_space<vmem>>[vector<16xi32>], vector<16xi32>, vector<16xi1>
    "tpu.region"() ({
      %run_scoped3A = tpu.sem_alloc : memref<!tpu.dma_semaphore, #tpu.memory_space<semaphore_mem>>
      %dma_start3A_2851 = arith.constant 0 : i32
      %dma_start3A_2852 = tpu.memref_slice %arg4[%add3A, %dma_start3A_2851] : memref<32x16xf32, #tpu.memory_space<hbm>> -> memref<1x16xf32, #tpu.memory_space<hbm>>
      %dma_start3A_2853 = tpu.memref_squeeze %dma_start3A_2852 : memref<1x16xf32, #tpu.memory_space<hbm>> -> memref<16xf32, #tpu.memory_space<hbm>>
      %dma_start3A_2854 = arith.constant 0 : i32
      %dma_start3A_2855 = tpu.memref_slice %arg4[%add3A, %dma_start3A_2854] : memref<32x16xf32, #tpu.memory_space<hbm>> -> memref<1x16xf32, #tpu.memory_space<hbm>>
      %dma_start3A_2856 = tpu.memref_squeeze %dma_start3A_2855 : memref<1x16xf32, #tpu.memory_space<hbm>> -> memref<16xf32, #tpu.memory_space<hbm>>
      tpu.enqueue_dma source(%arg9 : memref<16xf32, #tpu.memory_space<vmem>>) target(%dma_start3A_2856 : memref<16xf32, #tpu.memory_space<hbm>>) target_semaphore(%run_scoped3A : memref<!tpu.dma_semaphore, #tpu.memory_space<semaphore_mem>>)
      %dma_wait3A_2857 = arith.constant 0 : i32
      %dma_wait3A_2858 = tpu.memref_slice %arg4[%add3A, %dma_wait3A_2857] : memref<32x16xf32, #tpu.memory_space<hbm>> -> memref<1x16xf32, #tpu.memory_space<hbm>>
      %dma_wait3A_2859 = tpu.memref_squeeze %dma_wait3A_2858 : memref<1x16xf32, #tpu.memory_space<hbm>> -> memref<16xf32, #tpu.memory_space<hbm>>
      %dma_wait3A_2860 = arith.constant 0 : i32
      %dma_wait3A_2861 = tpu.memref_slice %arg4[%add3A, %dma_wait3A_2860] : memref<32x16xf32, #tpu.memory_space<hbm>> -> memref<1x16xf32, #tpu.memory_space<hbm>>
      %dma_wait3A_2862 = tpu.memref_squeeze %dma_wait3A_2861 : memref<1x16xf32, #tpu.memory_space<hbm>> -> memref<16xf32, #tpu.memory_space<hbm>>
      tpu.wait_dma2 semaphore(%run_scoped3A : memref<!tpu.dma_semaphore, #tpu.memory_space<semaphore_mem>>) src(%arg9 : memref<16xf32, #tpu.memory_space<vmem>>) dst(%dma_wait3A_2862 : memref<16xf32, #tpu.memory_space<hbm>>)
      tpu.yield
    }) : () -> ()
    "tpu.region"() ({
      %run_scoped3A = tpu.sem_alloc : memref<!tpu.dma_semaphore, #tpu.memory_space<semaphore_mem>>
      %dma_start3A_2851 = arith.constant 0 : i32
      %dma_start3A_2852 = tpu.memref_slice %arg5[%add3A, %dma_start3A_2851] : memref<32x16xi32, #tpu.memory_space<hbm>> -> memref<1x16xi32, #tpu.memory_space<hbm>>
      %dma_start3A_2853 = tpu.memref_squeeze %dma_start3A_2852 : memref<1x16xi32, #tpu.memory_space<hbm>> -> memref<16xi32, #tpu.memory_space<hbm>>
      %dma_start3A_2854 = arith.constant 0 : i32
      %dma_start3A_2855 = tpu.memref_slice %arg5[%add3A, %dma_start3A_2854] : memref<32x16xi32, #tpu.memory_space<hbm>> -> memref<1x16xi32, #tpu.memory_space<hbm>>
      %dma_start3A_2856 = tpu.memref_squeeze %dma_start3A_2855 : memref<1x16xi32, #tpu.memory_space<hbm>> -> memref<16xi32, #tpu.memory_space<hbm>>
      tpu.enqueue_dma source(%arg10 : memref<16xi32, #tpu.memory_space<vmem>>) target(%dma_start3A_2856 : memref<16xi32, #tpu.memory_space<hbm>>) target_semaphore(%run_scoped3A : memref<!tpu.dma_semaphore, #tpu.memory_space<semaphore_mem>>)
      %dma_wait3A_2857 = arith.constant 0 : i32
      %dma_wait3A_2858 = tpu.memref_slice %arg5[%add3A, %dma_wait3A_2857] : memref<32x16xi32, #tpu.memory_space<hbm>> -> memref<1x16xi32, #tpu.memory_space<hbm>>
      %dma_wait3A_2859 = tpu.memref_squeeze %dma_wait3A_2858 : memref<1x16xi32, #tpu.memory_space<hbm>> -> memref<16xi32, #tpu.memory_space<hbm>>
      %dma_wait3A_2860 = arith.constant 0 : i32
      %dma_wait3A_2861 = tpu.memref_slice %arg5[%add3A, %dma_wait3A_2860] : memref<32x16xi32, #tpu.memory_space<hbm>> -> memref<1x16xi32, #tpu.memory_space<hbm>>
      %dma_wait3A_2862 = tpu.memref_squeeze %dma_wait3A_2861 : memref<1x16xi32, #tpu.memory_space<hbm>> -> memref<16xi32, #tpu.memory_space<hbm>>
      tpu.wait_dma2 semaphore(%run_scoped3A : memref<!tpu.dma_semaphore, #tpu.memory_space<semaphore_mem>>) src(%arg10 : memref<16xi32, #tpu.memory_space<vmem>>) dst(%dma_wait3A_2862 : memref<16xi32, #tpu.memory_space<hbm>>)
      tpu.yield
    }) : () -> ()
    "tpu.region"() ({
      %run_scoped3A = tpu.sem_alloc : memref<!tpu.dma_semaphore, #tpu.memory_space<semaphore_mem>>
      %dma_start3A_2851 = arith.constant 0 : i32
      %dma_start3A_2852 = tpu.memref_slice %arg6[%add3A, %dma_start3A_2851] : memref<32x16xi32, #tpu.memory_space<hbm>> -> memref<1x16xi32, #tpu.memory_space<hbm>>
      %dma_start3A_2853 = tpu.memref_squeeze %dma_start3A_2852 : memref<1x16xi32, #tpu.memory_space<hbm>> -> memref<16xi32, #tpu.memory_space<hbm>>
      %dma_start3A_2854 = arith.constant 0 : i32
      %dma_start3A_2855 = tpu.memref_slice %arg6[%add3A, %dma_start3A_2854] : memref<32x16xi32, #tpu.memory_space<hbm>> -> memref<1x16xi32, #tpu.memory_space<hbm>>
      %dma_start3A_2856 = tpu.memref_squeeze %dma_start3A_2855 : memref<1x16xi32, #tpu.memory_space<hbm>> -> memref<16xi32, #tpu.memory_space<hbm>>
      tpu.enqueue_dma source(%arg11 : memref<16xi32, #tpu.memory_space<vmem>>) target(%dma_start3A_2856 : memref<16xi32, #tpu.memory_space<hbm>>) target_semaphore(%run_scoped3A : memref<!tpu.dma_semaphore, #tpu.memory_space<semaphore_mem>>)
      %dma_wait3A_2857 = arith.constant 0 : i32
      %dma_wait3A_2858 = tpu.memref_slice %arg6[%add3A, %dma_wait3A_2857] : memref<32x16xi32, #tpu.memory_space<hbm>> -> memref<1x16xi32, #tpu.memory_space<hbm>>
      %dma_wait3A_2859 = tpu.memref_squeeze %dma_wait3A_2858 : memref<1x16xi32, #tpu.memory_space<hbm>> -> memref<16xi32, #tpu.memory_space<hbm>>
      %dma_wait3A_2860 = arith.constant 0 : i32
      %dma_wait3A_2861 = tpu.memref_slice %arg6[%add3A, %dma_wait3A_2860] : memref<32x16xi32, #tpu.memory_space<hbm>> -> memref<1x16xi32, #tpu.memory_space<hbm>>
      %dma_wait3A_2862 = tpu.memref_squeeze %dma_wait3A_2861 : memref<1x16xi32, #tpu.memory_space<hbm>> -> memref<16xi32, #tpu.memory_space<hbm>>
      tpu.wait_dma2 semaphore(%run_scoped3A : memref<!tpu.dma_semaphore, #tpu.memory_space<semaphore_mem>>) src(%arg11 : memref<16xi32, #tpu.memory_space<vmem>>) dst(%dma_wait3A_2862 : memref<16xi32, #tpu.memory_space<hbm>>)
      tpu.yield
    }) : () -> ()
    return
  }
}

</mosaic_0001>

<sc_bundles>
// kernel: kernel.3.cloned.1.call-start
scs
__scs_entry_jumppad:
0x0: {  	(pc) =	sbr.rel $0x88, $3  }
0x1: {  	(tag) =	ssettag $0x0;
	lr =	simm.s32 $0x1  }
0x2: {  	[smem:$0x3F9F] =	sst lr;
	_ =	strace $0xD0000000  }
0x3: {  	_ = 	snop  }
0x4: {  	_ = 	snop  }
0x5: {  	_ = 	snop  }
0x6: {  	_ = 	snop  }
0x7: {  	_ = 	snop  }
__scs_overlays_trampoline_lowered:
0x8: {  	[smem:$0x3FAE] =	sst s0  }
0x9: {  	[smem:$0x3FAF] =	sst s1  }
0xa: {  	[smem:$0x3FB0] =	sst s2  }
0xb: {  	[smem:$0x3FB1] =	sst s3  }
0xc: {  	[smem:$0x3FB2] =	sst s4  }
0xd: {  	[smem:$0x3FB3] =	sst s5  }
0xe: {  	[smem:$0x3FB4] =	sst s6  }
0xf: {  	[smem:$0x3FB5] =	sst s7  }
0x10: {  	[smem:$0x3FB6] =	sst s8  }
0x11: {  	[smem:$0x3FB7] =	sst s9;
	s0 =	simm.s32 @!p0 $0x0  }
0x12: {  	s1 =	sld [smem:$0x3F9D];
	s0 =	simm.s32 @p0 $0x1  }
0x13: {  	[smem:$0x3FB8] =	sst s0;
	s0 =	simm.s32 @!p1 $0x0  }
0x14: {  	s2 =	sld [smem:$0x3F9C];
	s0 =	simm.s32 @p1 $0x1  }
0x15: {  	[smem:$0x3FB9] =	sst s0;
	s0 =	simm.s32 @!p2 $0x0  }
0x16: {  	s3 =	sld [smem:$0x3FDB];
	s0 =	simm.s32 @p2 $0x1  }
0x17: {  	s4 =	simm.s32 $0x1BF5;
	[smem:$0x3FBB] =	sst s0  }
0x18: {  	s0 =	sld [smem:$0x3F9E];
	_ =	swait.ge [sflag:s4], $0x0  }
0x19: {  	s7 =	sld [smem:$0x3F9F]  }
0x1a: {  	s8 =	sadd.s32 $0xFFFFE003, lr  }
0x1b: {  	s9 =	sadd.s32 $0xFFFFFEF7, lr;
	s5 =	simm.s32 $0xFFFFFFFF;
	p2 =	slt.u32 s8, $0xFFFFF086  }
0x1c: {  	p1 =	slt.u32 s9, $0xF7A;
	s5 =	simm.s32 @!p2 $0x0  }
0x1d: {  	s5 =	simm.s32 @p1 $0x1;
	p0 =	seq.s32 s7, s2  }
0x1e: {  	s7 =	smul.u32 @!p0 $0xF7A, s2;
	p2 =	seq.s32 @!p0 s5, $0x0  }
0x1f: {  	s9 =	smul.u32 $0xF7A, s1;
	s8 =	simm.s32 @!p0 $0x1BF5;
	p2 =	por !p2, p0  }
0x20: {  	[sflag:s8] =	ssyncset.s32 @!p0 $0xFFFFF086;
	s6 =	sadd.s32 @!p0 s3, s7;
	s7 =	simm.s32 @!p0 $0x108  }
0x21: {  	s3 =	sadd.s32 s3, s9;
	s6 =	sadd.s32 @!p0 $0x88, s6;
	s7 =	simm.s32 @p2 $0x1082  }
0x22: {  	[simem:s7], [sflag:s8] =	dma.local @!p0 [hbm:s6], $0xF7A  }
0x23: {  	s9 =	sor.u32 $0xD0000000, s2;
	s6 =	simm.s32 $0x108;
	_ =	swait.ge @!p0 [sflag:s8], $0x0  }
0x24: {  	s3 =	sadd.s32 $0x88, s3;
	s6 =	simm.s32 @!p1 $0x1082;
	[sflag:s4] =	ssyncset.s32 $0xFFFFF086  }
0x25: {  	[simem:s6], [sflag:s4] =	dma.local [hbm:s3], $0xF7A  }
0x26: {  	[smem:$0x3F9F] =	sst s1;
	(tag) =	ssettag s2;
	_ =	strace s9  }
0x27: {  	s1 =	sld [smem:$0x3FAF]  }
0x28: {  	s2 =	sld [smem:$0x3FB0]  }
0x29: {  	s4 =	sld [smem:$0x3FB2]  }
0x2a: {  	p0 =	seq.s32 s5, $0x0;
	s5 =	sld [smem:$0x3FB3]  }
0x2b: {  	s6 =	sld [smem:$0x3FB4]  }
0x2c: {  	s7 =	sld [smem:$0x3FB5]  }
0x2d: {  	s3 =	simm.s32 $0x108;
	s8 =	sld [smem:$0x3FB6]  }
0x2e: {  	s3 =	simm.s32 @!p0 $0x1082;
	s9 =	sld [smem:$0x3FB7]  }
0x2f: {  	lr =	sadd.s32 s0, s3;
	s0 =	sld [smem:$0x3FAE]  }
0x30: {  	s3 =	sld [smem:$0x3FB1]  }
0x31: {  	[smem:$0x3FBA] =	sst s10  }
0x32: {  	s10 =	sld [smem:$0x3FB8];
	_ =	sdelay $0x3  }
0x33: {  	p0 =	seq.s32 s10, $0x1;
	s10 =	sld [smem:$0x3FBA];
	_ =	sdelay $0x3  }
0x34: {  	[smem:$0x3FBA] =	sst s10  }
0x35: {  	s10 =	sld [smem:$0x3FB9];
	_ =	sdelay $0x3  }
0x36: {  	p1 =	seq.s32 s10, $0x1;
	s10 =	sld [smem:$0x3FBA];
	_ =	sdelay $0x3  }
0x37: {  	[smem:$0x3FBA] =	sst s10  }
0x38: {  	s10 =	sld [smem:$0x3FBB]  }
0x39: {  	_ = 	snop;
	(pc) =	sbr.ind lr, $3  }
0x3a: {  	_ = 	snop  }
0x3b: {  	_ = 	snop  }
0x3c: {  	p2 =	seq.s32 s10, $0x1;
	s10 =	sld [smem:$0x3FBA]  }
0x3d: {  	_ =	shalt  }
0x3e: {  	_ =	shalt  }
0x3f: {  	_ =	shalt  }
0x40: {  	_ =	shalt  }
0x41: {  	_ =	shalt  }
0x42: {  	_ =	shalt  }
0x43: {  	_ =	shalt  }
0x44: {  	_ =	shalt  }
0x45: {  	_ =	shalt  }
0x46: {  	_ =	shalt  }
0x47: {  	_ =	shalt  }
0x48: {  	_ =	shalt  }
0x49: {  	_ =	shalt  }
0x4a: {  	_ =	shalt  }
0x4b: {  	_ =	shalt  }
0x4c: {  	_ =	shalt  }
0x4d: {  	_ =	shalt  }
0x4e: {  	_ =	shalt  }
0x4f: {  	_ =	shalt  }
0x50: {  	_ =	shalt  }
0x51: {  	_ =	shalt  }
0x52: {  	_ =	shalt  }
0x53: {  	_ =	shalt  }
0x54: {  	_ =	shalt  }
0x55: {  	_ =	shalt  }
0x56: {  	_ =	shalt  }
0x57: {  	_ =	shalt  }
0x58: {  	_ =	shalt  }
0x59: {  	_ =	shalt  }
0x5a: {  	_ =	shalt  }
0x5b: {  	_ =	shalt  }
0x5c: {  	_ =	shalt  }
0x5d: {  	_ =	shalt  }
0x5e: {  	_ =	shalt  }
0x5f: {  	_ =	shalt  }
0x60: {  	_ =	shalt  }
0x61: {  	_ =	shalt  }
0x62: {  	_ =	shalt  }
0x63: {  	_ =	shalt  }
0x64: {  	_ =	shalt  }
0x65: {  	_ =	shalt  }
0x66: {  	_ =	shalt  }
0x67: {  	_ =	shalt  }
0x68: {  	_ =	shalt  }
0x69: {  	_ =	shalt  }
0x6a: {  	_ =	shalt  }
0x6b: {  	_ =	shalt  }
0x6c: {  	_ =	shalt  }
0x6d: {  	_ =	shalt  }
0x6e: {  	_ =	shalt  }
0x6f: {  	_ =	shalt  }
0x70: {  	_ =	shalt  }
0x71: {  	_ =	shalt  }
0x72: {  	_ =	shalt  }
0x73: {  	_ =	shalt  }
0x74: {  	_ =	shalt  }
0x75: {  	_ =	shalt  }
0x76: {  	_ =	shalt  }
0x77: {  	_ =	shalt  }
0x78: {  	_ =	shalt  }
0x79: {  	_ =	shalt  }
0x7a: {  	_ =	shalt  }
0x7b: {  	_ =	shalt  }
0x7c: {  	_ =	shalt  }
0x7d: {  	_ =	shalt  }
0x7e: {  	_ =	shalt  }
0x7f: {  	_ =	shalt  }
0x80: {  	_ =	shalt  }
0x81: {  	_ =	shalt  }
0x82: {  	_ =	shalt  }
0x83: {  	_ =	shalt  }
0x84: {  	_ =	shalt  }
0x85: {  	_ =	shalt  }
0x86: {  	_ =	shalt  }
0x87: {  	_ =	shalt  }
.Lfunc_end0:
.L_simem_size_0:
called_computation_lowered:
.L_overlay_start_0:
0x88: {  	s2 =	sld [smem:$0x3FD9]  }
0x89: {  	s3 =	sld [smem:$0x3FFE];
	_ =	sdelay $0x1  }
0x8a: {  	s1 =	srdreg.scid  }
0x8b: {  	s0 =	sand.u32 $0x1, s1  }
0x8c: {  	s14 =	sshll.u32 s0, $0xA;
	s2 =	sadd.s32 s3, s2  }
0x8d: {  	s2 =	sadd.s32 s2, s14  }
0x8e: {  	[smem:$0x3FC6] =	sst s2  }
0x8f: {  	_ = 	snop  }
0x90: {  	s2 =	sld [smem:$0x3FD0];
	_ =	sdelay $0x2  }
0x91: {  	s4 =	simm.s32 $0xA;
	s5 =	simm.s32 $0x10;
	s15 =	sld [smem:$0x3FC9]  }
0x92: {  	[smem:s5], [sflag:s4] =	dma.local [hbm:s2], $0x1  }
0x93: {  	_ =	swait.eq [sflag:s4], $0x1  }
0x94: {  	[sflag:s4] =	ssyncset.done $0x0  }
0x95: {  	[sflag:s4] =	ssyncadd.s32 $0xFFFFFFFF  }
0x96: {  	s16 =	sld [smem:$0x12];
	(tm) =	ssettm $0x1  }
0x97: {  	s17 =	sld [smem:$0x3FFB];
	_ =	sdelay $0x3  }
0x98: {  	_ =	strace s17  }
0x99: {  	s4 =	sld [smem:$0x3FFC];
	_ =	sdelay $0x3  }
0x9a: {  	_ =	strace s4  }
0x9b: {  	s4 =	sld [smem:$0x3FFD];
	_ =	sdelay $0x3  }
0x9c: {  	_ =	strace s4  }
0x9d: {  	_ =	strace $0x8FFFFFFF  }
0x9e: {  	s18 =	sld [smem:$0x3FDB];
	_ =	sdelay $0x1  }
0x9f: {  	s19 =	simm.s32 $_scs_section_size  }
0xa0: {  	s6 =	simm.s32 $_size__tile_overlayer_lowered;
	s7 =	simm.s32 $_tile_overlayer_lowered  }
0xa1: {  	s22 =	simm.s32 $0x1BFF;
	s21 =	sshll.u32 s7, $0x1;
	s4 =	sadd.s32 s19, s18  }
0xa2: {  	s8 =	simm.s32 $0x0;
	s20 =	sshll.u32 s6, $0x1;
	s6 =	sadd.s32 s21, s4  }
0xa3: {  	[timem:s8], [sflag:s22] =	dma.local [hbm:s6], s20  }
0xa4: {  	_ =	swait.ge [sflag:s22], s20  }
0xa5: {  	s5 =	ssub.s32 $0x0, s20;
	[sflag:s22] =	ssyncset.done $0x0  }
0xa6: {  	[sflag:s22] =	ssyncadd.s32 s5;
	_ =	sdelay $0x1  }
0xa7: {  	s23 =	simm.s32 $0x1B8B  }
0xa8: {  	_ =	swait.ge [sflag:s23], $0x1  }
0xa9: {  	[sflag:s23] =	ssyncset.done $0x0  }
0xaa: {  	s25 =	simm.s32 $0x1B8E;
	s24 =	sld [smem:$0x3FFE];
	[sflag:s23] =	ssyncadd.s32 $0xFFFFFFFF  }
0xab: {  	s26 =	simm.s32 $execute0_lowered;
	[smem:$0x3FD2] =	sst s25  }
0xac: {  	s6 =	sshll.u32 s26, $0x1;
	_ =	strace $0x80000046;
	[dreg:$0x1] =	wrdreg $0xFFFFFFFF  }
0xad: {  	s28 =	simm.s32 $_size_execute0_lowered;
	s4 =	sadd.s32 s4, s6;
	[dreg:$0x0] =	wrdreg $0x0  }
0xae: {  	s6 =	sshll.u32 s28, $0x1;
	[dreg:$0x2] =	wrdreg s4  }
0xaf: {  	[dreg:$0x3] =	wrdreg s6  }
0xb0: {  	[dreg:$0x4] =	wrdreg $0xC0  }
0xb1: {  	_ =	task [dreg:s8], $0x5FFFF  }
0xb2: {  	[dreg:$0x1] =	wrdreg $0xFFFFFFFF  }
0xb3: {  	[dreg:$0x0] =	wrdreg $0x60  }
0xb4: {  	[dreg:$0x2] =	wrdreg s15  }
0xb5: {  	[dreg:$0x3] =	wrdreg s16  }
0xb6: {  	[dreg:$0x4] =	wrdreg s24  }
0xb7: {  	[dreg:$0x5] =	wrdreg $0x9  }
0xb8: {  	_ =	task.clear_ibuf [dreg:s8], $0x6FFFF;
	_ =	strace $0x90000046  }
0xb9: {  	s29 =	simm.s32 $0x9;
	_ =	strace $0x80000048  }
0xba: {  	_ =	swait.ge [sflag:s29], $0x1  }
0xbb: {  	[sflag:s29] =	ssyncadd.s32 $0xFFFFFFFF  }
0xbc: {  	_ =	strace $0x90000048  }
0xbd: {  	_ =	sfence  }
0xbe: {  	s30 =	sld [smem:$0x0];
	_ =	sdelay $0x2  }
0xbf: {  	s31 =	sshll.u32 s1, $0xD;
	s1 =	sshrl.u32 s1, $0x2  }
0xc0: {  	s3 =	sand.u32 $0x4000, s31;
	s1 =	sadd.s32 s1, s30  }
0xc1: {  	s0 =	sor.u32 s3, s0;
	s1 =	sshll.u32 s1, $0x11  }
0xc2: {  	s0 =	sor.u32 s1, s0  }
0xc3: {  	s0 =	sadd.s32 $0x8F2B, s0  }
0xc4: {  	[sflag:s0] =	ssyncadd.remote.s32 $0x1  }
0xc5: {  	_ =	sfence.sel $0xFFFF  }
0xc6: {  	[dreg:$0x0] =	wrdreg $0xFFFFFFFF;
	(pc) =	sbr.abs _section_cstart, $3  }
0xc7: {  	[dreg:$0x1] =	wrdreg $0xFFFFFFFF  }
0xc8: {  	_ =	task.clear_ibuf [dreg:s8], $0x2FFFF;
	_ =	strace $0x9FFFFFFF  }
0xc9: {  	(tm) =	ssettm $0x7FFFFFFF  }
tec
execute0_lowered:
.L_overlay_start_1:
0x0: {  	(tag) =	ssettag $0x1  }
0x1: {  	s0 =	rddreg [dreg:$0x0];
	s1 =	srdreg.scid  }
0x2: {  	s5 =	rddreg [dreg:$0x1];
	s6 =	sand.u32 $0x1, s1  }
0x3: {  	s7 =	rddreg [dreg:$0x2];
	s2 =	stileid.u32;
	s3 =	sshll.u32 s6, $0x4  }
0x4: {  	s1 =	rddreg [dreg:$0x3];
	s4 =	sor.u32 s2, s3;
	s3 =	simm.s32 $0x0  }
0x5: {  	s30 =	simm.s32 $0x480;
	[smem:$0x7FF] =	sst s3  }
0x6: {  	s31 =	simm.s32 $0x880;
	_ =	strace $0x80000047;
	[dreg:$0x8] =	wrdreg s30  }
0x7: {  	s11 =	simm.s32 $0x1C80;
	[dreg:$0x9] =	wrdreg s31  }
0x8: {  	s12 =	simm.s32 $0x2080;
	[dreg:$0xe] =	wrdreg s11  }
0x9: {  	s13 =	simm.s32 $0x2480;
	[dreg:$0xf] =	wrdreg s12  }
0xa: {  	s14 =	simm.s32 $0x2880;
	[dreg:$0x10] =	wrdreg s13  }
0xb: {  	s15 =	simm.s32 $0x2C80;
	[dreg:$0x11] =	wrdreg s14  }
0xc: {  	s16 =	simm.s32 $0x3080;
	[dreg:$0x12] =	wrdreg s15  }
0xd: {  	s17 =	simm.s32 $0x3480;
	[dreg:$0x13] =	wrdreg s16  }
0xe: {  	s18 =	simm.s32 $0x3880;
	s19 =	simm.s32 $0x3C80;
	[dreg:$0x14] =	wrdreg s17  }
0xf: {  	s20 =	simm.s32 $0x4080;
	s22 =	simm.s32 $0x4480;
	[dreg:$0x15] =	wrdreg s18  }
0x10: {  	s24 =	simm.s32 $0x4880;
	s25 =	simm.s32 $0x4C80;
	[dreg:$0x16] =	wrdreg s19  }
0x11: {  	s9 =	sshll.u32 s2, $0x4;
	s23 =	sand.u32 $0x7, s2;
	[dreg:$0x17] =	wrdreg s20  }
0x12: {  	s9 =	sand.u32 $0x70, s9;
	s6 =	ssub.s32 $0x2, s6;
	[dreg:$0x18] =	wrdreg s22  }
0x13: {  	s21 =	sshrl.u32 s6, $0x1;
	s8 =	sshll.u32 s4, $0x4;
	[dreg:$0x19] =	wrdreg s24  }
0x14: {  	s10 =	smul.u32 $0x3, s4;
	[dreg:$0x1a] =	wrdreg s25;
	s30 =	simm.s32 $0x5C80  }
0x15: {  	s6 =	ssub.s32 s6, s21;
	s31 =	simm.s32 $0x6080;
	[dreg:$0x1e] =	wrdreg s30  }
0x16: {  	s8 =	sand.u32 $0x180, s8;
	s5 =	sadd.s32 s5, s10;
	[dreg:$0x1f] =	wrdreg s31  }
0x17: {  	s8 =	sor.u32 s9, s8;
	s9 =	simm.s32 $0x1480;
	[dreg:$0x4] =	wrdreg s5  }
0x18: {  	s4 =	sshrl.u32 s4, $0x3;
	s10 =	simm.s32 $0x1880;
	[dreg:$0xc] =	wrdreg s9  }
0x19: {  	s7 =	sadd.s32 s8, s7;
	s8 =	simm.s32 $0x1080;
	[dreg:$0xd] =	wrdreg s10  }
0x1a: {  	v2 =	vlaneseq.u32;
	s4 =	smul.u32 $0x7A1400, s4;
	s26 =	sadd.s32 $0x800, s7;
	[dreg:$0xb] =	wrdreg s8  }
0x1b: {  	v0 =	vmul.u32 $0x400, v2;
	s11 =	simm.s32 $0x6580;
	s28 =	sadd.s32 $0xA00, s7;
	[dreg:$0x5] =	wrdreg s26  }
0x1c: {  	s5 =	smax.u32 s6, $0x1;
	s29 =	sadd.s32 $0xC00, s7;
	[dreg:$0x6] =	wrdreg s28  }
0x1d: {  	v63 =	vor.u32 $0x10, v2;
	v1 =	vadd.s32 $0x400, v0;
	s7 =	simm.s32 $0xC80;
	s8 =	sshll.u32 s23, $0x7;
	[dreg:$0x7] =	wrdreg s29  }
0x1e: {  	v0 =	vadd.s32 $0x4400, v0;
	[tilespmem:$0x1FFF0] =	vst v63;
	s6 =	simm.s32 $0x2;
	[dreg:$0xa] =	wrdreg s7;
	v1 =	vor.u32 s8, v1;
	s26 =	simm.s32 $0x5080  }
0x1f: {  	vm0 =	vmmov $0xff;
	v62 =	vimm.s32 $0x0;
	s9 =	simm.s32 $0x6480;
	v0 =	vor.u32 s8, v0;
	s28 =	simm.s32 $0x5480;
	[tilespmem:$0x1FFC0] =	vst v1;
	[dreg:$0x1b] =	wrdreg s26  }
0x20: {  	s10 =	simm.s32 $0x6500;
	s29 =	simm.s32 $0x5880;
	[tilespmem:$0x1FFD0] =	vst v0;
	v0 =	vsel vm0, $0xFFFFFFFF, v62;
	[dreg:$0x1c] =	wrdreg s28  }
0x21: {  	v35 =	vimm.s32 $0x0;
	s7 =	simm.s32 $0x1;
	s8 =	simm.s32 $0x80;
	[dreg:$0x1d] =	wrdreg s29;
	[tilespmem:$0x1FFE0] =	vst v0  }
.LBB2_1:
0x22: {  	s12 =	rddreg [dreg:$0x4]  }
0x23: {  	[tilespmem:s3], [sflag:$0x2] =	stream.linear.gather [hbm4b:s12+s3], $0x18, $0x38;
	[tilespmem:$0x6600] =	vst v63  }
0x24: {  	_ =	swait.ge [sflag:s6], $0x18  }
0x25: {  	[sflag:s6] =	ssyncset.done $0x0  }
0x26: {  	[sflag:s6] =	ssyncadd.s32 $0xFFFFFFE8  }
0x27: {  	v5 =	vld [tilespmem:$0x0];
	_ =	sdelay $0x4  }
0x28: {  	v0 =	vshll.u32 v5, $0x3  }
0x29: {  	(v2sf) =	vpush v0, $0x0;
	_ =	sdelay $0x3  }
0x2a: {  	(v2sf) =	vpush v0, $0x1;
	_ =	sdelay $0x4  }
0x2b: {  	(v2sf) =	vpush v0, $0x2;
	_ =	sdelay $0x5  }
0x2c: {  	s16 =	spop (v2sf)  }
0x2d: {  	(v2sf) =	vpush v0, $0x3;
	s12 =	sand.u32 $0x7FFFFC00, s16  }
0x2e: {  	s12 =	sadd.s32 s4, s12  }
0x2f: {  	s12 =	sshrl.u32 s12, $0x3  }
0x30: {  	s13 =	rddreg [dreg:$0x8];
	s17 =	spop (v2sf);
	s12 =	sadd.s32 s0, s12  }
0x31: {  	v52 =	vld [tilespmem:$0x10];
	(v2sf) =	vpush v0, $0x4;
	[tilespmem:s13], [sflag:$0x1] =	stream.linear.gather [hbm4b:s12+s3], $0x400, $0x38  }
0x32: {  	s12 =	sand.u32 $0x7FFFFC00, s17  }
0x33: {  	s12 =	sadd.s32 s4, s12  }
0x34: {  	s12 =	sshrl.u32 s12, $0x3  }
0x35: {  	s18 =	rddreg [dreg:$0x9];
	s19 =	spop (v2sf);
	s12 =	sadd.s32 s0, s12  }
0x36: {  	(v2sf) =	vpush v0, $0x5;
	[tilespmem:s18], [sflag:$0x1] =	stream.linear.gather [hbm4b:s12+s3], $0x400, $0x38;
	[tilespmem:$0x6600] =	vst v63  }
0x37: {  	s12 =	sand.u32 $0x7FFFFC00, s19  }
0x38: {  	s12 =	sadd.s32 s4, s12  }
0x39: {  	s12 =	sshrl.u32 s12, $0x3  }
0x3a: {  	s20 =	rddreg [dreg:$0xa];
	s12 =	sadd.s32 s0, s12  }
0x3b: {  	[tilespmem:s20], [sflag:$0x1] =	stream.linear.gather [hbm4b:s12+s3], $0x400, $0x38;
	[tilespmem:$0x6600] =	vst v63  }
0x3c: {  	s21 =	spop (v2sf)  }
0x3d: {  	(v2sf) =	vpush v0, $0x6;
	s12 =	sand.u32 $0x7FFFFC00, s21  }
0x3e: {  	s12 =	sadd.s32 s4, s12  }
0x3f: {  	s12 =	sshrl.u32 s12, $0x3  }
0x40: {  	s22 =	rddreg [dreg:$0xb];
	s23 =	spop (v2sf);
	s12 =	sadd.s32 s0, s12  }
0x41: {  	(v2sf) =	vpush v0, $0x7;
	[tilespmem:s22], [sflag:$0x1] =	stream.linear.gather [hbm4b:s12+s3], $0x400, $0x38;
	[tilespmem:$0x6600] =	vst v63  }
0x42: {  	s12 =	sand.u32 $0x7FFFFC00, s23  }
0x43: {  	s12 =	sadd.s32 s4, s12  }
0x44: {  	s12 =	sshrl.u32 s12, $0x3  }
0x45: {  	s24 =	rddreg [dreg:$0xc];
	s25 =	spop (v2sf);
	s12 =	sadd.s32 s0, s12  }
0x46: {  	(v2sf) =	vpush v0, $0x8;
	[tilespmem:s24], [sflag:$0x1] =	stream.linear.gather [hbm4b:s12+s3], $0x400, $0x38;
	[tilespmem:$0x6600] =	vst v63  }
0x47: {  	s12 =	sand.u32 $0x7FFFFC00, s25  }
0x48: {  	s12 =	sadd.s32 s4, s12  }
0x49: {  	s12 =	sshrl.u32 s12, $0x3  }
0x4a: {  	s26 =	rddreg [dreg:$0xd];
	s12 =	sadd.s32 s0, s12  }
0x4b: {  	[tilespmem:s26], [sflag:$0x1] =	stream.linear.gather [hbm4b:s12+s3], $0x400, $0x38;
	[tilespmem:$0x6600] =	vst v63  }
0x4c: {  	s28 =	spop (v2sf)  }
0x4d: {  	(v2sf) =	vpush v0, $0x9;
	s12 =	sand.u32 $0x7FFFFC00, s28  }
0x4e: {  	s12 =	sadd.s32 s4, s12  }
0x4f: {  	s12 =	sshrl.u32 s12, $0x3  }
0x50: {  	s29 =	rddreg [dreg:$0xe];
	s30 =	spop (v2sf);
	s12 =	sadd.s32 s0, s12  }
0x51: {  	(v2sf) =	vpush v0, $0xA;
	[tilespmem:s29], [sflag:$0x1] =	stream.linear.gather [hbm4b:s12+s3], $0x400, $0x38;
	[tilespmem:$0x6600] =	vst v63  }
0x52: {  	s12 =	sand.u32 $0x7FFFFC00, s30  }
0x53: {  	s12 =	sadd.s32 s4, s12  }
0x54: {  	s12 =	sshrl.u32 s12, $0x3  }
0x55: {  	s31 =	rddreg [dreg:$0xf];
	s13 =	spop (v2sf);
	s12 =	sadd.s32 s0, s12  }
0x56: {  	(v2sf) =	vpush v0, $0xB;
	[tilespmem:s31], [sflag:$0x1] =	stream.linear.gather [hbm4b:s12+s3], $0x400, $0x38;
	[tilespmem:$0x6600] =	vst v63  }
0x57: {  	s12 =	sand.u32 $0x7FFFFC00, s13  }
0x58: {  	s12 =	sadd.s32 s4, s12  }
0x59: {  	s12 =	sshrl.u32 s12, $0x3  }
0x5a: {  	s14 =	rddreg [dreg:$0x10];
	s12 =	sadd.s32 s0, s12  }
0x5b: {  	[tilespmem:s14], [sflag:$0x1] =	stream.linear.gather [hbm4b:s12+s3], $0x400, $0x38;
	[tilespmem:$0x6600] =	vst v63  }
0x5c: {  	s15 =	spop (v2sf)  }
0x5d: {  	(v2sf) =	vpush v0, $0xC;
	s12 =	sand.u32 $0x7FFFFC00, s15  }
0x5e: {  	s12 =	sadd.s32 s4, s12  }
0x5f: {  	s12 =	sshrl.u32 s12, $0x3  }
0x60: {  	s16 =	rddreg [dreg:$0x11];
	s17 =	spop (v2sf);
	s12 =	sadd.s32 s0, s12  }
0x61: {  	(v2sf) =	vpush v0, $0xD;
	[tilespmem:s16], [sflag:$0x1] =	stream.linear.gather [hbm4b:s12+s3], $0x400, $0x38;
	[tilespmem:$0x6600] =	vst v63  }
0x62: {  	s12 =	sand.u32 $0x7FFFFC00, s17  }
0x63: {  	s12 =	sadd.s32 s4, s12  }
0x64: {  	s12 =	sshrl.u32 s12, $0x3  }
0x65: {  	s18 =	rddreg [dreg:$0x12];
	s19 =	spop (v2sf);
	s12 =	sadd.s32 s0, s12  }
0x66: {  	(v2sf) =	vpush v0, $0xE;
	[tilespmem:s18], [sflag:$0x1] =	stream.linear.gather [hbm4b:s12+s3], $0x400, $0x38;
	[tilespmem:$0x6600] =	vst v63  }
0x67: {  	s12 =	sand.u32 $0x7FFFFC00, s19  }
0x68: {  	s12 =	sadd.s32 s4, s12  }
0x69: {  	s12 =	sshrl.u32 s12, $0x3  }
0x6a: {  	s20 =	rddreg [dreg:$0x13];
	s12 =	sadd.s32 s0, s12  }
0x6b: {  	[tilespmem:s20], [sflag:$0x1] =	stream.linear.gather [hbm4b:s12+s3], $0x400, $0x38;
	[tilespmem:$0x6600] =	vst v63  }
0x6c: {  	s21 =	spop (v2sf)  }
0x6d: {  	(v2sf) =	vpush v0, $0xF;
	s12 =	sand.u32 $0x7FFFFC00, s21  }
0x6e: {  	s12 =	sadd.s32 s4, s12  }
0x6f: {  	s12 =	sshrl.u32 s12, $0x3  }
0x70: {  	v61 =	vshll.u32 v52, $0x3;
	s22 =	rddreg [dreg:$0x14];
	s23 =	spop (v2sf);
	s12 =	sadd.s32 s0, s12  }
0x71: {  	(v2sf) =	vpush v61, $0x0;
	[tilespmem:s22], [sflag:$0x1] =	stream.linear.gather [hbm4b:s12+s3], $0x400, $0x38;
	[tilespmem:$0x6600] =	vst v63  }
0x72: {  	s12 =	sand.u32 $0x7FFFFC00, s23  }
0x73: {  	s12 =	sadd.s32 s4, s12  }
0x74: {  	s12 =	sshrl.u32 s12, $0x3  }
0x75: {  	s24 =	rddreg [dreg:$0x15];
	s25 =	spop (v2sf);
	s12 =	sadd.s32 s0, s12  }
0x76: {  	(v2sf) =	vpush v61, $0x1;
	[tilespmem:s24], [sflag:$0x1] =	stream.linear.gather [hbm4b:s12+s3], $0x400, $0x38;
	[tilespmem:$0x6600] =	vst v63  }
0x77: {  	s12 =	sand.u32 $0x7FFFFC00, s25  }
0x78: {  	s12 =	sadd.s32 s4, s12  }
0x79: {  	s12 =	sshrl.u32 s12, $0x3  }
0x7a: {  	s26 =	rddreg [dreg:$0x16];
	s12 =	sadd.s32 s0, s12  }
0x7b: {  	[tilespmem:s26], [sflag:$0x1] =	stream.linear.gather [hbm4b:s12+s3], $0x400, $0x38;
	[tilespmem:$0x6600] =	vst v63  }
0x7c: {  	s28 =	spop (v2sf)  }
0x7d: {  	(v2sf) =	vpush v61, $0x2;
	s12 =	sand.u32 $0x7FFFFC00, s28  }
0x7e: {  	s12 =	sadd.s32 s4, s12  }
0x7f: {  	s12 =	sshrl.u32 s12, $0x3  }
0x80: {  	s29 =	rddreg [dreg:$0x17];
	s30 =	spop (v2sf);
	s12 =	sadd.s32 s0, s12  }
0x81: {  	(v2sf) =	vpush v61, $0x3;
	[tilespmem:s29], [sflag:$0x1] =	stream.linear.gather [hbm4b:s12+s3], $0x400, $0x38;
	[tilespmem:$0x6600] =	vst v63  }
0x82: {  	s12 =	sand.u32 $0x7FFFFC00, s30  }
0x83: {  	s12 =	sadd.s32 s4, s12  }
0x84: {  	s12 =	sshrl.u32 s12, $0x3  }
0x85: {  	s31 =	rddreg [dreg:$0x18];
	s14 =	spop (v2sf);
	s12 =	sadd.s32 s0, s12  }
0x86: {  	(v2sf) =	vpush v61, $0x4;
	[tilespmem:s31], [sflag:$0x1] =	stream.linear.gather [hbm4b:s12+s3], $0x400, $0x38;
	[tilespmem:$0x6600] =	vst v63  }
0x87: {  	s12 =	sand.u32 $0x7FFFFC00, s14  }
0x88: {  	s12 =	sadd.s32 s4, s12  }
0x89: {  	s12 =	sshrl.u32 s12, $0x3  }
0x8a: {  	s15 =	rddreg [dreg:$0x19];
	s12 =	sadd.s32 s0, s12  }
0x8b: {  	[tilespmem:s15], [sflag:$0x1] =	stream.linear.gather [hbm4b:s12+s3], $0x400, $0x38;
	[tilespmem:$0x6600] =	vst v63  }
0x8c: {  	s16 =	spop (v2sf)  }
0x8d: {  	(v2sf) =	vpush v61, $0x5;
	s12 =	sand.u32 $0x7FFFFC00, s16  }
0x8e: {  	s12 =	sadd.s32 s4, s12  }
0x8f: {  	s12 =	sshrl.u32 s12, $0x3  }
0x90: {  	s17 =	rddreg [dreg:$0x1a];
	s18 =	spop (v2sf);
	s12 =	sadd.s32 s0, s12  }
0x91: {  	(v2sf) =	vpush v61, $0x6;
	[tilespmem:s17], [sflag:$0x1] =	stream.linear.gather [hbm4b:s12+s3], $0x400, $0x38;
	[tilespmem:$0x6600] =	vst v63  }
0x92: {  	s12 =	sand.u32 $0x7FFFFC00, s18  }
0x93: {  	s12 =	sadd.s32 s4, s12  }
0x94: {  	s12 =	sshrl.u32 s12, $0x3  }
0x95: {  	s19 =	rddreg [dreg:$0x1b];
	s20 =	spop (v2sf);
	s12 =	sadd.s32 s0, s12  }
0x96: {  	(v2sf) =	vpush v61, $0x7;
	[tilespmem:s19], [sflag:$0x1] =	stream.linear.gather [hbm4b:s12+s3], $0x400, $0x38;
	[tilespmem:$0x6600] =	vst v63  }
0x97: {  	s12 =	sand.u32 $0x7FFFFC00, s20  }
0x98: {  	s12 =	sadd.s32 s4, s12  }
0x99: {  	s12 =	sshrl.u32 s12, $0x3  }
0x9a: {  	s21 =	rddreg [dreg:$0x1c];
	s12 =	sadd.s32 s0, s12  }
0x9b: {  	[tilespmem:s21], [sflag:$0x1] =	stream.linear.gather [hbm4b:s12+s3], $0x400, $0x38;
	[tilespmem:$0x6600] =	vst v63  }
0x9c: {  	s22 =	spop (v2sf)  }
0x9d: {  	s12 =	sand.u32 $0x7FFFFC00, s22  }
0x9e: {  	s12 =	sadd.s32 s4, s12  }
0x9f: {  	s12 =	sshrl.u32 s12, $0x3  }
0xa0: {  	s23 =	rddreg [dreg:$0x1d];
	s24 =	spop (v2sf);
	s12 =	sadd.s32 s0, s12  }
0xa1: {  	[tilespmem:s23], [sflag:$0x1] =	stream.linear.gather [hbm4b:s12+s3], $0x400, $0x38;
	[tilespmem:$0x6600] =	vst v63  }
0xa2: {  	s12 =	sand.u32 $0x7FFFFC00, s24  }
0xa3: {  	s12 =	sadd.s32 s4, s12  }
0xa4: {  	s12 =	sshrl.u32 s12, $0x3  }
0xa5: {  	s25 =	rddreg [dreg:$0x1e];
	s26 =	spop (v2sf);
	s12 =	sadd.s32 s0, s12  }
0xa6: {  	[tilespmem:s25], [sflag:$0x1] =	stream.linear.gather [hbm4b:s12+s3], $0x400, $0x38;
	[tilespmem:$0x6600] =	vst v63  }
0xa7: {  	s12 =	sand.u32 $0x7FFFFC00, s26  }
0xa8: {  	s12 =	sadd.s32 s4, s12  }
0xa9: {  	s12 =	sshrl.u32 s12, $0x3  }
0xaa: {  	s28 =	rddreg [dreg:$0x1f];
	s12 =	sadd.s32 s0, s12  }
0xab: {  	[tilespmem:s28], [sflag:$0x1] =	stream.linear.gather [hbm4b:s12+s3], $0x400, $0x38;
	[tilespmem:$0x6600] =	vst v63  }
0xac: {  	_ =	swait.ge [sflag:s7], $0x400  }
0xad: {  	[sflag:s7] =	ssyncset.done $0x0  }
0xae: {  	[sflag:s7] =	ssyncadd.s32 $0xFFFFFC00  }
0xaf: {  	_ =	swait.ge [sflag:s7], $0x400  }
0xb0: {  	[sflag:s7] =	ssyncset.done $0x0  }
0xb1: {  	[sflag:s7] =	ssyncadd.s32 $0xFFFFFC00  }
0xb2: {  	_ =	swait.ge [sflag:s7], $0x400  }
0xb3: {  	[sflag:s7] =	ssyncset.done $0x0  }
0xb4: {  	[sflag:s7] =	ssyncadd.s32 $0xFFFFFC00  }
0xb5: {  	_ =	swait.ge [sflag:s7], $0x400  }
0xb6: {  	[sflag:s7] =	ssyncset.done $0x0  }
0xb7: {  	[sflag:s7] =	ssyncadd.s32 $0xFFFFFC00  }
0xb8: {  	_ =	swait.ge [sflag:s7], $0x400  }
0xb9: {  	[sflag:s7] =	ssyncset.done $0x0  }
0xba: {  	[sflag:s7] =	ssyncadd.s32 $0xFFFFFC00  }
0xbb: {  	_ =	swait.ge [sflag:s7], $0x400  }
0xbc: {  	[sflag:s7] =	ssyncset.done $0x0  }
0xbd: {  	[sflag:s7] =	ssyncadd.s32 $0xFFFFFC00  }
0xbe: {  	_ =	swait.ge [sflag:s7], $0x400  }
0xbf: {  	[sflag:s7] =	ssyncset.done $0x0  }
0xc0: {  	[sflag:s7] =	ssyncadd.s32 $0xFFFFFC00  }
0xc1: {  	_ =	swait.ge [sflag:s7], $0x400  }
0xc2: {  	[sflag:s7] =	ssyncset.done $0x0  }
0xc3: {  	[sflag:s7] =	ssyncadd.s32 $0xFFFFFC00  }
0xc4: {  	_ =	swait.ge [sflag:s7], $0x400  }
0xc5: {  	[sflag:s7] =	ssyncset.done $0x0  }
0xc6: {  	[sflag:s7] =	ssyncadd.s32 $0xFFFFFC00  }
0xc7: {  	_ =	swait.ge [sflag:s7], $0x400  }
0xc8: {  	[sflag:s7] =	ssyncset.done $0x0  }
0xc9: {  	[sflag:s7] =	ssyncadd.s32 $0xFFFFFC00  }
0xca: {  	_ =	swait.ge [sflag:s7], $0x400  }
0xcb: {  	[sflag:s7] =	ssyncset.done $0x0  }
0xcc: {  	[sflag:s7] =	ssyncadd.s32 $0xFFFFFC00  }
0xcd: {  	_ =	swait.ge [sflag:s7], $0x400  }
0xce: {  	[sflag:s7] =	ssyncset.done $0x0  }
0xcf: {  	vm1 =	vcmask $0x3F04;
	[sflag:s7] =	ssyncadd.s32 $0xFFFFFC00  }
0xd0: {  	vm13 =	vcmask $0x3F08;
	vm4 =	vcmask $0x3F0C;
	vm10 =	vcmask $0x3F10;
	_ =	swait.ge [sflag:s7], $0x400  }
0xd1: {  	v7 =	vimm.s32 $0x0;
	v37 =	vimm.s32 $0x0;
	v41 =	vimm.s32 $0x0;
	[sflag:s7] =	ssyncset.done $0x0  }
0xd2: {  	v43 =	vimm.s32 $0x0;
	v4 =	vbroadcast v5, $0x0;
	v2 =	vbroadcast v5, $0x1;
	[sflag:s7] =	ssyncadd.s32 $0xFFFFFC00  }
0xd3: {  	v47 =	vimm.s32 $0x0;
	v1 =	vbroadcast v5, $0x2;
	v21 =	vbroadcast v5, $0x4;
	_ =	swait.ge [sflag:s7], $0x400  }
0xd4: {  	v51 =	vimm.s32 $0x0;
	v24 =	vbroadcast v5, $0x5;
	v26 =	vbroadcast v5, $0x6;
	[sflag:s7] =	ssyncset.done $0x0  }
0xd5: {  	v54 =	vimm.s32 $0x0;
	v15 =	vbroadcast v5, $0x7;
	v34 =	vbroadcast v5, $0x8;
	[sflag:s7] =	ssyncadd.s32 $0xFFFFFC00  }
0xd6: {  	v38 =	vbroadcast v5, $0x9;
	v55 =	vbroadcast v5, $0xA;
	v40 =	vand.u32 $0x7F, v5;
	_ =	swait.ge [sflag:s7], $0x400  }
0xd7: {  	v48 =	vbroadcast v5, $0xC;
	v49 =	vbroadcast v5, $0xD;
	vm0 =	veq.s32 v4, v5;
	v62 =	vld [tilespmem:$0x1FFE0]  }
0xd8: {  	vm2 =	veq.s32 v2, v5;
	vm14 =	veq.s32 v1, v5;
	vm3 =	vmand vm0, vm1  }
0xd9: {  	vm8 =	vmand vm2, vm13;
	vm7 =	vmand vm14, vm4;
	v0 =	vbroadcast v5, $0x3;
	[sflag:s7] =	ssyncset.done $0x0  }
0xda: {  	vm13 =	vcmask $0x3F14;
	vm2 =	veq.s32 v38, v5;
	v8 =	vsel vm3, $0x1, v35;
	[sflag:s7] =	ssyncadd.s32 $0xFFFFFC00  }
0xdb: {  	v10 =	vsel vm8, $0x1, v35;
	v11 =	vsel vm7, $0x1, v35;
	vm6 =	veq.s32 v0, v5;
	_ =	swait.ge [sflag:s7], $0x400  }
0xdc: {  	v8 =	vadd.s32 v10, v8;
	vm14 =	vmand vm6, vm10;
	[sflag:s7] =	ssyncset.done $0x0;
	vm5 =	vnez.u8 v62  }
0xdd: {  	v8 =	vadd.s32 v11, v8;
	v28 =	vsel vm14, $0x1, v35;
	[sflag:s7] =	ssyncadd.s32 $0xFFFFFC00;
	v6 =	vnsel vm5, $0x0, v52  }
0xde: {  	vm10 =	veq.s32 v26, v5;
	v8 =	vadd.s32 v28, v8;
	_ =	swait.ge [sflag:s7], $0x400;
	vm12 =	veq.s32 v4, v6  }
0xdf: {  	[sflag:s7] =	ssyncset.done $0x0;
	vm15 =	veq.s32 v2, v6;
	vm9 =	veq.s32 v1, v6;
	vm11 =	veq.s32 v0, v6  }
0xe0: {  	[sflag:s7] =	ssyncadd.s32 $0xFFFFFC00;
	vm4 =	veq.s32 v21, v6;
	v45 =	vand.u32 $0x7F, v6;
	v9 =	vsel vm12, $0x1, v35  }
0xe1: {  	v63 =	vsel vm15, $0x1, v35;
	v12 =	vsel vm9, $0x1, v35;
	vm12 =	veq.s32 v21, v5;
	_ =	swait.ge [sflag:s7], $0x400  }
0xe2: {  	v32 =	vsel vm11, $0x1, v35;
	vm15 =	veq.s32 v24, v5;
	vm9 =	vcmask $0x3F18;
	[sflag:s7] =	ssyncset.done $0x0  }
0xe3: {  	v14 =	vsel vm4, $0x1, v35;
	vm11 =	veq.s32 v24, v6;
	vm6 =	vmand vm12, vm13;
	[sflag:s7] =	ssyncadd.s32 $0xFFFFFC00  }
0xe4: {  	vm12 =	vmand vm15, vm9;
	vm15 =	vcmask $0x3F1C;
	v3 =	vsel vm11, $0x1, v35;
	_ =	swait.ge [sflag:s7], $0x400  }
0xe5: {  	vm9 =	veq.s32 v26, v6;
	vm11 =	vcmask $0x3F20;
	v9 =	vadd.s32 v63, v9;
	[sflag:s7] =	ssyncset.done $0x0  }
0xe6: {  	v29 =	vsel vm6, $0x1, v35;
	v30 =	vsel vm12, $0x1, v35;
	vm13 =	vmand vm10, vm15;
	[sflag:s7] =	ssyncadd.s32 $0xFFFFFC00  }
0xe7: {  	vm10 =	veq.s32 v15, v5;
	v13 =	vsel vm9, $0x1, v35;
	vm15 =	veq.s32 v34, v5;
	_ =	swait.ge [sflag:s7], $0x400  }
0xe8: {  	vm9 =	veq.s32 v15, v6;
	vm4 =	vmand vm10, vm11;
	vm11 =	vcmask $0x3F24;
	[sflag:s7] =	ssyncset.done $0x0  }
0xe9: {  	v9 =	vadd.s32 v12, v9;
	vm0 =	vmand vm15, vm11;
	vm11 =	vcmask $0x3F28;
	[sflag:s7] =	ssyncadd.s32 $0xFFFFFC00  }
0xea: {  	v7 =	vsel vm0, $0xFFFFFFFF, v7;
	v36 =	vsel vm0, $0x1, v35;
	vm0 =	vmand vm2, vm11;
	_ =	swait.ge [sflag:s7], $0x400  }
0xeb: {  	v8 =	vadd.s32 v29, v8;
	v31 =	vsel vm13, $0x1, v35;
	[tilespmem:$0x1FCC0] =	vst v7;
	[sflag:s7] =	ssyncset.done $0x0;
	v7 =	vsel vm0, $0xFFFFFFFF, v37  }
0xec: {  	v17 =	vsel vm9, $0x1, v35;
	vm9 =	veq.s32 v55, v5;
	vm10 =	veq.s32 v38, v6;
	[sflag:s7] =	ssyncadd.s32 $0xFFFFFC00;
	[tilespmem:$0x1FCD0] =	vst v7  }
0xed: {  	v9 =	vadd.s32 v32, v9;
	v32 =	vimm.s32 $0x0;
	v8 =	vadd.s32 v30, v8;
	_ =	swait.ge [sflag:s7], $0x400  }
0xee: {  	v33 =	vsel vm4, $0x1, v35;
	vm15 =	veq.s32 v34, v6;
	v19 =	vsel vm10, $0x1, v35;
	[sflag:s7] =	ssyncset.done $0x0  }
0xef: {  	vm10 =	vcmask $0x3F30;
	v58 =	vadd.s32 v14, v9;
	v8 =	vadd.s32 v31, v8;
	[sflag:s7] =	ssyncadd.s32 $0xFFFFFC00  }
0xf0: {  	v18 =	vsel vm15, $0x1, v35;
	vm15 =	vcmask $0x3F2C;
	vm2 =	veq.s32 v48, v6;
	_ =	swait.ge [sflag:s7], $0x400  }
0xf1: {  	v10 =	vadd.s32 v3, v58;
	v8 =	vadd.s32 v33, v8;
	v39 =	vsel vm0, $0x1, v35;
	v16 =	vld [tilespmem:$0x1FFC0]  }
0xf2: {  	vm9 =	vmand vm9, vm15;
	vm15 =	vcmask $0x3F34;
	v7 =	vbroadcast v5, $0xB  }
0xf3: {  	v25 =	vsel vm2, $0x1, v35;
	v61 =	vadd.s32 v13, v10;
	v8 =	vadd.s32 v36, v8  }
0xf4: {  	v20 =	vsel vm9, $0x1, v35;
	v8 =	vadd.s32 v39, v8;
	vm11 =	veq.s32 v7, v5  }
0xf5: {  	vm2 =	vcmask $0x3F08;
	v8 =	vadd.s32 v20, v8;
	vm0 =	vmand vm11, vm10  }
0xf6: {  	v37 =	vbroadcast v5, $0xF;
	[sflag:s7] =	ssyncset.done $0x0;
	v11 =	vor.u32 v40, v16;
	v16 =	vsel vm0, $0xFFFFFFFF, v41  }
0xf7: {  	vm1 =	veq.s32 v7, v6;
	vm10 =	veq.s32 v48, v5;
	vm11 =	veq.s32 v55, v6;
	[sflag:s7] =	ssyncadd.s32 $0xFFFFFC00;
	[tilespmem:$0x1FCE0] =	vst v16  }
0xf8: {  	v23 =	vsel vm1, $0x1, v35;
	vm1 =	vcmask $0x3F04;
	v42 =	vsel vm0, $0x1, v35;
	_ =	swait.ge [sflag:s7], $0x400  }
0xf9: {  	v22 =	vsel vm11, $0x1, v35;
	v8 =	vadd.s32 v42, v8;
	vm0 =	vmand vm10, vm15;
	[sflag:s7] =	ssyncset.done $0x0;
	v46 =	vld [tilespmem:$0x1FFD0]  }
0xfa: {  	vm15 =	veq.s32 v49, v5;
	vm10 =	vcmask $0x3F38;
	v44 =	vsel vm0, $0x1, v35;
	[sflag:s7] =	ssyncadd.s32 $0xFFFFFC00  }
0xfb: {  	v16 =	vsel vm0, $0xFFFFFFFF, v43;
	v20 =	vadd.s32 v44, v8;
	v44 =	vbroadcast v5, $0xE;
	v8 =	vld.idx.msk [tilespmem:v11+s8+$0x0], $0xffff  }
0xfc: {  	vm11 =	vmand vm15, vm10;
	vm15 =	veq.s32 v49, v6;
	vm0 =	vcmask $0x3F3C  }
0xfd: {  	v27 =	vsel vm11, $0x1, v35;
	v50 =	vsel vm15, $0x1, v35;
	vm10 =	veq.s32 v44, v5  }
0xfe: {  	vm15 =	veq.s32 v44, v6;
	vm0 =	vmand vm10, vm0;
	v11 =	vor.u32 v45, v46  }
0xff: {  	v20 =	vadd.s32 v27, v20;
	v53 =	vsel vm15, $0x1, v35;
	v28 =	vsel vm0, $0xFFFFFFFF, v35  }
0x100: {  	[tilespmem:$0x1FCF0] =	vst v16;
	v16 =	vsel vm0, $0xFFFFFFFF, v47;
	vm0 =	veq.s32 v20, v28;
	v29 =	vbroadcast v8, $0x0  }
0x101: {  	[tilespmem:$0x1FD00] =	vst v16;
	v16 =	vsel vm0, $0xFFFFFFFF, v51;
	v43 =	vnsel vm0, $0xFF800000, v8;
	v40 =	vbroadcast v8, $0x4  }
0x102: {  	v56 =	vbroadcast v43, $0x0;
	v62 =	vbroadcast v43, $0x1;
	vm15 =	veq.f32 v29, v8  }
0x103: {  	vm0 =	vgt.f32 v29, v8;
	v30 =	vld.idx.msk [tilespmem:v11+s8+$0x0], $0xffff;
	vm10 =	vmand vm15, vm1;
	vm15 =	veq.s32 v37, v6  }
0x104: {  	v31 =	vsel vm15, $0x1, v35;
	vm0 =	vmor vm0, vm10;
	vm15 =	vlt.s32 v4, v5  }
0x105: {  	vm10 =	veq.f32 v56, v8;
	v57 =	vsel vm0, $0x1, v35;
	vm0 =	vmor vm15, vm3  }
0x106: {  	v41 =	vbroadcast v43, $0x4;
	vm15 =	vgt.f32 v56, v8;
	vm0 =	vmand vm0, vm10  }
0x107: {  	v51 =	vbroadcast v43, $0x5;
	v12 =	vbroadcast v43, $0x7;
	vm0 =	vmor vm15, vm0  }
0x108: {  	v11 =	vbroadcast v8, $0x1;
	v9 =	vnsel vm5, $0xFF800000, v30;
	v59 =	vsel vm0, $0x1, v35  }
0x109: {  	vm5 =	vlt.s32 v2, v5;
	vm10 =	vge.f32 v29, v9;
	vm15 =	veq.f32 v56, v9  }
0x10a: {  	v29 =	vbroadcast v43, $0x3;
	v60 =	vsel vm10, $0x1, v35;
	vm10 =	vle.s32 v4, v6  }
0x10b: {  	v4 =	vadd.s32 v17, v61;
	v61 =	vbroadcast v8, $0x6;
	vm0 =	vmand vm10, vm15  }
0x10c: {  	vm15 =	vgt.f32 v56, v9;
	v4 =	vadd.s32 v18, v4;
	v18 =	vbroadcast v43, $0x2  }
0x10d: {  	[tilespmem:$0x1FDC0] =	vst v60;
	vm10 =	veq.f32 v62, v8;
	v56 =	vbroadcast v52, $0x0;
	v60 =	vbroadcast v52, $0x1  }
0x10e: {  	vm0 =	vmor vm15, vm0;
	v4 =	vadd.s32 v19, v4;
	vm15 =	veq.f32 v11, v8  }
0x10f: {  	v19 =	vbroadcast v8, $0x2;
	v63 =	vsel vm0, $0x1, v35;
	vm0 =	vmor vm5, vm8  }
0x110: {  	vm3 =	vmand vm15, vm2;
	vm5 =	vgt.f32 v11, v8;
	vm15 =	vgt.f32 v62, v8  }
0x111: {  	v4 =	vadd.s32 v22, v4;
	vm8 =	vge.f32 v11, v9;
	v11 =	vbroadcast v8, $0x7  }
0x112: {  	vm0 =	vmand vm0, vm10;
	vm3 =	vmor vm5, vm3;
	v17 =	vsel vm8, $0x1, v35  }
0x113: {  	vm10 =	veq.f32 v62, v9;
	vm8 =	vgt.f32 v62, v9;
	v4 =	vadd.s32 v23, v4  }
0x114: {  	[tilespmem:$0x1FDE0] =	vst v63;
	vm5 =	vgt.f32 v19, v8;
	v63 =	vbroadcast v52, $0x2;
	vm0 =	vmor vm15, vm0  }
0x115: {  	v14 =	vsel vm3, $0x1, v35;
	vm15 =	vle.s32 v2, v6;
	v4 =	vadd.s32 v25, v4  }
0x116: {  	[tilespmem:$0x1FFA0] =	vst v16;
	v25 =	vbroadcast v8, $0x3;
	v16 =	vsel vm0, $0x1, v35;
	vm0 =	vmand vm15, vm10  }
0x117: {  	vm10 =	vlt.s32 v1, v5;
	vm15 =	veq.f32 v18, v8;
	v4 =	vadd.s32 v50, v4  }
0x118: {  	[tilespmem:$0x1FEE0] =	vst v14;
	v50 =	vbroadcast v8, $0x5;
	v14 =	vbroadcast v8, $0x8;
	vm0 =	vmor vm8, vm0  }
0x119: {  	vm3 =	vmor vm10, vm7;
	vm10 =	veq.f32 v19, v8;
	vm8 =	vgt.f32 v18, v9  }
0x11a: {  	[tilespmem:$0x1FDB0] =	vst v16;
	v4 =	vadd.s32 v53, v4;
	v16 =	vbroadcast v43, $0x8;
	vm3 =	vmand vm3, vm15  }
0x11b: {  	vm15 =	vcmask $0x3F0C;
	v20 =	vsel vm0, $0x1, v35;
	vm0 =	veq.f32 v18, v9  }
0x11c: {  	v4 =	vadd.s32 v31, v4;
	v31 =	vbroadcast v43, $0xC;
	vm7 =	vmand vm10, vm15  }
0x11d: {  	vm10 =	vgt.f32 v18, v8;
	[tilespmem:$0x1FDF0] =	vst v20;
	v20 =	vbroadcast v43, $0x9;
	vm7 =	vmor vm5, vm7  }
0x11e: {  	vm3 =	vmor vm10, vm3;
	vm10 =	vge.f32 v19, v9;
	vm5 =	veq.f32 v29, v8  }
0x11f: {  	v19 =	vbroadcast v8, $0x9;
	v22 =	vsel vm7, $0x1, v35;
	v23 =	vsel vm3, $0x1, v35  }
0x120: {  	vm3 =	vle.s32 v1, v6;
	v27 =	vsel vm10, $0x1, v35;
	vm10 =	vgt.f32 v25, v8  }
0x121: {  	[tilespmem:$0x1FE00] =	vst v23;
	vm0 =	vmand vm3, vm0;
	vm3 =	veq.f32 v25, v8;
	v23 =	vbroadcast v8, $0xA  }
0x122: {  	[tilespmem:$0x1FE10] =	vst v27;
	v27 =	vbroadcast v43, $0xB;
	vm0 =	vmor vm8, vm0;
	vm8 =	vcmask $0x3F10  }
0x123: {  	vm3 =	vmand vm3, vm8;
	v33 =	vsel vm0, $0x1, v35;
	vm0 =	veq.f32 v29, v9  }
0x124: {  	vm8 =	vgt.f32 v29, v9;
	vm3 =	vmor vm10, vm3;
	vm10 =	vlt.s32 v0, v5  }
0x125: {  	[tilespmem:$0x1FE20] =	vst v33;
	v33 =	vbroadcast v43, $0xD;
	vm7 =	vmor vm10, vm14;
	vm14 =	veq.s32 v56, v6  }
0x126: {  	v36 =	vsel vm3, $0x1, v35;
	vm10 =	vle.s32 v0, v6;
	vm7 =	vmand vm7, vm5  }
0x127: {  	vm5 =	vgt.f32 v29, v8;
	vm1 =	vmand vm14, vm1;
	vm14 =	vge.f32 v25, v9  }
0x128: {  	vm0 =	vmand vm10, vm0;
	vm10 =	veq.f32 v40, v8;
	v29 =	vbroadcast v8, $0xC  }
0x129: {  	vm7 =	vmor vm5, vm7;
	v3 =	vsel vm1, $0xFFFFFFFF, v32;
	v1 =	vsel vm14, $0x1, v35  }
0x12a: {  	vm0 =	vmor vm8, vm0;
	vm14 =	vgt.f32 v40, v8;
	vm8 =	vcmask $0x3F14  }
0x12b: {  	v42 =	vsel vm1, $0x1, v35;
	vm5 =	vgt.f32 v41, v8;
	v39 =	vsel vm7, $0x1, v35  }
0x12c: {  	vm3 =	vmand vm10, vm8;
	vm10 =	vlt.s32 v21, v5;
	v2 =	vadd.s32 v42, v4  }
0x12d: {  	v45 =	vsel vm0, $0x1, v35;
	vm7 =	vge.f32 v40, v9;
	vm8 =	vgt.f32 v41, v9  }
0x12e: {  	[tilespmem:$0x1FE40] =	vst v1;
	v4 =	vbroadcast v43, $0x6;
	v1 =	vbroadcast v52, $0x5;
	vm3 =	vmor vm14, vm3  }
0x12f: {  	vm14 =	vmor vm10, vm6;
	vm10 =	veq.f32 v41, v8;
	vm6 =	vle.s32 v21, v6  }
0x130: {  	[tilespmem:$0x1FE30] =	vst v39;
	v0 =	vsel vm7, $0x1, v35;
	vm7 =	vcmask $0x3F18;
	v39 =	vimm.s32 $0x0  }
0x131: {  	vm1 =	vmand vm14, vm10;
	vm14 =	veq.s32 v60, v6;
	v46 =	vsel vm3, $0x1, v35  }
0x132: {  	vm10 =	veq.f32 v41, v9;
	vm1 =	vmor vm5, vm1;
	vm14 =	vmand vm14, vm2  }
0x133: {  	vm0 =	vmand vm6, vm10;
	vm10 =	veq.f32 v50, v8;
	vm6 =	vgt.f32 v50, v8  }
0x134: {  	vm2 =	vgt.f32 v51, v8;
	vm5 =	veq.f32 v11, v8;
	v47 =	vsel vm1, $0x1, v35  }
0x135: {  	vm0 =	vmor vm8, vm0;
	vm1 =	vmand vm10, vm7;
	vm8 =	vlt.s32 v24, v5  }
0x136: {  	v53 =	vsel vm14, $0x1, v35;
	vm10 =	veq.f32 v51, v8;
	vm7 =	vge.f32 v50, v9  }
0x137: {  	[tilespmem:$0x1FEF0] =	vst v57;
	vm1 =	vmor vm6, vm1;
	vm3 =	vmor vm8, vm12;
	vm12 =	veq.s32 v63, v6  }
0x138: {  	[tilespmem:$0x1FE70] =	vst v0;
	v0 =	vadd.s32 v53, v2;
	v57 =	vsel vm0, $0x1, v35;
	vm8 =	veq.f32 v51, v9  }
0x139: {  	v62 =	vsel vm7, $0x1, v35;
	vm0 =	vgt.f32 v61, v8;
	vm7 =	vlt.s32 v26, v5  }
0x13a: {  	vm3 =	vmand vm3, vm10;
	vm10 =	vmand vm12, vm15;
	v58 =	vsel vm1, $0x1, v35  }
0x13b: {  	vm12 =	vle.s32 v24, v6;
	vm15 =	vgt.f32 v51, v9;
	v24 =	vbroadcast v43, $0xA  }
0x13c: {  	vm3 =	vmor vm2, vm3;
	v2 =	vsel vm10, $0xFFFFFFFF, v54;
	vm1 =	vmand vm12, vm8  }
0x13d: {  	[tilespmem:$0x1FDA0] =	vst v59;
	vm8 =	veq.f32 v61, v8;
	vm12 =	veq.f32 v4, v8;
	v59 =	vsel vm3, $0x1, v35  }
0x13e: {  	vm6 =	vmor vm15, vm1;
	vm1 =	vmor vm7, vm13;
	vm13 =	vcmask $0x3F1C  }
0x13f: {  	vm15 =	vgt.f32 v4, v8;
	vm7 =	vge.f32 v61, v9;
	v40 =	vsel vm6, $0x1, v35  }
0x140: {  	vm3 =	vmand vm8, vm13;
	vm1 =	vmand vm1, vm12;
	v42 =	vsel vm7, $0x1, v35  }
0x141: {  	vm8 =	veq.f32 v4, v9;
	vm12 =	vle.s32 v26, v6;
	vm13 =	vgt.f32 v4, v9  }
0x142: {  	vm6 =	veq.f32 v12, v9;
	vm7 =	vle.s32 v15, v6;
	v26 =	vbroadcast v8, $0xB  }
0x143: {  	vm0 =	vmor vm0, vm3;
	vm1 =	vmor vm15, vm1;
	vm15 =	vlt.s32 v15, v5  }
0x144: {  	v15 =	vbroadcast v8, $0xE;
	v10 =	vsel vm0, $0x1, v35;
	v41 =	vsel vm1, $0x1, v35  }
0x145: {  	vm0 =	vmand vm12, vm8;
	vm1 =	vgt.f32 v11, v8;
	vm3 =	vmor vm15, vm4  }
0x146: {  	[tilespmem:$0x1FDD0] =	vst v17;
	v17 =	vld [tilespmem:$0x1FCC0];
	vm8 =	veq.f32 v12, v8;
	vm15 =	vcmask $0x3F20;
	vm12 =	vgt.f32 v12, v8  }
0x147: {  	[tilespmem:$0x1FE50] =	vst v45;
	vm0 =	vmor vm13, vm0;
	vm5 =	vmand vm5, vm15;
	vm3 =	vmand vm3, vm8  }
0x148: {  	[tilespmem:$0x1FF40] =	vst v10;
	vm8 =	vlt.s32 v34, v5;
	v10 =	vimm.s32 $0x0;
	v45 =	vsel vm0, $0x1, v35  }
0x149: {  	vm13 =	vmor vm1, vm5;
	vm4 =	vmor vm12, vm3;
	vm5 =	vge.f32 v11, v9  }
0x14a: {  	vm0 =	vgt.f32 v12, v9;
	vm1 =	vmand vm7, vm6;
	vm3 =	vgt.f32 v14, v8  }
0x14b: {  	vm12 =	vnez.u8 v17;
	vm6 =	vcmask $0x3F2C;
	v12 =	vbroadcast v8, $0xD  }
0x14c: {  	[tilespmem:$0x1FF20] =	vst v46;
	v11 =	vbroadcast v52, $0x3;
	v17 =	vimm.s32 $0x0;
	v13 =	vsel vm13, $0x1, v35  }
0x14d: {  	[tilespmem:$0x1FE60] =	vst v47;
	v46 =	vsel vm4, $0x1, v35;
	v47 =	vsel vm5, $0x1, v35;
	vm5 =	veq.f32 v14, v8  }
0x14e: {  	vm4 =	vmor vm8, vm12;
	vm13 =	veq.f32 v16, v8;
	vm8 =	vcmask $0x3F24  }
0x14f: {  	vm12 =	vgt.f32 v16, v8;
	vm0 =	vmor vm0, vm1;
	vm5 =	vmand vm5, vm8  }
0x150: {  	vm4 =	vmand vm4, vm13;
	v50 =	vsel vm0, $0x1, v35;
	vm0 =	vge.f32 v14, v9  }
0x151: {  	vm8 =	veq.f32 v16, v9;
	vm13 =	vmor vm3, vm5;
	vm7 =	vmor vm12, vm4  }
0x152: {  	v21 =	vld [tilespmem:$0x1FCD0];
	vm12 =	vle.s32 v34, v6;
	v53 =	vsel vm0, $0x1, v35;
	vm4 =	vlt.s32 v38, v5  }
0x153: {  	vm5 =	vgt.f32 v23, v8;
	v34 =	vbroadcast v43, $0xE;
	v18 =	vsel vm13, $0x1, v35  }
0x154: {  	v51 =	vsel vm7, $0x1, v35;
	vm13 =	vgt.f32 v16, v9;
	vm1 =	vmand vm12, vm8  }
0x155: {  	vm8 =	veq.f32 v19, v8;
	vm12 =	vcmask $0x3F28;
	vm7 =	vlt.s32 v55, v5  }
0x156: {  	vm0 =	vmor vm13, vm1;
	vm1 =	vgt.f32 v19, v8;
	vm3 =	vmand vm8, vm12  }
0x157: {  	vm13 =	veq.f32 v20, v8;
	vm8 =	vnez.u8 v21;
	vm12 =	vgt.f32 v20, v8  }
0x158: {  	v21 =	vimm.s32 $0x0;
	vm2 =	vmor vm4, vm8;
	vm1 =	vmor vm1, vm3  }
0x159: {  	v54 =	vsel vm0, $0x1, v35;
	vm8 =	vle.s32 v38, v6;
	vm4 =	veq.f32 v23, v8  }
0x15a: {  	[tilespmem:$0x1FF00] =	vst v22;
	vm2 =	vmand vm2, vm13;
	v22 =	vsel vm1, $0x1, v35;
	vm1 =	vge.f32 v19, v9  }
0x15b: {  	vm13 =	veq.f32 v20, v9;
	v19 =	vbroadcast v43, $0xF;
	vm0 =	vmor vm12, vm2  }
0x15c: {  	[tilespmem:$0x1FE80] =	vst v57;
	vm12 =	vgt.f32 v20, v9;
	vm2 =	vmand vm8, vm13;
	v57 =	vsel vm1, $0x1, v35  }
0x15d: {  	[tilespmem:$0x1FE90] =	vst v59;
	vm8 =	veq.f32 v24, v8;
	v59 =	vsel vm0, $0x1, v35;
	vm13 =	vmor vm12, vm2  }
0x15e: {  	vm0 =	vmand vm4, vm6;
	vm2 =	vmor vm7, vm9;
	vm12 =	vgt.f32 v24, v8  }
0x15f: {  	v28 =	vld [tilespmem:$0x1FCE0];
	vm4 =	vle.s32 v55, v6;
	vm6 =	vge.f32 v23, v9;
	vm7 =	veq.f32 v26, v8  }
0x160: {  	[tilespmem:$0x1FF30] =	vst v58;
	vm9 =	vcmask $0x3F30;
	v23 =	vimm.s32 $0x0;
	v58 =	vsel vm13, $0x1, v35  }
0x161: {  	vm0 =	vmor vm5, vm0;
	vm1 =	vmand vm2, vm8;
	vm13 =	veq.f32 v24, v9  }
0x162: {  	[tilespmem:$0x1FEA0] =	vst v62;
	vm5 =	vgt.f32 v24, v9;
	v62 =	vsel vm6, $0x1, v35;
	vm8 =	vlt.s32 v7, v5  }
0x163: {  	v24 =	vimm.s32 $0x0;
	v25 =	vsel vm0, $0x1, v35;
	vm0 =	vmor vm12, vm1  }
0x164: {  	vm1 =	vmand vm4, vm13;
	vm12 =	veq.f32 v27, v8;
	vm13 =	vnez.u8 v28  }
0x165: {  	vm4 =	veq.f32 v29, v8;
	v55 =	vsel vm0, $0x1, v35;
	vm0 =	vmor vm5, vm1  }
0x166: {  	v32 =	vld [tilespmem:$0x1FCF0];
	vm1 =	vmand vm7, vm9;
	vm2 =	vmor vm8, vm13;
	vm5 =	vgt.f32 v27, v8  }
0x167: {  	vm7 =	veq.f32 v27, v9;
	vm13 =	vlt.s32 v48, v5;
	v61 =	vsel vm0, $0x1, v35  }
0x168: {  	vm0 =	vgt.f32 v26, v8;
	vm6 =	vmand vm2, vm12;
	vm12 =	vle.s32 v7, v6  }
0x169: {  	vm2 =	vgt.f32 v29, v8;
	v7 =	vbroadcast v52, $0x6;
	vm8 =	vmor vm0, vm1  }
0x16a: {  	vm9 =	vmor vm5, vm6;
	vm0 =	vgt.f32 v27, v9;
	vm1 =	vmand vm12, vm7  }
0x16b: {  	vm5 =	veq.f32 v31, v8;
	vm12 =	vnez.u8 v32;
	vm7 =	vlt.s32 v49, v5  }
0x16c: {  	vm3 =	vmor vm13, vm12;
	vm13 =	vcmask $0x3F34;
	vm12 =	vgt.f32 v31, v8  }
0x16d: {  	vm0 =	vmor vm0, vm1;
	vm11 =	vmor vm7, vm11;
	v38 =	vsel vm9, $0x1, v35  }
0x16e: {  	vm4 =	vmand vm4, vm13;
	vm3 =	vmand vm3, vm5;
	vm13 =	veq.f32 v31, v9  }
0x16f: {  	vm5 =	veq.f32 v12, v8;
	v32 =	vsel vm0, $0x1, v35;
	vm0 =	veq.s32 v1, v6  }
0x170: {  	vm6 =	vmor vm2, vm4;
	vm2 =	vmor vm12, vm3;
	vm12 =	vle.s32 v48, v6  }
0x171: {  	vm4 =	vgt.f32 v31, v9;
	vm3 =	vgt.f32 v12, v8;
	v48 =	vsel vm8, $0x1, v35  }
0x172: {  	vm8 =	vge.f32 v26, v9;
	v26 =	vbroadcast v52, $0x7;
	vm1 =	vmand vm12, vm13  }
0x173: {  	vm12 =	vcmask $0x3F38;
	vm13 =	vle.s32 v49, v6;
	v49 =	vsel vm10, $0x1, v35  }
0x174: {  	[tilespmem:$0x1FF10] =	vst v36;
	vm10 =	vcmask $0x3F10;
	v36 =	vsel vm8, $0x1, v35;
	vm8 =	veq.f32 v34, v9  }
0x175: {  	vm5 =	vmand vm5, vm12;
	vm12 =	veq.f32 v33, v8;
	vm7 =	vmor vm4, vm1  }
0x176: {  	vm4 =	vgt.f32 v33, v9;
	v0 =	vadd.s32 v49, v0;
	v49 =	vsel vm2, $0x1, v35  }
0x177: {  	[tilespmem:$0x1FF50] =	vst v13;
	v13 =	vld [tilespmem:$0x1FD00];
	vm5 =	vmor vm3, vm5;
	vm1 =	vmand vm11, vm12;
	vm3 =	veq.f32 v33, v9  }
0x178: {  	vm12 =	vgt.f32 v33, v8;
	vm11 =	veq.s32 v11, v6;
	vm3 =	vmand vm13, vm3  }
0x179: {  	vm12 =	vmor vm12, vm1;
	vm1 =	veq.f32 v15, v8;
	vm13 =	vcmask $0x3F3C  }
0x17a: {  	vm11 =	vmand vm11, vm10;
	vm10 =	vle.s32 v44, v6;
	v43 =	vsel vm5, $0x1, v35  }
0x17b: {  	vm4 =	vmor vm4, vm3;
	vm3 =	vgt.f32 v15, v8;
	vm1 =	vmand vm1, vm13  }
0x17c: {  	vm13 =	vnez.u8 v13;
	v13 =	vbroadcast v52, $0x4;
	v14 =	vsel vm11, $0x1, v35  }
0x17d: {  	vm8 =	vmand vm10, vm8;
	vm10 =	vcmask $0x3F18;
	v31 =	vsel vm12, $0x1, v35  }
0x17e: {  	vm12 =	veq.f32 v19, v9;
	vm3 =	vmor vm3, vm1;
	vm1 =	vlt.s32 v44, v5  }
0x17f: {  	[tilespmem:$0x1FD10] =	vst v3;
	v0 =	vadd.s32 v14, v0;
	v44 =	vsel vm6, $0x1, v35;
	vm6 =	vmand vm0, vm10  }
0x180: {  	vm10 =	vcmask $0x3F1C;
	v14 =	vld [tilespmem:$0x1FD10];
	vm1 =	vmor vm1, vm13;
	vm13 =	veq.f32 v34, v8  }
0x181: {  	v28 =	vsel vm4, $0x1, v35;
	vm1 =	vmand vm1, vm13;
	vm13 =	vgt.f32 v34, v8  }
0x182: {  	vm9 =	veq.s32 v13, v6;
	vm1 =	vmor vm13, vm1;
	vm13 =	vcmask $0x3F14  }
0x183: {  	[tilespmem:$0x1FF60] =	vst v18;
	v18 =	vsel vm6, $0x1, v35;
	vm13 =	vmand vm9, vm13;
	vm9 =	vgt.f32 v34, v9  }
0x184: {  	v34 =	vsel vm7, $0x1, v35;
	v16 =	vsel vm13, $0x1, v35;
	vm8 =	vmor vm9, vm8  }
0x185: {  	[tilespmem:$0x1FD20] =	vst v2;
	vm9 =	veq.s32 v7, v6;
	vm7 =	vnez.u8 v14;
	v2 =	vsel vm8, $0xFFFFFFFF, v17  }
0x186: {  	v0 =	vadd.s32 v16, v0;
	vm8 =	vge.f32 v29, v9;
	vm10 =	vmand vm9, vm10  }
0x187: {  	v16 =	vimm.s32 $0x0;
	v17 =	vimm.s32 $0x0;
	v0 =	vadd.s32 v18, v0  }
0x188: {  	v52 =	vsel vm8, $0x1, v35;
	vm8 =	veq.s32 v26, v6;
	v20 =	vsel vm10, $0x1, v35  }
0x189: {  	[tilespmem:$0x1FF70] =	vst v22;
	v0 =	vadd.s32 v20, v0;
	vm9 =	vmand vm8, vm15;
	vm15 =	veq.f32 v19, v8  }
0x18a: {  	[tilespmem:$0x1FD30] =	vst v2;
	v2 =	vsel vm9, $0xFFFFFFFF, v21;
	v22 =	vsel vm9, $0xFFFFFFFF, v35;
	vm9 =	vlt.s32 v37, v5  }
0x18b: {  	v21 =	vimm.s32 $0x0;
	vm0 =	vmand vm9, vm15;
	vm2 =	veq.s32 v0, v22  }
0x18c: {  	vm15 =	vge.f32 v12, v9;
	vm9 =	vgt.f32 v19, v8;
	v12 =	vbroadcast v30, $0x0  }
0x18d: {  	v0 =	vsel vm2, $0xFFFFFFFF, v23;
	vm0 =	vmor vm9, vm0;
	v4 =	vnsel vm2, $0xFF800000, v9  }
0x18e: {  	v29 =	vsel vm15, $0x1, v35;
	vm15 =	vle.s32 v37, v6;
	vm2 =	vgt.f32 v19, v9  }
0x18f: {  	v37 =	vimm.s32 $0x0;
	v23 =	vimm.s32 $0x0;
	[tilespmem:$0x1FFB0] =	vst v0;
	v0 =	vsel vm0, $0xFFFFFFFF, v24  }
0x190: {  	[tilespmem:$0x1FF80] =	vst v25;
	v25 =	vbroadcast v4, $0x0;
	vm0 =	vmand vm15, vm12;
	vm12 =	vlt.s32 v56, v5  }
0x191: {  	vm8 =	veq.f32 v12, v9;
	v33 =	vbroadcast v4, $0x1;
	v18 =	vbroadcast v4, $0x2  }
0x192: {  	v20 =	vbroadcast v4, $0x3;
	v22 =	vbroadcast v4, $0x4;
	vm0 =	vmor vm2, vm0  }
0x193: {  	[tilespmem:$0x1FF90] =	vst v2;
	v24 =	vimm.s32 $0x0;
	vm9 =	veq.f32 v25, v8;
	v2 =	vsel vm0, $0xFFFFFFFF, v37  }
0x194: {  	vm2 =	vgt.f32 v25, v8;
	v37 =	vsel vm3, $0x1, v35;
	vm4 =	vgt.f32 v18, v8  }
0x195: {  	vm15 =	vmand vm12, vm9;
	vm9 =	vcmask $0x3F04;
	vm12 =	vgt.f32 v12, v9  }
0x196: {  	vm0 =	vmor vm2, vm15;
	vm15 =	vlt.s32 v56, v6;
	v56 =	vsel vm1, $0x1, v35  }
0x197: {  	[tilespmem:$0x1FD50] =	vst v2;
	v2 =	vsel vm0, $0xFFFFFFFF, v39;
	vm0 =	vmand vm8, vm9;
	vm8 =	veq.f32 v25, v9  }
0x198: {  	vm9 =	vge.f32 v15, v9;
	v39 =	vbroadcast v8, $0xF;
	vm0 =	vmor vm12, vm0  }
0x199: {  	vm12 =	vgt.f32 v25, v9;
	v27 =	vsel vm9, $0x1, v35;
	v25 =	vbroadcast v4, $0x5  }
0x19a: {  	[tilespmem:$0x1FD60] =	vst v2;
	v2 =	vsel vm0, $0xFFFFFFFF, v10;
	vm0 =	vmor vm15, vm7;
	vm15 =	veq.f32 v33, v8  }
0x19b: {  	v10 =	vbroadcast v30, $0x5;
	[tilespmem:$0x1FD70] =	vst v2;
	vm0 =	vmand vm0, vm8;
	v2 =	vbroadcast v30, $0x1  }
0x19c: {  	vm8 =	vlt.s32 v60, v5;
	vm0 =	vmor vm12, vm0;
	vm12 =	vlt.s32 v60, v6  }
0x19d: {  	[tilespmem:$0x1FD40] =	vst v0;
	v60 =	vbroadcast v4, $0x6;
	v0 =	vsel vm0, $0xFFFFFFFF, v16;
	vm9 =	veq.f32 v2, v9  }
0x19e: {  	v19 =	vld [tilespmem:$0x1FD20];
	vm0 =	vmand vm8, vm15;
	vm1 =	vmor vm12, vm14;
	vm14 =	vcmask $0x3F08  }
0x19f: {  	vm15 =	vgt.f32 v33, v8;
	vm2 =	vgt.f32 v2, v9;
	vm8 =	vgt.f32 v33, v9  }
0x1a0: {  	vm12 =	veq.f32 v18, v9;
	vm3 =	vmand vm9, vm14;
	vm9 =	veq.f32 v33, v9  }
0x1a1: {  	vm15 =	vmor vm15, vm0;
	v33 =	vbroadcast v30, $0x2;
	vm5 =	vmor vm2, vm3  }
0x1a2: {  	vm7 =	vmand vm1, vm9;
	vm9 =	vlt.s32 v63, v6;
	vm2 =	vgt.f32 v18, v9  }
0x1a3: {  	[tilespmem:$0x1FD80] =	vst v0;
	v0 =	vsel vm5, $0xFFFFFFFF, v17;
	vm14 =	vmor vm8, vm7;
	vm7 =	vnez.u8 v19  }
0x1a4: {  	vm8 =	veq.f32 v18, v8;
	vm0 =	vmor vm9, vm7;
	vm9 =	vlt.s32 v63, v5  }
0x1a5: {  	v63 =	vbroadcast v30, $0x3;
	vm7 =	vlt.s32 v11, v5;
	vm1 =	vmand vm9, vm8  }
0x1a6: {  	vm0 =	vmand vm0, vm12;
	vm8 =	veq.f32 v33, v9;
	vm9 =	vcmask $0x3F0C  }
0x1a7: {  	vm12 =	vgt.f32 v33, v9;
	vm3 =	vmand vm8, vm9;
	vm5 =	vmor vm4, vm1  }
0x1a8: {  	vm0 =	vmor vm2, vm0;
	vm9 =	veq.f32 v20, v8;
	vm8 =	veq.f32 v63, v9  }
0x1a9: {  	vm4 =	vlt.s32 v11, v6;
	v11 =	vbroadcast v30, $0x4;
	vm2 =	vgt.f32 v22, v8  }
0x1aa: {  	vm12 =	vmor vm12, vm3;
	v3 =	vsel vm0, $0xFFFFFFFF, v21;
	vm0 =	vmand vm7, vm9  }
0x1ab: {  	vm9 =	vcmask $0x3F10;
	vm3 =	vgt.f32 v20, v8;
	vm7 =	vgt.f32 v63, v9  }
0x1ac: {  	vm1 =	vmand vm8, vm9;
	vm0 =	vmor vm3, vm0;
	vm8 =	vgt.f32 v22, v9  }
0x1ad: {  	[tilespmem:$0x1FEB0] =	vst v3;
	v3 =	vsel vm0, $0xFFFFFFFF, v23;
	vm9 =	vmor vm7, vm1;
	vm0 =	vmor vm4, vm11  }
0x1ae: {  	vm1 =	veq.f32 v20, v9;
	vm11 =	veq.f32 v22, v8;
	vm4 =	veq.f32 v22, v9  }
0x1af: {  	vm7 =	vgt.f32 v11, v9;
	[tilespmem:$0x1FEC0] =	vst v3;
	v3 =	vsel vm9, $0xFFFFFFFF, v24;
	vm9 =	vlt.s32 v13, v5  }
0x1b0: {  	vm0 =	vmand vm0, vm1;
	vm1 =	vmand vm9, vm11;
	vm11 =	vlt.s32 v13, v6  }
0x1b1: {  	[tilespmem:$0x1FED0] =	vst v3;
	vm9 =	veq.f32 v25, v8;
	v3 =	vbroadcast v30, $0x6;
	vm3 =	vmor vm11, vm13  }
0x1b2: {  	vm13 =	vgt.f32 v20, v9;
	vm11 =	vmor vm2, vm1;
	vm1 =	veq.f32 v11, v9  }
0x1b3: {  	vm2 =	vlt.s32 v1, v5;
	vm13 =	vmor vm13, vm0;
	vm0 =	vmand vm3, vm4  }
0x1b4: {  	vm3 =	vmand vm2, vm9;
	vm9 =	vcmask $0x3F14;
	vm2 =	vgt.f32 v25, v8  }
0x1b5: {  	vm4 =	vlt.s32 v1, v6;
	vm1 =	vmand vm1, vm9;
	vm8 =	vmor vm8, vm0  }
0x1b6: {  	vm9 =	vmor vm2, vm3;
	vm0 =	veq.f32 v10, v9;
	vm4 =	vmor vm4, vm6  }
0x1b7: {  	vm6 =	vcmask $0x3F18;
	vm3 =	vgt.f32 v10, v9;
	vm2 =	veq.f32 v25, v9  }
0x1b8: {  	vm7 =	vmor vm7, vm1;
	vm6 =	vmand vm0, vm6;
	vm1 =	veq.f32 v60, v8  }
0x1b9: {  	vm0 =	vlt.s32 v7, v5;
	vm2 =	vmand vm4, vm2;
	vm6 =	vmor vm3, vm6  }
0x1ba: {  	vm0 =	vmand vm0, vm1;
	vm1 =	vgt.f32 v25, v9;
	vm3 =	vgt.f32 v60, v8  }
0x1bb: {  	v16 =	vld [tilespmem:$0x1FD30];
	vm4 =	vlt.s32 v7, v6;
	vm1 =	vmor vm1, vm2;
	vm3 =	vmor vm3, vm0  }
0x1bc: {  	v17 =	vld [tilespmem:$0x1FD40];
	vm0 =	vmor vm4, vm10;
	vm2 =	veq.f32 v3, v9;
	vm10 =	vcmask $0x3F1C  }
0x1bd: {  	v18 =	vld [tilespmem:$0x1FD50];
	vm4 =	vgt.f32 v3, v9;
	vm2 =	vmand vm2, vm10  }
0x1be: {  	[tilespmem:$0x1FD90] =	vst v0;
	v0 =	vld [tilespmem:$0x1FDA0];
	vm2 =	vmor vm4, vm2;
	vm4 =	vgt.f32 v39, v8  }
0x1bf: {  	v14 =	vsel vm4, $0x1, v35;
	vm4 =	vge.f32 v39, v9;
	v39 =	vld [tilespmem:$0x1FDB0]  }
0x1c0: {  	v19 =	vld [tilespmem:$0x1FD60]  }
0x1c1: {  	v21 =	vld [tilespmem:$0x1FD70];
	vm10 =	veq.f32 v60, v9  }
0x1c2: {  	v22 =	vld [tilespmem:$0x1FD80];
	vm0 =	vmand vm0, vm10;
	vm10 =	vnez.u8 v16  }
0x1c3: {  	v1 =	vld [tilespmem:$0x1FDC0];
	v25 =	vsel vm10, $0x1, v35;
	vm10 =	vnez.u8 v17  }
0x1c4: {  	v20 =	vsel vm10, $0x1, v35;
	vm10 =	vnez.u8 v18;
	v0 =	vadd.s32 v39, v0;
	v39 =	vld [tilespmem:$0x1FDD0]  }
0x1c5: {  	v24 =	vsel vm10, $0x1, v35;
	vm10 =	vnez.u8 v19  }
0x1c6: {  	v18 =	vsel vm10, $0x1, v35;
	vm10 =	vnez.u8 v21  }
0x1c7: {  	v21 =	vsel vm10, $0x1, v35;
	vm10 =	vnez.u8 v22  }
0x1c8: {  	v22 =	vsel vm10, $0x1, v35;
	vm10 =	vgt.f32 v2, v8;
	v2 =	vld [tilespmem:$0x1FDE0]  }
0x1c9: {  	v1 =	vadd.s32 v39, v1;
	v39 =	vld [tilespmem:$0x1FDF0];
	_ =	sdelay $0x4  }
0x1ca: {  	v2 =	vadd.s32 v39, v2;
	v39 =	vld [tilespmem:$0x1FE00];
	_ =	sdelay $0x4  }
0x1cb: {  	v0 =	vadd.s32 v39, v0;
	v39 =	vld [tilespmem:$0x1FE10];
	_ =	sdelay $0x4  }
0x1cc: {  	v1 =	vadd.s32 v39, v1;
	v39 =	vld [tilespmem:$0x1FE20];
	_ =	sdelay $0x4  }
0x1cd: {  	v2 =	vadd.s32 v39, v2;
	v39 =	vld [tilespmem:$0x1FE30];
	_ =	sdelay $0x4  }
0x1ce: {  	v0 =	vadd.s32 v39, v0;
	v39 =	vld [tilespmem:$0x1FE40];
	_ =	sdelay $0x4  }
0x1cf: {  	v1 =	vadd.s32 v39, v1;
	v39 =	vld [tilespmem:$0x1FE50];
	_ =	sdelay $0x4  }
0x1d0: {  	v2 =	vadd.s32 v39, v2;
	v39 =	vld [tilespmem:$0x1FE60];
	_ =	sdelay $0x4  }
0x1d1: {  	v0 =	vadd.s32 v39, v0;
	v39 =	vld [tilespmem:$0x1FE70];
	_ =	sdelay $0x2  }
0x1d2: {  	v23 =	vsel vm4, $0x1, v35;
	vm4 =	vgt.f32 v12, v8  }
0x1d3: {  	v4 =	vbroadcast v4, $0x7;
	v7 =	vsel vm4, $0x1, v35;
	vm4 =	vgt.f32 v33, v8;
	v33 =	vld [tilespmem:$0x1FD90]  }
0x1d4: {  	v1 =	vadd.s32 v39, v1;
	v39 =	vld [tilespmem:$0x1FE80]  }
0x1d5: {  	v15 =	vsel vm5, $0x1, v35;
	vm5 =	vgt.f32 v4, v9  }
0x1d6: {  	v30 =	vbroadcast v30, $0x7;
	v16 =	vsel vm12, $0x1, v35;
	v17 =	vsel vm14, $0x1, v35  }
0x1d7: {  	v19 =	vsel vm15, $0x1, v35;
	v13 =	vsel vm4, $0x1, v35;
	v7 =	vadd.s32 v14, v7  }
0x1d8: {  	vm4 =	veq.f32 v4, v9;
	v12 =	vsel vm10, $0x1, v35;
	vm15 =	vnez.u8 v33  }
0x1d9: {  	v7 =	vadd.s32 v12, v7;
	v33 =	vsel vm15, $0x1, v35;
	v2 =	vadd.s32 v39, v2  }
0x1da: {  	vm15 =	vgt.f32 v63, v8;
	v7 =	vadd.s32 v13, v7;
	v39 =	vld [tilespmem:$0x1FE90];
	v2 =	vadd.s32 v40, v2  }
0x1db: {  	v40 =	vsel vm15, $0x1, v35;
	vm15 =	vgt.f32 v3, v8;
	v2 =	vadd.s32 v45, v2  }
0x1dc: {  	v45 =	vsel vm13, $0x1, v35;
	vm13 =	vgt.f32 v11, v8;
	v7 =	vadd.s32 v40, v7  }
0x1dd: {  	v2 =	vadd.s32 v50, v2;
	v11 =	vsel vm13, $0x1, v35;
	vm13 =	vgt.f32 v30, v8  }
0x1de: {  	v50 =	vld [tilespmem:$0x1FEB0];
	v2 =	vadd.s32 v54, v2;
	v54 =	vsel vm9, $0x1, v35;
	vm9 =	veq.f32 v4, v8  }
0x1df: {  	v63 =	vsel vm13, $0x1, v35;
	v7 =	vadd.s32 v11, v7;
	v0 =	vadd.s32 v39, v0;
	v39 =	vld [tilespmem:$0x1FEA0]  }
0x1e0: {  	v2 =	vadd.s32 v58, v2;
	v58 =	vsel vm15, $0x1, v35;
	v0 =	vadd.s32 v41, v0  }
0x1e1: {  	v2 =	vadd.s32 v61, v2;
	v61 =	vsel vm2, $0x1, v35;
	v0 =	vadd.s32 v46, v0  }
0x1e2: {  	v46 =	vsel vm11, $0x1, v35;
	v2 =	vadd.s32 v32, v2;
	v0 =	vadd.s32 v51, v0  }
0x1e3: {  	vm14 =	vnez.u8 v50;
	v2 =	vadd.s32 v34, v2;
	v0 =	vadd.s32 v59, v0  }
0x1e4: {  	v59 =	vsel vm3, $0x1, v35;
	v2 =	vadd.s32 v28, v2;
	v1 =	vadd.s32 v39, v1  }
0x1e5: {  	v39 =	vsel vm14, $0x1, v35;
	v0 =	vadd.s32 v55, v0;
	vm14 =	vgt.f32 v10, v8  }
0x1e6: {  	v51 =	vld [tilespmem:$0x1FEC0];
	v10 =	vsel vm8, $0x1, v35;
	v55 =	vsel vm6, $0x1, v35;
	vm8 =	vgt.f32 v60, v9  }
0x1e7: {  	v2 =	vadd.s32 v25, v2;
	v1 =	vadd.s32 v42, v1;
	v50 =	vsel vm14, $0x1, v35  }
0x1e8: {  	v0 =	vadd.s32 v38, v0;
	vm0 =	vmor vm8, vm0;
	v2 =	vadd.s32 v24, v2  }
0x1e9: {  	vm14 =	vlt.s32 v26, v6;
	v1 =	vadd.s32 v47, v1;
	v47 =	vsel vm7, $0x1, v35  }
0x1ea: {  	v0 =	vadd.s32 v49, v0;
	v7 =	vadd.s32 v50, v7;
	v2 =	vadd.s32 v22, v2  }
0x1eb: {  	vm7 =	veq.f32 v30, v9;
	v1 =	vadd.s32 v53, v1;
	vm10 =	vnez.u8 v51  }
0x1ec: {  	v0 =	vadd.s32 v31, v0;
	v7 =	vadd.s32 v58, v7;
	v1 =	vadd.s32 v57, v1  }
0x1ed: {  	v32 =	vld [tilespmem:$0x1FF00];
	v2 =	vadd.s32 v17, v2;
	v41 =	vsel vm10, $0x1, v35;
	v1 =	vadd.s32 v62, v1  }
0x1ee: {  	v60 =	vld [tilespmem:$0x1FFB0];
	v57 =	vsel vm1, $0x1, v35;
	vm10 =	vlt.s32 v26, v5;
	v1 =	vadd.s32 v36, v1  }
0x1ef: {  	v53 =	vld [tilespmem:$0x1FED0];
	v0 =	vadd.s32 v56, v0;
	v7 =	vadd.s32 v63, v7;
	v1 =	vadd.s32 v52, v1  }
0x1f0: {  	v31 =	vld [tilespmem:$0x1FEF0];
	v2 =	vadd.s32 v39, v2;
	v62 =	vsel vm0, $0x1, v35;
	v1 =	vadd.s32 v29, v1  }
0x1f1: {  	vm11 =	vmand vm10, vm9;
	v0 =	vadd.s32 v20, v0;
	v29 =	vld [tilespmem:$0x1FEE0];
	v1 =	vadd.s32 v27, v1  }
0x1f2: {  	v58 =	vld [tilespmem:$0x1FFA0];
	v2 =	vadd.s32 v45, v2;
	vm9 =	vgt.f32 v30, v9;
	v1 =	vadd.s32 v23, v1  }
0x1f3: {  	v56 =	vld [tilespmem:$0x1FF90];
	vm10 =	vcmask $0x3F20;
	vm13 =	vnez.u8 v60;
	v1 =	vadd.s32 v21, v1  }
0x1f4: {  	v0 =	vadd.s32 v18, v0;
	v2 =	vadd.s32 v10, v2;
	v1 =	vadd.s32 v33, v1;
	v33 =	vld [tilespmem:$0x1FF10]  }
0x1f5: {  	v34 =	vld [tilespmem:$0x1FF20];
	v0 =	vadd.s32 v19, v0;
	v2 =	vadd.s32 v57, v2;
	vm12 =	vnez.u8 v53  }
0x1f6: {  	v40 =	vld [tilespmem:$0x1FF30];
	v0 =	vadd.s32 v15, v0;
	v2 =	vadd.s32 v62, v2;
	v7 =	vadd.s32 v29, v7  }
0x1f7: {  	v49 =	vld [tilespmem:$0x1FF40];
	vm8 =	vnez.u8 v58;
	v42 =	vsel vm12, $0x1, v35;
	v7 =	vadd.s32 v31, v7  }
0x1f8: {  	v50 =	vld [tilespmem:$0x1FF50];
	vm12 =	vgt.f32 v4, v8;
	v0 =	vadd.s32 v41, v0;
	v7 =	vadd.s32 v32, v7  }
0x1f9: {  	v52 =	vld [tilespmem:$0x1FF60];
	vm15 =	vnez.u8 v56;
	vm0 =	vmor vm12, vm11;
	v7 =	vadd.s32 v33, v7  }
0x1fa: {  	v53 =	vld [tilespmem:$0x1FF70];
	v0 =	vadd.s32 v46, v0;
	v1 =	vadd.s32 v16, v1;
	v7 =	vadd.s32 v34, v7  }
0x1fb: {  	v0 =	vadd.s32 v54, v0;
	v54 =	vld [tilespmem:$0x1FF80];
	v1 =	vadd.s32 v42, v1;
	v7 =	vadd.s32 v40, v7  }
0x1fc: {  	v0 =	vadd.s32 v59, v0;
	v1 =	vadd.s32 v47, v1;
	v7 =	vadd.s32 v49, v7  }
0x1fd: {  	v1 =	vadd.s32 v55, v1;
	v55 =	vsel vm0, $0x1, v35;
	v7 =	vadd.s32 v50, v7  }
0x1fe: {  	vm0 =	vmor vm14, vm15;
	v1 =	vadd.s32 v61, v1;
	v7 =	vadd.s32 v52, v7  }
0x1ff: {  	v0 =	vadd.s32 v55, v0;
	vm0 =	vmand vm0, vm4;
	v7 =	vadd.s32 v53, v7  }
0x200: {  	v61 =	vld [tilespmem:$0x1FFE0];
	vm0 =	vmor vm5, vm0;
	vm6 =	vlt.u32 v0, $0x10;
	v3 =	vadd.s32 v54, v7  }
0x201: {  	v0 =	vmin.u32 v0, $0xF;
	v57 =	vsel vm0, $0x1, v35;
	v3 =	vadd.s32 v48, v3  }
0x202: {  	vm1 =	vmand vm8, vm6;
	vm0 =	vmand vm7, vm10;
	v3 =	vadd.s32 v44, v3  }
0x203: {  	v2 =	vadd.s32 v57, v2;
	vm0 =	vmor vm9, vm0;
	v3 =	vadd.s32 v43, v3  }
0x204: {  	vm11 =	vlt.u32 v2, $0x10;
	v59 =	vsel vm0, $0x1, v35;
	v3 =	vadd.s32 v37, v3  }
0x205: {  	vm2 =	vmand vm13, vm11;
	vm14 =	vnez.u8 v61;
	vm12 =	vlt.u32 v3, $0x10  }
0x206: {  	v1 =	vadd.s32 v59, v1;
	vm2 =	vmand vm2, vm14;
	v3 =	vmin.u32 v3, $0xF  }
0x207: {  	v2 =	vmin.u32 v2, $0xF;
	vm15 =	vlt.u32 v1, $0x10  }
0x208: {  	vm3 =	vmand vm15, vm14  }
0x209: {  	v63 =	vld [tilespmem:$0x1FFF0];
	v1 =	vmin.u32 v1, $0xF;
	[tilespmem:v0+s9+$0x0] =	vst.idx.msk vm1, v8  }
0x20a: {  	v62 =	vlaneseq.u32;
	[tilespmem:v0+s10+$0x0] =	vst.idx.msk vm1, v5  }
0x20b: {  	[tilespmem:v3+s11+$0x0] =	vst.idx.msk vm12, v62  }
0x20c: {  	[tilespmem:v2+s9+$0x0] =	vst.idx.msk vm2, v9  }
0x20d: {  	[tilespmem:v2+s10+$0x0] =	vst.idx.msk vm2, v6  }
0x20e: {  	s29 =	rddreg [dreg:$0x5];
	[tilespmem:v1+s11+$0x0] =	vst.idx.msk vm3, v63  }
0x20f: {  	[hbm4b:s29+s3] =	stream.linear.scatter [tilespmem:s9], [sflag:$0x2], $0x80, $0x38;
	[tilespmem:$0x6600] =	vst v63  }
0x210: {  	_ =	swait.ge [sflag:s6], $0x80  }
0x211: {  	[sflag:s6] =	ssyncset.done $0x0  }
0x212: {  	s30 =	rddreg [dreg:$0x6];
	[sflag:s6] =	ssyncadd.s32 $0xFFFFFF80  }
0x213: {  	[hbm4b:s30+s3] =	stream.linear.scatter [tilespmem:s10], [sflag:$0x2], $0x80, $0x38;
	[tilespmem:$0x6600] =	vst v63  }
0x214: {  	_ =	swait.ge [sflag:s6], $0x80  }
0x215: {  	p0 =	sne.s32 s5, $0x1;
	[sflag:s6] =	ssyncset.done $0x0  }
.Ltmp0:
0x216: {  	s31 =	rddreg [dreg:$0x7];
	[sflag:s6] =	ssyncadd.s32 $0xFFFFFF80;
	(pc) =	sbr.rel @p0 .LBB2_1-.Ltmp0, $4  }
0x217: {  	[hbm4b:s31+s3] =	stream.linear.scatter [tilespmem:s11], [sflag:$0x2], $0x80, $0x38;
	[tilespmem:$0x6600] =	vst v63  }
0x218: {  	_ =	swait.ge [sflag:s6], $0x80  }
0x219: {  	[sflag:s6] =	ssyncset.done $0x0  }
0x21a: {  	s5 =	sadd.s32 $0xFFFFFFFF, s5;
	[sflag:s6] =	ssyncadd.s32 $0xFFFFFF80  }
0x21b: {  	_ =	sfence.sel $0x180000  }
0x21c: {  	[bflag:$0x0] =	sbarrier.arrive $0xFFFF  }
0x21d: {  	p0 =	sne.s32 s2, $0x0;
	_ =	strace $0x90000047  }
0x21e: {  	s0 =	sadd.s32 @!p0 $0x100000, s1;
	[bflag:$0x2] =	sbarrier.arrive $0xFFFF  }
0x21f: {  	[sflag:s0] =	ssyncadd.tile.s32 @!p0 $0x1;
	_ =	shalt  }
.Lfunc_end2:
_tile_overlayer_lowered:
.L_overlay_start_2:
0x220: {  	(tag) =	ssettag $0x2  }
0x221: {  	s0 =	rddreg [dreg:$0x0];
	s2 =	stileid.u32  }
0x222: {  	s1 =	rddreg [dreg:$0x1];
	p0 =	sne.s32 s2, $0x0  }
0x223: {  	s3 =	rddreg [dreg:$0x2];
	[bflag:$0x3] =	sbarrier.arrive $0xFFFF;
	s2 =	simm.s32 @!p0 $0x1C02  }
0x224: {  	[timem:s3], [sflag:s2] =	dma.local @!p0 [hbm:s0], s1  }
0x225: {  	s0 =	simm.s32 @!p0 $0x2  }
0x226: {  	_ =	swait.ge @!p0 [sflag:s0], s1  }
0x227: {  	s1 =	ssub.s32 @!p0 $0x0, s1;
	[sflag:s0] =	ssyncset.done @!p0 $0x0  }
0x228: {  	[sflag:s0] =	ssyncadd.s32 @!p0 s1  }
0x229: {  	[bflag:$0x3] =	sbarrier.arrive $0xFFFF  }
0x22a: {  	_ =	shalt  }

</sc_bundles>
